<compile_context>
chip_gen: v7x
topology: tpu7x:2x2x1
jax: 0.10.2.dev20260603
libtpu: 0.0.44.dev20260713+nightly
codegen_flags: <defaults>
</compile_context>

<pallas_src>
import functools
import jax
import jax.numpy as jnp
from jax.experimental import pallas as pl
from jax.experimental.pallas import tpu as pltpu

D = 128
B = 2
N = 50000
C = 64
BS = 200
NB = N // BS


def _sum_kernel(pre_ref, acc_ref):
    blk = pre_ref[...]
    i = pl.program_id(0)

    @pl.when(i == 0)
    def _():
        acc_ref[...] = jnp.zeros_like(acc_ref)

    s = jnp.sum(blk, axis=0, keepdims=True)
    s2 = jnp.sum(blk * blk, axis=0, keepdims=True)
    acc_ref[...] += jnp.concatenate([s, s2], axis=0)


def _apply_kernel(pre_ref, acc_ref, gamma_ref, beta_ref, out_ref):
    sums = acc_ref[...]
    mu = sums[0:1, :] * (1.0 / N)
    ex2 = sums[1:2, :] * (1.0 / N)
    var = ex2 - mu * mu
    inv = jax.lax.rsqrt(var + 1e-5)
    y = (pre_ref[...] - mu) * inv * gamma_ref[...] + beta_ref[...]
    out_ref[...] = jnp.maximum(y, 0.0)


def _norm_relu(pre, gamma, beta):
    acc = pl.pallas_call(
        _sum_kernel,
        grid=(NB,),
        in_specs=[pl.BlockSpec((BS, C), lambda i: (i, 0))],
        out_specs=pl.BlockSpec((2, C), lambda i: (0, 0)),
        out_shape=jax.ShapeDtypeStruct((2, C), jnp.float32),
    )(pre)
    out = pl.pallas_call(
        _apply_kernel,
        grid=(NB,),
        in_specs=[
            pl.BlockSpec((BS, C), lambda i: (i, 0)),
            pl.BlockSpec((2, C), lambda i: (0, 0)),
            pl.BlockSpec((1, C), lambda i: (0, 0)),
            pl.BlockSpec((1, C), lambda i: (0, 0)),
        ],
        out_specs=pl.BlockSpec((BS, C), lambda i: (i, 0)),
        out_shape=jax.ShapeDtypeStruct((N, C), jnp.float32),
    )(pre, acc, gamma.reshape(1, C), beta.reshape(1, C))
    return out


@jax.jit
def kernel(x, W, gamma, beta, coords):
    bidx = coords[:, 0]
    xc = coords[:, 1]
    yc = coords[:, 2]
    zc = coords[:, 3]
    lin = ((bidx * D + zc) * D + yc) * D + xc
    idx_vol = jnp.full((B * D * D * D,), -1, dtype=jnp.int32)
    idx_vol = idx_vol.at[lin].set(jnp.arange(N, dtype=jnp.int32))
    out = jnp.zeros((N, C), dtype=jnp.float32)
    k = 0
    for dx in (-1, 0, 1):
        for dy in (-1, 0, 1):
            for dz in (-1, 0, 1):
                nx = xc + dx
                ny = yc + dy
                nz = zc + dz
                valid = (nx >= 0) & (nx < D) & (ny >= 0) & (ny < D) & (nz >= 0) & (nz < D)
                cnx = jnp.clip(nx, 0, D - 1)
                cny = jnp.clip(ny, 0, D - 1)
                cnz = jnp.clip(nz, 0, D - 1)
                nlin = ((bidx * D + cnz) * D + cny) * D + cnx
                j = idx_vol[nlin]
                valid = valid & (j >= 0)
                g = jnp.where(valid[:, None], jnp.take(x, jnp.maximum(j, 0), axis=0), 0.0)
                out = out + g @ W[k]
                k += 1
    return _norm_relu(out, gamma, beta)

# --- scband reference (transcript-rebuilt; emitter-appended) ---
"""Pipeline reference for scband-sparse-de-conv-block-52810917871749 (READ-ONLY COPY).

The authoritative reference and input builder live on the scoring server;
editing this copy changes nothing except your own understanding.
"""

import jax, jax.numpy as jnp
import numpy as np

D = 128
B = 2
N = 50000
C_IN = 64
C_OUT = 64


def setup_inputs(seed: int = 0):
    key = jax.random.key(seed)
    k1, k2, k3, k4, k5 = jax.random.split(key, 5)
    total = B * D * D * D
    lin = jax.random.permutation(k1, total)[:N]
    b = lin // (D * D * D)
    rem = lin % (D * D * D)
    zc = rem // (D * D)
    rem2 = rem % (D * D)
    yc = rem2 // D
    xc = rem2 % D
    coords = jnp.stack([b, xc, yc, zc], axis=1).astype(jnp.int32)
    x = jax.random.normal(k2, (N, C_IN), dtype=jnp.float32)
    W = jax.random.normal(k3, (27, C_IN, C_OUT), dtype=jnp.float32) * 0.05
    gamma = 1.0 + 0.1 * jax.random.normal(k4, (C_OUT,), dtype=jnp.float32)
    beta = 0.1 * jax.random.normal(k5, (C_OUT,), dtype=jnp.float32)
    return {"x": x, "W": W, "gamma": gamma, "beta": beta, "coords": coords}


def _sparse_deconv(x, W, coords):
    bidx = coords[:, 0]
    xc = coords[:, 1]
    yc = coords[:, 2]
    zc = coords[:, 3]
    lin = ((bidx * D + zc) * D + yc) * D + xc
    idx_vol = jnp.full((B * D * D * D,), -1, dtype=jnp.int32)
    idx_vol = idx_vol.at[lin].set(jnp.arange(N, dtype=jnp.int32))
    out = jnp.zeros((N, C_OUT), dtype=jnp.float32)
    k = 0
    for dx in (-1, 0, 1):
        for dy in (-1, 0, 1):
            for dz in (-1, 0, 1):
                nx = xc + dx
                ny = yc + dy
                nz = zc + dz
                valid = (nx >= 0) & (nx < D) & (ny >= 0) & (ny < D) & (nz >= 0) & (nz < D)
                cnx = jnp.clip(nx, 0, D - 1)
                cny = jnp.clip(ny, 0, D - 1)
                cnz = jnp.clip(nz, 0, D - 1)
                nlin = ((bidx * D + cnz) * D + cny) * D + cnx
                j = idx_vol[nlin]
                valid = valid & (j >= 0)
                g = jnp.where(valid[:, None], jnp.take(x, jnp.maximum(j, 0), axis=0), 0.0)
                out = out + g @ W[k]
                k += 1
    return out


def reference(x, W, gamma, beta, coords):
    out = _sparse_deconv(x, W, coords)
    mu = jnp.mean(out, axis=0)
    var = jnp.mean((out - mu) ** 2, axis=0)
    out = (out - mu) * jax.lax.rsqrt(var + 1e-5) * gamma + beta
    return jax.nn.relu(out)

if __name__ == "__main__":
    import jax
    _d = setup_inputs()
    print(jax.jit(kernel)(*tuple(_d.values())))

</pallas_src>

<mosaic_0001>
module attributes {stable_mosaic.version = 14 : i64} {
  func.func @_sum_kernel(%arg0: i32, %arg1: memref<200x64xf32, #tpu.memory_space<vmem>>, %arg2: memref<2x64xf32, #tpu.memory_space<vmem>>) attributes {dimension_semantics = [#tpu.dimension_semantics<arbitrary>], iteration_bounds = array<i64: 250>, scalar_prefetch = 0 : i64, scratch_operands = 0 : i64, tpu.core_type = #tpu.core_type<tc>, window_params = [{transform_indices = @transform_0, window_bounds = array<i64: 200, 64>}, {pipeline_mode = #tpu.pipeline_mode<synchronous>, transform_indices = @transform_1, window_bounds = array<i64: 2, 64>}]} {
    %get3A = arith.constant 0 : index
    %get3A_0 = arith.constant 0 : index
    %get3A_1 = vector.load %arg1[%get3A, %get3A_0] : memref<200x64xf32, #tpu.memory_space<vmem>>, vector<200x64xf32>
    %eq3A = arith.constant 0 : i32
    %eq3A_2 = arith.cmpi eq, %arg0, %eq3A : i32
    %convert_element_type3A = arith.extui %eq3A_2 : i1 to i32
    %cond3A = arith.constant 0 : i32
    %cond3A_3 = arith.cmpi ne, %convert_element_type3A, %cond3A : i32
    scf.if %cond3A_3 {
      %broadcast_in_dim3A_13 = arith.constant 0.000000e+00 : f32
      %broadcast_in_dim3A_14 = vector.broadcast %broadcast_in_dim3A_13 : f32 to vector<2x64xf32>
      %swap3A_15 = arith.constant 0 : index
      %swap3A_16 = arith.constant 0 : index
      %swap3A_17 = vector.load %arg2[%swap3A_15, %swap3A_16] : memref<2x64xf32, #tpu.memory_space<vmem>>, vector<2x64xf32>
      tpu.vector_store %arg2[%swap3A_15, %swap3A_16], %broadcast_in_dim3A_14 {strides = array<i32>} : memref<2x64xf32, #tpu.memory_space<vmem>>, vector<2x64xf32>,
    } else {
    }
    %reduce_sum3A = arith.constant dense<0.000000e+00> : vector<64xf32>
    %reduce_sum3A_4 = vector.multi_reduction <add>, %get3A_1, %reduce_sum3A [0] : vector<200x64xf32> to vector<64xf32>
    %broadcast_in_dim3A = vector.shape_cast %reduce_sum3A_4 : vector<64xf32> to vector<1x64xf32>
    %mul3A = arith.mulf %get3A_1, %get3A_1 : vector<200x64xf32>
    %reduce_sum3A_5 = arith.constant dense<0.000000e+00> : vector<64xf32>
    %reduce_sum3A_6 = vector.multi_reduction <add>, %mul3A, %reduce_sum3A_5 [0] : vector<200x64xf32> to vector<64xf32>
    %broadcast_in_dim3A_7 = vector.shape_cast %reduce_sum3A_6 : vector<64xf32> to vector<1x64xf32>
    %get3A_8 = arith.constant 0 : index
    %get3A_9 = arith.constant 0 : index
    %get3A_10 = vector.load %arg2[%get3A_8, %get3A_9] : memref<2x64xf32, #tpu.memory_space<vmem>>, vector<2x64xf32>
    %concatenate3A = tpu.concatenate %broadcast_in_dim3A, %broadcast_in_dim3A_7 in 0 : vector<1x64xf32>, vector<1x64xf32> -> vector<2x64xf32>
    %add3A = arith.addf %get3A_10, %concatenate3A : vector<2x64xf32>
    %swap3A = arith.constant 0 : index
    %swap3A_11 = arith.constant 0 : index
    %swap3A_12 = vector.load %arg2[%swap3A, %swap3A_11] : memref<2x64xf32, #tpu.memory_space<vmem>>, vector<2x64xf32>
    tpu.vector_store %arg2[%swap3A, %swap3A_11], %add3A {strides = array<i32>} : memref<2x64xf32, #tpu.memory_space<vmem>>, vector<2x64xf32>,
    return
  }
  func.func @transform_0(%arg0: i32) -> (i32, i32) {
    %c0_i32 = arith.constant 0 : i32
    %c0_i32_0 = arith.constant 0 : i32
    return %arg0, %c0_i32 : i32, i32
  }
  func.func @transform_1(%arg0: i32) -> (i32, i32) {
    %c0_i32 = arith.constant 0 : i32
    %c0_i32_0 = arith.constant 0 : i32
    %c0_i32_1 = arith.constant 0 : i32
    return %c0_i32, %c0_i32_0 : i32, i32
  }
}

module attributes {stable_mosaic.version = 14 : i64} {
  func.func @_apply_kernel(%arg0: i32, %arg1: memref<200x64xf32, #tpu.memory_space<vmem>>, %arg2: memref<2x64xf32, #tpu.memory_space<vmem>>, %arg3: memref<1x64xf32, #tpu.memory_space<vmem>>, %arg4: memref<1x64xf32, #tpu.memory_space<vmem>>, %arg5: memref<200x64xf32, #tpu.memory_space<vmem>>) attributes {dimension_semantics = [#tpu.dimension_semantics<arbitrary>], iteration_bounds = array<i64: 250>, scalar_prefetch = 0 : i64, scratch_operands = 0 : i64, tpu.core_type = #tpu.core_type<tc>, window_params = [{transform_indices = @transform_0, window_bounds = array<i64: 200, 64>}, {pipeline_mode = #tpu.pipeline_mode<synchronous>, transform_indices = @transform_1, window_bounds = array<i64: 2, 64>}, {pipeline_mode = #tpu.pipeline_mode<synchronous>, transform_indices = @transform_2, window_bounds = array<i64: 1, 64>}, {pipeline_mode = #tpu.pipeline_mode<synchronous>, transform_indices = @transform_3, window_bounds = array<i64: 1, 64>}, {transform_indices = @transform_4, window_bounds = array<i64: 200, 64>}]} {
    %get3A = arith.constant 0 : index
    %get3A_0 = arith.constant 0 : index
    %get3A_1 = vector.load %arg2[%get3A, %get3A_0] : memref<2x64xf32, #tpu.memory_space<vmem>>, vector<2x64xf32>
    %slice3A = vector.extract_strided_slice %get3A_1 {offsets = [0, 0], sizes = [1, 64], strides = [1, 1]} : vector<2x64xf32> to vector<1x64xf32>
    %mul3A = arith.constant 2.000000e-05 : f32
    %mul3A_2 = vector.broadcast %mul3A : f32 to vector<1x64xf32>
    %mul3A_3 = arith.mulf %slice3A, %mul3A_2 : vector<1x64xf32>
    %slice3A_4 = vector.extract_strided_slice %get3A_1 {offsets = [1, 0], sizes = [1, 64], strides = [1, 1]} : vector<2x64xf32> to vector<1x64xf32>
    %mul3A_5 = arith.constant 2.000000e-05 : f32
    %mul3A_6 = vector.broadcast %mul3A_5 : f32 to vector<1x64xf32>
    %mul3A_7 = arith.mulf %slice3A_4, %mul3A_6 : vector<1x64xf32>
    %mul3A_8 = arith.mulf %mul3A_3, %mul3A_3 : vector<1x64xf32>
    %sub3A = arith.subf %mul3A_7, %mul3A_8 : vector<1x64xf32>
    %add3A = arith.constant 9.99999974E-6 : f32
    %add3A_9 = vector.broadcast %add3A : f32 to vector<1x64xf32>
    %add3A_10 = arith.addf %sub3A, %add3A_9 : vector<1x64xf32>
    %rsqrt3A = math.rsqrt %add3A_10 : vector<1x64xf32>
    %get3A_11 = arith.constant 0 : index
    %get3A_12 = arith.constant 0 : index
    %get3A_13 = vector.load %arg1[%get3A_11, %get3A_12] : memref<200x64xf32, #tpu.memory_space<vmem>>, vector<200x64xf32>
    %sub3A_14 = vector.broadcast %mul3A_3 : vector<1x64xf32> to vector<200x64xf32>
    %sub3A_15 = arith.subf %get3A_13, %sub3A_14 : vector<200x64xf32>
    %mul3A_16 = vector.broadcast %rsqrt3A : vector<1x64xf32> to vector<200x64xf32>
    %mul3A_17 = arith.mulf %sub3A_15, %mul3A_16 : vector<200x64xf32>
    %get3A_18 = arith.constant 0 : index
    %get3A_19 = arith.constant 0 : index
    %get3A_20 = vector.load %arg3[%get3A_18, %get3A_19] : memref<1x64xf32, #tpu.memory_space<vmem>>, vector<1x64xf32>
    %mul3A_21 = vector.broadcast %get3A_20 : vector<1x64xf32> to vector<200x64xf32>
    %mul3A_22 = arith.mulf %mul3A_17, %mul3A_21 : vector<200x64xf32>
    %get3A_23 = arith.constant 0 : index
    %get3A_24 = arith.constant 0 : index
    %get3A_25 = vector.load %arg4[%get3A_23, %get3A_24] : memref<1x64xf32, #tpu.memory_space<vmem>>, vector<1x64xf32>
    %add3A_26 = vector.broadcast %get3A_25 : vector<1x64xf32> to vector<200x64xf32>
    %add3A_27 = arith.addf %mul3A_22, %add3A_26 : vector<200x64xf32>
    %max3A = arith.constant 0.000000e+00 : f32
    %max3A_28 = vector.broadcast %max3A : f32 to vector<200x64xf32>
    %max3A_29 = arith.maximumf %add3A_27, %max3A_28 : vector<200x64xf32>
    %swap3A = arith.constant 0 : index
    %swap3A_30 = arith.constant 0 : index
    %swap3A_31 = vector.load %arg5[%swap3A, %swap3A_30] : memref<200x64xf32, #tpu.memory_space<vmem>>, vector<200x64xf32>
    tpu.vector_store %arg5[%swap3A, %swap3A_30], %max3A_29 {strides = array<i32>} : memref<200x64xf32, #tpu.memory_space<vmem>>, vector<200x64xf32>,
    return
  }
  func.func @transform_0(%arg0: i32) -> (i32, i32) {
    %c0_i32 = arith.constant 0 : i32
    %c0_i32_0 = arith.constant 0 : i32
    return %arg0, %c0_i32 : i32, i32
  }
  func.func @transform_1(%arg0: i32) -> (i32, i32) {
    %c0_i32 = arith.constant 0 : i32
    %c0_i32_0 = arith.constant 0 : i32
    %c0_i32_1 = arith.constant 0 : i32
    return %c0_i32, %c0_i32_0 : i32, i32
  }
  func.func @transform_2(%arg0: i32) -> (i32, i32) {
    %c0_i32 = arith.constant 0 : i32
    %c0_i32_0 = arith.constant 0 : i32
    %c0_i32_1 = arith.constant 0 : i32
    return %c0_i32, %c0_i32_0 : i32, i32
  }
  func.func @transform_3(%arg0: i32) -> (i32, i32) {
    %c0_i32 = arith.constant 0 : i32
    %c0_i32_0 = arith.constant 0 : i32
    %c0_i32_1 = arith.constant 0 : i32
    return %c0_i32, %c0_i32_0 : i32, i32
  }
  func.func @transform_4(%arg0: i32) -> (i32, i32) {
    %c0_i32 = arith.constant 0 : i32
    %c0_i32_0 = arith.constant 0 : i32
    return %arg0, %c0_i32 : i32, i32
  }
}

</mosaic_0001>

<sc_bundles>
// kernel: gather_offload_async_start.10
scs
__scs_entry_jumppad:
0x0: {  	(pc) =	sbr.rel $0x88, $3  }
0x1: {  	(tag) =	ssettag $0x0;
	lr =	simm.s32 $0x1  }
0x2: {  	[smem:$0x3F9C] =	sst lr;
	_ =	strace $0xD0000000  }
0x3: {  	_ = 	snop  }
0x4: {  	_ = 	snop  }
0x5: {  	_ = 	snop  }
0x6: {  	_ = 	snop  }
0x7: {  	_ = 	snop  }
__scs_overlays_trampoline_lowered:
0x8: {  	[smem:$0x3FAB] =	sst s0  }
0x9: {  	[smem:$0x3FAC] =	sst s1  }
0xa: {  	[smem:$0x3FAD] =	sst s2  }
0xb: {  	[smem:$0x3FAE] =	sst s3  }
0xc: {  	[smem:$0x3FAF] =	sst s4  }
0xd: {  	[smem:$0x3FB0] =	sst s5  }
0xe: {  	[smem:$0x3FB1] =	sst s6  }
0xf: {  	[smem:$0x3FB2] =	sst s7  }
0x10: {  	[smem:$0x3FB3] =	sst s8  }
0x11: {  	[smem:$0x3FB4] =	sst s9;
	s0 =	simm.s32 @!p0 $0x0  }
0x12: {  	s1 =	sld [smem:$0x3F9A];
	s0 =	simm.s32 @p0 $0x1  }
0x13: {  	[smem:$0x3FB5] =	sst s0;
	s0 =	simm.s32 @!p1 $0x0  }
0x14: {  	s2 =	sld [smem:$0x3F99];
	s0 =	simm.s32 @p1 $0x1  }
0x15: {  	[smem:$0x3FB6] =	sst s0;
	s0 =	simm.s32 @!p2 $0x0  }
0x16: {  	s3 =	sld [smem:$0x3FDB];
	s0 =	simm.s32 @p2 $0x1  }
0x17: {  	s4 =	simm.s32 $0x1BF5;
	[smem:$0x3FB8] =	sst s0  }
0x18: {  	s0 =	sld [smem:$0x3F9B];
	_ =	swait.ge [sflag:s4], $0x0  }
0x19: {  	s7 =	sld [smem:$0x3F9C]  }
0x1a: {  	s8 =	sadd.s32 $0xFFFFE003, lr  }
0x1b: {  	s9 =	sadd.s32 $0xFFFFFEF7, lr;
	s5 =	simm.s32 $0xFFFFFFFF;
	p2 =	slt.u32 s8, $0xFFFFF086  }
0x1c: {  	p1 =	slt.u32 s9, $0xF7A;
	s5 =	simm.s32 @!p2 $0x0  }
0x1d: {  	s5 =	simm.s32 @p1 $0x1;
	p0 =	seq.s32 s7, s2  }
0x1e: {  	s7 =	smul.u32 @!p0 $0xF7A, s2;
	p2 =	seq.s32 @!p0 s5, $0x0  }
0x1f: {  	s9 =	smul.u32 $0xF7A, s1;
	s8 =	simm.s32 @!p0 $0x1BF5;
	p2 =	por !p2, p0  }
0x20: {  	[sflag:s8] =	ssyncset.s32 @!p0 $0xFFFFF086;
	s6 =	sadd.s32 @!p0 s3, s7;
	s7 =	simm.s32 @!p0 $0x108  }
0x21: {  	s3 =	sadd.s32 s3, s9;
	s6 =	sadd.s32 @!p0 $0x88, s6;
	s7 =	simm.s32 @p2 $0x1082  }
0x22: {  	[simem:s7], [sflag:s8] =	dma.local @!p0 [hbm:s6], $0xF7A  }
0x23: {  	s9 =	sor.u32 $0xD0000000, s2;
	s6 =	simm.s32 $0x108;
	_ =	swait.ge @!p0 [sflag:s8], $0x0  }
0x24: {  	s3 =	sadd.s32 $0x88, s3;
	s6 =	simm.s32 @!p1 $0x1082;
	[sflag:s4] =	ssyncset.s32 $0xFFFFF086  }
0x25: {  	[simem:s6], [sflag:s4] =	dma.local [hbm:s3], $0xF7A  }
0x26: {  	[smem:$0x3F9C] =	sst s1;
	(tag) =	ssettag s2;
	_ =	strace s9  }
0x27: {  	s1 =	sld [smem:$0x3FAC]  }
0x28: {  	s2 =	sld [smem:$0x3FAD]  }
0x29: {  	s4 =	sld [smem:$0x3FAF]  }
0x2a: {  	p0 =	seq.s32 s5, $0x0;
	s5 =	sld [smem:$0x3FB0]  }
0x2b: {  	s6 =	sld [smem:$0x3FB1]  }
0x2c: {  	s7 =	sld [smem:$0x3FB2]  }
0x2d: {  	s3 =	simm.s32 $0x108;
	s8 =	sld [smem:$0x3FB3]  }
0x2e: {  	s3 =	simm.s32 @!p0 $0x1082;
	s9 =	sld [smem:$0x3FB4]  }
0x2f: {  	lr =	sadd.s32 s0, s3;
	s0 =	sld [smem:$0x3FAB]  }
0x30: {  	s3 =	sld [smem:$0x3FAE]  }
0x31: {  	[smem:$0x3FB7] =	sst s10  }
0x32: {  	s10 =	sld [smem:$0x3FB5];
	_ =	sdelay $0x3  }
0x33: {  	p0 =	seq.s32 s10, $0x1;
	s10 =	sld [smem:$0x3FB7];
	_ =	sdelay $0x3  }
0x34: {  	[smem:$0x3FB7] =	sst s10  }
0x35: {  	s10 =	sld [smem:$0x3FB6];
	_ =	sdelay $0x3  }
0x36: {  	p1 =	seq.s32 s10, $0x1;
	s10 =	sld [smem:$0x3FB7];
	_ =	sdelay $0x3  }
0x37: {  	[smem:$0x3FB7] =	sst s10  }
0x38: {  	s10 =	sld [smem:$0x3FB8]  }
0x39: {  	_ = 	snop;
	(pc) =	sbr.ind lr, $3  }
0x3a: {  	_ = 	snop  }
0x3b: {  	_ = 	snop  }
0x3c: {  	p2 =	seq.s32 s10, $0x1;
	s10 =	sld [smem:$0x3FB7]  }
0x3d: {  	_ =	shalt  }
0x3e: {  	_ =	shalt  }
0x3f: {  	_ =	shalt  }
0x40: {  	_ =	shalt  }
0x41: {  	_ =	shalt  }
0x42: {  	_ =	shalt  }
0x43: {  	_ =	shalt  }
0x44: {  	_ =	shalt  }
0x45: {  	_ =	shalt  }
0x46: {  	_ =	shalt  }
0x47: {  	_ =	shalt  }
0x48: {  	_ =	shalt  }
0x49: {  	_ =	shalt  }
0x4a: {  	_ =	shalt  }
0x4b: {  	_ =	shalt  }
0x4c: {  	_ =	shalt  }
0x4d: {  	_ =	shalt  }
0x4e: {  	_ =	shalt  }
0x4f: {  	_ =	shalt  }
0x50: {  	_ =	shalt  }
0x51: {  	_ =	shalt  }
0x52: {  	_ =	shalt  }
0x53: {  	_ =	shalt  }
0x54: {  	_ =	shalt  }
0x55: {  	_ =	shalt  }
0x56: {  	_ =	shalt  }
0x57: {  	_ =	shalt  }
0x58: {  	_ =	shalt  }
0x59: {  	_ =	shalt  }
0x5a: {  	_ =	shalt  }
0x5b: {  	_ =	shalt  }
0x5c: {  	_ =	shalt  }
0x5d: {  	_ =	shalt  }
0x5e: {  	_ =	shalt  }
0x5f: {  	_ =	shalt  }
0x60: {  	_ =	shalt  }
0x61: {  	_ =	shalt  }
0x62: {  	_ =	shalt  }
0x63: {  	_ =	shalt  }
0x64: {  	_ =	shalt  }
0x65: {  	_ =	shalt  }
0x66: {  	_ =	shalt  }
0x67: {  	_ =	shalt  }
0x68: {  	_ =	shalt  }
0x69: {  	_ =	shalt  }
0x6a: {  	_ =	shalt  }
0x6b: {  	_ =	shalt  }
0x6c: {  	_ =	shalt  }
0x6d: {  	_ =	shalt  }
0x6e: {  	_ =	shalt  }
0x6f: {  	_ =	shalt  }
0x70: {  	_ =	shalt  }
0x71: {  	_ =	shalt  }
0x72: {  	_ =	shalt  }
0x73: {  	_ =	shalt  }
0x74: {  	_ =	shalt  }
0x75: {  	_ =	shalt  }
0x76: {  	_ =	shalt  }
0x77: {  	_ =	shalt  }
0x78: {  	_ =	shalt  }
0x79: {  	_ =	shalt  }
0x7a: {  	_ =	shalt  }
0x7b: {  	_ =	shalt  }
0x7c: {  	_ =	shalt  }
0x7d: {  	_ =	shalt  }
0x7e: {  	_ =	shalt  }
0x7f: {  	_ =	shalt  }
0x80: {  	_ =	shalt  }
0x81: {  	_ =	shalt  }
0x82: {  	_ =	shalt  }
0x83: {  	_ =	shalt  }
0x84: {  	_ =	shalt  }
0x85: {  	_ =	shalt  }
0x86: {  	_ =	shalt  }
0x87: {  	_ =	shalt  }
.Lfunc_end0:
.L_simem_size_0:
called_computation.10_lowered:
.L_overlay_start_0:
0x88: {  	s0 =	sld [smem:$0x3FD9]  }
0x89: {  	s1 =	sld [smem:$0x3FFE];
	_ =	sdelay $0x3  }
0x8a: {  	s0 =	sadd.s32 s1, s0  }
0x8b: {  	[smem:$0x3FC3] =	sst s0  }
0x8c: {  	_ = 	snop  }
0x8d: {  	(tm) =	ssettm $0x1  }
0x8e: {  	s15 =	sld [smem:$0x3FFB];
	_ =	sdelay $0x3  }
0x8f: {  	_ =	strace s15  }
0x90: {  	s0 =	sld [smem:$0x3FFC];
	_ =	sdelay $0x3  }
0x91: {  	_ =	strace s0  }
0x92: {  	s0 =	sld [smem:$0x3FFD];
	_ =	sdelay $0x3  }
0x93: {  	_ =	strace s0  }
0x94: {  	_ =	strace $0x8FFFFFFF  }
0x95: {  	s16 =	sld [smem:$0x3FDB];
	_ =	sdelay $0x1  }
0x96: {  	s17 =	simm.s32 $_scs_section_size  }
0x97: {  	s2 =	simm.s32 $_size__tile_overlayer_lowered;
	s3 =	simm.s32 $_tile_overlayer_lowered  }
0x98: {  	s20 =	simm.s32 $0x1BFF;
	s19 =	sshll.u32 s3, $0x1;
	s0 =	sadd.s32 s17, s16  }
0x99: {  	s4 =	simm.s32 $0x0;
	s18 =	sshll.u32 s2, $0x1;
	s2 =	sadd.s32 s19, s0  }
0x9a: {  	[timem:s4], [sflag:s20] =	dma.local [hbm:s2], s18  }
0x9b: {  	_ =	swait.ge [sflag:s20], s18  }
0x9c: {  	s1 =	ssub.s32 $0x0, s18;
	[sflag:s20] =	ssyncset.done $0x0  }
0x9d: {  	[sflag:s20] =	ssyncadd.s32 s1;
	_ =	sdelay $0x1  }
0x9e: {  	s21 =	simm.s32 $0x1B8B  }
0x9f: {  	_ =	swait.ge [sflag:s21], $0x1  }
0xa0: {  	[sflag:s21] =	ssyncset.done $0x0  }
0xa1: {  	s23 =	simm.s32 $0x1B8E;
	s22 =	sld [smem:$0x3FFE];
	[sflag:s21] =	ssyncadd.s32 $0xFFFFFFFF  }
0xa2: {  	s24 =	simm.s32 $execute0_lowered;
	[smem:$0x3FD2] =	sst s23  }
0xa3: {  	s2 =	sshll.u32 s24, $0x1;
	_ =	strace $0x8000006A;
	[dreg:$0x1] =	wrdreg $0xFFFFFFFF  }
0xa4: {  	s25 =	simm.s32 $_size_execute0_lowered;
	s0 =	sadd.s32 s0, s2;
	[dreg:$0x0] =	wrdreg $0x0  }
0xa5: {  	s2 =	sshll.u32 s25, $0x1;
	[dreg:$0x2] =	wrdreg s0  }
0xa6: {  	[dreg:$0x3] =	wrdreg s2  }
0xa7: {  	[dreg:$0x4] =	wrdreg $0xC0  }
0xa8: {  	_ =	task [dreg:s4], $0x5FFFF  }
0xa9: {  	[dreg:$0x1] =	wrdreg $0xFFFFFFFF  }
0xaa: {  	[dreg:$0x0] =	wrdreg $0x60  }
0xab: {  	[dreg:$0x2] =	wrdreg s22  }
0xac: {  	[dreg:$0x3] =	wrdreg $0x9  }
0xad: {  	_ =	task.clear_ibuf [dreg:s4], $0x4FFFF;
	_ =	strace $0x9000006A  }
0xae: {  	s26 =	simm.s32 $0x9;
	_ =	strace $0x8000006C  }
0xaf: {  	_ =	swait.ge [sflag:s26], $0x1  }
0xb0: {  	[sflag:s26] =	ssyncadd.s32 $0xFFFFFFFF  }
0xb1: {  	_ =	strace $0x9000006C  }
0xb2: {  	_ =	sfence  }
0xb3: {  	s28 =	sld [smem:$0x0];
	_ =	sdelay $0x1  }
0xb4: {  	s29 =	srdreg.scid  }
0xb5: {  	s30 =	sshll.u32 s29, $0xD;
	s31 =	sshrl.u32 s29, $0x2  }
0xb6: {  	s1 =	sand.u32 $0x1, s29;
	s2 =	sand.u32 $0x4000, s30;
	s0 =	sadd.s32 s31, s28  }
0xb7: {  	s1 =	sor.u32 s2, s1;
	s0 =	sshll.u32 s0, $0x11  }
0xb8: {  	s0 =	sor.u32 s0, s1  }
0xb9: {  	s0 =	sadd.s32 $0x8F2B, s0  }
0xba: {  	[sflag:s0] =	ssyncadd.remote.s32 $0x1  }
0xbb: {  	_ =	sfence.sel $0xFFFF  }
0xbc: {  	[dreg:$0x0] =	wrdreg $0xFFFFFFFF;
	(pc) =	sbr.abs _section_cstart, $3  }
0xbd: {  	[dreg:$0x1] =	wrdreg $0xFFFFFFFF  }
0xbe: {  	_ =	task.clear_ibuf [dreg:s4], $0x2FFFF;
	_ =	strace $0x9FFFFFFF  }
0xbf: {  	(tm) =	ssettm $0x7FFFFFFF  }
tec
execute0_lowered:
.L_overlay_start_1:
0x0: {  	(tag) =	ssettag $0x1  }
0x1: {  	s8 =	rddreg [dreg:$0x0]  }
0x2: {  	s0 =	rddreg [dreg:$0x1];
	_ =	strace $0x8000006B  }
0x3: {  	s4 =	simm.s32 $0x1;
	s1 =	stileid.u32;
	s7 =	simm.s32 $0x1  }
0x4: {  	s9 =	simm.s32 $0x1;
	s6 =	simm.s32 $0x2;
	s10 =	simm.s32 $0x3  }
0x5: {  	s13 =	simm.s32 $0x0;
	s12 =	simm.s32 $0x0;
	s2 =	sadd.s32 $0x9EC00, s8  }
.Ltmp0:
0x6: {  	s3 =	sadd.s32 $0x120600, s8;
	p0 =	slt.u32 s1, $0xA;
	(pc) =	sbr.rel .LBB2_1-.Ltmp0, $4  }
0x7: {  	[sflag:s4] =	ssyncpa.u1 $0x0;
	s7 =	simm.s32 @!p0 $0x0;
	p0 =	sne.s32 s1, $0x9  }
0x8: {  	s5 =	smul.u32 $0x7D0, s1;
	[sflag:s6] =	ssyncpa.u1 $0x0;
	s9 =	simm.s32 @!p0 $0x0  }
0x9: {  	s8 =	sadd.s32 $0x18F200, s8;
	[sflag:s10] =	ssyncpa.u1 $0x0;
	s7 =	sadd.s32 s9, s7  }
0xa: {  	vm0 =	vmmov $0xffff;
	s10 =	simm.s32 $0x0;
	s11 =	smov.u32 s5;
	s9 =	sadd.s32 $0x1, s7  }
.LBB2_4:
0xb: {  	v2 =	vnsel vm1, $0x0, v2  }
0xc: {  	vm1 =	vgt.s32 v0, $0x0;
	v2 =	vmin.u32 v2, $0x3FFFFF  }
0xd: {  	v0 =	vnsel vm1, $0x0, v0  }
0xe: {  	v0 =	vmin.u32 v0, $0x3FFFFF  }
0xf: {  	[tilespmem:s18], [sflag:$0x1] =	stream.indirect_vreg.gather [hbm4b:s2+s10], $0x1, v1, vm0, $0x4038;
	[tilespmem:$0x1F40] =	vst v63  }
0x10: {  	(ifvalue) =	ssetifvalue $0x7FFFFFFF  }
0x11: {  	[tilespmem:s15], [sflag:$0x1] =	stream.indirect_vreg.gather [hbm4b:s2+s10], $0x1, v2, vm0, $0x4038;
	[tilespmem:$0x1F40] =	vst v63  }
0x12: {  	s29 =	sadd.s32 $0x10, s15;
	(ifvalue) =	ssetifvalue $0x7FFFFFFF  }
0x13: {  	[tilespmem:s29], [sflag:$0x1] =	stream.indirect_vreg.gather [hbm4b:s2+s10], $0x1, v0, vm0, $0x4038;
	[tilespmem:$0x1F40] =	vst v63  }
0x14: {  	_ =	swait.ge [sflag:s4], $0x7D0  }
0x15: {  	s30 =	sshrl.u32 s13, $0x3;
	[sflag:s4] =	ssyncset.done $0x0  }
0x16: {  	s31 =	sand.u32 $0x7, s13;
	s15 =	sadd.s32 s8, s30;
	[sflag:s4] =	ssyncadd.s32 $0xFFFFF830  }
0x17: {  	[hbm4b:s15+s31] =	stream.linear.scatter [tilespmem:s14], [sflag:$0x3], $0x7D0, $0x38;
	[tilespmem:$0x1F40] =	vst v63  }
.LBB2_5:
0x18: {  	s15 =	sadd.s32 $0x7D00, s11  }
0x19: {  	p1 =	sgt.s32 s15, $0xC34F  }
0x1a: {  	s15 =	smov.u32 @p1 s5;
	p1 =	sne.s32 s12, s9  }
.Ltmp1:
0x1b: {  	p0 =	slt.u32 s12, $0x2;
	(pc) =	sbr.rel @!p1 .LBB2_6-.Ltmp1, $4  }
0x1c: {  	s14 =	simm.s32 @!p0 $0x3  }
0x1d: {  	_ =	swait.ge @!p0 [sflag:s14], $0x7D0  }
0x1e: {  	s16 =	sadd.s32 $0x1, s12;
	s13 =	smov.u32 s11;
	[sflag:s14] =	ssyncset.done @!p0 $0x0  }
0x1f: {  	s12 =	smov.u32 s16;
	s11 =	smov.u32 s15;
	[sflag:s14] =	ssyncadd.s32 @!p0 $0xFFFFF830  }
.LBB2_1:
0x20: {  	p0 =	sge.u32 s12, s7  }
0x21: {  	s14 =	sxor.u32 @!p0 $0x1, s12  }
0x22: {  	s14 =	smul.u32 @!p0 $0x1F40, s14  }
0x23: {  	s31 =	sadd.s32 $0xFFFFFFFF, s12;
	s15 =	sshrl.u32 @!p0 s11, $0x3  }
0x24: {  	s16 =	sand.u32 @!p0 $0x7, s11;
	s15 =	sadd.s32 @!p0 s3, s15;
	s14 =	sshra.s32 @!p0 s14, $0x2  }
0x25: {  	[tilespmem:s14], [sflag:$0x2] =	stream.linear.gather @!p0 [hbm4b:s15+s16], $0x7D0, $0x38;
	[tilespmem:$0x1F40] =	vst v63  }
0x26: {  	p0 =	sge.u32 s31, s7  }
.Ltmp2:
0x27: {  	_ = 	snop;
	(pc) =	sbr.rel @p0 .LBB2_5-.Ltmp2, $1  }
0x28: {  	_ =	sdelay $0x3  }
0x29: {  	s14 =	sand.u32 $0x1, s12  }
0x2a: {  	_ =	swait.ge [sflag:s6], $0x7D0;
	p0 =	seq.s32 s14, $0x1;
	s14 =	simm.s32 $0x7D0  }
0x2b: {  	[sflag:s6] =	ssyncset.done $0x0;
	s14 =	simm.s32 @!p0 $0x0  }
0x2c: {  	[sflag:s6] =	ssyncadd.s32 $0xFFFFF830;
	(ifvalue) =	ssetifvalue $0x7FFFFFFF;
	v0 =	vld.msk [tilespmem:s14+$0x0 ss:$0x1], $0xffff;
	_ =	sdelay $0x4  }
0x2d: {  	s15 =	sadd.s32 $0x10, s14;
	vm1 =	vgt.s32 v0, $0x0  }
0x2e: {  	v2 =	vld.msk [tilespmem:s15+$0x0 ss:$0x1], $0xffff;
	v1 =	vnsel vm1, $0x0, v0  }
0x2f: {  	v1 =	vmin.u32 v1, $0x3FFFFF;
	_ =	sdelay $0x2  }
0x30: {  	s17 =	simm.s32 $0x20;
	s14 =	sadd.s32 $0xFA0, s14;
	s16 =	sadd.s32 $0x10, s15  }
0x31: {  	s15 =	sadd.s32 $0x10, s14;
	s18 =	smov.u32 s14;
	v0 =	vld.msk [tilespmem:s16+$0x0 ss:$0x1], $0xffff;
	vm1 =	vgt.s32 v2, $0x0;
	(ifvalue) =	ssetifvalue $0x7FFFFFFF  }
.LBB2_3:
0x32: {  	[tilespmem:s18], [sflag:$0x1] =	stream.indirect_vreg.gather [hbm4b:s2+s10], $0x1, v1, vm0, $0x4038;
	[tilespmem:$0x1F40] =	vst v63  }
0x33: {  	s17 =	sadd.s32 $0x10, s17  }
0x34: {  	v2 =	vnsel vm1, $0x0, v2;
	p0 =	slt.u32 s17, $0x7C0  }
.Ltmp3:
0x35: {  	s18 =	smov.u32 s15;
	v1 =	vmin.u32 v2, $0x3FFFFF;
	(pc) =	sbr.rel @p0 .LBB2_3-.Ltmp3, $3  }
0x36: {  	_ =	sdelay $0x1  }
0x37: {  	s16 =	sadd.s32 $0x10, s16  }
0x38: {  	vm1 =	vgt.s32 v0, $0x0;
	s15 =	sadd.s32 $0x10, s15;
	v2 =	vmov v0;
	(ifvalue) =	ssetifvalue $0x7FFFFFFF;
	v0 =	vld.msk [tilespmem:s16+$0x0 ss:$0x1], $0xffff  }
.Ltmp4:
0x39: {  	_ = 	snop;
	(pc) =	sbr.rel .LBB2_4-.Ltmp4, $1  }
0x3a: {  	_ =	sdelay $0x3  }
.LBB2_6:
0x3b: {  	_ =	sfence.sel $0x180000  }
0x3c: {  	s2 =	simm.s32 $0x2;
	[bflag:$0x0] =	sbarrier.arrive $0xFFFF  }
0x3d: {  	s30 =	simm.s32 $0x3;
	[sflag:s2] =	ssyncpa.u1 $0x1  }
0x3e: {  	s31 =	simm.s32 $0x1;
	[sflag:s30] =	ssyncpa.u1 $0x1  }
0x3f: {  	[sflag:s31] =	ssyncpa.u1 $0x1  }
0x40: {  	p0 =	sne.s32 s1, $0x0;
	_ =	strace $0x9000006B  }
0x41: {  	s0 =	sadd.s32 @!p0 $0x100000, s0;
	[bflag:$0x2] =	sbarrier.arrive $0xFFFF  }
0x42: {  	[sflag:s0] =	ssyncadd.tile.s32 @!p0 $0x1;
	_ =	shalt  }
.Lfunc_end2:
_tile_overlayer_lowered:
.L_overlay_start_2:
0x43: {  	(tag) =	ssettag $0x2  }
0x44: {  	s0 =	rddreg [dreg:$0x0];
	s2 =	stileid.u32  }
0x45: {  	s1 =	rddreg [dreg:$0x1];
	p0 =	sne.s32 s2, $0x0  }
0x46: {  	s3 =	rddreg [dreg:$0x2];
	[bflag:$0x3] =	sbarrier.arrive $0xFFFF;
	s2 =	simm.s32 @!p0 $0x1C01  }
0x47: {  	[timem:s3], [sflag:s2] =	dma.local @!p0 [hbm:s0], s1  }
0x48: {  	s0 =	simm.s32 @!p0 $0x1  }
0x49: {  	_ =	swait.ge @!p0 [sflag:s0], s1  }
0x4a: {  	s1 =	ssub.s32 @!p0 $0x0, s1;
	[sflag:s0] =	ssyncset.done @!p0 $0x0  }
0x4b: {  	[sflag:s0] =	ssyncadd.s32 @!p0 s1  }
0x4c: {  	[bflag:$0x3] =	sbarrier.arrive $0xFFFF  }
0x4d: {  	_ =	shalt  }

// kernel: gather_offload_async_start.11
scs
__scs_entry_jumppad:
0x0: {  	(pc) =	sbr.rel $0x88, $3  }
0x1: {  	(tag) =	ssettag $0x0;
	lr =	simm.s32 $0x1  }
0x2: {  	[smem:$0x3F9C] =	sst lr;
	_ =	strace $0xD0000000  }
0x3: {  	_ = 	snop  }
0x4: {  	_ = 	snop  }
0x5: {  	_ = 	snop  }
0x6: {  	_ = 	snop  }
0x7: {  	_ = 	snop  }
__scs_overlays_trampoline_lowered:
0x8: {  	[smem:$0x3FAB] =	sst s0  }
0x9: {  	[smem:$0x3FAC] =	sst s1  }
0xa: {  	[smem:$0x3FAD] =	sst s2  }
0xb: {  	[smem:$0x3FAE] =	sst s3  }
0xc: {  	[smem:$0x3FAF] =	sst s4  }
0xd: {  	[smem:$0x3FB0] =	sst s5  }
0xe: {  	[smem:$0x3FB1] =	sst s6  }
0xf: {  	[smem:$0x3FB2] =	sst s7  }
0x10: {  	[smem:$0x3FB3] =	sst s8  }
0x11: {  	[smem:$0x3FB4] =	sst s9;
	s0 =	simm.s32 @!p0 $0x0  }
0x12: {  	s1 =	sld [smem:$0x3F9A];
	s0 =	simm.s32 @p0 $0x1  }
0x13: {  	[smem:$0x3FB5] =	sst s0;
	s0 =	simm.s32 @!p1 $0x0  }
0x14: {  	s2 =	sld [smem:$0x3F99];
	s0 =	simm.s32 @p1 $0x1  }
0x15: {  	[smem:$0x3FB6] =	sst s0;
	s0 =	simm.s32 @!p2 $0x0  }
0x16: {  	s3 =	sld [smem:$0x3FDB];
	s0 =	simm.s32 @p2 $0x1  }
0x17: {  	s4 =	simm.s32 $0x1BF5;
	[smem:$0x3FB8] =	sst s0  }
0x18: {  	s0 =	sld [smem:$0x3F9B];
	_ =	swait.ge [sflag:s4], $0x0  }
0x19: {  	s7 =	sld [smem:$0x3F9C]  }
0x1a: {  	s8 =	sadd.s32 $0xFFFFE003, lr  }
0x1b: {  	s9 =	sadd.s32 $0xFFFFFEF7, lr;
	s5 =	simm.s32 $0xFFFFFFFF;
	p2 =	slt.u32 s8, $0xFFFFF086  }
0x1c: {  	p1 =	slt.u32 s9, $0xF7A;
	s5 =	simm.s32 @!p2 $0x0  }
0x1d: {  	s5 =	simm.s32 @p1 $0x1;
	p0 =	seq.s32 s7, s2  }
0x1e: {  	s7 =	smul.u32 @!p0 $0xF7A, s2;
	p2 =	seq.s32 @!p0 s5, $0x0  }
0x1f: {  	s9 =	smul.u32 $0xF7A, s1;
	s8 =	simm.s32 @!p0 $0x1BF5;
	p2 =	por !p2, p0  }
0x20: {  	[sflag:s8] =	ssyncset.s32 @!p0 $0xFFFFF086;
	s6 =	sadd.s32 @!p0 s3, s7;
	s7 =	simm.s32 @!p0 $0x108  }
0x21: {  	s3 =	sadd.s32 s3, s9;
	s6 =	sadd.s32 @!p0 $0x88, s6;
	s7 =	simm.s32 @p2 $0x1082  }
0x22: {  	[simem:s7], [sflag:s8] =	dma.local @!p0 [hbm:s6], $0xF7A  }
0x23: {  	s9 =	sor.u32 $0xD0000000, s2;
	s6 =	simm.s32 $0x108;
	_ =	swait.ge @!p0 [sflag:s8], $0x0  }
0x24: {  	s3 =	sadd.s32 $0x88, s3;
	s6 =	simm.s32 @!p1 $0x1082;
	[sflag:s4] =	ssyncset.s32 $0xFFFFF086  }
0x25: {  	[simem:s6], [sflag:s4] =	dma.local [hbm:s3], $0xF7A  }
0x26: {  	[smem:$0x3F9C] =	sst s1;
	(tag) =	ssettag s2;
	_ =	strace s9  }
0x27: {  	s1 =	sld [smem:$0x3FAC]  }
0x28: {  	s2 =	sld [smem:$0x3FAD]  }
0x29: {  	s4 =	sld [smem:$0x3FAF]  }
0x2a: {  	p0 =	seq.s32 s5, $0x0;
	s5 =	sld [smem:$0x3FB0]  }
0x2b: {  	s6 =	sld [smem:$0x3FB1]  }
0x2c: {  	s7 =	sld [smem:$0x3FB2]  }
0x2d: {  	s3 =	simm.s32 $0x108;
	s8 =	sld [smem:$0x3FB3]  }
0x2e: {  	s3 =	simm.s32 @!p0 $0x1082;
	s9 =	sld [smem:$0x3FB4]  }
0x2f: {  	lr =	sadd.s32 s0, s3;
	s0 =	sld [smem:$0x3FAB]  }
0x30: {  	s3 =	sld [smem:$0x3FAE]  }
0x31: {  	[smem:$0x3FB7] =	sst s10  }
0x32: {  	s10 =	sld [smem:$0x3FB5];
	_ =	sdelay $0x3  }
0x33: {  	p0 =	seq.s32 s10, $0x1;
	s10 =	sld [smem:$0x3FB7];
	_ =	sdelay $0x3  }
0x34: {  	[smem:$0x3FB7] =	sst s10  }
0x35: {  	s10 =	sld [smem:$0x3FB6];
	_ =	sdelay $0x3  }
0x36: {  	p1 =	seq.s32 s10, $0x1;
	s10 =	sld [smem:$0x3FB7];
	_ =	sdelay $0x3  }
0x37: {  	[smem:$0x3FB7] =	sst s10  }
0x38: {  	s10 =	sld [smem:$0x3FB8]  }
0x39: {  	_ = 	snop;
	(pc) =	sbr.ind lr, $3  }
0x3a: {  	_ = 	snop  }
0x3b: {  	_ = 	snop  }
0x3c: {  	p2 =	seq.s32 s10, $0x1;
	s10 =	sld [smem:$0x3FB7]  }
0x3d: {  	_ =	shalt  }
0x3e: {  	_ =	shalt  }
0x3f: {  	_ =	shalt  }
0x40: {  	_ =	shalt  }
0x41: {  	_ =	shalt  }
0x42: {  	_ =	shalt  }
0x43: {  	_ =	shalt  }
0x44: {  	_ =	shalt  }
0x45: {  	_ =	shalt  }
0x46: {  	_ =	shalt  }
0x47: {  	_ =	shalt  }
0x48: {  	_ =	shalt  }
0x49: {  	_ =	shalt  }
0x4a: {  	_ =	shalt  }
0x4b: {  	_ =	shalt  }
0x4c: {  	_ =	shalt  }
0x4d: {  	_ =	shalt  }
0x4e: {  	_ =	shalt  }
0x4f: {  	_ =	shalt  }
0x50: {  	_ =	shalt  }
0x51: {  	_ =	shalt  }
0x52: {  	_ =	shalt  }
0x53: {  	_ =	shalt  }
0x54: {  	_ =	shalt  }
0x55: {  	_ =	shalt  }
0x56: {  	_ =	shalt  }
0x57: {  	_ =	shalt  }
0x58: {  	_ =	shalt  }
0x59: {  	_ =	shalt  }
0x5a: {  	_ =	shalt  }
0x5b: {  	_ =	shalt  }
0x5c: {  	_ =	shalt  }
0x5d: {  	_ =	shalt  }
0x5e: {  	_ =	shalt  }
0x5f: {  	_ =	shalt  }
0x60: {  	_ =	shalt  }
0x61: {  	_ =	shalt  }
0x62: {  	_ =	shalt  }
0x63: {  	_ =	shalt  }
0x64: {  	_ =	shalt  }
0x65: {  	_ =	shalt  }
0x66: {  	_ =	shalt  }
0x67: {  	_ =	shalt  }
0x68: {  	_ =	shalt  }
0x69: {  	_ =	shalt  }
0x6a: {  	_ =	shalt  }
0x6b: {  	_ =	shalt  }
0x6c: {  	_ =	shalt  }
0x6d: {  	_ =	shalt  }
0x6e: {  	_ =	shalt  }
0x6f: {  	_ =	shalt  }
0x70: {  	_ =	shalt  }
0x71: {  	_ =	shalt  }
0x72: {  	_ =	shalt  }
0x73: {  	_ =	shalt  }
0x74: {  	_ =	shalt  }
0x75: {  	_ =	shalt  }
0x76: {  	_ =	shalt  }
0x77: {  	_ =	shalt  }
0x78: {  	_ =	shalt  }
0x79: {  	_ =	shalt  }
0x7a: {  	_ =	shalt  }
0x7b: {  	_ =	shalt  }
0x7c: {  	_ =	shalt  }
0x7d: {  	_ =	shalt  }
0x7e: {  	_ =	shalt  }
0x7f: {  	_ =	shalt  }
0x80: {  	_ =	shalt  }
0x81: {  	_ =	shalt  }
0x82: {  	_ =	shalt  }
0x83: {  	_ =	shalt  }
0x84: {  	_ =	shalt  }
0x85: {  	_ =	shalt  }
0x86: {  	_ =	shalt  }
0x87: {  	_ =	shalt  }
.Lfunc_end0:
.L_simem_size_0:
called_computation.11_lowered:
.L_overlay_start_0:
0x88: {  	s0 =	sld [smem:$0x3FD9]  }
0x89: {  	s1 =	sld [smem:$0x3FFE];
	_ =	sdelay $0x3  }
0x8a: {  	s0 =	sadd.s32 s1, s0  }
0x8b: {  	[smem:$0x3FC3] =	sst s0  }
0x8c: {  	_ = 	snop  }
0x8d: {  	(tm) =	ssettm $0x1  }
0x8e: {  	s15 =	sld [smem:$0x3FFB];
	_ =	sdelay $0x3  }
0x8f: {  	_ =	strace s15  }
0x90: {  	s0 =	sld [smem:$0x3FFC];
	_ =	sdelay $0x3  }
0x91: {  	_ =	strace s0  }
0x92: {  	s0 =	sld [smem:$0x3FFD];
	_ =	sdelay $0x3  }
0x93: {  	_ =	strace s0  }
0x94: {  	_ =	strace $0x8FFFFFFF  }
0x95: {  	s16 =	sld [smem:$0x3FDB];
	_ =	sdelay $0x1  }
0x96: {  	s17 =	simm.s32 $_scs_section_size  }
0x97: {  	s2 =	simm.s32 $_size__tile_overlayer_lowered;
	s3 =	simm.s32 $_tile_overlayer_lowered  }
0x98: {  	s20 =	simm.s32 $0x1BFF;
	s19 =	sshll.u32 s3, $0x1;
	s0 =	sadd.s32 s17, s16  }
0x99: {  	s4 =	simm.s32 $0x0;
	s18 =	sshll.u32 s2, $0x1;
	s2 =	sadd.s32 s19, s0  }
0x9a: {  	[timem:s4], [sflag:s20] =	dma.local [hbm:s2], s18  }
0x9b: {  	_ =	swait.ge [sflag:s20], s18  }
0x9c: {  	s1 =	ssub.s32 $0x0, s18;
	[sflag:s20] =	ssyncset.done $0x0  }
0x9d: {  	[sflag:s20] =	ssyncadd.s32 s1;
	_ =	sdelay $0x1  }
0x9e: {  	s21 =	simm.s32 $0x1B8B  }
0x9f: {  	_ =	swait.ge [sflag:s21], $0x1  }
0xa0: {  	[sflag:s21] =	ssyncset.done $0x0  }
0xa1: {  	s23 =	simm.s32 $0x1B8E;
	s22 =	sld [smem:$0x3FFE];
	[sflag:s21] =	ssyncadd.s32 $0xFFFFFFFF  }
0xa2: {  	s24 =	simm.s32 $execute0_lowered;
	[smem:$0x3FD2] =	sst s23  }
0xa3: {  	s2 =	sshll.u32 s24, $0x1;
	_ =	strace $0x80000067;
	[dreg:$0x1] =	wrdreg $0xFFFFFFFF  }
0xa4: {  	s25 =	simm.s32 $_size_execute0_lowered;
	s0 =	sadd.s32 s0, s2;
	[dreg:$0x0] =	wrdreg $0x0  }
0xa5: {  	s2 =	sshll.u32 s25, $0x1;
	[dreg:$0x2] =	wrdreg s0  }
0xa6: {  	[dreg:$0x3] =	wrdreg s2  }
0xa7: {  	[dreg:$0x4] =	wrdreg $0xC0  }
0xa8: {  	_ =	task [dreg:s4], $0x5FFFF  }
0xa9: {  	[dreg:$0x1] =	wrdreg $0xFFFFFFFF  }
0xaa: {  	[dreg:$0x0] =	wrdreg $0x60  }
0xab: {  	[dreg:$0x2] =	wrdreg s22  }
0xac: {  	[dreg:$0x3] =	wrdreg $0xA  }
0xad: {  	_ =	task.clear_ibuf [dreg:s4], $0x4FFFF;
	_ =	strace $0x90000067  }
0xae: {  	s26 =	simm.s32 $0xA;
	_ =	strace $0x80000069  }
0xaf: {  	_ =	swait.ge [sflag:s26], $0x1  }
0xb0: {  	[sflag:s26] =	ssyncadd.s32 $0xFFFFFFFF  }
0xb1: {  	_ =	strace $0x90000069  }
0xb2: {  	_ =	sfence  }
0xb3: {  	s28 =	sld [smem:$0x0];
	_ =	sdelay $0x1  }
0xb4: {  	s29 =	srdreg.scid  }
0xb5: {  	s30 =	sshll.u32 s29, $0xD;
	s31 =	sshrl.u32 s29, $0x2  }
0xb6: {  	s1 =	sand.u32 $0x1, s29;
	s2 =	sand.u32 $0x4000, s30;
	s0 =	sadd.s32 s31, s28  }
0xb7: {  	s1 =	sor.u32 s2, s1;
	s0 =	sshll.u32 s0, $0x11  }
0xb8: {  	s0 =	sor.u32 s0, s1  }
0xb9: {  	s0 =	sadd.s32 $0x8F2B, s0  }
0xba: {  	[sflag:s0] =	ssyncadd.remote.s32 $0x1  }
0xbb: {  	_ =	sfence.sel $0xFFFF  }
0xbc: {  	[dreg:$0x0] =	wrdreg $0xFFFFFFFF;
	(pc) =	sbr.abs _section_cstart, $3  }
0xbd: {  	[dreg:$0x1] =	wrdreg $0xFFFFFFFF  }
0xbe: {  	_ =	task.clear_ibuf [dreg:s4], $0x2FFFF;
	_ =	strace $0x9FFFFFFF  }
0xbf: {  	(tm) =	ssettm $0x7FFFFFFF  }
tec
execute0_lowered:
.L_overlay_start_1:
0x0: {  	(tag) =	ssettag $0x1  }
0x1: {  	s8 =	rddreg [dreg:$0x0]  }
0x2: {  	s0 =	rddreg [dreg:$0x1];
	_ =	strace $0x80000068  }
0x3: {  	s4 =	simm.s32 $0x1;
	s1 =	stileid.u32;
	s7 =	simm.s32 $0x1  }
0x4: {  	s9 =	simm.s32 $0x1;
	s6 =	simm.s32 $0x2;
	s10 =	simm.s32 $0x3  }
0x5: {  	s13 =	simm.s32 $0x0;
	s12 =	simm.s32 $0x0;
	s2 =	sadd.s32 $0x9EC00, s8  }
.Ltmp0:
0x6: {  	s3 =	sadd.s32 $0xF800, s8;
	p0 =	slt.u32 s1, $0xA;
	(pc) =	sbr.rel .LBB2_1-.Ltmp0, $4  }
0x7: {  	[sflag:s4] =	ssyncpa.u1 $0x0;
	s7 =	simm.s32 @!p0 $0x0;
	p0 =	sne.s32 s1, $0x9  }
0x8: {  	s5 =	smul.u32 $0x7D0, s1;
	[sflag:s6] =	ssyncpa.u1 $0x0;
	s9 =	simm.s32 @!p0 $0x0  }
0x9: {  	s8 =	sadd.s32 $0x9D200, s8;
	[sflag:s10] =	ssyncpa.u1 $0x0;
	s7 =	sadd.s32 s9, s7  }
0xa: {  	vm0 =	vmmov $0xffff;
	s10 =	simm.s32 $0x0;
	s11 =	smov.u32 s5;
	s9 =	sadd.s32 $0x1, s7  }
.LBB2_4:
0xb: {  	v2 =	vnsel vm1, $0x0, v2  }
0xc: {  	vm1 =	vgt.s32 v0, $0x0;
	v2 =	vmin.u32 v2, $0x3FFFFF  }
0xd: {  	v0 =	vnsel vm1, $0x0, v0  }
0xe: {  	v0 =	vmin.u32 v0, $0x3FFFFF  }
0xf: {  	[tilespmem:s18], [sflag:$0x1] =	stream.indirect_vreg.gather [hbm4b:s2+s10], $0x1, v1, vm0, $0x4038;
	[tilespmem:$0x1F40] =	vst v63  }
0x10: {  	(ifvalue) =	ssetifvalue $0x7FFFFFFF  }
0x11: {  	[tilespmem:s15], [sflag:$0x1] =	stream.indirect_vreg.gather [hbm4b:s2+s10], $0x1, v2, vm0, $0x4038;
	[tilespmem:$0x1F40] =	vst v63  }
0x12: {  	s29 =	sadd.s32 $0x10, s15;
	(ifvalue) =	ssetifvalue $0x7FFFFFFF  }
0x13: {  	[tilespmem:s29], [sflag:$0x1] =	stream.indirect_vreg.gather [hbm4b:s2+s10], $0x1, v0, vm0, $0x4038;
	[tilespmem:$0x1F40] =	vst v63  }
0x14: {  	_ =	swait.ge [sflag:s4], $0x7D0  }
0x15: {  	s30 =	sshrl.u32 s13, $0x3;
	[sflag:s4] =	ssyncset.done $0x0  }
0x16: {  	s31 =	sand.u32 $0x7, s13;
	s15 =	sadd.s32 s8, s30;
	[sflag:s4] =	ssyncadd.s32 $0xFFFFF830  }
0x17: {  	[hbm4b:s15+s31] =	stream.linear.scatter [tilespmem:s14], [sflag:$0x3], $0x7D0, $0x38;
	[tilespmem:$0x1F40] =	vst v63  }
.LBB2_5:
0x18: {  	s15 =	sadd.s32 $0x7D00, s11  }
0x19: {  	p1 =	sgt.s32 s15, $0xC34F  }
0x1a: {  	s15 =	smov.u32 @p1 s5;
	p1 =	sne.s32 s12, s9  }
.Ltmp1:
0x1b: {  	p0 =	slt.u32 s12, $0x2;
	(pc) =	sbr.rel @!p1 .LBB2_6-.Ltmp1, $4  }
0x1c: {  	s14 =	simm.s32 @!p0 $0x3  }
0x1d: {  	_ =	swait.ge @!p0 [sflag:s14], $0x7D0  }
0x1e: {  	s16 =	sadd.s32 $0x1, s12;
	s13 =	smov.u32 s11;
	[sflag:s14] =	ssyncset.done @!p0 $0x0  }
0x1f: {  	s12 =	smov.u32 s16;
	s11 =	smov.u32 s15;
	[sflag:s14] =	ssyncadd.s32 @!p0 $0xFFFFF830  }
.LBB2_1:
0x20: {  	p0 =	sge.u32 s12, s7  }
0x21: {  	s14 =	sxor.u32 @!p0 $0x1, s12  }
0x22: {  	s14 =	smul.u32 @!p0 $0x1F40, s14  }
0x23: {  	s31 =	sadd.s32 $0xFFFFFFFF, s12;
	s15 =	sshrl.u32 @!p0 s11, $0x3  }
0x24: {  	s16 =	sand.u32 @!p0 $0x7, s11;
	s15 =	sadd.s32 @!p0 s3, s15;
	s14 =	sshra.s32 @!p0 s14, $0x2  }
0x25: {  	[tilespmem:s14], [sflag:$0x2] =	stream.linear.gather @!p0 [hbm4b:s15+s16], $0x7D0, $0x38;
	[tilespmem:$0x1F40] =	vst v63  }
0x26: {  	p0 =	sge.u32 s31, s7  }
.Ltmp2:
0x27: {  	_ = 	snop;
	(pc) =	sbr.rel @p0 .LBB2_5-.Ltmp2, $1  }
0x28: {  	_ =	sdelay $0x3  }
0x29: {  	s14 =	sand.u32 $0x1, s12  }
0x2a: {  	_ =	swait.ge [sflag:s6], $0x7D0;
	p0 =	seq.s32 s14, $0x1;
	s14 =	simm.s32 $0x7D0  }
0x2b: {  	[sflag:s6] =	ssyncset.done $0x0;
	s14 =	simm.s32 @!p0 $0x0  }
0x2c: {  	[sflag:s6] =	ssyncadd.s32 $0xFFFFF830;
	(ifvalue) =	ssetifvalue $0x7FFFFFFF;
	v0 =	vld.msk [tilespmem:s14+$0x0 ss:$0x1], $0xffff;
	_ =	sdelay $0x4  }
0x2d: {  	s15 =	sadd.s32 $0x10, s14;
	vm1 =	vgt.s32 v0, $0x0  }
0x2e: {  	v2 =	vld.msk [tilespmem:s15+$0x0 ss:$0x1], $0xffff;
	v1 =	vnsel vm1, $0x0, v0  }
0x2f: {  	v1 =	vmin.u32 v1, $0x3FFFFF;
	_ =	sdelay $0x2  }
0x30: {  	s17 =	simm.s32 $0x20;
	s14 =	sadd.s32 $0xFA0, s14;
	s16 =	sadd.s32 $0x10, s15  }
0x31: {  	s15 =	sadd.s32 $0x10, s14;
	s18 =	smov.u32 s14;
	v0 =	vld.msk [tilespmem:s16+$0x0 ss:$0x1], $0xffff;
	vm1 =	vgt.s32 v2, $0x0;
	(ifvalue) =	ssetifvalue $0x7FFFFFFF  }
.LBB2_3:
0x32: {  	[tilespmem:s18], [sflag:$0x1] =	stream.indirect_vreg.gather [hbm4b:s2+s10], $0x1, v1, vm0, $0x4038;
	[tilespmem:$0x1F40] =	vst v63  }
0x33: {  	s17 =	sadd.s32 $0x10, s17  }
0x34: {  	v2 =	vnsel vm1, $0x0, v2;
	p0 =	slt.u32 s17, $0x7C0  }
.Ltmp3:
0x35: {  	s18 =	smov.u32 s15;
	v1 =	vmin.u32 v2, $0x3FFFFF;
	(pc) =	sbr.rel @p0 .LBB2_3-.Ltmp3, $3  }
0x36: {  	_ =	sdelay $0x1  }
0x37: {  	s16 =	sadd.s32 $0x10, s16  }
0x38: {  	vm1 =	vgt.s32 v0, $0x0;
	s15 =	sadd.s32 $0x10, s15;
	v2 =	vmov v0;
	(ifvalue) =	ssetifvalue $0x7FFFFFFF;
	v0 =	vld.msk [tilespmem:s16+$0x0 ss:$0x1], $0xffff  }
.Ltmp4:
0x39: {  	_ = 	snop;
	(pc) =	sbr.rel .LBB2_4-.Ltmp4, $1  }
0x3a: {  	_ =	sdelay $0x3  }
.LBB2_6:
0x3b: {  	_ =	sfence.sel $0x180000  }
0x3c: {  	s2 =	simm.s32 $0x2;
	[bflag:$0x0] =	sbarrier.arrive $0xFFFF  }
0x3d: {  	s30 =	simm.s32 $0x3;
	[sflag:s2] =	ssyncpa.u1 $0x1  }
0x3e: {  	s31 =	simm.s32 $0x1;
	[sflag:s30] =	ssyncpa.u1 $0x1  }
0x3f: {  	[sflag:s31] =	ssyncpa.u1 $0x1  }
0x40: {  	p0 =	sne.s32 s1, $0x0;
	_ =	strace $0x90000068  }
0x41: {  	s0 =	sadd.s32 @!p0 $0x100000, s0;
	[bflag:$0x2] =	sbarrier.arrive $0xFFFF  }
0x42: {  	[sflag:s0] =	ssyncadd.tile.s32 @!p0 $0x1;
	_ =	shalt  }
.Lfunc_end2:
_tile_overlayer_lowered:
.L_overlay_start_2:
0x43: {  	(tag) =	ssettag $0x2  }
0x44: {  	s0 =	rddreg [dreg:$0x0];
	s2 =	stileid.u32  }
0x45: {  	s1 =	rddreg [dreg:$0x1];
	p0 =	sne.s32 s2, $0x0  }
0x46: {  	s3 =	rddreg [dreg:$0x2];
	[bflag:$0x3] =	sbarrier.arrive $0xFFFF;
	s2 =	simm.s32 @!p0 $0x1C01  }
0x47: {  	[timem:s3], [sflag:s2] =	dma.local @!p0 [hbm:s0], s1  }
0x48: {  	s0 =	simm.s32 @!p0 $0x1  }
0x49: {  	_ =	swait.ge @!p0 [sflag:s0], s1  }
0x4a: {  	s1 =	ssub.s32 @!p0 $0x0, s1;
	[sflag:s0] =	ssyncset.done @!p0 $0x0  }
0x4b: {  	[sflag:s0] =	ssyncadd.s32 @!p0 s1  }
0x4c: {  	[bflag:$0x3] =	sbarrier.arrive $0xFFFF  }
0x4d: {  	_ =	shalt  }

// kernel: gather_offload_async_start.12
scs
__scs_entry_jumppad:
0x0: {  	(pc) =	sbr.rel $0x88, $3  }
0x1: {  	(tag) =	ssettag $0x0;
	lr =	simm.s32 $0x1  }
0x2: {  	[smem:$0x3F9C] =	sst lr;
	_ =	strace $0xD0000000  }
0x3: {  	_ = 	snop  }
0x4: {  	_ = 	snop  }
0x5: {  	_ = 	snop  }
0x6: {  	_ = 	snop  }
0x7: {  	_ = 	snop  }
__scs_overlays_trampoline_lowered:
0x8: {  	[smem:$0x3FAB] =	sst s0  }
0x9: {  	[smem:$0x3FAC] =	sst s1  }
0xa: {  	[smem:$0x3FAD] =	sst s2  }
0xb: {  	[smem:$0x3FAE] =	sst s3  }
0xc: {  	[smem:$0x3FAF] =	sst s4  }
0xd: {  	[smem:$0x3FB0] =	sst s5  }
0xe: {  	[smem:$0x3FB1] =	sst s6  }
0xf: {  	[smem:$0x3FB2] =	sst s7  }
0x10: {  	[smem:$0x3FB3] =	sst s8  }
0x11: {  	[smem:$0x3FB4] =	sst s9;
	s0 =	simm.s32 @!p0 $0x0  }
0x12: {  	s1 =	sld [smem:$0x3F9A];
	s0 =	simm.s32 @p0 $0x1  }
0x13: {  	[smem:$0x3FB5] =	sst s0;
	s0 =	simm.s32 @!p1 $0x0  }
0x14: {  	s2 =	sld [smem:$0x3F99];
	s0 =	simm.s32 @p1 $0x1  }
0x15: {  	[smem:$0x3FB6] =	sst s0;
	s0 =	simm.s32 @!p2 $0x0  }
0x16: {  	s3 =	sld [smem:$0x3FDB];
	s0 =	simm.s32 @p2 $0x1  }
0x17: {  	s4 =	simm.s32 $0x1BF5;
	[smem:$0x3FB8] =	sst s0  }
0x18: {  	s0 =	sld [smem:$0x3F9B];
	_ =	swait.ge [sflag:s4], $0x0  }
0x19: {  	s7 =	sld [smem:$0x3F9C]  }
0x1a: {  	s8 =	sadd.s32 $0xFFFFE003, lr  }
0x1b: {  	s9 =	sadd.s32 $0xFFFFFEF7, lr;
	s5 =	simm.s32 $0xFFFFFFFF;
	p2 =	slt.u32 s8, $0xFFFFF086  }
0x1c: {  	p1 =	slt.u32 s9, $0xF7A;
	s5 =	simm.s32 @!p2 $0x0  }
0x1d: {  	s5 =	simm.s32 @p1 $0x1;
	p0 =	seq.s32 s7, s2  }
0x1e: {  	s7 =	smul.u32 @!p0 $0xF7A, s2;
	p2 =	seq.s32 @!p0 s5, $0x0  }
0x1f: {  	s9 =	smul.u32 $0xF7A, s1;
	s8 =	simm.s32 @!p0 $0x1BF5;
	p2 =	por !p2, p0  }
0x20: {  	[sflag:s8] =	ssyncset.s32 @!p0 $0xFFFFF086;
	s6 =	sadd.s32 @!p0 s3, s7;
	s7 =	simm.s32 @!p0 $0x108  }
0x21: {  	s3 =	sadd.s32 s3, s9;
	s6 =	sadd.s32 @!p0 $0x88, s6;
	s7 =	simm.s32 @p2 $0x1082  }
0x22: {  	[simem:s7], [sflag:s8] =	dma.local @!p0 [hbm:s6], $0xF7A  }
0x23: {  	s9 =	sor.u32 $0xD0000000, s2;
	s6 =	simm.s32 $0x108;
	_ =	swait.ge @!p0 [sflag:s8], $0x0  }
0x24: {  	s3 =	sadd.s32 $0x88, s3;
	s6 =	simm.s32 @!p1 $0x1082;
	[sflag:s4] =	ssyncset.s32 $0xFFFFF086  }
0x25: {  	[simem:s6], [sflag:s4] =	dma.local [hbm:s3], $0xF7A  }
0x26: {  	[smem:$0x3F9C] =	sst s1;
	(tag) =	ssettag s2;
	_ =	strace s9  }
0x27: {  	s1 =	sld [smem:$0x3FAC]  }
0x28: {  	s2 =	sld [smem:$0x3FAD]  }
0x29: {  	s4 =	sld [smem:$0x3FAF]  }
0x2a: {  	p0 =	seq.s32 s5, $0x0;
	s5 =	sld [smem:$0x3FB0]  }
0x2b: {  	s6 =	sld [smem:$0x3FB1]  }
0x2c: {  	s7 =	sld [smem:$0x3FB2]  }
0x2d: {  	s3 =	simm.s32 $0x108;
	s8 =	sld [smem:$0x3FB3]  }
0x2e: {  	s3 =	simm.s32 @!p0 $0x1082;
	s9 =	sld [smem:$0x3FB4]  }
0x2f: {  	lr =	sadd.s32 s0, s3;
	s0 =	sld [smem:$0x3FAB]  }
0x30: {  	s3 =	sld [smem:$0x3FAE]  }
0x31: {  	[smem:$0x3FB7] =	sst s10  }
0x32: {  	s10 =	sld [smem:$0x3FB5];
	_ =	sdelay $0x3  }
0x33: {  	p0 =	seq.s32 s10, $0x1;
	s10 =	sld [smem:$0x3FB7];
	_ =	sdelay $0x3  }
0x34: {  	[smem:$0x3FB7] =	sst s10  }
0x35: {  	s10 =	sld [smem:$0x3FB6];
	_ =	sdelay $0x3  }
0x36: {  	p1 =	seq.s32 s10, $0x1;
	s10 =	sld [smem:$0x3FB7];
	_ =	sdelay $0x3  }
0x37: {  	[smem:$0x3FB7] =	sst s10  }
0x38: {  	s10 =	sld [smem:$0x3FB8]  }
0x39: {  	_ = 	snop;
	(pc) =	sbr.ind lr, $3  }
0x3a: {  	_ = 	snop  }
0x3b: {  	_ = 	snop  }
0x3c: {  	p2 =	seq.s32 s10, $0x1;
	s10 =	sld [smem:$0x3FB7]  }
0x3d: {  	_ =	shalt  }
0x3e: {  	_ =	shalt  }
0x3f: {  	_ =	shalt  }
0x40: {  	_ =	shalt  }
0x41: {  	_ =	shalt  }
0x42: {  	_ =	shalt  }
0x43: {  	_ =	shalt  }
0x44: {  	_ =	shalt  }
0x45: {  	_ =	shalt  }
0x46: {  	_ =	shalt  }
0x47: {  	_ =	shalt  }
0x48: {  	_ =	shalt  }
0x49: {  	_ =	shalt  }
0x4a: {  	_ =	shalt  }
0x4b: {  	_ =	shalt  }
0x4c: {  	_ =	shalt  }
0x4d: {  	_ =	shalt  }
0x4e: {  	_ =	shalt  }
0x4f: {  	_ =	shalt  }
0x50: {  	_ =	shalt  }
0x51: {  	_ =	shalt  }
0x52: {  	_ =	shalt  }
0x53: {  	_ =	shalt  }
0x54: {  	_ =	shalt  }
0x55: {  	_ =	shalt  }
0x56: {  	_ =	shalt  }
0x57: {  	_ =	shalt  }
0x58: {  	_ =	shalt  }
0x59: {  	_ =	shalt  }
0x5a: {  	_ =	shalt  }
0x5b: {  	_ =	shalt  }
0x5c: {  	_ =	shalt  }
0x5d: {  	_ =	shalt  }
0x5e: {  	_ =	shalt  }
0x5f: {  	_ =	shalt  }
0x60: {  	_ =	shalt  }
0x61: {  	_ =	shalt  }
0x62: {  	_ =	shalt  }
0x63: {  	_ =	shalt  }
0x64: {  	_ =	shalt  }
0x65: {  	_ =	shalt  }
0x66: {  	_ =	shalt  }
0x67: {  	_ =	shalt  }
0x68: {  	_ =	shalt  }
0x69: {  	_ =	shalt  }
0x6a: {  	_ =	shalt  }
0x6b: {  	_ =	shalt  }
0x6c: {  	_ =	shalt  }
0x6d: {  	_ =	shalt  }
0x6e: {  	_ =	shalt  }
0x6f: {  	_ =	shalt  }
0x70: {  	_ =	shalt  }
0x71: {  	_ =	shalt  }
0x72: {  	_ =	shalt  }
0x73: {  	_ =	shalt  }
0x74: {  	_ =	shalt  }
0x75: {  	_ =	shalt  }
0x76: {  	_ =	shalt  }
0x77: {  	_ =	shalt  }
0x78: {  	_ =	shalt  }
0x79: {  	_ =	shalt  }
0x7a: {  	_ =	shalt  }
0x7b: {  	_ =	shalt  }
0x7c: {  	_ =	shalt  }
0x7d: {  	_ =	shalt  }
0x7e: {  	_ =	shalt  }
0x7f: {  	_ =	shalt  }
0x80: {  	_ =	shalt  }
0x81: {  	_ =	shalt  }
0x82: {  	_ =	shalt  }
0x83: {  	_ =	shalt  }
0x84: {  	_ =	shalt  }
0x85: {  	_ =	shalt  }
0x86: {  	_ =	shalt  }
0x87: {  	_ =	shalt  }
.Lfunc_end0:
.L_simem_size_0:
called_computation.12_lowered:
.L_overlay_start_0:
0x88: {  	s0 =	sld [smem:$0x3FD9]  }
0x89: {  	s1 =	sld [smem:$0x3FFE];
	_ =	sdelay $0x3  }
0x8a: {  	s0 =	sadd.s32 s1, s0  }
0x8b: {  	[smem:$0x3FC3] =	sst s0  }
0x8c: {  	_ = 	snop  }
0x8d: {  	(tm) =	ssettm $0x1  }
0x8e: {  	s15 =	sld [smem:$0x3FFB];
	_ =	sdelay $0x3  }
0x8f: {  	_ =	strace s15  }
0x90: {  	s0 =	sld [smem:$0x3FFC];
	_ =	sdelay $0x3  }
0x91: {  	_ =	strace s0  }
0x92: {  	s0 =	sld [smem:$0x3FFD];
	_ =	sdelay $0x3  }
0x93: {  	_ =	strace s0  }
0x94: {  	_ =	strace $0x8FFFFFFF  }
0x95: {  	s16 =	sld [smem:$0x3FDB];
	_ =	sdelay $0x1  }
0x96: {  	s17 =	simm.s32 $_scs_section_size  }
0x97: {  	s2 =	simm.s32 $_size__tile_overlayer_lowered;
	s3 =	simm.s32 $_tile_overlayer_lowered  }
0x98: {  	s20 =	simm.s32 $0x1BFF;
	s19 =	sshll.u32 s3, $0x1;
	s0 =	sadd.s32 s17, s16  }
0x99: {  	s4 =	simm.s32 $0x0;
	s18 =	sshll.u32 s2, $0x1;
	s2 =	sadd.s32 s19, s0  }
0x9a: {  	[timem:s4], [sflag:s20] =	dma.local [hbm:s2], s18  }
0x9b: {  	_ =	swait.ge [sflag:s20], s18  }
0x9c: {  	s1 =	ssub.s32 $0x0, s18;
	[sflag:s20] =	ssyncset.done $0x0  }
0x9d: {  	[sflag:s20] =	ssyncadd.s32 s1;
	_ =	sdelay $0x1  }
0x9e: {  	s21 =	simm.s32 $0x1B8B  }
0x9f: {  	_ =	swait.ge [sflag:s21], $0x1  }
0xa0: {  	[sflag:s21] =	ssyncset.done $0x0  }
0xa1: {  	s23 =	simm.s32 $0x1B8E;
	s22 =	sld [smem:$0x3FFE];
	[sflag:s21] =	ssyncadd.s32 $0xFFFFFFFF  }
0xa2: {  	s24 =	simm.s32 $execute0_lowered;
	[smem:$0x3FD2] =	sst s23  }
0xa3: {  	s2 =	sshll.u32 s24, $0x1;
	_ =	strace $0x80000073;
	[dreg:$0x1] =	wrdreg $0xFFFFFFFF  }
0xa4: {  	s25 =	simm.s32 $_size_execute0_lowered;
	s0 =	sadd.s32 s0, s2;
	[dreg:$0x0] =	wrdreg $0x0  }
0xa5: {  	s2 =	sshll.u32 s25, $0x1;
	[dreg:$0x2] =	wrdreg s0  }
0xa6: {  	[dreg:$0x3] =	wrdreg s2  }
0xa7: {  	[dreg:$0x4] =	wrdreg $0xC0  }
0xa8: {  	_ =	task [dreg:s4], $0x5FFFF  }
0xa9: {  	[dreg:$0x1] =	wrdreg $0xFFFFFFFF  }
0xaa: {  	[dreg:$0x0] =	wrdreg $0x60  }
0xab: {  	[dreg:$0x2] =	wrdreg s22  }
0xac: {  	[dreg:$0x3] =	wrdreg $0x9  }
0xad: {  	_ =	task.clear_ibuf [dreg:s4], $0x4FFFF;
	_ =	strace $0x90000073  }
0xae: {  	s26 =	simm.s32 $0x9;
	_ =	strace $0x80000075  }
0xaf: {  	_ =	swait.ge [sflag:s26], $0x1  }
0xb0: {  	[sflag:s26] =	ssyncadd.s32 $0xFFFFFFFF  }
0xb1: {  	_ =	strace $0x90000075  }
0xb2: {  	_ =	sfence  }
0xb3: {  	s28 =	sld [smem:$0x0];
	_ =	sdelay $0x1  }
0xb4: {  	s29 =	srdreg.scid  }
0xb5: {  	s30 =	sshll.u32 s29, $0xD;
	s31 =	sshrl.u32 s29, $0x2  }
0xb6: {  	s1 =	sand.u32 $0x1, s29;
	s2 =	sand.u32 $0x4000, s30;
	s0 =	sadd.s32 s31, s28  }
0xb7: {  	s1 =	sor.u32 s2, s1;
	s0 =	sshll.u32 s0, $0x11  }
0xb8: {  	s0 =	sor.u32 s0, s1  }
0xb9: {  	s0 =	sadd.s32 $0x8F2B, s0  }
0xba: {  	[sflag:s0] =	ssyncadd.remote.s32 $0x1  }
0xbb: {  	_ =	sfence.sel $0xFFFF  }
0xbc: {  	[dreg:$0x0] =	wrdreg $0xFFFFFFFF;
	(pc) =	sbr.abs _section_cstart, $3  }
0xbd: {  	[dreg:$0x1] =	wrdreg $0xFFFFFFFF  }
0xbe: {  	_ =	task.clear_ibuf [dreg:s4], $0x2FFFF;
	_ =	strace $0x9FFFFFFF  }
0xbf: {  	(tm) =	ssettm $0x7FFFFFFF  }
tec
execute0_lowered:
.L_overlay_start_1:
0x0: {  	(tag) =	ssettag $0x1  }
0x1: {  	s8 =	rddreg [dreg:$0x0]  }
0x2: {  	s0 =	rddreg [dreg:$0x1];
	_ =	strace $0x80000074  }
0x3: {  	s4 =	simm.s32 $0x1;
	s1 =	stileid.u32;
	s7 =	simm.s32 $0x1  }
0x4: {  	s9 =	simm.s32 $0x1;
	s6 =	simm.s32 $0x2;
	s10 =	simm.s32 $0x3  }
0x5: {  	s13 =	simm.s32 $0x0;
	s12 =	simm.s32 $0x0;
	s2 =	sadd.s32 $0x9EC00, s8  }
.Ltmp0:
0x6: {  	s3 =	sadd.s32 $0x8E800, s8;
	p0 =	slt.u32 s1, $0xA;
	(pc) =	sbr.rel .LBB2_1-.Ltmp0, $4  }
0x7: {  	[sflag:s4] =	ssyncpa.u1 $0x0;
	s7 =	simm.s32 @!p0 $0x0;
	p0 =	sne.s32 s1, $0x9  }
0x8: {  	s5 =	smul.u32 $0x7D0, s1;
	[sflag:s6] =	ssyncpa.u1 $0x0;
	s9 =	simm.s32 @!p0 $0x0  }
0x9: {  	s8 =	sadd.s32 $0x88000, s8;
	[sflag:s10] =	ssyncpa.u1 $0x0;
	s7 =	sadd.s32 s9, s7  }
0xa: {  	vm0 =	vmmov $0xffff;
	s10 =	simm.s32 $0x0;
	s11 =	smov.u32 s5;
	s9 =	sadd.s32 $0x1, s7  }
.LBB2_4:
0xb: {  	v2 =	vnsel vm1, $0x0, v2  }
0xc: {  	vm1 =	vgt.s32 v0, $0x0;
	v2 =	vmin.u32 v2, $0x3FFFFF  }
0xd: {  	v0 =	vnsel vm1, $0x0, v0  }
0xe: {  	v0 =	vmin.u32 v0, $0x3FFFFF  }
0xf: {  	[tilespmem:s18], [sflag:$0x1] =	stream.indirect_vreg.gather [hbm4b:s2+s10], $0x1, v1, vm0, $0x4038;
	[tilespmem:$0x1F40] =	vst v63  }
0x10: {  	(ifvalue) =	ssetifvalue $0x7FFFFFFF  }
0x11: {  	[tilespmem:s15], [sflag:$0x1] =	stream.indirect_vreg.gather [hbm4b:s2+s10], $0x1, v2, vm0, $0x4038;
	[tilespmem:$0x1F40] =	vst v63  }
0x12: {  	s29 =	sadd.s32 $0x10, s15;
	(ifvalue) =	ssetifvalue $0x7FFFFFFF  }
0x13: {  	[tilespmem:s29], [sflag:$0x1] =	stream.indirect_vreg.gather [hbm4b:s2+s10], $0x1, v0, vm0, $0x4038;
	[tilespmem:$0x1F40] =	vst v63  }
0x14: {  	_ =	swait.ge [sflag:s4], $0x7D0  }
0x15: {  	s30 =	sshrl.u32 s13, $0x3;
	[sflag:s4] =	ssyncset.done $0x0  }
0x16: {  	s31 =	sand.u32 $0x7, s13;
	s15 =	sadd.s32 s8, s30;
	[sflag:s4] =	ssyncadd.s32 $0xFFFFF830  }
0x17: {  	[hbm4b:s15+s31] =	stream.linear.scatter [tilespmem:s14], [sflag:$0x3], $0x7D0, $0x38;
	[tilespmem:$0x1F40] =	vst v63  }
.LBB2_5:
0x18: {  	s15 =	sadd.s32 $0x7D00, s11  }
0x19: {  	p1 =	sgt.s32 s15, $0xC34F  }
0x1a: {  	s15 =	smov.u32 @p1 s5;
	p1 =	sne.s32 s12, s9  }
.Ltmp1:
0x1b: {  	p0 =	slt.u32 s12, $0x2;
	(pc) =	sbr.rel @!p1 .LBB2_6-.Ltmp1, $4  }
0x1c: {  	s14 =	simm.s32 @!p0 $0x3  }
0x1d: {  	_ =	swait.ge @!p0 [sflag:s14], $0x7D0  }
0x1e: {  	s16 =	sadd.s32 $0x1, s12;
	s13 =	smov.u32 s11;
	[sflag:s14] =	ssyncset.done @!p0 $0x0  }
0x1f: {  	s12 =	smov.u32 s16;
	s11 =	smov.u32 s15;
	[sflag:s14] =	ssyncadd.s32 @!p0 $0xFFFFF830  }
.LBB2_1:
0x20: {  	p0 =	sge.u32 s12, s7  }
0x21: {  	s14 =	sxor.u32 @!p0 $0x1, s12  }
0x22: {  	s14 =	smul.u32 @!p0 $0x1F40, s14  }
0x23: {  	s31 =	sadd.s32 $0xFFFFFFFF, s12;
	s15 =	sshrl.u32 @!p0 s11, $0x3  }
0x24: {  	s16 =	sand.u32 @!p0 $0x7, s11;
	s15 =	sadd.s32 @!p0 s3, s15;
	s14 =	sshra.s32 @!p0 s14, $0x2  }
0x25: {  	[tilespmem:s14], [sflag:$0x2] =	stream.linear.gather @!p0 [hbm4b:s15+s16], $0x7D0, $0x38;
	[tilespmem:$0x1F40] =	vst v63  }
0x26: {  	p0 =	sge.u32 s31, s7  }
.Ltmp2:
0x27: {  	_ = 	snop;
	(pc) =	sbr.rel @p0 .LBB2_5-.Ltmp2, $1  }
0x28: {  	_ =	sdelay $0x3  }
0x29: {  	s14 =	sand.u32 $0x1, s12  }
0x2a: {  	_ =	swait.ge [sflag:s6], $0x7D0;
	p0 =	seq.s32 s14, $0x1;
	s14 =	simm.s32 $0x7D0  }
0x2b: {  	[sflag:s6] =	ssyncset.done $0x0;
	s14 =	simm.s32 @!p0 $0x0  }
0x2c: {  	[sflag:s6] =	ssyncadd.s32 $0xFFFFF830;
	(ifvalue) =	ssetifvalue $0x7FFFFFFF;
	v0 =	vld.msk [tilespmem:s14+$0x0 ss:$0x1], $0xffff;
	_ =	sdelay $0x4  }
0x2d: {  	s15 =	sadd.s32 $0x10, s14;
	vm1 =	vgt.s32 v0, $0x0  }
0x2e: {  	v2 =	vld.msk [tilespmem:s15+$0x0 ss:$0x1], $0xffff;
	v1 =	vnsel vm1, $0x0, v0  }
0x2f: {  	v1 =	vmin.u32 v1, $0x3FFFFF;
	_ =	sdelay $0x2  }
0x30: {  	s17 =	simm.s32 $0x20;
	s14 =	sadd.s32 $0xFA0, s14;
	s16 =	sadd.s32 $0x10, s15  }
0x31: {  	s15 =	sadd.s32 $0x10, s14;
	s18 =	smov.u32 s14;
	v0 =	vld.msk [tilespmem:s16+$0x0 ss:$0x1], $0xffff;
	vm1 =	vgt.s32 v2, $0x0;
	(ifvalue) =	ssetifvalue $0x7FFFFFFF  }
.LBB2_3:
0x32: {  	[tilespmem:s18], [sflag:$0x1] =	stream.indirect_vreg.gather [hbm4b:s2+s10], $0x1, v1, vm0, $0x4038;
	[tilespmem:$0x1F40] =	vst v63  }
0x33: {  	s17 =	sadd.s32 $0x10, s17  }
0x34: {  	v2 =	vnsel vm1, $0x0, v2;
	p0 =	slt.u32 s17, $0x7C0  }
.Ltmp3:
0x35: {  	s18 =	smov.u32 s15;
	v1 =	vmin.u32 v2, $0x3FFFFF;
	(pc) =	sbr.rel @p0 .LBB2_3-.Ltmp3, $3  }
0x36: {  	_ =	sdelay $0x1  }
0x37: {  	s16 =	sadd.s32 $0x10, s16  }
0x38: {  	vm1 =	vgt.s32 v0, $0x0;
	s15 =	sadd.s32 $0x10, s15;
	v2 =	vmov v0;
	(ifvalue) =	ssetifvalue $0x7FFFFFFF;
	v0 =	vld.msk [tilespmem:s16+$0x0 ss:$0x1], $0xffff  }
.Ltmp4:
0x39: {  	_ = 	snop;
	(pc) =	sbr.rel .LBB2_4-.Ltmp4, $1  }
0x3a: {  	_ =	sdelay $0x3  }
.LBB2_6:
0x3b: {  	_ =	sfence.sel $0x180000  }
0x3c: {  	s2 =	simm.s32 $0x2;
	[bflag:$0x0] =	sbarrier.arrive $0xFFFF  }
0x3d: {  	s30 =	simm.s32 $0x3;
	[sflag:s2] =	ssyncpa.u1 $0x1  }
0x3e: {  	s31 =	simm.s32 $0x1;
	[sflag:s30] =	ssyncpa.u1 $0x1  }
0x3f: {  	[sflag:s31] =	ssyncpa.u1 $0x1  }
0x40: {  	p0 =	sne.s32 s1, $0x0;
	_ =	strace $0x90000074  }
0x41: {  	s0 =	sadd.s32 @!p0 $0x100000, s0;
	[bflag:$0x2] =	sbarrier.arrive $0xFFFF  }
0x42: {  	[sflag:s0] =	ssyncadd.tile.s32 @!p0 $0x1;
	_ =	shalt  }
.Lfunc_end2:
_tile_overlayer_lowered:
.L_overlay_start_2:
0x43: {  	(tag) =	ssettag $0x2  }
0x44: {  	s0 =	rddreg [dreg:$0x0];
	s2 =	stileid.u32  }
0x45: {  	s1 =	rddreg [dreg:$0x1];
	p0 =	sne.s32 s2, $0x0  }
0x46: {  	s3 =	rddreg [dreg:$0x2];
	[bflag:$0x3] =	sbarrier.arrive $0xFFFF;
	s2 =	simm.s32 @!p0 $0x1C01  }
0x47: {  	[timem:s3], [sflag:s2] =	dma.local @!p0 [hbm:s0], s1  }
0x48: {  	s0 =	simm.s32 @!p0 $0x1  }
0x49: {  	_ =	swait.ge @!p0 [sflag:s0], s1  }
0x4a: {  	s1 =	ssub.s32 @!p0 $0x0, s1;
	[sflag:s0] =	ssyncset.done @!p0 $0x0  }
0x4b: {  	[sflag:s0] =	ssyncadd.s32 @!p0 s1  }
0x4c: {  	[bflag:$0x3] =	sbarrier.arrive $0xFFFF  }
0x4d: {  	_ =	shalt  }

// kernel: gather_offload_async_start.13
scs
__scs_entry_jumppad:
0x0: {  	(pc) =	sbr.rel $0x88, $3  }
0x1: {  	(tag) =	ssettag $0x0;
	lr =	simm.s32 $0x1  }
0x2: {  	[smem:$0x3F9C] =	sst lr;
	_ =	strace $0xD0000000  }
0x3: {  	_ = 	snop  }
0x4: {  	_ = 	snop  }
0x5: {  	_ = 	snop  }
0x6: {  	_ = 	snop  }
0x7: {  	_ = 	snop  }
__scs_overlays_trampoline_lowered:
0x8: {  	[smem:$0x3FAB] =	sst s0  }
0x9: {  	[smem:$0x3FAC] =	sst s1  }
0xa: {  	[smem:$0x3FAD] =	sst s2  }
0xb: {  	[smem:$0x3FAE] =	sst s3  }
0xc: {  	[smem:$0x3FAF] =	sst s4  }
0xd: {  	[smem:$0x3FB0] =	sst s5  }
0xe: {  	[smem:$0x3FB1] =	sst s6  }
0xf: {  	[smem:$0x3FB2] =	sst s7  }
0x10: {  	[smem:$0x3FB3] =	sst s8  }
0x11: {  	[smem:$0x3FB4] =	sst s9;
	s0 =	simm.s32 @!p0 $0x0  }
0x12: {  	s1 =	sld [smem:$0x3F9A];
	s0 =	simm.s32 @p0 $0x1  }
0x13: {  	[smem:$0x3FB5] =	sst s0;
	s0 =	simm.s32 @!p1 $0x0  }
0x14: {  	s2 =	sld [smem:$0x3F99];
	s0 =	simm.s32 @p1 $0x1  }
0x15: {  	[smem:$0x3FB6] =	sst s0;
	s0 =	simm.s32 @!p2 $0x0  }
0x16: {  	s3 =	sld [smem:$0x3FDB];
	s0 =	simm.s32 @p2 $0x1  }
0x17: {  	s4 =	simm.s32 $0x1BF5;
	[smem:$0x3FB8] =	sst s0  }
0x18: {  	s0 =	sld [smem:$0x3F9B];
	_ =	swait.ge [sflag:s4], $0x0  }
0x19: {  	s7 =	sld [smem:$0x3F9C]  }
0x1a: {  	s8 =	sadd.s32 $0xFFFFE003, lr  }
0x1b: {  	s9 =	sadd.s32 $0xFFFFFEF7, lr;
	s5 =	simm.s32 $0xFFFFFFFF;
	p2 =	slt.u32 s8, $0xFFFFF086  }
0x1c: {  	p1 =	slt.u32 s9, $0xF7A;
	s5 =	simm.s32 @!p2 $0x0  }
0x1d: {  	s5 =	simm.s32 @p1 $0x1;
	p0 =	seq.s32 s7, s2  }
0x1e: {  	s7 =	smul.u32 @!p0 $0xF7A, s2;
	p2 =	seq.s32 @!p0 s5, $0x0  }
0x1f: {  	s9 =	smul.u32 $0xF7A, s1;
	s8 =	simm.s32 @!p0 $0x1BF5;
	p2 =	por !p2, p0  }
0x20: {  	[sflag:s8] =	ssyncset.s32 @!p0 $0xFFFFF086;
	s6 =	sadd.s32 @!p0 s3, s7;
	s7 =	simm.s32 @!p0 $0x108  }
0x21: {  	s3 =	sadd.s32 s3, s9;
	s6 =	sadd.s32 @!p0 $0x88, s6;
	s7 =	simm.s32 @p2 $0x1082  }
0x22: {  	[simem:s7], [sflag:s8] =	dma.local @!p0 [hbm:s6], $0xF7A  }
0x23: {  	s9 =	sor.u32 $0xD0000000, s2;
	s6 =	simm.s32 $0x108;
	_ =	swait.ge @!p0 [sflag:s8], $0x0  }
0x24: {  	s3 =	sadd.s32 $0x88, s3;
	s6 =	simm.s32 @!p1 $0x1082;
	[sflag:s4] =	ssyncset.s32 $0xFFFFF086  }
0x25: {  	[simem:s6], [sflag:s4] =	dma.local [hbm:s3], $0xF7A  }
0x26: {  	[smem:$0x3F9C] =	sst s1;
	(tag) =	ssettag s2;
	_ =	strace s9  }
0x27: {  	s1 =	sld [smem:$0x3FAC]  }
0x28: {  	s2 =	sld [smem:$0x3FAD]  }
0x29: {  	s4 =	sld [smem:$0x3FAF]  }
0x2a: {  	p0 =	seq.s32 s5, $0x0;
	s5 =	sld [smem:$0x3FB0]  }
0x2b: {  	s6 =	sld [smem:$0x3FB1]  }
0x2c: {  	s7 =	sld [smem:$0x3FB2]  }
0x2d: {  	s3 =	simm.s32 $0x108;
	s8 =	sld [smem:$0x3FB3]  }
0x2e: {  	s3 =	simm.s32 @!p0 $0x1082;
	s9 =	sld [smem:$0x3FB4]  }
0x2f: {  	lr =	sadd.s32 s0, s3;
	s0 =	sld [smem:$0x3FAB]  }
0x30: {  	s3 =	sld [smem:$0x3FAE]  }
0x31: {  	[smem:$0x3FB7] =	sst s10  }
0x32: {  	s10 =	sld [smem:$0x3FB5];
	_ =	sdelay $0x3  }
0x33: {  	p0 =	seq.s32 s10, $0x1;
	s10 =	sld [smem:$0x3FB7];
	_ =	sdelay $0x3  }
0x34: {  	[smem:$0x3FB7] =	sst s10  }
0x35: {  	s10 =	sld [smem:$0x3FB6];
	_ =	sdelay $0x3  }
0x36: {  	p1 =	seq.s32 s10, $0x1;
	s10 =	sld [smem:$0x3FB7];
	_ =	sdelay $0x3  }
0x37: {  	[smem:$0x3FB7] =	sst s10  }
0x38: {  	s10 =	sld [smem:$0x3FB8]  }
0x39: {  	_ = 	snop;
	(pc) =	sbr.ind lr, $3  }
0x3a: {  	_ = 	snop  }
0x3b: {  	_ = 	snop  }
0x3c: {  	p2 =	seq.s32 s10, $0x1;
	s10 =	sld [smem:$0x3FB7]  }
0x3d: {  	_ =	shalt  }
0x3e: {  	_ =	shalt  }
0x3f: {  	_ =	shalt  }
0x40: {  	_ =	shalt  }
0x41: {  	_ =	shalt  }
0x42: {  	_ =	shalt  }
0x43: {  	_ =	shalt  }
0x44: {  	_ =	shalt  }
0x45: {  	_ =	shalt  }
0x46: {  	_ =	shalt  }
0x47: {  	_ =	shalt  }
0x48: {  	_ =	shalt  }
0x49: {  	_ =	shalt  }
0x4a: {  	_ =	shalt  }
0x4b: {  	_ =	shalt  }
0x4c: {  	_ =	shalt  }
0x4d: {  	_ =	shalt  }
0x4e: {  	_ =	shalt  }
0x4f: {  	_ =	shalt  }
0x50: {  	_ =	shalt  }
0x51: {  	_ =	shalt  }
0x52: {  	_ =	shalt  }
0x53: {  	_ =	shalt  }
0x54: {  	_ =	shalt  }
0x55: {  	_ =	shalt  }
0x56: {  	_ =	shalt  }
0x57: {  	_ =	shalt  }
0x58: {  	_ =	shalt  }
0x59: {  	_ =	shalt  }
0x5a: {  	_ =	shalt  }
0x5b: {  	_ =	shalt  }
0x5c: {  	_ =	shalt  }
0x5d: {  	_ =	shalt  }
0x5e: {  	_ =	shalt  }
0x5f: {  	_ =	shalt  }
0x60: {  	_ =	shalt  }
0x61: {  	_ =	shalt  }
0x62: {  	_ =	shalt  }
0x63: {  	_ =	shalt  }
0x64: {  	_ =	shalt  }
0x65: {  	_ =	shalt  }
0x66: {  	_ =	shalt  }
0x67: {  	_ =	shalt  }
0x68: {  	_ =	shalt  }
0x69: {  	_ =	shalt  }
0x6a: {  	_ =	shalt  }
0x6b: {  	_ =	shalt  }
0x6c: {  	_ =	shalt  }
0x6d: {  	_ =	shalt  }
0x6e: {  	_ =	shalt  }
0x6f: {  	_ =	shalt  }
0x70: {  	_ =	shalt  }
0x71: {  	_ =	shalt  }
0x72: {  	_ =	shalt  }
0x73: {  	_ =	shalt  }
0x74: {  	_ =	shalt  }
0x75: {  	_ =	shalt  }
0x76: {  	_ =	shalt  }
0x77: {  	_ =	shalt  }
0x78: {  	_ =	shalt  }
0x79: {  	_ =	shalt  }
0x7a: {  	_ =	shalt  }
0x7b: {  	_ =	shalt  }
0x7c: {  	_ =	shalt  }
0x7d: {  	_ =	shalt  }
0x7e: {  	_ =	shalt  }
0x7f: {  	_ =	shalt  }
0x80: {  	_ =	shalt  }
0x81: {  	_ =	shalt  }
0x82: {  	_ =	shalt  }
0x83: {  	_ =	shalt  }
0x84: {  	_ =	shalt  }
0x85: {  	_ =	shalt  }
0x86: {  	_ =	shalt  }
0x87: {  	_ =	shalt  }
.Lfunc_end0:
.L_simem_size_0:
called_computation.13_lowered:
.L_overlay_start_0:
0x88: {  	s0 =	sld [smem:$0x3FD9]  }
0x89: {  	s1 =	sld [smem:$0x3FFE];
	_ =	sdelay $0x3  }
0x8a: {  	s0 =	sadd.s32 s1, s0  }
0x8b: {  	[smem:$0x3FC3] =	sst s0  }
0x8c: {  	_ = 	snop  }
0x8d: {  	(tm) =	ssettm $0x1  }
0x8e: {  	s15 =	sld [smem:$0x3FFB];
	_ =	sdelay $0x3  }
0x8f: {  	_ =	strace s15  }
0x90: {  	s0 =	sld [smem:$0x3FFC];
	_ =	sdelay $0x3  }
0x91: {  	_ =	strace s0  }
0x92: {  	s0 =	sld [smem:$0x3FFD];
	_ =	sdelay $0x3  }
0x93: {  	_ =	strace s0  }
0x94: {  	_ =	strace $0x8FFFFFFF  }
0x95: {  	s16 =	sld [smem:$0x3FDB];
	_ =	sdelay $0x1  }
0x96: {  	s17 =	simm.s32 $_scs_section_size  }
0x97: {  	s2 =	simm.s32 $_size__tile_overlayer_lowered;
	s3 =	simm.s32 $_tile_overlayer_lowered  }
0x98: {  	s20 =	simm.s32 $0x1BFF;
	s19 =	sshll.u32 s3, $0x1;
	s0 =	sadd.s32 s17, s16  }
0x99: {  	s4 =	simm.s32 $0x0;
	s18 =	sshll.u32 s2, $0x1;
	s2 =	sadd.s32 s19, s0  }
0x9a: {  	[timem:s4], [sflag:s20] =	dma.local [hbm:s2], s18  }
0x9b: {  	_ =	swait.ge [sflag:s20], s18  }
0x9c: {  	s1 =	ssub.s32 $0x0, s18;
	[sflag:s20] =	ssyncset.done $0x0  }
0x9d: {  	[sflag:s20] =	ssyncadd.s32 s1;
	_ =	sdelay $0x1  }
0x9e: {  	s21 =	simm.s32 $0x1B8B  }
0x9f: {  	_ =	swait.ge [sflag:s21], $0x1  }
0xa0: {  	[sflag:s21] =	ssyncset.done $0x0  }
0xa1: {  	s23 =	simm.s32 $0x1B8E;
	s22 =	sld [smem:$0x3FFE];
	[sflag:s21] =	ssyncadd.s32 $0xFFFFFFFF  }
0xa2: {  	s24 =	simm.s32 $execute0_lowered;
	[smem:$0x3FD2] =	sst s23  }
0xa3: {  	s2 =	sshll.u32 s24, $0x1;
	_ =	strace $0x80000076;
	[dreg:$0x1] =	wrdreg $0xFFFFFFFF  }
0xa4: {  	s25 =	simm.s32 $_size_execute0_lowered;
	s0 =	sadd.s32 s0, s2;
	[dreg:$0x0] =	wrdreg $0x0  }
0xa5: {  	s2 =	sshll.u32 s25, $0x1;
	[dreg:$0x2] =	wrdreg s0  }
0xa6: {  	[dreg:$0x3] =	wrdreg s2  }
0xa7: {  	[dreg:$0x4] =	wrdreg $0xC0  }
0xa8: {  	_ =	task [dreg:s4], $0x5FFFF  }
0xa9: {  	[dreg:$0x1] =	wrdreg $0xFFFFFFFF  }
0xaa: {  	[dreg:$0x0] =	wrdreg $0x60  }
0xab: {  	[dreg:$0x2] =	wrdreg s22  }
0xac: {  	[dreg:$0x3] =	wrdreg $0x9  }
0xad: {  	_ =	task.clear_ibuf [dreg:s4], $0x4FFFF;
	_ =	strace $0x90000076  }
0xae: {  	s26 =	simm.s32 $0x9;
	_ =	strace $0x80000078  }
0xaf: {  	_ =	swait.ge [sflag:s26], $0x1  }
0xb0: {  	[sflag:s26] =	ssyncadd.s32 $0xFFFFFFFF  }
0xb1: {  	_ =	strace $0x90000078  }
0xb2: {  	_ =	sfence  }
0xb3: {  	s28 =	sld [smem:$0x0];
	_ =	sdelay $0x1  }
0xb4: {  	s29 =	srdreg.scid  }
0xb5: {  	s30 =	sshll.u32 s29, $0xD;
	s31 =	sshrl.u32 s29, $0x2  }
0xb6: {  	s1 =	sand.u32 $0x1, s29;
	s2 =	sand.u32 $0x4000, s30;
	s0 =	sadd.s32 s31, s28  }
0xb7: {  	s1 =	sor.u32 s2, s1;
	s0 =	sshll.u32 s0, $0x11  }
0xb8: {  	s0 =	sor.u32 s0, s1  }
0xb9: {  	s0 =	sadd.s32 $0x8F2B, s0  }
0xba: {  	[sflag:s0] =	ssyncadd.remote.s32 $0x1  }
0xbb: {  	_ =	sfence.sel $0xFFFF  }
0xbc: {  	[dreg:$0x0] =	wrdreg $0xFFFFFFFF;
	(pc) =	sbr.abs _section_cstart, $3  }
0xbd: {  	[dreg:$0x1] =	wrdreg $0xFFFFFFFF  }
0xbe: {  	_ =	task.clear_ibuf [dreg:s4], $0x2FFFF;
	_ =	strace $0x9FFFFFFF  }
0xbf: {  	(tm) =	ssettm $0x7FFFFFFF  }
tec
execute0_lowered:
.L_overlay_start_1:
0x0: {  	(tag) =	ssettag $0x1  }
0x1: {  	s8 =	rddreg [dreg:$0x0]  }
0x2: {  	s0 =	rddreg [dreg:$0x1];
	_ =	strace $0x80000077  }
0x3: {  	s4 =	simm.s32 $0x1;
	s1 =	stileid.u32;
	s7 =	simm.s32 $0x1  }
0x4: {  	s9 =	simm.s32 $0x1;
	s6 =	simm.s32 $0x2;
	s10 =	simm.s32 $0x3  }
0x5: {  	s13 =	simm.s32 $0x0;
	s12 =	simm.s32 $0x0;
	s2 =	sadd.s32 $0x9EC00, s8  }
.Ltmp0:
0x6: {  	s3 =	sadd.s32 $0x98400, s8;
	p0 =	slt.u32 s1, $0xA;
	(pc) =	sbr.rel .LBB2_1-.Ltmp0, $4  }
0x7: {  	[sflag:s4] =	ssyncpa.u1 $0x0;
	s7 =	simm.s32 @!p0 $0x0;
	p0 =	sne.s32 s1, $0x9  }
0x8: {  	s5 =	smul.u32 $0x7D0, s1;
	[sflag:s6] =	ssyncpa.u1 $0x0;
	s9 =	simm.s32 @!p0 $0x0  }
0x9: {  	s8 =	sadd.s32 $0x8E800, s8;
	[sflag:s10] =	ssyncpa.u1 $0x0;
	s7 =	sadd.s32 s9, s7  }
0xa: {  	vm0 =	vmmov $0xffff;
	s10 =	simm.s32 $0x0;
	s11 =	smov.u32 s5;
	s9 =	sadd.s32 $0x1, s7  }
.LBB2_4:
0xb: {  	v2 =	vnsel vm1, $0x0, v2  }
0xc: {  	vm1 =	vgt.s32 v0, $0x0;
	v2 =	vmin.u32 v2, $0x3FFFFF  }
0xd: {  	v0 =	vnsel vm1, $0x0, v0  }
0xe: {  	v0 =	vmin.u32 v0, $0x3FFFFF  }
0xf: {  	[tilespmem:s18], [sflag:$0x1] =	stream.indirect_vreg.gather [hbm4b:s2+s10], $0x1, v1, vm0, $0x4038;
	[tilespmem:$0x1F40] =	vst v63  }
0x10: {  	(ifvalue) =	ssetifvalue $0x7FFFFFFF  }
0x11: {  	[tilespmem:s15], [sflag:$0x1] =	stream.indirect_vreg.gather [hbm4b:s2+s10], $0x1, v2, vm0, $0x4038;
	[tilespmem:$0x1F40] =	vst v63  }
0x12: {  	s29 =	sadd.s32 $0x10, s15;
	(ifvalue) =	ssetifvalue $0x7FFFFFFF  }
0x13: {  	[tilespmem:s29], [sflag:$0x1] =	stream.indirect_vreg.gather [hbm4b:s2+s10], $0x1, v0, vm0, $0x4038;
	[tilespmem:$0x1F40] =	vst v63  }
0x14: {  	_ =	swait.ge [sflag:s4], $0x7D0  }
0x15: {  	s30 =	sshrl.u32 s13, $0x3;
	[sflag:s4] =	ssyncset.done $0x0  }
0x16: {  	s31 =	sand.u32 $0x7, s13;
	s15 =	sadd.s32 s8, s30;
	[sflag:s4] =	ssyncadd.s32 $0xFFFFF830  }
0x17: {  	[hbm4b:s15+s31] =	stream.linear.scatter [tilespmem:s14], [sflag:$0x3], $0x7D0, $0x38;
	[tilespmem:$0x1F40] =	vst v63  }
.LBB2_5:
0x18: {  	s15 =	sadd.s32 $0x7D00, s11  }
0x19: {  	p1 =	sgt.s32 s15, $0xC34F  }
0x1a: {  	s15 =	smov.u32 @p1 s5;
	p1 =	sne.s32 s12, s9  }
.Ltmp1:
0x1b: {  	p0 =	slt.u32 s12, $0x2;
	(pc) =	sbr.rel @!p1 .LBB2_6-.Ltmp1, $4  }
0x1c: {  	s14 =	simm.s32 @!p0 $0x3  }
0x1d: {  	_ =	swait.ge @!p0 [sflag:s14], $0x7D0  }
0x1e: {  	s16 =	sadd.s32 $0x1, s12;
	s13 =	smov.u32 s11;
	[sflag:s14] =	ssyncset.done @!p0 $0x0  }
0x1f: {  	s12 =	smov.u32 s16;
	s11 =	smov.u32 s15;
	[sflag:s14] =	ssyncadd.s32 @!p0 $0xFFFFF830  }
.LBB2_1:
0x20: {  	p0 =	sge.u32 s12, s7  }
0x21: {  	s14 =	sxor.u32 @!p0 $0x1, s12  }
0x22: {  	s14 =	smul.u32 @!p0 $0x1F40, s14  }
0x23: {  	s31 =	sadd.s32 $0xFFFFFFFF, s12;
	s15 =	sshrl.u32 @!p0 s11, $0x3  }
0x24: {  	s16 =	sand.u32 @!p0 $0x7, s11;
	s15 =	sadd.s32 @!p0 s3, s15;
	s14 =	sshra.s32 @!p0 s14, $0x2  }
0x25: {  	[tilespmem:s14], [sflag:$0x2] =	stream.linear.gather @!p0 [hbm4b:s15+s16], $0x7D0, $0x38;
	[tilespmem:$0x1F40] =	vst v63  }
0x26: {  	p0 =	sge.u32 s31, s7  }
.Ltmp2:
0x27: {  	_ = 	snop;
	(pc) =	sbr.rel @p0 .LBB2_5-.Ltmp2, $1  }
0x28: {  	_ =	sdelay $0x3  }
0x29: {  	s14 =	sand.u32 $0x1, s12  }
0x2a: {  	_ =	swait.ge [sflag:s6], $0x7D0;
	p0 =	seq.s32 s14, $0x1;
	s14 =	simm.s32 $0x7D0  }
0x2b: {  	[sflag:s6] =	ssyncset.done $0x0;
	s14 =	simm.s32 @!p0 $0x0  }
0x2c: {  	[sflag:s6] =	ssyncadd.s32 $0xFFFFF830;
	(ifvalue) =	ssetifvalue $0x7FFFFFFF;
	v0 =	vld.msk [tilespmem:s14+$0x0 ss:$0x1], $0xffff;
	_ =	sdelay $0x4  }
0x2d: {  	s15 =	sadd.s32 $0x10, s14;
	vm1 =	vgt.s32 v0, $0x0  }
0x2e: {  	v2 =	vld.msk [tilespmem:s15+$0x0 ss:$0x1], $0xffff;
	v1 =	vnsel vm1, $0x0, v0  }
0x2f: {  	v1 =	vmin.u32 v1, $0x3FFFFF;
	_ =	sdelay $0x2  }
0x30: {  	s17 =	simm.s32 $0x20;
	s14 =	sadd.s32 $0xFA0, s14;
	s16 =	sadd.s32 $0x10, s15  }
0x31: {  	s15 =	sadd.s32 $0x10, s14;
	s18 =	smov.u32 s14;
	v0 =	vld.msk [tilespmem:s16+$0x0 ss:$0x1], $0xffff;
	vm1 =	vgt.s32 v2, $0x0;
	(ifvalue) =	ssetifvalue $0x7FFFFFFF  }
.LBB2_3:
0x32: {  	[tilespmem:s18], [sflag:$0x1] =	stream.indirect_vreg.gather [hbm4b:s2+s10], $0x1, v1, vm0, $0x4038;
	[tilespmem:$0x1F40] =	vst v63  }
0x33: {  	s17 =	sadd.s32 $0x10, s17  }
0x34: {  	v2 =	vnsel vm1, $0x0, v2;
	p0 =	slt.u32 s17, $0x7C0  }
.Ltmp3:
0x35: {  	s18 =	smov.u32 s15;
	v1 =	vmin.u32 v2, $0x3FFFFF;
	(pc) =	sbr.rel @p0 .LBB2_3-.Ltmp3, $3  }
0x36: {  	_ =	sdelay $0x1  }
0x37: {  	s16 =	sadd.s32 $0x10, s16  }
0x38: {  	vm1 =	vgt.s32 v0, $0x0;
	s15 =	sadd.s32 $0x10, s15;
	v2 =	vmov v0;
	(ifvalue) =	ssetifvalue $0x7FFFFFFF;
	v0 =	vld.msk [tilespmem:s16+$0x0 ss:$0x1], $0xffff  }
.Ltmp4:
0x39: {  	_ = 	snop;
	(pc) =	sbr.rel .LBB2_4-.Ltmp4, $1  }
0x3a: {  	_ =	sdelay $0x3  }
.LBB2_6:
0x3b: {  	_ =	sfence.sel $0x180000  }
0x3c: {  	s2 =	simm.s32 $0x2;
	[bflag:$0x0] =	sbarrier.arrive $0xFFFF  }
0x3d: {  	s30 =	simm.s32 $0x3;
	[sflag:s2] =	ssyncpa.u1 $0x1  }
0x3e: {  	s31 =	simm.s32 $0x1;
	[sflag:s30] =	ssyncpa.u1 $0x1  }
0x3f: {  	[sflag:s31] =	ssyncpa.u1 $0x1  }
0x40: {  	p0 =	sne.s32 s1, $0x0;
	_ =	strace $0x90000077  }
0x41: {  	s0 =	sadd.s32 @!p0 $0x100000, s0;
	[bflag:$0x2] =	sbarrier.arrive $0xFFFF  }
0x42: {  	[sflag:s0] =	ssyncadd.tile.s32 @!p0 $0x1;
	_ =	shalt  }
.Lfunc_end2:
_tile_overlayer_lowered:
.L_overlay_start_2:
0x43: {  	(tag) =	ssettag $0x2  }
0x44: {  	s0 =	rddreg [dreg:$0x0];
	s2 =	stileid.u32  }
0x45: {  	s1 =	rddreg [dreg:$0x1];
	p0 =	sne.s32 s2, $0x0  }
0x46: {  	s3 =	rddreg [dreg:$0x2];
	[bflag:$0x3] =	sbarrier.arrive $0xFFFF;
	s2 =	simm.s32 @!p0 $0x1C01  }
0x47: {  	[timem:s3], [sflag:s2] =	dma.local @!p0 [hbm:s0], s1  }
0x48: {  	s0 =	simm.s32 @!p0 $0x1  }
0x49: {  	_ =	swait.ge @!p0 [sflag:s0], s1  }
0x4a: {  	s1 =	ssub.s32 @!p0 $0x0, s1;
	[sflag:s0] =	ssyncset.done @!p0 $0x0  }
0x4b: {  	[sflag:s0] =	ssyncadd.s32 @!p0 s1  }
0x4c: {  	[bflag:$0x3] =	sbarrier.arrive $0xFFFF  }
0x4d: {  	_ =	shalt  }

// kernel: gather_offload_async_start.14
scs
__scs_entry_jumppad:
0x0: {  	(pc) =	sbr.rel $0x88, $3  }
0x1: {  	(tag) =	ssettag $0x0;
	lr =	simm.s32 $0x1  }
0x2: {  	[smem:$0x3F9C] =	sst lr;
	_ =	strace $0xD0000000  }
0x3: {  	_ = 	snop  }
0x4: {  	_ = 	snop  }
0x5: {  	_ = 	snop  }
0x6: {  	_ = 	snop  }
0x7: {  	_ = 	snop  }
__scs_overlays_trampoline_lowered:
0x8: {  	[smem:$0x3FAB] =	sst s0  }
0x9: {  	[smem:$0x3FAC] =	sst s1  }
0xa: {  	[smem:$0x3FAD] =	sst s2  }
0xb: {  	[smem:$0x3FAE] =	sst s3  }
0xc: {  	[smem:$0x3FAF] =	sst s4  }
0xd: {  	[smem:$0x3FB0] =	sst s5  }
0xe: {  	[smem:$0x3FB1] =	sst s6  }
0xf: {  	[smem:$0x3FB2] =	sst s7  }
0x10: {  	[smem:$0x3FB3] =	sst s8  }
0x11: {  	[smem:$0x3FB4] =	sst s9;
	s0 =	simm.s32 @!p0 $0x0  }
0x12: {  	s1 =	sld [smem:$0x3F9A];
	s0 =	simm.s32 @p0 $0x1  }
0x13: {  	[smem:$0x3FB5] =	sst s0;
	s0 =	simm.s32 @!p1 $0x0  }
0x14: {  	s2 =	sld [smem:$0x3F99];
	s0 =	simm.s32 @p1 $0x1  }
0x15: {  	[smem:$0x3FB6] =	sst s0;
	s0 =	simm.s32 @!p2 $0x0  }
0x16: {  	s3 =	sld [smem:$0x3FDB];
	s0 =	simm.s32 @p2 $0x1  }
0x17: {  	s4 =	simm.s32 $0x1BF5;
	[smem:$0x3FB8] =	sst s0  }
0x18: {  	s0 =	sld [smem:$0x3F9B];
	_ =	swait.ge [sflag:s4], $0x0  }
0x19: {  	s7 =	sld [smem:$0x3F9C]  }
0x1a: {  	s8 =	sadd.s32 $0xFFFFE003, lr  }
0x1b: {  	s9 =	sadd.s32 $0xFFFFFEF7, lr;
	s5 =	simm.s32 $0xFFFFFFFF;
	p2 =	slt.u32 s8, $0xFFFFF086  }
0x1c: {  	p1 =	slt.u32 s9, $0xF7A;
	s5 =	simm.s32 @!p2 $0x0  }
0x1d: {  	s5 =	simm.s32 @p1 $0x1;
	p0 =	seq.s32 s7, s2  }
0x1e: {  	s7 =	smul.u32 @!p0 $0xF7A, s2;
	p2 =	seq.s32 @!p0 s5, $0x0  }
0x1f: {  	s9 =	smul.u32 $0xF7A, s1;
	s8 =	simm.s32 @!p0 $0x1BF5;
	p2 =	por !p2, p0  }
0x20: {  	[sflag:s8] =	ssyncset.s32 @!p0 $0xFFFFF086;
	s6 =	sadd.s32 @!p0 s3, s7;
	s7 =	simm.s32 @!p0 $0x108  }
0x21: {  	s3 =	sadd.s32 s3, s9;
	s6 =	sadd.s32 @!p0 $0x88, s6;
	s7 =	simm.s32 @p2 $0x1082  }
0x22: {  	[simem:s7], [sflag:s8] =	dma.local @!p0 [hbm:s6], $0xF7A  }
0x23: {  	s9 =	sor.u32 $0xD0000000, s2;
	s6 =	simm.s32 $0x108;
	_ =	swait.ge @!p0 [sflag:s8], $0x0  }
0x24: {  	s3 =	sadd.s32 $0x88, s3;
	s6 =	simm.s32 @!p1 $0x1082;
	[sflag:s4] =	ssyncset.s32 $0xFFFFF086  }
0x25: {  	[simem:s6], [sflag:s4] =	dma.local [hbm:s3], $0xF7A  }
0x26: {  	[smem:$0x3F9C] =	sst s1;
	(tag) =	ssettag s2;
	_ =	strace s9  }
0x27: {  	s1 =	sld [smem:$0x3FAC]  }
0x28: {  	s2 =	sld [smem:$0x3FAD]  }
0x29: {  	s4 =	sld [smem:$0x3FAF]  }
0x2a: {  	p0 =	seq.s32 s5, $0x0;
	s5 =	sld [smem:$0x3FB0]  }
0x2b: {  	s6 =	sld [smem:$0x3FB1]  }
0x2c: {  	s7 =	sld [smem:$0x3FB2]  }
0x2d: {  	s3 =	simm.s32 $0x108;
	s8 =	sld [smem:$0x3FB3]  }
0x2e: {  	s3 =	simm.s32 @!p0 $0x1082;
	s9 =	sld [smem:$0x3FB4]  }
0x2f: {  	lr =	sadd.s32 s0, s3;
	s0 =	sld [smem:$0x3FAB]  }
0x30: {  	s3 =	sld [smem:$0x3FAE]  }
0x31: {  	[smem:$0x3FB7] =	sst s10  }
0x32: {  	s10 =	sld [smem:$0x3FB5];
	_ =	sdelay $0x3  }
0x33: {  	p0 =	seq.s32 s10, $0x1;
	s10 =	sld [smem:$0x3FB7];
	_ =	sdelay $0x3  }
0x34: {  	[smem:$0x3FB7] =	sst s10  }
0x35: {  	s10 =	sld [smem:$0x3FB6];
	_ =	sdelay $0x3  }
0x36: {  	p1 =	seq.s32 s10, $0x1;
	s10 =	sld [smem:$0x3FB7];
	_ =	sdelay $0x3  }
0x37: {  	[smem:$0x3FB7] =	sst s10  }
0x38: {  	s10 =	sld [smem:$0x3FB8]  }
0x39: {  	_ = 	snop;
	(pc) =	sbr.ind lr, $3  }
0x3a: {  	_ = 	snop  }
0x3b: {  	_ = 	snop  }
0x3c: {  	p2 =	seq.s32 s10, $0x1;
	s10 =	sld [smem:$0x3FB7]  }
0x3d: {  	_ =	shalt  }
0x3e: {  	_ =	shalt  }
0x3f: {  	_ =	shalt  }
0x40: {  	_ =	shalt  }
0x41: {  	_ =	shalt  }
0x42: {  	_ =	shalt  }
0x43: {  	_ =	shalt  }
0x44: {  	_ =	shalt  }
0x45: {  	_ =	shalt  }
0x46: {  	_ =	shalt  }
0x47: {  	_ =	shalt  }
0x48: {  	_ =	shalt  }
0x49: {  	_ =	shalt  }
0x4a: {  	_ =	shalt  }
0x4b: {  	_ =	shalt  }
0x4c: {  	_ =	shalt  }
0x4d: {  	_ =	shalt  }
0x4e: {  	_ =	shalt  }
0x4f: {  	_ =	shalt  }
0x50: {  	_ =	shalt  }
0x51: {  	_ =	shalt  }
0x52: {  	_ =	shalt  }
0x53: {  	_ =	shalt  }
0x54: {  	_ =	shalt  }
0x55: {  	_ =	shalt  }
0x56: {  	_ =	shalt  }
0x57: {  	_ =	shalt  }
0x58: {  	_ =	shalt  }
0x59: {  	_ =	shalt  }
0x5a: {  	_ =	shalt  }
0x5b: {  	_ =	shalt  }
0x5c: {  	_ =	shalt  }
0x5d: {  	_ =	shalt  }
0x5e: {  	_ =	shalt  }
0x5f: {  	_ =	shalt  }
0x60: {  	_ =	shalt  }
0x61: {  	_ =	shalt  }
0x62: {  	_ =	shalt  }
0x63: {  	_ =	shalt  }
0x64: {  	_ =	shalt  }
0x65: {  	_ =	shalt  }
0x66: {  	_ =	shalt  }
0x67: {  	_ =	shalt  }
0x68: {  	_ =	shalt  }
0x69: {  	_ =	shalt  }
0x6a: {  	_ =	shalt  }
0x6b: {  	_ =	shalt  }
0x6c: {  	_ =	shalt  }
0x6d: {  	_ =	shalt  }
0x6e: {  	_ =	shalt  }
0x6f: {  	_ =	shalt  }
0x70: {  	_ =	shalt  }
0x71: {  	_ =	shalt  }
0x72: {  	_ =	shalt  }
0x73: {  	_ =	shalt  }
0x74: {  	_ =	shalt  }
0x75: {  	_ =	shalt  }
0x76: {  	_ =	shalt  }
0x77: {  	_ =	shalt  }
0x78: {  	_ =	shalt  }
0x79: {  	_ =	shalt  }
0x7a: {  	_ =	shalt  }
0x7b: {  	_ =	shalt  }
0x7c: {  	_ =	shalt  }
0x7d: {  	_ =	shalt  }
0x7e: {  	_ =	shalt  }
0x7f: {  	_ =	shalt  }
0x80: {  	_ =	shalt  }
0x81: {  	_ =	shalt  }
0x82: {  	_ =	shalt  }
0x83: {  	_ =	shalt  }
0x84: {  	_ =	shalt  }
0x85: {  	_ =	shalt  }
0x86: {  	_ =	shalt  }
0x87: {  	_ =	shalt  }
.Lfunc_end0:
.L_simem_size_0:
called_computation.14_lowered:
.L_overlay_start_0:
0x88: {  	s0 =	sld [smem:$0x3FD9]  }
0x89: {  	s1 =	sld [smem:$0x3FFE];
	_ =	sdelay $0x3  }
0x8a: {  	s0 =	sadd.s32 s1, s0  }
0x8b: {  	[smem:$0x3FC3] =	sst s0  }
0x8c: {  	_ = 	snop  }
0x8d: {  	(tm) =	ssettm $0x1  }
0x8e: {  	s15 =	sld [smem:$0x3FFB];
	_ =	sdelay $0x3  }
0x8f: {  	_ =	strace s15  }
0x90: {  	s0 =	sld [smem:$0x3FFC];
	_ =	sdelay $0x3  }
0x91: {  	_ =	strace s0  }
0x92: {  	s0 =	sld [smem:$0x3FFD];
	_ =	sdelay $0x3  }
0x93: {  	_ =	strace s0  }
0x94: {  	_ =	strace $0x8FFFFFFF  }
0x95: {  	s16 =	sld [smem:$0x3FDB];
	_ =	sdelay $0x1  }
0x96: {  	s17 =	simm.s32 $_scs_section_size  }
0x97: {  	s2 =	simm.s32 $_size__tile_overlayer_lowered;
	s3 =	simm.s32 $_tile_overlayer_lowered  }
0x98: {  	s20 =	simm.s32 $0x1BFF;
	s19 =	sshll.u32 s3, $0x1;
	s0 =	sadd.s32 s17, s16  }
0x99: {  	s4 =	simm.s32 $0x0;
	s18 =	sshll.u32 s2, $0x1;
	s2 =	sadd.s32 s19, s0  }
0x9a: {  	[timem:s4], [sflag:s20] =	dma.local [hbm:s2], s18  }
0x9b: {  	_ =	swait.ge [sflag:s20], s18  }
0x9c: {  	s1 =	ssub.s32 $0x0, s18;
	[sflag:s20] =	ssyncset.done $0x0  }
0x9d: {  	[sflag:s20] =	ssyncadd.s32 s1;
	_ =	sdelay $0x1  }
0x9e: {  	s21 =	simm.s32 $0x1B8B  }
0x9f: {  	_ =	swait.ge [sflag:s21], $0x1  }
0xa0: {  	[sflag:s21] =	ssyncset.done $0x0  }
0xa1: {  	s23 =	simm.s32 $0x1B8E;
	s22 =	sld [smem:$0x3FFE];
	[sflag:s21] =	ssyncadd.s32 $0xFFFFFFFF  }
0xa2: {  	s24 =	simm.s32 $execute0_lowered;
	[smem:$0x3FD2] =	sst s23  }
0xa3: {  	s2 =	sshll.u32 s24, $0x1;
	_ =	strace $0x80000079;
	[dreg:$0x1] =	wrdreg $0xFFFFFFFF  }
0xa4: {  	s25 =	simm.s32 $_size_execute0_lowered;
	s0 =	sadd.s32 s0, s2;
	[dreg:$0x0] =	wrdreg $0x0  }
0xa5: {  	s2 =	sshll.u32 s25, $0x1;
	[dreg:$0x2] =	wrdreg s0  }
0xa6: {  	[dreg:$0x3] =	wrdreg s2  }
0xa7: {  	[dreg:$0x4] =	wrdreg $0xC0  }
0xa8: {  	_ =	task [dreg:s4], $0x5FFFF  }
0xa9: {  	[dreg:$0x1] =	wrdreg $0xFFFFFFFF  }
0xaa: {  	[dreg:$0x0] =	wrdreg $0x60  }
0xab: {  	[dreg:$0x2] =	wrdreg s22  }
0xac: {  	[dreg:$0x3] =	wrdreg $0x9  }
0xad: {  	_ =	task.clear_ibuf [dreg:s4], $0x4FFFF;
	_ =	strace $0x90000079  }
0xae: {  	s26 =	simm.s32 $0x9;
	_ =	strace $0x8000007B  }
0xaf: {  	_ =	swait.ge [sflag:s26], $0x1  }
0xb0: {  	[sflag:s26] =	ssyncadd.s32 $0xFFFFFFFF  }
0xb1: {  	_ =	strace $0x9000007B  }
0xb2: {  	_ =	sfence  }
0xb3: {  	s28 =	sld [smem:$0x0];
	_ =	sdelay $0x1  }
0xb4: {  	s29 =	srdreg.scid  }
0xb5: {  	s30 =	sshll.u32 s29, $0xD;
	s31 =	sshrl.u32 s29, $0x2  }
0xb6: {  	s1 =	sand.u32 $0x1, s29;
	s2 =	sand.u32 $0x4000, s30;
	s0 =	sadd.s32 s31, s28  }
0xb7: {  	s1 =	sor.u32 s2, s1;
	s0 =	sshll.u32 s0, $0x11  }
0xb8: {  	s0 =	sor.u32 s0, s1  }
0xb9: {  	s0 =	sadd.s32 $0x8F2B, s0  }
0xba: {  	[sflag:s0] =	ssyncadd.remote.s32 $0x1  }
0xbb: {  	_ =	sfence.sel $0xFFFF  }
0xbc: {  	[dreg:$0x0] =	wrdreg $0xFFFFFFFF;
	(pc) =	sbr.abs _section_cstart, $3  }
0xbd: {  	[dreg:$0x1] =	wrdreg $0xFFFFFFFF  }
0xbe: {  	_ =	task.clear_ibuf [dreg:s4], $0x2FFFF;
	_ =	strace $0x9FFFFFFF  }
0xbf: {  	(tm) =	ssettm $0x7FFFFFFF  }
tec
execute0_lowered:
.L_overlay_start_1:
0x0: {  	(tag) =	ssettag $0x1  }
0x1: {  	s8 =	rddreg [dreg:$0x0]  }
0x2: {  	s0 =	rddreg [dreg:$0x1];
	_ =	strace $0x8000007A  }
0x3: {  	s4 =	simm.s32 $0x1;
	s1 =	stileid.u32;
	s7 =	simm.s32 $0x1  }
0x4: {  	s9 =	simm.s32 $0x1;
	s6 =	simm.s32 $0x2;
	s10 =	simm.s32 $0x3  }
0x5: {  	s13 =	simm.s32 $0x0;
	s12 =	simm.s32 $0x0;
	s2 =	sadd.s32 $0x9EC00, s8  }
.Ltmp0:
0x6: {  	s3 =	sadd.s32 $0x99E00, s8;
	p0 =	slt.u32 s1, $0xA;
	(pc) =	sbr.rel .LBB2_1-.Ltmp0, $4  }
0x7: {  	[sflag:s4] =	ssyncpa.u1 $0x0;
	s7 =	simm.s32 @!p0 $0x0;
	p0 =	sne.s32 s1, $0x9  }
0x8: {  	s5 =	smul.u32 $0x7D0, s1;
	[sflag:s6] =	ssyncpa.u1 $0x0;
	s9 =	simm.s32 @!p0 $0x0  }
0x9: {  	s8 =	sadd.s32 $0x91C00, s8;
	[sflag:s10] =	ssyncpa.u1 $0x0;
	s7 =	sadd.s32 s9, s7  }
0xa: {  	vm0 =	vmmov $0xffff;
	s10 =	simm.s32 $0x0;
	s11 =	smov.u32 s5;
	s9 =	sadd.s32 $0x1, s7  }
.LBB2_4:
0xb: {  	v2 =	vnsel vm1, $0x0, v2  }
0xc: {  	vm1 =	vgt.s32 v0, $0x0;
	v2 =	vmin.u32 v2, $0x3FFFFF  }
0xd: {  	v0 =	vnsel vm1, $0x0, v0  }
0xe: {  	v0 =	vmin.u32 v0, $0x3FFFFF  }
0xf: {  	[tilespmem:s18], [sflag:$0x1] =	stream.indirect_vreg.gather [hbm4b:s2+s10], $0x1, v1, vm0, $0x4038;
	[tilespmem:$0x1F40] =	vst v63  }
0x10: {  	(ifvalue) =	ssetifvalue $0x7FFFFFFF  }
0x11: {  	[tilespmem:s15], [sflag:$0x1] =	stream.indirect_vreg.gather [hbm4b:s2+s10], $0x1, v2, vm0, $0x4038;
	[tilespmem:$0x1F40] =	vst v63  }
0x12: {  	s29 =	sadd.s32 $0x10, s15;
	(ifvalue) =	ssetifvalue $0x7FFFFFFF  }
0x13: {  	[tilespmem:s29], [sflag:$0x1] =	stream.indirect_vreg.gather [hbm4b:s2+s10], $0x1, v0, vm0, $0x4038;
	[tilespmem:$0x1F40] =	vst v63  }
0x14: {  	_ =	swait.ge [sflag:s4], $0x7D0  }
0x15: {  	s30 =	sshrl.u32 s13, $0x3;
	[sflag:s4] =	ssyncset.done $0x0  }
0x16: {  	s31 =	sand.u32 $0x7, s13;
	s15 =	sadd.s32 s8, s30;
	[sflag:s4] =	ssyncadd.s32 $0xFFFFF830  }
0x17: {  	[hbm4b:s15+s31] =	stream.linear.scatter [tilespmem:s14], [sflag:$0x3], $0x7D0, $0x38;
	[tilespmem:$0x1F40] =	vst v63  }
.LBB2_5:
0x18: {  	s15 =	sadd.s32 $0x7D00, s11  }
0x19: {  	p1 =	sgt.s32 s15, $0xC34F  }
0x1a: {  	s15 =	smov.u32 @p1 s5;
	p1 =	sne.s32 s12, s9  }
.Ltmp1:
0x1b: {  	p0 =	slt.u32 s12, $0x2;
	(pc) =	sbr.rel @!p1 .LBB2_6-.Ltmp1, $4  }
0x1c: {  	s14 =	simm.s32 @!p0 $0x3  }
0x1d: {  	_ =	swait.ge @!p0 [sflag:s14], $0x7D0  }
0x1e: {  	s16 =	sadd.s32 $0x1, s12;
	s13 =	smov.u32 s11;
	[sflag:s14] =	ssyncset.done @!p0 $0x0  }
0x1f: {  	s12 =	smov.u32 s16;
	s11 =	smov.u32 s15;
	[sflag:s14] =	ssyncadd.s32 @!p0 $0xFFFFF830  }
.LBB2_1:
0x20: {  	p0 =	sge.u32 s12, s7  }
0x21: {  	s14 =	sxor.u32 @!p0 $0x1, s12  }
0x22: {  	s14 =	smul.u32 @!p0 $0x1F40, s14  }
0x23: {  	s31 =	sadd.s32 $0xFFFFFFFF, s12;
	s15 =	sshrl.u32 @!p0 s11, $0x3  }
0x24: {  	s16 =	sand.u32 @!p0 $0x7, s11;
	s15 =	sadd.s32 @!p0 s3, s15;
	s14 =	sshra.s32 @!p0 s14, $0x2  }
0x25: {  	[tilespmem:s14], [sflag:$0x2] =	stream.linear.gather @!p0 [hbm4b:s15+s16], $0x7D0, $0x38;
	[tilespmem:$0x1F40] =	vst v63  }
0x26: {  	p0 =	sge.u32 s31, s7  }
.Ltmp2:
0x27: {  	_ = 	snop;
	(pc) =	sbr.rel @p0 .LBB2_5-.Ltmp2, $1  }
0x28: {  	_ =	sdelay $0x3  }
0x29: {  	s14 =	sand.u32 $0x1, s12  }
0x2a: {  	_ =	swait.ge [sflag:s6], $0x7D0;
	p0 =	seq.s32 s14, $0x1;
	s14 =	simm.s32 $0x7D0  }
0x2b: {  	[sflag:s6] =	ssyncset.done $0x0;
	s14 =	simm.s32 @!p0 $0x0  }
0x2c: {  	[sflag:s6] =	ssyncadd.s32 $0xFFFFF830;
	(ifvalue) =	ssetifvalue $0x7FFFFFFF;
	v0 =	vld.msk [tilespmem:s14+$0x0 ss:$0x1], $0xffff;
	_ =	sdelay $0x4  }
0x2d: {  	s15 =	sadd.s32 $0x10, s14;
	vm1 =	vgt.s32 v0, $0x0  }
0x2e: {  	v2 =	vld.msk [tilespmem:s15+$0x0 ss:$0x1], $0xffff;
	v1 =	vnsel vm1, $0x0, v0  }
0x2f: {  	v1 =	vmin.u32 v1, $0x3FFFFF;
	_ =	sdelay $0x2  }
0x30: {  	s17 =	simm.s32 $0x20;
	s14 =	sadd.s32 $0xFA0, s14;
	s16 =	sadd.s32 $0x10, s15  }
0x31: {  	s15 =	sadd.s32 $0x10, s14;
	s18 =	smov.u32 s14;
	v0 =	vld.msk [tilespmem:s16+$0x0 ss:$0x1], $0xffff;
	vm1 =	vgt.s32 v2, $0x0;
	(ifvalue) =	ssetifvalue $0x7FFFFFFF  }
.LBB2_3:
0x32: {  	[tilespmem:s18], [sflag:$0x1] =	stream.indirect_vreg.gather [hbm4b:s2+s10], $0x1, v1, vm0, $0x4038;
	[tilespmem:$0x1F40] =	vst v63  }
0x33: {  	s17 =	sadd.s32 $0x10, s17  }
0x34: {  	v2 =	vnsel vm1, $0x0, v2;
	p0 =	slt.u32 s17, $0x7C0  }
.Ltmp3:
0x35: {  	s18 =	smov.u32 s15;
	v1 =	vmin.u32 v2, $0x3FFFFF;
	(pc) =	sbr.rel @p0 .LBB2_3-.Ltmp3, $3  }
0x36: {  	_ =	sdelay $0x1  }
0x37: {  	s16 =	sadd.s32 $0x10, s16  }
0x38: {  	vm1 =	vgt.s32 v0, $0x0;
	s15 =	sadd.s32 $0x10, s15;
	v2 =	vmov v0;
	(ifvalue) =	ssetifvalue $0x7FFFFFFF;
	v0 =	vld.msk [tilespmem:s16+$0x0 ss:$0x1], $0xffff  }
.Ltmp4:
0x39: {  	_ = 	snop;
	(pc) =	sbr.rel .LBB2_4-.Ltmp4, $1  }
0x3a: {  	_ =	sdelay $0x3  }
.LBB2_6:
0x3b: {  	_ =	sfence.sel $0x180000  }
0x3c: {  	s2 =	simm.s32 $0x2;
	[bflag:$0x0] =	sbarrier.arrive $0xFFFF  }
0x3d: {  	s30 =	simm.s32 $0x3;
	[sflag:s2] =	ssyncpa.u1 $0x1  }
0x3e: {  	s31 =	simm.s32 $0x1;
	[sflag:s30] =	ssyncpa.u1 $0x1  }
0x3f: {  	[sflag:s31] =	ssyncpa.u1 $0x1  }
0x40: {  	p0 =	sne.s32 s1, $0x0;
	_ =	strace $0x9000007A  }
0x41: {  	s0 =	sadd.s32 @!p0 $0x100000, s0;
	[bflag:$0x2] =	sbarrier.arrive $0xFFFF  }
0x42: {  	[sflag:s0] =	ssyncadd.tile.s32 @!p0 $0x1;
	_ =	shalt  }
.Lfunc_end2:
_tile_overlayer_lowered:
.L_overlay_start_2:
0x43: {  	(tag) =	ssettag $0x2  }
0x44: {  	s0 =	rddreg [dreg:$0x0];
	s2 =	stileid.u32  }
0x45: {  	s1 =	rddreg [dreg:$0x1];
	p0 =	sne.s32 s2, $0x0  }
0x46: {  	s3 =	rddreg [dreg:$0x2];
	[bflag:$0x3] =	sbarrier.arrive $0xFFFF;
	s2 =	simm.s32 @!p0 $0x1C01  }
0x47: {  	[timem:s3], [sflag:s2] =	dma.local @!p0 [hbm:s0], s1  }
0x48: {  	s0 =	simm.s32 @!p0 $0x1  }
0x49: {  	_ =	swait.ge @!p0 [sflag:s0], s1  }
0x4a: {  	s1 =	ssub.s32 @!p0 $0x0, s1;
	[sflag:s0] =	ssyncset.done @!p0 $0x0  }
0x4b: {  	[sflag:s0] =	ssyncadd.s32 @!p0 s1  }
0x4c: {  	[bflag:$0x3] =	sbarrier.arrive $0xFFFF  }
0x4d: {  	_ =	shalt  }

// kernel: gather_offload_async_start.15
scs
__scs_entry_jumppad:
0x0: {  	(pc) =	sbr.rel $0x88, $3  }
0x1: {  	(tag) =	ssettag $0x0;
	lr =	simm.s32 $0x1  }
0x2: {  	[smem:$0x3F9C] =	sst lr;
	_ =	strace $0xD0000000  }
0x3: {  	_ = 	snop  }
0x4: {  	_ = 	snop  }
0x5: {  	_ = 	snop  }
0x6: {  	_ = 	snop  }
0x7: {  	_ = 	snop  }
__scs_overlays_trampoline_lowered:
0x8: {  	[smem:$0x3FAB] =	sst s0  }
0x9: {  	[smem:$0x3FAC] =	sst s1  }
0xa: {  	[smem:$0x3FAD] =	sst s2  }
0xb: {  	[smem:$0x3FAE] =	sst s3  }
0xc: {  	[smem:$0x3FAF] =	sst s4  }
0xd: {  	[smem:$0x3FB0] =	sst s5  }
0xe: {  	[smem:$0x3FB1] =	sst s6  }
0xf: {  	[smem:$0x3FB2] =	sst s7  }
0x10: {  	[smem:$0x3FB3] =	sst s8  }
0x11: {  	[smem:$0x3FB4] =	sst s9;
	s0 =	simm.s32 @!p0 $0x0  }
0x12: {  	s1 =	sld [smem:$0x3F9A];
	s0 =	simm.s32 @p0 $0x1  }
0x13: {  	[smem:$0x3FB5] =	sst s0;
	s0 =	simm.s32 @!p1 $0x0  }
0x14: {  	s2 =	sld [smem:$0x3F99];
	s0 =	simm.s32 @p1 $0x1  }
0x15: {  	[smem:$0x3FB6] =	sst s0;
	s0 =	simm.s32 @!p2 $0x0  }
0x16: {  	s3 =	sld [smem:$0x3FDB];
	s0 =	simm.s32 @p2 $0x1  }
0x17: {  	s4 =	simm.s32 $0x1BF5;
	[smem:$0x3FB8] =	sst s0  }
0x18: {  	s0 =	sld [smem:$0x3F9B];
	_ =	swait.ge [sflag:s4], $0x0  }
0x19: {  	s7 =	sld [smem:$0x3F9C]  }
0x1a: {  	s8 =	sadd.s32 $0xFFFFE003, lr  }
0x1b: {  	s9 =	sadd.s32 $0xFFFFFEF7, lr;
	s5 =	simm.s32 $0xFFFFFFFF;
	p2 =	slt.u32 s8, $0xFFFFF086  }
0x1c: {  	p1 =	slt.u32 s9, $0xF7A;
	s5 =	simm.s32 @!p2 $0x0  }
0x1d: {  	s5 =	simm.s32 @p1 $0x1;
	p0 =	seq.s32 s7, s2  }
0x1e: {  	s7 =	smul.u32 @!p0 $0xF7A, s2;
	p2 =	seq.s32 @!p0 s5, $0x0  }
0x1f: {  	s9 =	smul.u32 $0xF7A, s1;
	s8 =	simm.s32 @!p0 $0x1BF5;
	p2 =	por !p2, p0  }
0x20: {  	[sflag:s8] =	ssyncset.s32 @!p0 $0xFFFFF086;
	s6 =	sadd.s32 @!p0 s3, s7;
	s7 =	simm.s32 @!p0 $0x108  }
0x21: {  	s3 =	sadd.s32 s3, s9;
	s6 =	sadd.s32 @!p0 $0x88, s6;
	s7 =	simm.s32 @p2 $0x1082  }
0x22: {  	[simem:s7], [sflag:s8] =	dma.local @!p0 [hbm:s6], $0xF7A  }
0x23: {  	s9 =	sor.u32 $0xD0000000, s2;
	s6 =	simm.s32 $0x108;
	_ =	swait.ge @!p0 [sflag:s8], $0x0  }
0x24: {  	s3 =	sadd.s32 $0x88, s3;
	s6 =	simm.s32 @!p1 $0x1082;
	[sflag:s4] =	ssyncset.s32 $0xFFFFF086  }
0x25: {  	[simem:s6], [sflag:s4] =	dma.local [hbm:s3], $0xF7A  }
0x26: {  	[smem:$0x3F9C] =	sst s1;
	(tag) =	ssettag s2;
	_ =	strace s9  }
0x27: {  	s1 =	sld [smem:$0x3FAC]  }
0x28: {  	s2 =	sld [smem:$0x3FAD]  }
0x29: {  	s4 =	sld [smem:$0x3FAF]  }
0x2a: {  	p0 =	seq.s32 s5, $0x0;
	s5 =	sld [smem:$0x3FB0]  }
0x2b: {  	s6 =	sld [smem:$0x3FB1]  }
0x2c: {  	s7 =	sld [smem:$0x3FB2]  }
0x2d: {  	s3 =	simm.s32 $0x108;
	s8 =	sld [smem:$0x3FB3]  }
0x2e: {  	s3 =	simm.s32 @!p0 $0x1082;
	s9 =	sld [smem:$0x3FB4]  }
0x2f: {  	lr =	sadd.s32 s0, s3;
	s0 =	sld [smem:$0x3FAB]  }
0x30: {  	s3 =	sld [smem:$0x3FAE]  }
0x31: {  	[smem:$0x3FB7] =	sst s10  }
0x32: {  	s10 =	sld [smem:$0x3FB5];
	_ =	sdelay $0x3  }
0x33: {  	p0 =	seq.s32 s10, $0x1;
	s10 =	sld [smem:$0x3FB7];
	_ =	sdelay $0x3  }
0x34: {  	[smem:$0x3FB7] =	sst s10  }
0x35: {  	s10 =	sld [smem:$0x3FB6];
	_ =	sdelay $0x3  }
0x36: {  	p1 =	seq.s32 s10, $0x1;
	s10 =	sld [smem:$0x3FB7];
	_ =	sdelay $0x3  }
0x37: {  	[smem:$0x3FB7] =	sst s10  }
0x38: {  	s10 =	sld [smem:$0x3FB8]  }
0x39: {  	_ = 	snop;
	(pc) =	sbr.ind lr, $3  }
0x3a: {  	_ = 	snop  }
0x3b: {  	_ = 	snop  }
0x3c: {  	p2 =	seq.s32 s10, $0x1;
	s10 =	sld [smem:$0x3FB7]  }
0x3d: {  	_ =	shalt  }
0x3e: {  	_ =	shalt  }
0x3f: {  	_ =	shalt  }
0x40: {  	_ =	shalt  }
0x41: {  	_ =	shalt  }
0x42: {  	_ =	shalt  }
0x43: {  	_ =	shalt  }
0x44: {  	_ =	shalt  }
0x45: {  	_ =	shalt  }
0x46: {  	_ =	shalt  }
0x47: {  	_ =	shalt  }
0x48: {  	_ =	shalt  }
0x49: {  	_ =	shalt  }
0x4a: {  	_ =	shalt  }
0x4b: {  	_ =	shalt  }
0x4c: {  	_ =	shalt  }
0x4d: {  	_ =	shalt  }
0x4e: {  	_ =	shalt  }
0x4f: {  	_ =	shalt  }
0x50: {  	_ =	shalt  }
0x51: {  	_ =	shalt  }
0x52: {  	_ =	shalt  }
0x53: {  	_ =	shalt  }
0x54: {  	_ =	shalt  }
0x55: {  	_ =	shalt  }
0x56: {  	_ =	shalt  }
0x57: {  	_ =	shalt  }
0x58: {  	_ =	shalt  }
0x59: {  	_ =	shalt  }
0x5a: {  	_ =	shalt  }
0x5b: {  	_ =	shalt  }
0x5c: {  	_ =	shalt  }
0x5d: {  	_ =	shalt  }
0x5e: {  	_ =	shalt  }
0x5f: {  	_ =	shalt  }
0x60: {  	_ =	shalt  }
0x61: {  	_ =	shalt  }
0x62: {  	_ =	shalt  }
0x63: {  	_ =	shalt  }
0x64: {  	_ =	shalt  }
0x65: {  	_ =	shalt  }
0x66: {  	_ =	shalt  }
0x67: {  	_ =	shalt  }
0x68: {  	_ =	shalt  }
0x69: {  	_ =	shalt  }
0x6a: {  	_ =	shalt  }
0x6b: {  	_ =	shalt  }
0x6c: {  	_ =	shalt  }
0x6d: {  	_ =	shalt  }
0x6e: {  	_ =	shalt  }
0x6f: {  	_ =	shalt  }
0x70: {  	_ =	shalt  }
0x71: {  	_ =	shalt  }
0x72: {  	_ =	shalt  }
0x73: {  	_ =	shalt  }
0x74: {  	_ =	shalt  }
0x75: {  	_ =	shalt  }
0x76: {  	_ =	shalt  }
0x77: {  	_ =	shalt  }
0x78: {  	_ =	shalt  }
0x79: {  	_ =	shalt  }
0x7a: {  	_ =	shalt  }
0x7b: {  	_ =	shalt  }
0x7c: {  	_ =	shalt  }
0x7d: {  	_ =	shalt  }
0x7e: {  	_ =	shalt  }
0x7f: {  	_ =	shalt  }
0x80: {  	_ =	shalt  }
0x81: {  	_ =	shalt  }
0x82: {  	_ =	shalt  }
0x83: {  	_ =	shalt  }
0x84: {  	_ =	shalt  }
0x85: {  	_ =	shalt  }
0x86: {  	_ =	shalt  }
0x87: {  	_ =	shalt  }
.Lfunc_end0:
.L_simem_size_0:
called_computation.15_lowered:
.L_overlay_start_0:
0x88: {  	s0 =	sld [smem:$0x3FD9]  }
0x89: {  	s1 =	sld [smem:$0x3FFE];
	_ =	sdelay $0x3  }
0x8a: {  	s0 =	sadd.s32 s1, s0  }
0x8b: {  	[smem:$0x3FC3] =	sst s0  }
0x8c: {  	_ = 	snop  }
0x8d: {  	(tm) =	ssettm $0x1  }
0x8e: {  	s15 =	sld [smem:$0x3FFB];
	_ =	sdelay $0x3  }
0x8f: {  	_ =	strace s15  }
0x90: {  	s0 =	sld [smem:$0x3FFC];
	_ =	sdelay $0x3  }
0x91: {  	_ =	strace s0  }
0x92: {  	s0 =	sld [smem:$0x3FFD];
	_ =	sdelay $0x3  }
0x93: {  	_ =	strace s0  }
0x94: {  	_ =	strace $0x8FFFFFFF  }
0x95: {  	s16 =	sld [smem:$0x3FDB];
	_ =	sdelay $0x1  }
0x96: {  	s17 =	simm.s32 $_scs_section_size  }
0x97: {  	s2 =	simm.s32 $_size__tile_overlayer_lowered;
	s3 =	simm.s32 $_tile_overlayer_lowered  }
0x98: {  	s20 =	simm.s32 $0x1BFF;
	s19 =	sshll.u32 s3, $0x1;
	s0 =	sadd.s32 s17, s16  }
0x99: {  	s4 =	simm.s32 $0x0;
	s18 =	sshll.u32 s2, $0x1;
	s2 =	sadd.s32 s19, s0  }
0x9a: {  	[timem:s4], [sflag:s20] =	dma.local [hbm:s2], s18  }
0x9b: {  	_ =	swait.ge [sflag:s20], s18  }
0x9c: {  	s1 =	ssub.s32 $0x0, s18;
	[sflag:s20] =	ssyncset.done $0x0  }
0x9d: {  	[sflag:s20] =	ssyncadd.s32 s1;
	_ =	sdelay $0x1  }
0x9e: {  	s21 =	simm.s32 $0x1B8B  }
0x9f: {  	_ =	swait.ge [sflag:s21], $0x1  }
0xa0: {  	[sflag:s21] =	ssyncset.done $0x0  }
0xa1: {  	s23 =	simm.s32 $0x1B8E;
	s22 =	sld [smem:$0x3FFE];
	[sflag:s21] =	ssyncadd.s32 $0xFFFFFFFF  }
0xa2: {  	s24 =	simm.s32 $execute0_lowered;
	[smem:$0x3FD2] =	sst s23  }
0xa3: {  	s2 =	sshll.u32 s24, $0x1;
	_ =	strace $0x8000007C;
	[dreg:$0x1] =	wrdreg $0xFFFFFFFF  }
0xa4: {  	s25 =	simm.s32 $_size_execute0_lowered;
	s0 =	sadd.s32 s0, s2;
	[dreg:$0x0] =	wrdreg $0x0  }
0xa5: {  	s2 =	sshll.u32 s25, $0x1;
	[dreg:$0x2] =	wrdreg s0  }
0xa6: {  	[dreg:$0x3] =	wrdreg s2  }
0xa7: {  	[dreg:$0x4] =	wrdreg $0xC0  }
0xa8: {  	_ =	task [dreg:s4], $0x5FFFF  }
0xa9: {  	[dreg:$0x1] =	wrdreg $0xFFFFFFFF  }
0xaa: {  	[dreg:$0x0] =	wrdreg $0x60  }
0xab: {  	[dreg:$0x2] =	wrdreg s22  }
0xac: {  	[dreg:$0x3] =	wrdreg $0x9  }
0xad: {  	_ =	task.clear_ibuf [dreg:s4], $0x4FFFF;
	_ =	strace $0x9000007C  }
0xae: {  	s26 =	simm.s32 $0x9;
	_ =	strace $0x8000007E  }
0xaf: {  	_ =	swait.ge [sflag:s26], $0x1  }
0xb0: {  	[sflag:s26] =	ssyncadd.s32 $0xFFFFFFFF  }
0xb1: {  	_ =	strace $0x9000007E  }
0xb2: {  	_ =	sfence  }
0xb3: {  	s28 =	sld [smem:$0x0];
	_ =	sdelay $0x1  }
0xb4: {  	s29 =	srdreg.scid  }
0xb5: {  	s30 =	sshll.u32 s29, $0xD;
	s31 =	sshrl.u32 s29, $0x2  }
0xb6: {  	s1 =	sand.u32 $0x1, s29;
	s2 =	sand.u32 $0x4000, s30;
	s0 =	sadd.s32 s31, s28  }
0xb7: {  	s1 =	sor.u32 s2, s1;
	s0 =	sshll.u32 s0, $0x11  }
0xb8: {  	s0 =	sor.u32 s0, s1  }
0xb9: {  	s0 =	sadd.s32 $0x8F2B, s0  }
0xba: {  	[sflag:s0] =	ssyncadd.remote.s32 $0x1  }
0xbb: {  	_ =	sfence.sel $0xFFFF  }
0xbc: {  	[dreg:$0x0] =	wrdreg $0xFFFFFFFF;
	(pc) =	sbr.abs _section_cstart, $3  }
0xbd: {  	[dreg:$0x1] =	wrdreg $0xFFFFFFFF  }
0xbe: {  	_ =	task.clear_ibuf [dreg:s4], $0x2FFFF;
	_ =	strace $0x9FFFFFFF  }
0xbf: {  	(tm) =	ssettm $0x7FFFFFFF  }
tec
execute0_lowered:
.L_overlay_start_1:
0x0: {  	(tag) =	ssettag $0x1  }
0x1: {  	s8 =	rddreg [dreg:$0x0]  }
0x2: {  	s0 =	rddreg [dreg:$0x1];
	_ =	strace $0x8000007D  }
0x3: {  	s4 =	simm.s32 $0x1;
	s1 =	stileid.u32;
	s7 =	simm.s32 $0x1  }
0x4: {  	s9 =	simm.s32 $0x1;
	s6 =	simm.s32 $0x2;
	s10 =	simm.s32 $0x3  }
0x5: {  	s13 =	simm.s32 $0x0;
	s12 =	simm.s32 $0x0;
	s2 =	sadd.s32 $0x9EC00, s8  }
.Ltmp0:
0x6: {  	s3 =	sadd.s32 $0x86600, s8;
	p0 =	slt.u32 s1, $0xA;
	(pc) =	sbr.rel .LBB2_1-.Ltmp0, $4  }
0x7: {  	[sflag:s4] =	ssyncpa.u1 $0x0;
	s7 =	simm.s32 @!p0 $0x0;
	p0 =	sne.s32 s1, $0x9  }
0x8: {  	s5 =	smul.u32 $0x7D0, s1;
	[sflag:s6] =	ssyncpa.u1 $0x0;
	s9 =	simm.s32 @!p0 $0x0  }
0x9: {  	s8 =	sadd.s32 $0x14400, s8;
	[sflag:s10] =	ssyncpa.u1 $0x0;
	s7 =	sadd.s32 s9, s7  }
0xa: {  	vm0 =	vmmov $0xffff;
	s10 =	simm.s32 $0x0;
	s11 =	smov.u32 s5;
	s9 =	sadd.s32 $0x1, s7  }
.LBB2_4:
0xb: {  	v2 =	vnsel vm1, $0x0, v2  }
0xc: {  	vm1 =	vgt.s32 v0, $0x0;
	v2 =	vmin.u32 v2, $0x3FFFFF  }
0xd: {  	v0 =	vnsel vm1, $0x0, v0  }
0xe: {  	v0 =	vmin.u32 v0, $0x3FFFFF  }
0xf: {  	[tilespmem:s18], [sflag:$0x1] =	stream.indirect_vreg.gather [hbm4b:s2+s10], $0x1, v1, vm0, $0x4038;
	[tilespmem:$0x1F40] =	vst v63  }
0x10: {  	(ifvalue) =	ssetifvalue $0x7FFFFFFF  }
0x11: {  	[tilespmem:s15], [sflag:$0x1] =	stream.indirect_vreg.gather [hbm4b:s2+s10], $0x1, v2, vm0, $0x4038;
	[tilespmem:$0x1F40] =	vst v63  }
0x12: {  	s29 =	sadd.s32 $0x10, s15;
	(ifvalue) =	ssetifvalue $0x7FFFFFFF  }
0x13: {  	[tilespmem:s29], [sflag:$0x1] =	stream.indirect_vreg.gather [hbm4b:s2+s10], $0x1, v0, vm0, $0x4038;
	[tilespmem:$0x1F40] =	vst v63  }
0x14: {  	_ =	swait.ge [sflag:s4], $0x7D0  }
0x15: {  	s30 =	sshrl.u32 s13, $0x3;
	[sflag:s4] =	ssyncset.done $0x0  }
0x16: {  	s31 =	sand.u32 $0x7, s13;
	s15 =	sadd.s32 s8, s30;
	[sflag:s4] =	ssyncadd.s32 $0xFFFFF830  }
0x17: {  	[hbm4b:s15+s31] =	stream.linear.scatter [tilespmem:s14], [sflag:$0x3], $0x7D0, $0x38;
	[tilespmem:$0x1F40] =	vst v63  }
.LBB2_5:
0x18: {  	s15 =	sadd.s32 $0x7D00, s11  }
0x19: {  	p1 =	sgt.s32 s15, $0xC34F  }
0x1a: {  	s15 =	smov.u32 @p1 s5;
	p1 =	sne.s32 s12, s9  }
.Ltmp1:
0x1b: {  	p0 =	slt.u32 s12, $0x2;
	(pc) =	sbr.rel @!p1 .LBB2_6-.Ltmp1, $4  }
0x1c: {  	s14 =	simm.s32 @!p0 $0x3  }
0x1d: {  	_ =	swait.ge @!p0 [sflag:s14], $0x7D0  }
0x1e: {  	s16 =	sadd.s32 $0x1, s12;
	s13 =	smov.u32 s11;
	[sflag:s14] =	ssyncset.done @!p0 $0x0  }
0x1f: {  	s12 =	smov.u32 s16;
	s11 =	smov.u32 s15;
	[sflag:s14] =	ssyncadd.s32 @!p0 $0xFFFFF830  }
.LBB2_1:
0x20: {  	p0 =	sge.u32 s12, s7  }
0x21: {  	s14 =	sxor.u32 @!p0 $0x1, s12  }
0x22: {  	s14 =	smul.u32 @!p0 $0x1F40, s14  }
0x23: {  	s31 =	sadd.s32 $0xFFFFFFFF, s12;
	s15 =	sshrl.u32 @!p0 s11, $0x3  }
0x24: {  	s16 =	sand.u32 @!p0 $0x7, s11;
	s15 =	sadd.s32 @!p0 s3, s15;
	s14 =	sshra.s32 @!p0 s14, $0x2  }
0x25: {  	[tilespmem:s14], [sflag:$0x2] =	stream.linear.gather @!p0 [hbm4b:s15+s16], $0x7D0, $0x38;
	[tilespmem:$0x1F40] =	vst v63  }
0x26: {  	p0 =	sge.u32 s31, s7  }
.Ltmp2:
0x27: {  	_ = 	snop;
	(pc) =	sbr.rel @p0 .LBB2_5-.Ltmp2, $1  }
0x28: {  	_ =	sdelay $0x3  }
0x29: {  	s14 =	sand.u32 $0x1, s12  }
0x2a: {  	_ =	swait.ge [sflag:s6], $0x7D0;
	p0 =	seq.s32 s14, $0x1;
	s14 =	simm.s32 $0x7D0  }
0x2b: {  	[sflag:s6] =	ssyncset.done $0x0;
	s14 =	simm.s32 @!p0 $0x0  }
0x2c: {  	[sflag:s6] =	ssyncadd.s32 $0xFFFFF830;
	(ifvalue) =	ssetifvalue $0x7FFFFFFF;
	v0 =	vld.msk [tilespmem:s14+$0x0 ss:$0x1], $0xffff;
	_ =	sdelay $0x4  }
0x2d: {  	s15 =	sadd.s32 $0x10, s14;
	vm1 =	vgt.s32 v0, $0x0  }
0x2e: {  	v2 =	vld.msk [tilespmem:s15+$0x0 ss:$0x1], $0xffff;
	v1 =	vnsel vm1, $0x0, v0  }
0x2f: {  	v1 =	vmin.u32 v1, $0x3FFFFF;
	_ =	sdelay $0x2  }
0x30: {  	s17 =	simm.s32 $0x20;
	s14 =	sadd.s32 $0xFA0, s14;
	s16 =	sadd.s32 $0x10, s15  }
0x31: {  	s15 =	sadd.s32 $0x10, s14;
	s18 =	smov.u32 s14;
	v0 =	vld.msk [tilespmem:s16+$0x0 ss:$0x1], $0xffff;
	vm1 =	vgt.s32 v2, $0x0;
	(ifvalue) =	ssetifvalue $0x7FFFFFFF  }
.LBB2_3:
0x32: {  	[tilespmem:s18], [sflag:$0x1] =	stream.indirect_vreg.gather [hbm4b:s2+s10], $0x1, v1, vm0, $0x4038;
	[tilespmem:$0x1F40] =	vst v63  }
0x33: {  	s17 =	sadd.s32 $0x10, s17  }
0x34: {  	v2 =	vnsel vm1, $0x0, v2;
	p0 =	slt.u32 s17, $0x7C0  }
.Ltmp3:
0x35: {  	s18 =	smov.u32 s15;
	v1 =	vmin.u32 v2, $0x3FFFFF;
	(pc) =	sbr.rel @p0 .LBB2_3-.Ltmp3, $3  }
0x36: {  	_ =	sdelay $0x1  }
0x37: {  	s16 =	sadd.s32 $0x10, s16  }
0x38: {  	vm1 =	vgt.s32 v0, $0x0;
	s15 =	sadd.s32 $0x10, s15;
	v2 =	vmov v0;
	(ifvalue) =	ssetifvalue $0x7FFFFFFF;
	v0 =	vld.msk [tilespmem:s16+$0x0 ss:$0x1], $0xffff  }
.Ltmp4:
0x39: {  	_ = 	snop;
	(pc) =	sbr.rel .LBB2_4-.Ltmp4, $1  }
0x3a: {  	_ =	sdelay $0x3  }
.LBB2_6:
0x3b: {  	_ =	sfence.sel $0x180000  }
0x3c: {  	s2 =	simm.s32 $0x2;
	[bflag:$0x0] =	sbarrier.arrive $0xFFFF  }
0x3d: {  	s30 =	simm.s32 $0x3;
	[sflag:s2] =	ssyncpa.u1 $0x1  }
0x3e: {  	s31 =	simm.s32 $0x1;
	[sflag:s30] =	ssyncpa.u1 $0x1  }
0x3f: {  	[sflag:s31] =	ssyncpa.u1 $0x1  }
0x40: {  	p0 =	sne.s32 s1, $0x0;
	_ =	strace $0x9000007D  }
0x41: {  	s0 =	sadd.s32 @!p0 $0x100000, s0;
	[bflag:$0x2] =	sbarrier.arrive $0xFFFF  }
0x42: {  	[sflag:s0] =	ssyncadd.tile.s32 @!p0 $0x1;
	_ =	shalt  }
.Lfunc_end2:
_tile_overlayer_lowered:
.L_overlay_start_2:
0x43: {  	(tag) =	ssettag $0x2  }
0x44: {  	s0 =	rddreg [dreg:$0x0];
	s2 =	stileid.u32  }
0x45: {  	s1 =	rddreg [dreg:$0x1];
	p0 =	sne.s32 s2, $0x0  }
0x46: {  	s3 =	rddreg [dreg:$0x2];
	[bflag:$0x3] =	sbarrier.arrive $0xFFFF;
	s2 =	simm.s32 @!p0 $0x1C01  }
0x47: {  	[timem:s3], [sflag:s2] =	dma.local @!p0 [hbm:s0], s1  }
0x48: {  	s0 =	simm.s32 @!p0 $0x1  }
0x49: {  	_ =	swait.ge @!p0 [sflag:s0], s1  }
0x4a: {  	s1 =	ssub.s32 @!p0 $0x0, s1;
	[sflag:s0] =	ssyncset.done @!p0 $0x0  }
0x4b: {  	[sflag:s0] =	ssyncadd.s32 @!p0 s1  }
0x4c: {  	[bflag:$0x3] =	sbarrier.arrive $0xFFFF  }
0x4d: {  	_ =	shalt  }

// kernel: gather_offload_async_start.16
scs
__scs_entry_jumppad:
0x0: {  	(pc) =	sbr.rel $0x88, $3  }
0x1: {  	(tag) =	ssettag $0x0;
	lr =	simm.s32 $0x1  }
0x2: {  	[smem:$0x3F9C] =	sst lr;
	_ =	strace $0xD0000000  }
0x3: {  	_ = 	snop  }
0x4: {  	_ = 	snop  }
0x5: {  	_ = 	snop  }
0x6: {  	_ = 	snop  }
0x7: {  	_ = 	snop  }
__scs_overlays_trampoline_lowered:
0x8: {  	[smem:$0x3FAB] =	sst s0  }
0x9: {  	[smem:$0x3FAC] =	sst s1  }
0xa: {  	[smem:$0x3FAD] =	sst s2  }
0xb: {  	[smem:$0x3FAE] =	sst s3  }
0xc: {  	[smem:$0x3FAF] =	sst s4  }
0xd: {  	[smem:$0x3FB0] =	sst s5  }
0xe: {  	[smem:$0x3FB1] =	sst s6  }
0xf: {  	[smem:$0x3FB2] =	sst s7  }
0x10: {  	[smem:$0x3FB3] =	sst s8  }
0x11: {  	[smem:$0x3FB4] =	sst s9;
	s0 =	simm.s32 @!p0 $0x0  }
0x12: {  	s1 =	sld [smem:$0x3F9A];
	s0 =	simm.s32 @p0 $0x1  }
0x13: {  	[smem:$0x3FB5] =	sst s0;
	s0 =	simm.s32 @!p1 $0x0  }
0x14: {  	s2 =	sld [smem:$0x3F99];
	s0 =	simm.s32 @p1 $0x1  }
0x15: {  	[smem:$0x3FB6] =	sst s0;
	s0 =	simm.s32 @!p2 $0x0  }
0x16: {  	s3 =	sld [smem:$0x3FDB];
	s0 =	simm.s32 @p2 $0x1  }
0x17: {  	s4 =	simm.s32 $0x1BF5;
	[smem:$0x3FB8] =	sst s0  }
0x18: {  	s0 =	sld [smem:$0x3F9B];
	_ =	swait.ge [sflag:s4], $0x0  }
0x19: {  	s7 =	sld [smem:$0x3F9C]  }
0x1a: {  	s8 =	sadd.s32 $0xFFFFE003, lr  }
0x1b: {  	s9 =	sadd.s32 $0xFFFFFEF7, lr;
	s5 =	simm.s32 $0xFFFFFFFF;
	p2 =	slt.u32 s8, $0xFFFFF086  }
0x1c: {  	p1 =	slt.u32 s9, $0xF7A;
	s5 =	simm.s32 @!p2 $0x0  }
0x1d: {  	s5 =	simm.s32 @p1 $0x1;
	p0 =	seq.s32 s7, s2  }
0x1e: {  	s7 =	smul.u32 @!p0 $0xF7A, s2;
	p2 =	seq.s32 @!p0 s5, $0x0  }
0x1f: {  	s9 =	smul.u32 $0xF7A, s1;
	s8 =	simm.s32 @!p0 $0x1BF5;
	p2 =	por !p2, p0  }
0x20: {  	[sflag:s8] =	ssyncset.s32 @!p0 $0xFFFFF086;
	s6 =	sadd.s32 @!p0 s3, s7;
	s7 =	simm.s32 @!p0 $0x108  }
0x21: {  	s3 =	sadd.s32 s3, s9;
	s6 =	sadd.s32 @!p0 $0x88, s6;
	s7 =	simm.s32 @p2 $0x1082  }
0x22: {  	[simem:s7], [sflag:s8] =	dma.local @!p0 [hbm:s6], $0xF7A  }
0x23: {  	s9 =	sor.u32 $0xD0000000, s2;
	s6 =	simm.s32 $0x108;
	_ =	swait.ge @!p0 [sflag:s8], $0x0  }
0x24: {  	s3 =	sadd.s32 $0x88, s3;
	s6 =	simm.s32 @!p1 $0x1082;
	[sflag:s4] =	ssyncset.s32 $0xFFFFF086  }
0x25: {  	[simem:s6], [sflag:s4] =	dma.local [hbm:s3], $0xF7A  }
0x26: {  	[smem:$0x3F9C] =	sst s1;
	(tag) =	ssettag s2;
	_ =	strace s9  }
0x27: {  	s1 =	sld [smem:$0x3FAC]  }
0x28: {  	s2 =	sld [smem:$0x3FAD]  }
0x29: {  	s4 =	sld [smem:$0x3FAF]  }
0x2a: {  	p0 =	seq.s32 s5, $0x0;
	s5 =	sld [smem:$0x3FB0]  }
0x2b: {  	s6 =	sld [smem:$0x3FB1]  }
0x2c: {  	s7 =	sld [smem:$0x3FB2]  }
0x2d: {  	s3 =	simm.s32 $0x108;
	s8 =	sld [smem:$0x3FB3]  }
0x2e: {  	s3 =	simm.s32 @!p0 $0x1082;
	s9 =	sld [smem:$0x3FB4]  }
0x2f: {  	lr =	sadd.s32 s0, s3;
	s0 =	sld [smem:$0x3FAB]  }
0x30: {  	s3 =	sld [smem:$0x3FAE]  }
0x31: {  	[smem:$0x3FB7] =	sst s10  }
0x32: {  	s10 =	sld [smem:$0x3FB5];
	_ =	sdelay $0x3  }
0x33: {  	p0 =	seq.s32 s10, $0x1;
	s10 =	sld [smem:$0x3FB7];
	_ =	sdelay $0x3  }
0x34: {  	[smem:$0x3FB7] =	sst s10  }
0x35: {  	s10 =	sld [smem:$0x3FB6];
	_ =	sdelay $0x3  }
0x36: {  	p1 =	seq.s32 s10, $0x1;
	s10 =	sld [smem:$0x3FB7];
	_ =	sdelay $0x3  }
0x37: {  	[smem:$0x3FB7] =	sst s10  }
0x38: {  	s10 =	sld [smem:$0x3FB8]  }
0x39: {  	_ = 	snop;
	(pc) =	sbr.ind lr, $3  }
0x3a: {  	_ = 	snop  }
0x3b: {  	_ = 	snop  }
0x3c: {  	p2 =	seq.s32 s10, $0x1;
	s10 =	sld [smem:$0x3FB7]  }
0x3d: {  	_ =	shalt  }
0x3e: {  	_ =	shalt  }
0x3f: {  	_ =	shalt  }
0x40: {  	_ =	shalt  }
0x41: {  	_ =	shalt  }
0x42: {  	_ =	shalt  }
0x43: {  	_ =	shalt  }
0x44: {  	_ =	shalt  }
0x45: {  	_ =	shalt  }
0x46: {  	_ =	shalt  }
0x47: {  	_ =	shalt  }
0x48: {  	_ =	shalt  }
0x49: {  	_ =	shalt  }
0x4a: {  	_ =	shalt  }
0x4b: {  	_ =	shalt  }
0x4c: {  	_ =	shalt  }
0x4d: {  	_ =	shalt  }
0x4e: {  	_ =	shalt  }
0x4f: {  	_ =	shalt  }
0x50: {  	_ =	shalt  }
0x51: {  	_ =	shalt  }
0x52: {  	_ =	shalt  }
0x53: {  	_ =	shalt  }
0x54: {  	_ =	shalt  }
0x55: {  	_ =	shalt  }
0x56: {  	_ =	shalt  }
0x57: {  	_ =	shalt  }
0x58: {  	_ =	shalt  }
0x59: {  	_ =	shalt  }
0x5a: {  	_ =	shalt  }
0x5b: {  	_ =	shalt  }
0x5c: {  	_ =	shalt  }
0x5d: {  	_ =	shalt  }
0x5e: {  	_ =	shalt  }
0x5f: {  	_ =	shalt  }
0x60: {  	_ =	shalt  }
0x61: {  	_ =	shalt  }
0x62: {  	_ =	shalt  }
0x63: {  	_ =	shalt  }
0x64: {  	_ =	shalt  }
0x65: {  	_ =	shalt  }
0x66: {  	_ =	shalt  }
0x67: {  	_ =	shalt  }
0x68: {  	_ =	shalt  }
0x69: {  	_ =	shalt  }
0x6a: {  	_ =	shalt  }
0x6b: {  	_ =	shalt  }
0x6c: {  	_ =	shalt  }
0x6d: {  	_ =	shalt  }
0x6e: {  	_ =	shalt  }
0x6f: {  	_ =	shalt  }
0x70: {  	_ =	shalt  }
0x71: {  	_ =	shalt  }
0x72: {  	_ =	shalt  }
0x73: {  	_ =	shalt  }
0x74: {  	_ =	shalt  }
0x75: {  	_ =	shalt  }
0x76: {  	_ =	shalt  }
0x77: {  	_ =	shalt  }
0x78: {  	_ =	shalt  }
0x79: {  	_ =	shalt  }
0x7a: {  	_ =	shalt  }
0x7b: {  	_ =	shalt  }
0x7c: {  	_ =	shalt  }
0x7d: {  	_ =	shalt  }
0x7e: {  	_ =	shalt  }
0x7f: {  	_ =	shalt  }
0x80: {  	_ =	shalt  }
0x81: {  	_ =	shalt  }
0x82: {  	_ =	shalt  }
0x83: {  	_ =	shalt  }
0x84: {  	_ =	shalt  }
0x85: {  	_ =	shalt  }
0x86: {  	_ =	shalt  }
0x87: {  	_ =	shalt  }
.Lfunc_end0:
.L_simem_size_0:
called_computation.16_lowered:
.L_overlay_start_0:
0x88: {  	s0 =	sld [smem:$0x3FD9]  }
0x89: {  	s1 =	sld [smem:$0x3FFE];
	_ =	sdelay $0x3  }
0x8a: {  	s0 =	sadd.s32 s1, s0  }
0x8b: {  	[smem:$0x3FC3] =	sst s0  }
0x8c: {  	_ = 	snop  }
0x8d: {  	(tm) =	ssettm $0x1  }
0x8e: {  	s15 =	sld [smem:$0x3FFB];
	_ =	sdelay $0x3  }
0x8f: {  	_ =	strace s15  }
0x90: {  	s0 =	sld [smem:$0x3FFC];
	_ =	sdelay $0x3  }
0x91: {  	_ =	strace s0  }
0x92: {  	s0 =	sld [smem:$0x3FFD];
	_ =	sdelay $0x3  }
0x93: {  	_ =	strace s0  }
0x94: {  	_ =	strace $0x8FFFFFFF  }
0x95: {  	s16 =	sld [smem:$0x3FDB];
	_ =	sdelay $0x1  }
0x96: {  	s17 =	simm.s32 $_scs_section_size  }
0x97: {  	s2 =	simm.s32 $_size__tile_overlayer_lowered;
	s3 =	simm.s32 $_tile_overlayer_lowered  }
0x98: {  	s20 =	simm.s32 $0x1BFF;
	s19 =	sshll.u32 s3, $0x1;
	s0 =	sadd.s32 s17, s16  }
0x99: {  	s4 =	simm.s32 $0x0;
	s18 =	sshll.u32 s2, $0x1;
	s2 =	sadd.s32 s19, s0  }
0x9a: {  	[timem:s4], [sflag:s20] =	dma.local [hbm:s2], s18  }
0x9b: {  	_ =	swait.ge [sflag:s20], s18  }
0x9c: {  	s1 =	ssub.s32 $0x0, s18;
	[sflag:s20] =	ssyncset.done $0x0  }
0x9d: {  	[sflag:s20] =	ssyncadd.s32 s1;
	_ =	sdelay $0x1  }
0x9e: {  	s21 =	simm.s32 $0x1B8B  }
0x9f: {  	_ =	swait.ge [sflag:s21], $0x1  }
0xa0: {  	[sflag:s21] =	ssyncset.done $0x0  }
0xa1: {  	s23 =	simm.s32 $0x1B8E;
	s22 =	sld [smem:$0x3FFE];
	[sflag:s21] =	ssyncadd.s32 $0xFFFFFFFF  }
0xa2: {  	s24 =	simm.s32 $execute0_lowered;
	[smem:$0x3FD2] =	sst s23  }
0xa3: {  	s2 =	sshll.u32 s24, $0x1;
	_ =	strace $0x8000007F;
	[dreg:$0x1] =	wrdreg $0xFFFFFFFF  }
0xa4: {  	s25 =	simm.s32 $_size_execute0_lowered;
	s0 =	sadd.s32 s0, s2;
	[dreg:$0x0] =	wrdreg $0x0  }
0xa5: {  	s2 =	sshll.u32 s25, $0x1;
	[dreg:$0x2] =	wrdreg s0  }
0xa6: {  	[dreg:$0x3] =	wrdreg s2  }
0xa7: {  	[dreg:$0x4] =	wrdreg $0xC0  }
0xa8: {  	_ =	task [dreg:s4], $0x5FFFF  }
0xa9: {  	[dreg:$0x1] =	wrdreg $0xFFFFFFFF  }
0xaa: {  	[dreg:$0x0] =	wrdreg $0x60  }
0xab: {  	[dreg:$0x2] =	wrdreg s22  }
0xac: {  	[dreg:$0x3] =	wrdreg $0x9  }
0xad: {  	_ =	task.clear_ibuf [dreg:s4], $0x4FFFF;
	_ =	strace $0x9000007F  }
0xae: {  	s26 =	simm.s32 $0x9;
	_ =	strace $0x80000081  }
0xaf: {  	_ =	swait.ge [sflag:s26], $0x1  }
0xb0: {  	[sflag:s26] =	ssyncadd.s32 $0xFFFFFFFF  }
0xb1: {  	_ =	strace $0x90000081  }
0xb2: {  	_ =	sfence  }
0xb3: {  	s28 =	sld [smem:$0x0];
	_ =	sdelay $0x1  }
0xb4: {  	s29 =	srdreg.scid  }
0xb5: {  	s30 =	sshll.u32 s29, $0xD;
	s31 =	sshrl.u32 s29, $0x2  }
0xb6: {  	s1 =	sand.u32 $0x1, s29;
	s2 =	sand.u32 $0x4000, s30;
	s0 =	sadd.s32 s31, s28  }
0xb7: {  	s1 =	sor.u32 s2, s1;
	s0 =	sshll.u32 s0, $0x11  }
0xb8: {  	s0 =	sor.u32 s0, s1  }
0xb9: {  	s0 =	sadd.s32 $0x8F2B, s0  }
0xba: {  	[sflag:s0] =	ssyncadd.remote.s32 $0x1  }
0xbb: {  	_ =	sfence.sel $0xFFFF  }
0xbc: {  	[dreg:$0x0] =	wrdreg $0xFFFFFFFF;
	(pc) =	sbr.abs _section_cstart, $3  }
0xbd: {  	[dreg:$0x1] =	wrdreg $0xFFFFFFFF  }
0xbe: {  	_ =	task.clear_ibuf [dreg:s4], $0x2FFFF;
	_ =	strace $0x9FFFFFFF  }
0xbf: {  	(tm) =	ssettm $0x7FFFFFFF  }
tec
execute0_lowered:
.L_overlay_start_1:
0x0: {  	(tag) =	ssettag $0x1  }
0x1: {  	s8 =	rddreg [dreg:$0x0]  }
0x2: {  	s0 =	rddreg [dreg:$0x1];
	_ =	strace $0x80000080  }
0x3: {  	s4 =	simm.s32 $0x1;
	s1 =	stileid.u32;
	s7 =	simm.s32 $0x1  }
0x4: {  	s9 =	simm.s32 $0x1;
	s6 =	simm.s32 $0x2;
	s10 =	simm.s32 $0x3  }
0x5: {  	s13 =	simm.s32 $0x0;
	s12 =	simm.s32 $0x0;
	s2 =	sadd.s32 $0x9EC00, s8  }
.Ltmp0:
0x6: {  	s3 =	sadd.s32 $0x95000, s8;
	p0 =	slt.u32 s1, $0xA;
	(pc) =	sbr.rel .LBB2_1-.Ltmp0, $4  }
0x7: {  	[sflag:s4] =	ssyncpa.u1 $0x0;
	s7 =	simm.s32 @!p0 $0x0;
	p0 =	sne.s32 s1, $0x9  }
0x8: {  	s5 =	smul.u32 $0x7D0, s1;
	[sflag:s6] =	ssyncpa.u1 $0x0;
	s9 =	simm.s32 @!p0 $0x0  }
0x9: {  	s8 =	sadd.s32 $0x86600, s8;
	[sflag:s10] =	ssyncpa.u1 $0x0;
	s7 =	sadd.s32 s9, s7  }
0xa: {  	vm0 =	vmmov $0xffff;
	s10 =	simm.s32 $0x0;
	s11 =	smov.u32 s5;
	s9 =	sadd.s32 $0x1, s7  }
.LBB2_4:
0xb: {  	v2 =	vnsel vm1, $0x0, v2  }
0xc: {  	vm1 =	vgt.s32 v0, $0x0;
	v2 =	vmin.u32 v2, $0x3FFFFF  }
0xd: {  	v0 =	vnsel vm1, $0x0, v0  }
0xe: {  	v0 =	vmin.u32 v0, $0x3FFFFF  }
0xf: {  	[tilespmem:s18], [sflag:$0x1] =	stream.indirect_vreg.gather [hbm4b:s2+s10], $0x1, v1, vm0, $0x4038;
	[tilespmem:$0x1F40] =	vst v63  }
0x10: {  	(ifvalue) =	ssetifvalue $0x7FFFFFFF  }
0x11: {  	[tilespmem:s15], [sflag:$0x1] =	stream.indirect_vreg.gather [hbm4b:s2+s10], $0x1, v2, vm0, $0x4038;
	[tilespmem:$0x1F40] =	vst v63  }
0x12: {  	s29 =	sadd.s32 $0x10, s15;
	(ifvalue) =	ssetifvalue $0x7FFFFFFF  }
0x13: {  	[tilespmem:s29], [sflag:$0x1] =	stream.indirect_vreg.gather [hbm4b:s2+s10], $0x1, v0, vm0, $0x4038;
	[tilespmem:$0x1F40] =	vst v63  }
0x14: {  	_ =	swait.ge [sflag:s4], $0x7D0  }
0x15: {  	s30 =	sshrl.u32 s13, $0x3;
	[sflag:s4] =	ssyncset.done $0x0  }
0x16: {  	s31 =	sand.u32 $0x7, s13;
	s15 =	sadd.s32 s8, s30;
	[sflag:s4] =	ssyncadd.s32 $0xFFFFF830  }
0x17: {  	[hbm4b:s15+s31] =	stream.linear.scatter [tilespmem:s14], [sflag:$0x3], $0x7D0, $0x38;
	[tilespmem:$0x1F40] =	vst v63  }
.LBB2_5:
0x18: {  	s15 =	sadd.s32 $0x7D00, s11  }
0x19: {  	p1 =	sgt.s32 s15, $0xC34F  }
0x1a: {  	s15 =	smov.u32 @p1 s5;
	p1 =	sne.s32 s12, s9  }
.Ltmp1:
0x1b: {  	p0 =	slt.u32 s12, $0x2;
	(pc) =	sbr.rel @!p1 .LBB2_6-.Ltmp1, $4  }
0x1c: {  	s14 =	simm.s32 @!p0 $0x3  }
0x1d: {  	_ =	swait.ge @!p0 [sflag:s14], $0x7D0  }
0x1e: {  	s16 =	sadd.s32 $0x1, s12;
	s13 =	smov.u32 s11;
	[sflag:s14] =	ssyncset.done @!p0 $0x0  }
0x1f: {  	s12 =	smov.u32 s16;
	s11 =	smov.u32 s15;
	[sflag:s14] =	ssyncadd.s32 @!p0 $0xFFFFF830  }
.LBB2_1:
0x20: {  	p0 =	sge.u32 s12, s7  }
0x21: {  	s14 =	sxor.u32 @!p0 $0x1, s12  }
0x22: {  	s14 =	smul.u32 @!p0 $0x1F40, s14  }
0x23: {  	s31 =	sadd.s32 $0xFFFFFFFF, s12;
	s15 =	sshrl.u32 @!p0 s11, $0x3  }
0x24: {  	s16 =	sand.u32 @!p0 $0x7, s11;
	s15 =	sadd.s32 @!p0 s3, s15;
	s14 =	sshra.s32 @!p0 s14, $0x2  }
0x25: {  	[tilespmem:s14], [sflag:$0x2] =	stream.linear.gather @!p0 [hbm4b:s15+s16], $0x7D0, $0x38;
	[tilespmem:$0x1F40] =	vst v63  }
0x26: {  	p0 =	sge.u32 s31, s7  }
.Ltmp2:
0x27: {  	_ = 	snop;
	(pc) =	sbr.rel @p0 .LBB2_5-.Ltmp2, $1  }
0x28: {  	_ =	sdelay $0x3  }
0x29: {  	s14 =	sand.u32 $0x1, s12  }
0x2a: {  	_ =	swait.ge [sflag:s6], $0x7D0;
	p0 =	seq.s32 s14, $0x1;
	s14 =	simm.s32 $0x7D0  }
0x2b: {  	[sflag:s6] =	ssyncset.done $0x0;
	s14 =	simm.s32 @!p0 $0x0  }
0x2c: {  	[sflag:s6] =	ssyncadd.s32 $0xFFFFF830;
	(ifvalue) =	ssetifvalue $0x7FFFFFFF;
	v0 =	vld.msk [tilespmem:s14+$0x0 ss:$0x1], $0xffff;
	_ =	sdelay $0x4  }
0x2d: {  	s15 =	sadd.s32 $0x10, s14;
	vm1 =	vgt.s32 v0, $0x0  }
0x2e: {  	v2 =	vld.msk [tilespmem:s15+$0x0 ss:$0x1], $0xffff;
	v1 =	vnsel vm1, $0x0, v0  }
0x2f: {  	v1 =	vmin.u32 v1, $0x3FFFFF;
	_ =	sdelay $0x2  }
0x30: {  	s17 =	simm.s32 $0x20;
	s14 =	sadd.s32 $0xFA0, s14;
	s16 =	sadd.s32 $0x10, s15  }
0x31: {  	s15 =	sadd.s32 $0x10, s14;
	s18 =	smov.u32 s14;
	v0 =	vld.msk [tilespmem:s16+$0x0 ss:$0x1], $0xffff;
	vm1 =	vgt.s32 v2, $0x0;
	(ifvalue) =	ssetifvalue $0x7FFFFFFF  }
.LBB2_3:
0x32: {  	[tilespmem:s18], [sflag:$0x1] =	stream.indirect_vreg.gather [hbm4b:s2+s10], $0x1, v1, vm0, $0x4038;
	[tilespmem:$0x1F40] =	vst v63  }
0x33: {  	s17 =	sadd.s32 $0x10, s17  }
0x34: {  	v2 =	vnsel vm1, $0x0, v2;
	p0 =	slt.u32 s17, $0x7C0  }
.Ltmp3:
0x35: {  	s18 =	smov.u32 s15;
	v1 =	vmin.u32 v2, $0x3FFFFF;
	(pc) =	sbr.rel @p0 .LBB2_3-.Ltmp3, $3  }
0x36: {  	_ =	sdelay $0x1  }
0x37: {  	s16 =	sadd.s32 $0x10, s16  }
0x38: {  	vm1 =	vgt.s32 v0, $0x0;
	s15 =	sadd.s32 $0x10, s15;
	v2 =	vmov v0;
	(ifvalue) =	ssetifvalue $0x7FFFFFFF;
	v0 =	vld.msk [tilespmem:s16+$0x0 ss:$0x1], $0xffff  }
.Ltmp4:
0x39: {  	_ = 	snop;
	(pc) =	sbr.rel .LBB2_4-.Ltmp4, $1  }
0x3a: {  	_ =	sdelay $0x3  }
.LBB2_6:
0x3b: {  	_ =	sfence.sel $0x180000  }
0x3c: {  	s2 =	simm.s32 $0x2;
	[bflag:$0x0] =	sbarrier.arrive $0xFFFF  }
0x3d: {  	s30 =	simm.s32 $0x3;
	[sflag:s2] =	ssyncpa.u1 $0x1  }
0x3e: {  	s31 =	simm.s32 $0x1;
	[sflag:s30] =	ssyncpa.u1 $0x1  }
0x3f: {  	[sflag:s31] =	ssyncpa.u1 $0x1  }
0x40: {  	p0 =	sne.s32 s1, $0x0;
	_ =	strace $0x90000080  }
0x41: {  	s0 =	sadd.s32 @!p0 $0x100000, s0;
	[bflag:$0x2] =	sbarrier.arrive $0xFFFF  }
0x42: {  	[sflag:s0] =	ssyncadd.tile.s32 @!p0 $0x1;
	_ =	shalt  }
.Lfunc_end2:
_tile_overlayer_lowered:
.L_overlay_start_2:
0x43: {  	(tag) =	ssettag $0x2  }
0x44: {  	s0 =	rddreg [dreg:$0x0];
	s2 =	stileid.u32  }
0x45: {  	s1 =	rddreg [dreg:$0x1];
	p0 =	sne.s32 s2, $0x0  }
0x46: {  	s3 =	rddreg [dreg:$0x2];
	[bflag:$0x3] =	sbarrier.arrive $0xFFFF;
	s2 =	simm.s32 @!p0 $0x1C01  }
0x47: {  	[timem:s3], [sflag:s2] =	dma.local @!p0 [hbm:s0], s1  }
0x48: {  	s0 =	simm.s32 @!p0 $0x1  }
0x49: {  	_ =	swait.ge @!p0 [sflag:s0], s1  }
0x4a: {  	s1 =	ssub.s32 @!p0 $0x0, s1;
	[sflag:s0] =	ssyncset.done @!p0 $0x0  }
0x4b: {  	[sflag:s0] =	ssyncadd.s32 @!p0 s1  }
0x4c: {  	[bflag:$0x3] =	sbarrier.arrive $0xFFFF  }
0x4d: {  	_ =	shalt  }

// kernel: gather_offload_async_start.17
scs
__scs_entry_jumppad:
0x0: {  	(pc) =	sbr.rel $0x88, $3  }
0x1: {  	(tag) =	ssettag $0x0;
	lr =	simm.s32 $0x1  }
0x2: {  	[smem:$0x3F9C] =	sst lr;
	_ =	strace $0xD0000000  }
0x3: {  	_ = 	snop  }
0x4: {  	_ = 	snop  }
0x5: {  	_ = 	snop  }
0x6: {  	_ = 	snop  }
0x7: {  	_ = 	snop  }
__scs_overlays_trampoline_lowered:
0x8: {  	[smem:$0x3FAB] =	sst s0  }
0x9: {  	[smem:$0x3FAC] =	sst s1  }
0xa: {  	[smem:$0x3FAD] =	sst s2  }
0xb: {  	[smem:$0x3FAE] =	sst s3  }
0xc: {  	[smem:$0x3FAF] =	sst s4  }
0xd: {  	[smem:$0x3FB0] =	sst s5  }
0xe: {  	[smem:$0x3FB1] =	sst s6  }
0xf: {  	[smem:$0x3FB2] =	sst s7  }
0x10: {  	[smem:$0x3FB3] =	sst s8  }
0x11: {  	[smem:$0x3FB4] =	sst s9;
	s0 =	simm.s32 @!p0 $0x0  }
0x12: {  	s1 =	sld [smem:$0x3F9A];
	s0 =	simm.s32 @p0 $0x1  }
0x13: {  	[smem:$0x3FB5] =	sst s0;
	s0 =	simm.s32 @!p1 $0x0  }
0x14: {  	s2 =	sld [smem:$0x3F99];
	s0 =	simm.s32 @p1 $0x1  }
0x15: {  	[smem:$0x3FB6] =	sst s0;
	s0 =	simm.s32 @!p2 $0x0  }
0x16: {  	s3 =	sld [smem:$0x3FDB];
	s0 =	simm.s32 @p2 $0x1  }
0x17: {  	s4 =	simm.s32 $0x1BF5;
	[smem:$0x3FB8] =	sst s0  }
0x18: {  	s0 =	sld [smem:$0x3F9B];
	_ =	swait.ge [sflag:s4], $0x0  }
0x19: {  	s7 =	sld [smem:$0x3F9C]  }
0x1a: {  	s8 =	sadd.s32 $0xFFFFE003, lr  }
0x1b: {  	s9 =	sadd.s32 $0xFFFFFEF7, lr;
	s5 =	simm.s32 $0xFFFFFFFF;
	p2 =	slt.u32 s8, $0xFFFFF086  }
0x1c: {  	p1 =	slt.u32 s9, $0xF7A;
	s5 =	simm.s32 @!p2 $0x0  }
0x1d: {  	s5 =	simm.s32 @p1 $0x1;
	p0 =	seq.s32 s7, s2  }
0x1e: {  	s7 =	smul.u32 @!p0 $0xF7A, s2;
	p2 =	seq.s32 @!p0 s5, $0x0  }
0x1f: {  	s9 =	smul.u32 $0xF7A, s1;
	s8 =	simm.s32 @!p0 $0x1BF5;
	p2 =	por !p2, p0  }
0x20: {  	[sflag:s8] =	ssyncset.s32 @!p0 $0xFFFFF086;
	s6 =	sadd.s32 @!p0 s3, s7;
	s7 =	simm.s32 @!p0 $0x108  }
0x21: {  	s3 =	sadd.s32 s3, s9;
	s6 =	sadd.s32 @!p0 $0x88, s6;
	s7 =	simm.s32 @p2 $0x1082  }
0x22: {  	[simem:s7], [sflag:s8] =	dma.local @!p0 [hbm:s6], $0xF7A  }
0x23: {  	s9 =	sor.u32 $0xD0000000, s2;
	s6 =	simm.s32 $0x108;
	_ =	swait.ge @!p0 [sflag:s8], $0x0  }
0x24: {  	s3 =	sadd.s32 $0x88, s3;
	s6 =	simm.s32 @!p1 $0x1082;
	[sflag:s4] =	ssyncset.s32 $0xFFFFF086  }
0x25: {  	[simem:s6], [sflag:s4] =	dma.local [hbm:s3], $0xF7A  }
0x26: {  	[smem:$0x3F9C] =	sst s1;
	(tag) =	ssettag s2;
	_ =	strace s9  }
0x27: {  	s1 =	sld [smem:$0x3FAC]  }
0x28: {  	s2 =	sld [smem:$0x3FAD]  }
0x29: {  	s4 =	sld [smem:$0x3FAF]  }
0x2a: {  	p0 =	seq.s32 s5, $0x0;
	s5 =	sld [smem:$0x3FB0]  }
0x2b: {  	s6 =	sld [smem:$0x3FB1]  }
0x2c: {  	s7 =	sld [smem:$0x3FB2]  }
0x2d: {  	s3 =	simm.s32 $0x108;
	s8 =	sld [smem:$0x3FB3]  }
0x2e: {  	s3 =	simm.s32 @!p0 $0x1082;
	s9 =	sld [smem:$0x3FB4]  }
0x2f: {  	lr =	sadd.s32 s0, s3;
	s0 =	sld [smem:$0x3FAB]  }
0x30: {  	s3 =	sld [smem:$0x3FAE]  }
0x31: {  	[smem:$0x3FB7] =	sst s10  }
0x32: {  	s10 =	sld [smem:$0x3FB5];
	_ =	sdelay $0x3  }
0x33: {  	p0 =	seq.s32 s10, $0x1;
	s10 =	sld [smem:$0x3FB7];
	_ =	sdelay $0x3  }
0x34: {  	[smem:$0x3FB7] =	sst s10  }
0x35: {  	s10 =	sld [smem:$0x3FB6];
	_ =	sdelay $0x3  }
0x36: {  	p1 =	seq.s32 s10, $0x1;
	s10 =	sld [smem:$0x3FB7];
	_ =	sdelay $0x3  }
0x37: {  	[smem:$0x3FB7] =	sst s10  }
0x38: {  	s10 =	sld [smem:$0x3FB8]  }
0x39: {  	_ = 	snop;
	(pc) =	sbr.ind lr, $3  }
0x3a: {  	_ = 	snop  }
0x3b: {  	_ = 	snop  }
0x3c: {  	p2 =	seq.s32 s10, $0x1;
	s10 =	sld [smem:$0x3FB7]  }
0x3d: {  	_ =	shalt  }
0x3e: {  	_ =	shalt  }
0x3f: {  	_ =	shalt  }
0x40: {  	_ =	shalt  }
0x41: {  	_ =	shalt  }
0x42: {  	_ =	shalt  }
0x43: {  	_ =	shalt  }
0x44: {  	_ =	shalt  }
0x45: {  	_ =	shalt  }
0x46: {  	_ =	shalt  }
0x47: {  	_ =	shalt  }
0x48: {  	_ =	shalt  }
0x49: {  	_ =	shalt  }
0x4a: {  	_ =	shalt  }
0x4b: {  	_ =	shalt  }
0x4c: {  	_ =	shalt  }
0x4d: {  	_ =	shalt  }
0x4e: {  	_ =	shalt  }
0x4f: {  	_ =	shalt  }
0x50: {  	_ =	shalt  }
0x51: {  	_ =	shalt  }
0x52: {  	_ =	shalt  }
0x53: {  	_ =	shalt  }
0x54: {  	_ =	shalt  }
0x55: {  	_ =	shalt  }
0x56: {  	_ =	shalt  }
0x57: {  	_ =	shalt  }
0x58: {  	_ =	shalt  }
0x59: {  	_ =	shalt  }
0x5a: {  	_ =	shalt  }
0x5b: {  	_ =	shalt  }
0x5c: {  	_ =	shalt  }
0x5d: {  	_ =	shalt  }
0x5e: {  	_ =	shalt  }
0x5f: {  	_ =	shalt  }
0x60: {  	_ =	shalt  }
0x61: {  	_ =	shalt  }
0x62: {  	_ =	shalt  }
0x63: {  	_ =	shalt  }
0x64: {  	_ =	shalt  }
0x65: {  	_ =	shalt  }
0x66: {  	_ =	shalt  }
0x67: {  	_ =	shalt  }
0x68: {  	_ =	shalt  }
0x69: {  	_ =	shalt  }
0x6a: {  	_ =	shalt  }
0x6b: {  	_ =	shalt  }
0x6c: {  	_ =	shalt  }
0x6d: {  	_ =	shalt  }
0x6e: {  	_ =	shalt  }
0x6f: {  	_ =	shalt  }
0x70: {  	_ =	shalt  }
0x71: {  	_ =	shalt  }
0x72: {  	_ =	shalt  }
0x73: {  	_ =	shalt  }
0x74: {  	_ =	shalt  }
0x75: {  	_ =	shalt  }
0x76: {  	_ =	shalt  }
0x77: {  	_ =	shalt  }
0x78: {  	_ =	shalt  }
0x79: {  	_ =	shalt  }
0x7a: {  	_ =	shalt  }
0x7b: {  	_ =	shalt  }
0x7c: {  	_ =	shalt  }
0x7d: {  	_ =	shalt  }
0x7e: {  	_ =	shalt  }
0x7f: {  	_ =	shalt  }
0x80: {  	_ =	shalt  }
0x81: {  	_ =	shalt  }
0x82: {  	_ =	shalt  }
0x83: {  	_ =	shalt  }
0x84: {  	_ =	shalt  }
0x85: {  	_ =	shalt  }
0x86: {  	_ =	shalt  }
0x87: {  	_ =	shalt  }
.Lfunc_end0:
.L_simem_size_0:
called_computation.17_lowered:
.L_overlay_start_0:
0x88: {  	s0 =	sld [smem:$0x3FD9]  }
0x89: {  	s1 =	sld [smem:$0x3FFE];
	_ =	sdelay $0x3  }
0x8a: {  	s0 =	sadd.s32 s1, s0  }
0x8b: {  	[smem:$0x3FC3] =	sst s0  }
0x8c: {  	_ = 	snop  }
0x8d: {  	(tm) =	ssettm $0x1  }
0x8e: {  	s15 =	sld [smem:$0x3FFB];
	_ =	sdelay $0x3  }
0x8f: {  	_ =	strace s15  }
0x90: {  	s0 =	sld [smem:$0x3FFC];
	_ =	sdelay $0x3  }
0x91: {  	_ =	strace s0  }
0x92: {  	s0 =	sld [smem:$0x3FFD];
	_ =	sdelay $0x3  }
0x93: {  	_ =	strace s0  }
0x94: {  	_ =	strace $0x8FFFFFFF  }
0x95: {  	s16 =	sld [smem:$0x3FDB];
	_ =	sdelay $0x1  }
0x96: {  	s17 =	simm.s32 $_scs_section_size  }
0x97: {  	s2 =	simm.s32 $_size__tile_overlayer_lowered;
	s3 =	simm.s32 $_tile_overlayer_lowered  }
0x98: {  	s20 =	simm.s32 $0x1BFF;
	s19 =	sshll.u32 s3, $0x1;
	s0 =	sadd.s32 s17, s16  }
0x99: {  	s4 =	simm.s32 $0x0;
	s18 =	sshll.u32 s2, $0x1;
	s2 =	sadd.s32 s19, s0  }
0x9a: {  	[timem:s4], [sflag:s20] =	dma.local [hbm:s2], s18  }
0x9b: {  	_ =	swait.ge [sflag:s20], s18  }
0x9c: {  	s1 =	ssub.s32 $0x0, s18;
	[sflag:s20] =	ssyncset.done $0x0  }
0x9d: {  	[sflag:s20] =	ssyncadd.s32 s1;
	_ =	sdelay $0x1  }
0x9e: {  	s21 =	simm.s32 $0x1B8B  }
0x9f: {  	_ =	swait.ge [sflag:s21], $0x1  }
0xa0: {  	[sflag:s21] =	ssyncset.done $0x0  }
0xa1: {  	s23 =	simm.s32 $0x1B8E;
	s22 =	sld [smem:$0x3FFE];
	[sflag:s21] =	ssyncadd.s32 $0xFFFFFFFF  }
0xa2: {  	s24 =	simm.s32 $execute0_lowered;
	[smem:$0x3FD2] =	sst s23  }
0xa3: {  	s2 =	sshll.u32 s24, $0x1;
	_ =	strace $0x80000082;
	[dreg:$0x1] =	wrdreg $0xFFFFFFFF  }
0xa4: {  	s25 =	simm.s32 $_size_execute0_lowered;
	s0 =	sadd.s32 s0, s2;
	[dreg:$0x0] =	wrdreg $0x0  }
0xa5: {  	s2 =	sshll.u32 s25, $0x1;
	[dreg:$0x2] =	wrdreg s0  }
0xa6: {  	[dreg:$0x3] =	wrdreg s2  }
0xa7: {  	[dreg:$0x4] =	wrdreg $0xC0  }
0xa8: {  	_ =	task [dreg:s4], $0x5FFFF  }
0xa9: {  	[dreg:$0x1] =	wrdreg $0xFFFFFFFF  }
0xaa: {  	[dreg:$0x0] =	wrdreg $0x60  }
0xab: {  	[dreg:$0x2] =	wrdreg s22  }
0xac: {  	[dreg:$0x3] =	wrdreg $0x9  }
0xad: {  	_ =	task.clear_ibuf [dreg:s4], $0x4FFFF;
	_ =	strace $0x90000082  }
0xae: {  	s26 =	simm.s32 $0x9;
	_ =	strace $0x80000084  }
0xaf: {  	_ =	swait.ge [sflag:s26], $0x1  }
0xb0: {  	[sflag:s26] =	ssyncadd.s32 $0xFFFFFFFF  }
0xb1: {  	_ =	strace $0x90000084  }
0xb2: {  	_ =	sfence  }
0xb3: {  	s28 =	sld [smem:$0x0];
	_ =	sdelay $0x1  }
0xb4: {  	s29 =	srdreg.scid  }
0xb5: {  	s30 =	sshll.u32 s29, $0xD;
	s31 =	sshrl.u32 s29, $0x2  }
0xb6: {  	s1 =	sand.u32 $0x1, s29;
	s2 =	sand.u32 $0x4000, s30;
	s0 =	sadd.s32 s31, s28  }
0xb7: {  	s1 =	sor.u32 s2, s1;
	s0 =	sshll.u32 s0, $0x11  }
0xb8: {  	s0 =	sor.u32 s0, s1  }
0xb9: {  	s0 =	sadd.s32 $0x8F2B, s0  }
0xba: {  	[sflag:s0] =	ssyncadd.remote.s32 $0x1  }
0xbb: {  	_ =	sfence.sel $0xFFFF  }
0xbc: {  	[dreg:$0x0] =	wrdreg $0xFFFFFFFF;
	(pc) =	sbr.abs _section_cstart, $3  }
0xbd: {  	[dreg:$0x1] =	wrdreg $0xFFFFFFFF  }
0xbe: {  	_ =	task.clear_ibuf [dreg:s4], $0x2FFFF;
	_ =	strace $0x9FFFFFFF  }
0xbf: {  	(tm) =	ssettm $0x7FFFFFFF  }
tec
execute0_lowered:
.L_overlay_start_1:
0x0: {  	(tag) =	ssettag $0x1  }
0x1: {  	s8 =	rddreg [dreg:$0x0]  }
0x2: {  	s0 =	rddreg [dreg:$0x1];
	_ =	strace $0x80000083  }
0x3: {  	s4 =	simm.s32 $0x1;
	s1 =	stileid.u32;
	s7 =	simm.s32 $0x1  }
0x4: {  	s9 =	simm.s32 $0x1;
	s6 =	simm.s32 $0x2;
	s10 =	simm.s32 $0x3  }
0x5: {  	s13 =	simm.s32 $0x0;
	s12 =	simm.s32 $0x0;
	s2 =	sadd.s32 $0x9EC00, s8  }
.Ltmp0:
0x6: {  	s3 =	sadd.s32 $0x90200, s8;
	p0 =	slt.u32 s1, $0xA;
	(pc) =	sbr.rel .LBB2_1-.Ltmp0, $4  }
0x7: {  	[sflag:s4] =	ssyncpa.u1 $0x0;
	s7 =	simm.s32 @!p0 $0x0;
	p0 =	sne.s32 s1, $0x9  }
0x8: {  	s5 =	smul.u32 $0x7D0, s1;
	[sflag:s6] =	ssyncpa.u1 $0x0;
	s9 =	simm.s32 @!p0 $0x0  }
0x9: {  	s8 =	sadd.s32 $0x95000, s8;
	[sflag:s10] =	ssyncpa.u1 $0x0;
	s7 =	sadd.s32 s9, s7  }
0xa: {  	vm0 =	vmmov $0xffff;
	s10 =	simm.s32 $0x0;
	s11 =	smov.u32 s5;
	s9 =	sadd.s32 $0x1, s7  }
.LBB2_4:
0xb: {  	v2 =	vnsel vm1, $0x0, v2  }
0xc: {  	vm1 =	vgt.s32 v0, $0x0;
	v2 =	vmin.u32 v2, $0x3FFFFF  }
0xd: {  	v0 =	vnsel vm1, $0x0, v0  }
0xe: {  	v0 =	vmin.u32 v0, $0x3FFFFF  }
0xf: {  	[tilespmem:s18], [sflag:$0x1] =	stream.indirect_vreg.gather [hbm4b:s2+s10], $0x1, v1, vm0, $0x4038;
	[tilespmem:$0x1F40] =	vst v63  }
0x10: {  	(ifvalue) =	ssetifvalue $0x7FFFFFFF  }
0x11: {  	[tilespmem:s15], [sflag:$0x1] =	stream.indirect_vreg.gather [hbm4b:s2+s10], $0x1, v2, vm0, $0x4038;
	[tilespmem:$0x1F40] =	vst v63  }
0x12: {  	s29 =	sadd.s32 $0x10, s15;
	(ifvalue) =	ssetifvalue $0x7FFFFFFF  }
0x13: {  	[tilespmem:s29], [sflag:$0x1] =	stream.indirect_vreg.gather [hbm4b:s2+s10], $0x1, v0, vm0, $0x4038;
	[tilespmem:$0x1F40] =	vst v63  }
0x14: {  	_ =	swait.ge [sflag:s4], $0x7D0  }
0x15: {  	s30 =	sshrl.u32 s13, $0x3;
	[sflag:s4] =	ssyncset.done $0x0  }
0x16: {  	s31 =	sand.u32 $0x7, s13;
	s15 =	sadd.s32 s8, s30;
	[sflag:s4] =	ssyncadd.s32 $0xFFFFF830  }
0x17: {  	[hbm4b:s15+s31] =	stream.linear.scatter [tilespmem:s14], [sflag:$0x3], $0x7D0, $0x38;
	[tilespmem:$0x1F40] =	vst v63  }
.LBB2_5:
0x18: {  	s15 =	sadd.s32 $0x7D00, s11  }
0x19: {  	p1 =	sgt.s32 s15, $0xC34F  }
0x1a: {  	s15 =	smov.u32 @p1 s5;
	p1 =	sne.s32 s12, s9  }
.Ltmp1:
0x1b: {  	p0 =	slt.u32 s12, $0x2;
	(pc) =	sbr.rel @!p1 .LBB2_6-.Ltmp1, $4  }
0x1c: {  	s14 =	simm.s32 @!p0 $0x3  }
0x1d: {  	_ =	swait.ge @!p0 [sflag:s14], $0x7D0  }
0x1e: {  	s16 =	sadd.s32 $0x1, s12;
	s13 =	smov.u32 s11;
	[sflag:s14] =	ssyncset.done @!p0 $0x0  }
0x1f: {  	s12 =	smov.u32 s16;
	s11 =	smov.u32 s15;
	[sflag:s14] =	ssyncadd.s32 @!p0 $0xFFFFF830  }
.LBB2_1:
0x20: {  	p0 =	sge.u32 s12, s7  }
0x21: {  	s14 =	sxor.u32 @!p0 $0x1, s12  }
0x22: {  	s14 =	smul.u32 @!p0 $0x1F40, s14  }
0x23: {  	s31 =	sadd.s32 $0xFFFFFFFF, s12;
	s15 =	sshrl.u32 @!p0 s11, $0x3  }
0x24: {  	s16 =	sand.u32 @!p0 $0x7, s11;
	s15 =	sadd.s32 @!p0 s3, s15;
	s14 =	sshra.s32 @!p0 s14, $0x2  }
0x25: {  	[tilespmem:s14], [sflag:$0x2] =	stream.linear.gather @!p0 [hbm4b:s15+s16], $0x7D0, $0x38;
	[tilespmem:$0x1F40] =	vst v63  }
0x26: {  	p0 =	sge.u32 s31, s7  }
.Ltmp2:
0x27: {  	_ = 	snop;
	(pc) =	sbr.rel @p0 .LBB2_5-.Ltmp2, $1  }
0x28: {  	_ =	sdelay $0x3  }
0x29: {  	s14 =	sand.u32 $0x1, s12  }
0x2a: {  	_ =	swait.ge [sflag:s6], $0x7D0;
	p0 =	seq.s32 s14, $0x1;
	s14 =	simm.s32 $0x7D0  }
0x2b: {  	[sflag:s6] =	ssyncset.done $0x0;
	s14 =	simm.s32 @!p0 $0x0  }
0x2c: {  	[sflag:s6] =	ssyncadd.s32 $0xFFFFF830;
	(ifvalue) =	ssetifvalue $0x7FFFFFFF;
	v0 =	vld.msk [tilespmem:s14+$0x0 ss:$0x1], $0xffff;
	_ =	sdelay $0x4  }
0x2d: {  	s15 =	sadd.s32 $0x10, s14;
	vm1 =	vgt.s32 v0, $0x0  }
0x2e: {  	v2 =	vld.msk [tilespmem:s15+$0x0 ss:$0x1], $0xffff;
	v1 =	vnsel vm1, $0x0, v0  }
0x2f: {  	v1 =	vmin.u32 v1, $0x3FFFFF;
	_ =	sdelay $0x2  }
0x30: {  	s17 =	simm.s32 $0x20;
	s14 =	sadd.s32 $0xFA0, s14;
	s16 =	sadd.s32 $0x10, s15  }
0x31: {  	s15 =	sadd.s32 $0x10, s14;
	s18 =	smov.u32 s14;
	v0 =	vld.msk [tilespmem:s16+$0x0 ss:$0x1], $0xffff;
	vm1 =	vgt.s32 v2, $0x0;
	(ifvalue) =	ssetifvalue $0x7FFFFFFF  }
.LBB2_3:
0x32: {  	[tilespmem:s18], [sflag:$0x1] =	stream.indirect_vreg.gather [hbm4b:s2+s10], $0x1, v1, vm0, $0x4038;
	[tilespmem:$0x1F40] =	vst v63  }
0x33: {  	s17 =	sadd.s32 $0x10, s17  }
0x34: {  	v2 =	vnsel vm1, $0x0, v2;
	p0 =	slt.u32 s17, $0x7C0  }
.Ltmp3:
0x35: {  	s18 =	smov.u32 s15;
	v1 =	vmin.u32 v2, $0x3FFFFF;
	(pc) =	sbr.rel @p0 .LBB2_3-.Ltmp3, $3  }
0x36: {  	_ =	sdelay $0x1  }
0x37: {  	s16 =	sadd.s32 $0x10, s16  }
0x38: {  	vm1 =	vgt.s32 v0, $0x0;
	s15 =	sadd.s32 $0x10, s15;
	v2 =	vmov v0;
	(ifvalue) =	ssetifvalue $0x7FFFFFFF;
	v0 =	vld.msk [tilespmem:s16+$0x0 ss:$0x1], $0xffff  }
.Ltmp4:
0x39: {  	_ = 	snop;
	(pc) =	sbr.rel .LBB2_4-.Ltmp4, $1  }
0x3a: {  	_ =	sdelay $0x3  }
.LBB2_6:
0x3b: {  	_ =	sfence.sel $0x180000  }
0x3c: {  	s2 =	simm.s32 $0x2;
	[bflag:$0x0] =	sbarrier.arrive $0xFFFF  }
0x3d: {  	s30 =	simm.s32 $0x3;
	[sflag:s2] =	ssyncpa.u1 $0x1  }
0x3e: {  	s31 =	simm.s32 $0x1;
	[sflag:s30] =	ssyncpa.u1 $0x1  }
0x3f: {  	[sflag:s31] =	ssyncpa.u1 $0x1  }
0x40: {  	p0 =	sne.s32 s1, $0x0;
	_ =	strace $0x90000083  }
0x41: {  	s0 =	sadd.s32 @!p0 $0x100000, s0;
	[bflag:$0x2] =	sbarrier.arrive $0xFFFF  }
0x42: {  	[sflag:s0] =	ssyncadd.tile.s32 @!p0 $0x1;
	_ =	shalt  }
.Lfunc_end2:
_tile_overlayer_lowered:
.L_overlay_start_2:
0x43: {  	(tag) =	ssettag $0x2  }
0x44: {  	s0 =	rddreg [dreg:$0x0];
	s2 =	stileid.u32  }
0x45: {  	s1 =	rddreg [dreg:$0x1];
	p0 =	sne.s32 s2, $0x0  }
0x46: {  	s3 =	rddreg [dreg:$0x2];
	[bflag:$0x3] =	sbarrier.arrive $0xFFFF;
	s2 =	simm.s32 @!p0 $0x1C01  }
0x47: {  	[timem:s3], [sflag:s2] =	dma.local @!p0 [hbm:s0], s1  }
0x48: {  	s0 =	simm.s32 @!p0 $0x1  }
0x49: {  	_ =	swait.ge @!p0 [sflag:s0], s1  }
0x4a: {  	s1 =	ssub.s32 @!p0 $0x0, s1;
	[sflag:s0] =	ssyncset.done @!p0 $0x0  }
0x4b: {  	[sflag:s0] =	ssyncadd.s32 @!p0 s1  }
0x4c: {  	[bflag:$0x3] =	sbarrier.arrive $0xFFFF  }
0x4d: {  	_ =	shalt  }

// kernel: gather_offload_async_start.18
scs
__scs_entry_jumppad:
0x0: {  	(pc) =	sbr.rel $0x88, $3  }
0x1: {  	(tag) =	ssettag $0x0;
	lr =	simm.s32 $0x1  }
0x2: {  	[smem:$0x3F9C] =	sst lr;
	_ =	strace $0xD0000000  }
0x3: {  	_ = 	snop  }
0x4: {  	_ = 	snop  }
0x5: {  	_ = 	snop  }
0x6: {  	_ = 	snop  }
0x7: {  	_ = 	snop  }
__scs_overlays_trampoline_lowered:
0x8: {  	[smem:$0x3FAB] =	sst s0  }
0x9: {  	[smem:$0x3FAC] =	sst s1  }
0xa: {  	[smem:$0x3FAD] =	sst s2  }
0xb: {  	[smem:$0x3FAE] =	sst s3  }
0xc: {  	[smem:$0x3FAF] =	sst s4  }
0xd: {  	[smem:$0x3FB0] =	sst s5  }
0xe: {  	[smem:$0x3FB1] =	sst s6  }
0xf: {  	[smem:$0x3FB2] =	sst s7  }
0x10: {  	[smem:$0x3FB3] =	sst s8  }
0x11: {  	[smem:$0x3FB4] =	sst s9;
	s0 =	simm.s32 @!p0 $0x0  }
0x12: {  	s1 =	sld [smem:$0x3F9A];
	s0 =	simm.s32 @p0 $0x1  }
0x13: {  	[smem:$0x3FB5] =	sst s0;
	s0 =	simm.s32 @!p1 $0x0  }
0x14: {  	s2 =	sld [smem:$0x3F99];
	s0 =	simm.s32 @p1 $0x1  }
0x15: {  	[smem:$0x3FB6] =	sst s0;
	s0 =	simm.s32 @!p2 $0x0  }
0x16: {  	s3 =	sld [smem:$0x3FDB];
	s0 =	simm.s32 @p2 $0x1  }
0x17: {  	s4 =	simm.s32 $0x1BF5;
	[smem:$0x3FB8] =	sst s0  }
0x18: {  	s0 =	sld [smem:$0x3F9B];
	_ =	swait.ge [sflag:s4], $0x0  }
0x19: {  	s7 =	sld [smem:$0x3F9C]  }
0x1a: {  	s8 =	sadd.s32 $0xFFFFE003, lr  }
0x1b: {  	s9 =	sadd.s32 $0xFFFFFEF7, lr;
	s5 =	simm.s32 $0xFFFFFFFF;
	p2 =	slt.u32 s8, $0xFFFFF086  }
0x1c: {  	p1 =	slt.u32 s9, $0xF7A;
	s5 =	simm.s32 @!p2 $0x0  }
0x1d: {  	s5 =	simm.s32 @p1 $0x1;
	p0 =	seq.s32 s7, s2  }
0x1e: {  	s7 =	smul.u32 @!p0 $0xF7A, s2;
	p2 =	seq.s32 @!p0 s5, $0x0  }
0x1f: {  	s9 =	smul.u32 $0xF7A, s1;
	s8 =	simm.s32 @!p0 $0x1BF5;
	p2 =	por !p2, p0  }
0x20: {  	[sflag:s8] =	ssyncset.s32 @!p0 $0xFFFFF086;
	s6 =	sadd.s32 @!p0 s3, s7;
	s7 =	simm.s32 @!p0 $0x108  }
0x21: {  	s3 =	sadd.s32 s3, s9;
	s6 =	sadd.s32 @!p0 $0x88, s6;
	s7 =	simm.s32 @p2 $0x1082  }
0x22: {  	[simem:s7], [sflag:s8] =	dma.local @!p0 [hbm:s6], $0xF7A  }
0x23: {  	s9 =	sor.u32 $0xD0000000, s2;
	s6 =	simm.s32 $0x108;
	_ =	swait.ge @!p0 [sflag:s8], $0x0  }
0x24: {  	s3 =	sadd.s32 $0x88, s3;
	s6 =	simm.s32 @!p1 $0x1082;
	[sflag:s4] =	ssyncset.s32 $0xFFFFF086  }
0x25: {  	[simem:s6], [sflag:s4] =	dma.local [hbm:s3], $0xF7A  }
0x26: {  	[smem:$0x3F9C] =	sst s1;
	(tag) =	ssettag s2;
	_ =	strace s9  }
0x27: {  	s1 =	sld [smem:$0x3FAC]  }
0x28: {  	s2 =	sld [smem:$0x3FAD]  }
0x29: {  	s4 =	sld [smem:$0x3FAF]  }
0x2a: {  	p0 =	seq.s32 s5, $0x0;
	s5 =	sld [smem:$0x3FB0]  }
0x2b: {  	s6 =	sld [smem:$0x3FB1]  }
0x2c: {  	s7 =	sld [smem:$0x3FB2]  }
0x2d: {  	s3 =	simm.s32 $0x108;
	s8 =	sld [smem:$0x3FB3]  }
0x2e: {  	s3 =	simm.s32 @!p0 $0x1082;
	s9 =	sld [smem:$0x3FB4]  }
0x2f: {  	lr =	sadd.s32 s0, s3;
	s0 =	sld [smem:$0x3FAB]  }
0x30: {  	s3 =	sld [smem:$0x3FAE]  }
0x31: {  	[smem:$0x3FB7] =	sst s10  }
0x32: {  	s10 =	sld [smem:$0x3FB5];
	_ =	sdelay $0x3  }
0x33: {  	p0 =	seq.s32 s10, $0x1;
	s10 =	sld [smem:$0x3FB7];
	_ =	sdelay $0x3  }
0x34: {  	[smem:$0x3FB7] =	sst s10  }
0x35: {  	s10 =	sld [smem:$0x3FB6];
	_ =	sdelay $0x3  }
0x36: {  	p1 =	seq.s32 s10, $0x1;
	s10 =	sld [smem:$0x3FB7];
	_ =	sdelay $0x3  }
0x37: {  	[smem:$0x3FB7] =	sst s10  }
0x38: {  	s10 =	sld [smem:$0x3FB8]  }
0x39: {  	_ = 	snop;
	(pc) =	sbr.ind lr, $3  }
0x3a: {  	_ = 	snop  }
0x3b: {  	_ = 	snop  }
0x3c: {  	p2 =	seq.s32 s10, $0x1;
	s10 =	sld [smem:$0x3FB7]  }
0x3d: {  	_ =	shalt  }
0x3e: {  	_ =	shalt  }
0x3f: {  	_ =	shalt  }
0x40: {  	_ =	shalt  }
0x41: {  	_ =	shalt  }
0x42: {  	_ =	shalt  }
0x43: {  	_ =	shalt  }
0x44: {  	_ =	shalt  }
0x45: {  	_ =	shalt  }
0x46: {  	_ =	shalt  }
0x47: {  	_ =	shalt  }
0x48: {  	_ =	shalt  }
0x49: {  	_ =	shalt  }
0x4a: {  	_ =	shalt  }
0x4b: {  	_ =	shalt  }
0x4c: {  	_ =	shalt  }
0x4d: {  	_ =	shalt  }
0x4e: {  	_ =	shalt  }
0x4f: {  	_ =	shalt  }
0x50: {  	_ =	shalt  }
0x51: {  	_ =	shalt  }
0x52: {  	_ =	shalt  }
0x53: {  	_ =	shalt  }
0x54: {  	_ =	shalt  }
0x55: {  	_ =	shalt  }
0x56: {  	_ =	shalt  }
0x57: {  	_ =	shalt  }
0x58: {  	_ =	shalt  }
0x59: {  	_ =	shalt  }
0x5a: {  	_ =	shalt  }
0x5b: {  	_ =	shalt  }
0x5c: {  	_ =	shalt  }
0x5d: {  	_ =	shalt  }
0x5e: {  	_ =	shalt  }
0x5f: {  	_ =	shalt  }
0x60: {  	_ =	shalt  }
0x61: {  	_ =	shalt  }
0x62: {  	_ =	shalt  }
0x63: {  	_ =	shalt  }
0x64: {  	_ =	shalt  }
0x65: {  	_ =	shalt  }
0x66: {  	_ =	shalt  }
0x67: {  	_ =	shalt  }
0x68: {  	_ =	shalt  }
0x69: {  	_ =	shalt  }
0x6a: {  	_ =	shalt  }
0x6b: {  	_ =	shalt  }
0x6c: {  	_ =	shalt  }
0x6d: {  	_ =	shalt  }
0x6e: {  	_ =	shalt  }
0x6f: {  	_ =	shalt  }
0x70: {  	_ =	shalt  }
0x71: {  	_ =	shalt  }
0x72: {  	_ =	shalt  }
0x73: {  	_ =	shalt  }
0x74: {  	_ =	shalt  }
0x75: {  	_ =	shalt  }
0x76: {  	_ =	shalt  }
0x77: {  	_ =	shalt  }
0x78: {  	_ =	shalt  }
0x79: {  	_ =	shalt  }
0x7a: {  	_ =	shalt  }
0x7b: {  	_ =	shalt  }
0x7c: {  	_ =	shalt  }
0x7d: {  	_ =	shalt  }
0x7e: {  	_ =	shalt  }
0x7f: {  	_ =	shalt  }
0x80: {  	_ =	shalt  }
0x81: {  	_ =	shalt  }
0x82: {  	_ =	shalt  }
0x83: {  	_ =	shalt  }
0x84: {  	_ =	shalt  }
0x85: {  	_ =	shalt  }
0x86: {  	_ =	shalt  }
0x87: {  	_ =	shalt  }
.Lfunc_end0:
.L_simem_size_0:
called_computation.18_lowered:
.L_overlay_start_0:
0x88: {  	s0 =	sld [smem:$0x3FD9]  }
0x89: {  	s1 =	sld [smem:$0x3FFE];
	_ =	sdelay $0x3  }
0x8a: {  	s0 =	sadd.s32 s1, s0  }
0x8b: {  	[smem:$0x3FC3] =	sst s0  }
0x8c: {  	_ = 	snop  }
0x8d: {  	(tm) =	ssettm $0x1  }
0x8e: {  	s15 =	sld [smem:$0x3FFB];
	_ =	sdelay $0x3  }
0x8f: {  	_ =	strace s15  }
0x90: {  	s0 =	sld [smem:$0x3FFC];
	_ =	sdelay $0x3  }
0x91: {  	_ =	strace s0  }
0x92: {  	s0 =	sld [smem:$0x3FFD];
	_ =	sdelay $0x3  }
0x93: {  	_ =	strace s0  }
0x94: {  	_ =	strace $0x8FFFFFFF  }
0x95: {  	s16 =	sld [smem:$0x3FDB];
	_ =	sdelay $0x1  }
0x96: {  	s17 =	simm.s32 $_scs_section_size  }
0x97: {  	s2 =	simm.s32 $_size__tile_overlayer_lowered;
	s3 =	simm.s32 $_tile_overlayer_lowered  }
0x98: {  	s20 =	simm.s32 $0x1BFF;
	s19 =	sshll.u32 s3, $0x1;
	s0 =	sadd.s32 s17, s16  }
0x99: {  	s4 =	simm.s32 $0x0;
	s18 =	sshll.u32 s2, $0x1;
	s2 =	sadd.s32 s19, s0  }
0x9a: {  	[timem:s4], [sflag:s20] =	dma.local [hbm:s2], s18  }
0x9b: {  	_ =	swait.ge [sflag:s20], s18  }
0x9c: {  	s1 =	ssub.s32 $0x0, s18;
	[sflag:s20] =	ssyncset.done $0x0  }
0x9d: {  	[sflag:s20] =	ssyncadd.s32 s1;
	_ =	sdelay $0x1  }
0x9e: {  	s21 =	simm.s32 $0x1B8B  }
0x9f: {  	_ =	swait.ge [sflag:s21], $0x1  }
0xa0: {  	[sflag:s21] =	ssyncset.done $0x0  }
0xa1: {  	s23 =	simm.s32 $0x1B8E;
	s22 =	sld [smem:$0x3FFE];
	[sflag:s21] =	ssyncadd.s32 $0xFFFFFFFF  }
0xa2: {  	s24 =	simm.s32 $execute0_lowered;
	[smem:$0x3FD2] =	sst s23  }
0xa3: {  	s2 =	sshll.u32 s24, $0x1;
	_ =	strace $0x80000085;
	[dreg:$0x1] =	wrdreg $0xFFFFFFFF  }
0xa4: {  	s25 =	simm.s32 $_size_execute0_lowered;
	s0 =	sadd.s32 s0, s2;
	[dreg:$0x0] =	wrdreg $0x0  }
0xa5: {  	s2 =	sshll.u32 s25, $0x1;
	[dreg:$0x2] =	wrdreg s0  }
0xa6: {  	[dreg:$0x3] =	wrdreg s2  }
0xa7: {  	[dreg:$0x4] =	wrdreg $0xC0  }
0xa8: {  	_ =	task [dreg:s4], $0x5FFFF  }
0xa9: {  	[dreg:$0x1] =	wrdreg $0xFFFFFFFF  }
0xaa: {  	[dreg:$0x0] =	wrdreg $0x60  }
0xab: {  	[dreg:$0x2] =	wrdreg s22  }
0xac: {  	[dreg:$0x3] =	wrdreg $0x9  }
0xad: {  	_ =	task.clear_ibuf [dreg:s4], $0x4FFFF;
	_ =	strace $0x90000085  }
0xae: {  	s26 =	simm.s32 $0x9;
	_ =	strace $0x80000087  }
0xaf: {  	_ =	swait.ge [sflag:s26], $0x1  }
0xb0: {  	[sflag:s26] =	ssyncadd.s32 $0xFFFFFFFF  }
0xb1: {  	_ =	strace $0x90000087  }
0xb2: {  	_ =	sfence  }
0xb3: {  	s28 =	sld [smem:$0x0];
	_ =	sdelay $0x1  }
0xb4: {  	s29 =	srdreg.scid  }
0xb5: {  	s30 =	sshll.u32 s29, $0xD;
	s31 =	sshrl.u32 s29, $0x2  }
0xb6: {  	s1 =	sand.u32 $0x1, s29;
	s2 =	sand.u32 $0x4000, s30;
	s0 =	sadd.s32 s31, s28  }
0xb7: {  	s1 =	sor.u32 s2, s1;
	s0 =	sshll.u32 s0, $0x11  }
0xb8: {  	s0 =	sor.u32 s0, s1  }
0xb9: {  	s0 =	sadd.s32 $0x8F2B, s0  }
0xba: {  	[sflag:s0] =	ssyncadd.remote.s32 $0x1  }
0xbb: {  	_ =	sfence.sel $0xFFFF  }
0xbc: {  	[dreg:$0x0] =	wrdreg $0xFFFFFFFF;
	(pc) =	sbr.abs _section_cstart, $3  }
0xbd: {  	[dreg:$0x1] =	wrdreg $0xFFFFFFFF  }
0xbe: {  	_ =	task.clear_ibuf [dreg:s4], $0x2FFFF;
	_ =	strace $0x9FFFFFFF  }
0xbf: {  	(tm) =	ssettm $0x7FFFFFFF  }
tec
execute0_lowered:
.L_overlay_start_1:
0x0: {  	(tag) =	ssettag $0x1  }
0x1: {  	s8 =	rddreg [dreg:$0x0]  }
0x2: {  	s0 =	rddreg [dreg:$0x1];
	_ =	strace $0x80000086  }
0x3: {  	s4 =	simm.s32 $0x1;
	s1 =	stileid.u32;
	s7 =	simm.s32 $0x1  }
0x4: {  	s9 =	simm.s32 $0x1;
	s6 =	simm.s32 $0x2;
	s10 =	simm.s32 $0x3  }
0x5: {  	s13 =	simm.s32 $0x0;
	s12 =	simm.s32 $0x0;
	s2 =	sadd.s32 $0x9EC00, s8  }
.Ltmp0:
0x6: {  	s3 =	sadd.s32 $0x83200, s8;
	p0 =	slt.u32 s1, $0xA;
	(pc) =	sbr.rel .LBB2_1-.Ltmp0, $4  }
0x7: {  	[sflag:s4] =	ssyncpa.u1 $0x0;
	s7 =	simm.s32 @!p0 $0x0;
	p0 =	sne.s32 s1, $0x9  }
0x8: {  	s5 =	smul.u32 $0x7D0, s1;
	[sflag:s6] =	ssyncpa.u1 $0x0;
	s9 =	simm.s32 @!p0 $0x0  }
0x9: {  	s8 =	sadd.s32 $0x90200, s8;
	[sflag:s10] =	ssyncpa.u1 $0x0;
	s7 =	sadd.s32 s9, s7  }
0xa: {  	vm0 =	vmmov $0xffff;
	s10 =	simm.s32 $0x0;
	s11 =	smov.u32 s5;
	s9 =	sadd.s32 $0x1, s7  }
.LBB2_4:
0xb: {  	v2 =	vnsel vm1, $0x0, v2  }
0xc: {  	vm1 =	vgt.s32 v0, $0x0;
	v2 =	vmin.u32 v2, $0x3FFFFF  }
0xd: {  	v0 =	vnsel vm1, $0x0, v0  }
0xe: {  	v0 =	vmin.u32 v0, $0x3FFFFF  }
0xf: {  	[tilespmem:s18], [sflag:$0x1] =	stream.indirect_vreg.gather [hbm4b:s2+s10], $0x1, v1, vm0, $0x4038;
	[tilespmem:$0x1F40] =	vst v63  }
0x10: {  	(ifvalue) =	ssetifvalue $0x7FFFFFFF  }
0x11: {  	[tilespmem:s15], [sflag:$0x1] =	stream.indirect_vreg.gather [hbm4b:s2+s10], $0x1, v2, vm0, $0x4038;
	[tilespmem:$0x1F40] =	vst v63  }
0x12: {  	s29 =	sadd.s32 $0x10, s15;
	(ifvalue) =	ssetifvalue $0x7FFFFFFF  }
0x13: {  	[tilespmem:s29], [sflag:$0x1] =	stream.indirect_vreg.gather [hbm4b:s2+s10], $0x1, v0, vm0, $0x4038;
	[tilespmem:$0x1F40] =	vst v63  }
0x14: {  	_ =	swait.ge [sflag:s4], $0x7D0  }
0x15: {  	s30 =	sshrl.u32 s13, $0x3;
	[sflag:s4] =	ssyncset.done $0x0  }
0x16: {  	s31 =	sand.u32 $0x7, s13;
	s15 =	sadd.s32 s8, s30;
	[sflag:s4] =	ssyncadd.s32 $0xFFFFF830  }
0x17: {  	[hbm4b:s15+s31] =	stream.linear.scatter [tilespmem:s14], [sflag:$0x3], $0x7D0, $0x38;
	[tilespmem:$0x1F40] =	vst v63  }
.LBB2_5:
0x18: {  	s15 =	sadd.s32 $0x7D00, s11  }
0x19: {  	p1 =	sgt.s32 s15, $0xC34F  }
0x1a: {  	s15 =	smov.u32 @p1 s5;
	p1 =	sne.s32 s12, s9  }
.Ltmp1:
0x1b: {  	p0 =	slt.u32 s12, $0x2;
	(pc) =	sbr.rel @!p1 .LBB2_6-.Ltmp1, $4  }
0x1c: {  	s14 =	simm.s32 @!p0 $0x3  }
0x1d: {  	_ =	swait.ge @!p0 [sflag:s14], $0x7D0  }
0x1e: {  	s16 =	sadd.s32 $0x1, s12;
	s13 =	smov.u32 s11;
	[sflag:s14] =	ssyncset.done @!p0 $0x0  }
0x1f: {  	s12 =	smov.u32 s16;
	s11 =	smov.u32 s15;
	[sflag:s14] =	ssyncadd.s32 @!p0 $0xFFFFF830  }
.LBB2_1:
0x20: {  	p0 =	sge.u32 s12, s7  }
0x21: {  	s14 =	sxor.u32 @!p0 $0x1, s12  }
0x22: {  	s14 =	smul.u32 @!p0 $0x1F40, s14  }
0x23: {  	s31 =	sadd.s32 $0xFFFFFFFF, s12;
	s15 =	sshrl.u32 @!p0 s11, $0x3  }
0x24: {  	s16 =	sand.u32 @!p0 $0x7, s11;
	s15 =	sadd.s32 @!p0 s3, s15;
	s14 =	sshra.s32 @!p0 s14, $0x2  }
0x25: {  	[tilespmem:s14], [sflag:$0x2] =	stream.linear.gather @!p0 [hbm4b:s15+s16], $0x7D0, $0x38;
	[tilespmem:$0x1F40] =	vst v63  }
0x26: {  	p0 =	sge.u32 s31, s7  }
.Ltmp2:
0x27: {  	_ = 	snop;
	(pc) =	sbr.rel @p0 .LBB2_5-.Ltmp2, $1  }
0x28: {  	_ =	sdelay $0x3  }
0x29: {  	s14 =	sand.u32 $0x1, s12  }
0x2a: {  	_ =	swait.ge [sflag:s6], $0x7D0;
	p0 =	seq.s32 s14, $0x1;
	s14 =	simm.s32 $0x7D0  }
0x2b: {  	[sflag:s6] =	ssyncset.done $0x0;
	s14 =	simm.s32 @!p0 $0x0  }
0x2c: {  	[sflag:s6] =	ssyncadd.s32 $0xFFFFF830;
	(ifvalue) =	ssetifvalue $0x7FFFFFFF;
	v0 =	vld.msk [tilespmem:s14+$0x0 ss:$0x1], $0xffff;
	_ =	sdelay $0x4  }
0x2d: {  	s15 =	sadd.s32 $0x10, s14;
	vm1 =	vgt.s32 v0, $0x0  }
0x2e: {  	v2 =	vld.msk [tilespmem:s15+$0x0 ss:$0x1], $0xffff;
	v1 =	vnsel vm1, $0x0, v0  }
0x2f: {  	v1 =	vmin.u32 v1, $0x3FFFFF;
	_ =	sdelay $0x2  }
0x30: {  	s17 =	simm.s32 $0x20;
	s14 =	sadd.s32 $0xFA0, s14;
	s16 =	sadd.s32 $0x10, s15  }
0x31: {  	s15 =	sadd.s32 $0x10, s14;
	s18 =	smov.u32 s14;
	v0 =	vld.msk [tilespmem:s16+$0x0 ss:$0x1], $0xffff;
	vm1 =	vgt.s32 v2, $0x0;
	(ifvalue) =	ssetifvalue $0x7FFFFFFF  }
.LBB2_3:
0x32: {  	[tilespmem:s18], [sflag:$0x1] =	stream.indirect_vreg.gather [hbm4b:s2+s10], $0x1, v1, vm0, $0x4038;
	[tilespmem:$0x1F40] =	vst v63  }
0x33: {  	s17 =	sadd.s32 $0x10, s17  }
0x34: {  	v2 =	vnsel vm1, $0x0, v2;
	p0 =	slt.u32 s17, $0x7C0  }
.Ltmp3:
0x35: {  	s18 =	smov.u32 s15;
	v1 =	vmin.u32 v2, $0x3FFFFF;
	(pc) =	sbr.rel @p0 .LBB2_3-.Ltmp3, $3  }
0x36: {  	_ =	sdelay $0x1  }
0x37: {  	s16 =	sadd.s32 $0x10, s16  }
0x38: {  	vm1 =	vgt.s32 v0, $0x0;
	s15 =	sadd.s32 $0x10, s15;
	v2 =	vmov v0;
	(ifvalue) =	ssetifvalue $0x7FFFFFFF;
	v0 =	vld.msk [tilespmem:s16+$0x0 ss:$0x1], $0xffff  }
.Ltmp4:
0x39: {  	_ = 	snop;
	(pc) =	sbr.rel .LBB2_4-.Ltmp4, $1  }
0x3a: {  	_ =	sdelay $0x3  }
.LBB2_6:
0x3b: {  	_ =	sfence.sel $0x180000  }
0x3c: {  	s2 =	simm.s32 $0x2;
	[bflag:$0x0] =	sbarrier.arrive $0xFFFF  }
0x3d: {  	s30 =	simm.s32 $0x3;
	[sflag:s2] =	ssyncpa.u1 $0x1  }
0x3e: {  	s31 =	simm.s32 $0x1;
	[sflag:s30] =	ssyncpa.u1 $0x1  }
0x3f: {  	[sflag:s31] =	ssyncpa.u1 $0x1  }
0x40: {  	p0 =	sne.s32 s1, $0x0;
	_ =	strace $0x90000086  }
0x41: {  	s0 =	sadd.s32 @!p0 $0x100000, s0;
	[bflag:$0x2] =	sbarrier.arrive $0xFFFF  }
0x42: {  	[sflag:s0] =	ssyncadd.tile.s32 @!p0 $0x1;
	_ =	shalt  }
.Lfunc_end2:
_tile_overlayer_lowered:
.L_overlay_start_2:
0x43: {  	(tag) =	ssettag $0x2  }
0x44: {  	s0 =	rddreg [dreg:$0x0];
	s2 =	stileid.u32  }
0x45: {  	s1 =	rddreg [dreg:$0x1];
	p0 =	sne.s32 s2, $0x0  }
0x46: {  	s3 =	rddreg [dreg:$0x2];
	[bflag:$0x3] =	sbarrier.arrive $0xFFFF;
	s2 =	simm.s32 @!p0 $0x1C01  }
0x47: {  	[timem:s3], [sflag:s2] =	dma.local @!p0 [hbm:s0], s1  }
0x48: {  	s0 =	simm.s32 @!p0 $0x1  }
0x49: {  	_ =	swait.ge @!p0 [sflag:s0], s1  }
0x4a: {  	s1 =	ssub.s32 @!p0 $0x0, s1;
	[sflag:s0] =	ssyncset.done @!p0 $0x0  }
0x4b: {  	[sflag:s0] =	ssyncadd.s32 @!p0 s1  }
0x4c: {  	[bflag:$0x3] =	sbarrier.arrive $0xFFFF  }
0x4d: {  	_ =	shalt  }

// kernel: gather_offload_async_start.19
scs
__scs_entry_jumppad:
0x0: {  	(pc) =	sbr.rel $0x88, $3  }
0x1: {  	(tag) =	ssettag $0x0;
	lr =	simm.s32 $0x1  }
0x2: {  	[smem:$0x3F9C] =	sst lr;
	_ =	strace $0xD0000000  }
0x3: {  	_ = 	snop  }
0x4: {  	_ = 	snop  }
0x5: {  	_ = 	snop  }
0x6: {  	_ = 	snop  }
0x7: {  	_ = 	snop  }
__scs_overlays_trampoline_lowered:
0x8: {  	[smem:$0x3FAB] =	sst s0  }
0x9: {  	[smem:$0x3FAC] =	sst s1  }
0xa: {  	[smem:$0x3FAD] =	sst s2  }
0xb: {  	[smem:$0x3FAE] =	sst s3  }
0xc: {  	[smem:$0x3FAF] =	sst s4  }
0xd: {  	[smem:$0x3FB0] =	sst s5  }
0xe: {  	[smem:$0x3FB1] =	sst s6  }
0xf: {  	[smem:$0x3FB2] =	sst s7  }
0x10: {  	[smem:$0x3FB3] =	sst s8  }
0x11: {  	[smem:$0x3FB4] =	sst s9;
	s0 =	simm.s32 @!p0 $0x0  }
0x12: {  	s1 =	sld [smem:$0x3F9A];
	s0 =	simm.s32 @p0 $0x1  }
0x13: {  	[smem:$0x3FB5] =	sst s0;
	s0 =	simm.s32 @!p1 $0x0  }
0x14: {  	s2 =	sld [smem:$0x3F99];
	s0 =	simm.s32 @p1 $0x1  }
0x15: {  	[smem:$0x3FB6] =	sst s0;
	s0 =	simm.s32 @!p2 $0x0  }
0x16: {  	s3 =	sld [smem:$0x3FDB];
	s0 =	simm.s32 @p2 $0x1  }
0x17: {  	s4 =	simm.s32 $0x1BF5;
	[smem:$0x3FB8] =	sst s0  }
0x18: {  	s0 =	sld [smem:$0x3F9B];
	_ =	swait.ge [sflag:s4], $0x0  }
0x19: {  	s7 =	sld [smem:$0x3F9C]  }
0x1a: {  	s8 =	sadd.s32 $0xFFFFE003, lr  }
0x1b: {  	s9 =	sadd.s32 $0xFFFFFEF7, lr;
	s5 =	simm.s32 $0xFFFFFFFF;
	p2 =	slt.u32 s8, $0xFFFFF086  }
0x1c: {  	p1 =	slt.u32 s9, $0xF7A;
	s5 =	simm.s32 @!p2 $0x0  }
0x1d: {  	s5 =	simm.s32 @p1 $0x1;
	p0 =	seq.s32 s7, s2  }
0x1e: {  	s7 =	smul.u32 @!p0 $0xF7A, s2;
	p2 =	seq.s32 @!p0 s5, $0x0  }
0x1f: {  	s9 =	smul.u32 $0xF7A, s1;
	s8 =	simm.s32 @!p0 $0x1BF5;
	p2 =	por !p2, p0  }
0x20: {  	[sflag:s8] =	ssyncset.s32 @!p0 $0xFFFFF086;
	s6 =	sadd.s32 @!p0 s3, s7;
	s7 =	simm.s32 @!p0 $0x108  }
0x21: {  	s3 =	sadd.s32 s3, s9;
	s6 =	sadd.s32 @!p0 $0x88, s6;
	s7 =	simm.s32 @p2 $0x1082  }
0x22: {  	[simem:s7], [sflag:s8] =	dma.local @!p0 [hbm:s6], $0xF7A  }
0x23: {  	s9 =	sor.u32 $0xD0000000, s2;
	s6 =	simm.s32 $0x108;
	_ =	swait.ge @!p0 [sflag:s8], $0x0  }
0x24: {  	s3 =	sadd.s32 $0x88, s3;
	s6 =	simm.s32 @!p1 $0x1082;
	[sflag:s4] =	ssyncset.s32 $0xFFFFF086  }
0x25: {  	[simem:s6], [sflag:s4] =	dma.local [hbm:s3], $0xF7A  }
0x26: {  	[smem:$0x3F9C] =	sst s1;
	(tag) =	ssettag s2;
	_ =	strace s9  }
0x27: {  	s1 =	sld [smem:$0x3FAC]  }
0x28: {  	s2 =	sld [smem:$0x3FAD]  }
0x29: {  	s4 =	sld [smem:$0x3FAF]  }
0x2a: {  	p0 =	seq.s32 s5, $0x0;
	s5 =	sld [smem:$0x3FB0]  }
0x2b: {  	s6 =	sld [smem:$0x3FB1]  }
0x2c: {  	s7 =	sld [smem:$0x3FB2]  }
0x2d: {  	s3 =	simm.s32 $0x108;
	s8 =	sld [smem:$0x3FB3]  }
0x2e: {  	s3 =	simm.s32 @!p0 $0x1082;
	s9 =	sld [smem:$0x3FB4]  }
0x2f: {  	lr =	sadd.s32 s0, s3;
	s0 =	sld [smem:$0x3FAB]  }
0x30: {  	s3 =	sld [smem:$0x3FAE]  }
0x31: {  	[smem:$0x3FB7] =	sst s10  }
0x32: {  	s10 =	sld [smem:$0x3FB5];
	_ =	sdelay $0x3  }
0x33: {  	p0 =	seq.s32 s10, $0x1;
	s10 =	sld [smem:$0x3FB7];
	_ =	sdelay $0x3  }
0x34: {  	[smem:$0x3FB7] =	sst s10  }
0x35: {  	s10 =	sld [smem:$0x3FB6];
	_ =	sdelay $0x3  }
0x36: {  	p1 =	seq.s32 s10, $0x1;
	s10 =	sld [smem:$0x3FB7];
	_ =	sdelay $0x3  }
0x37: {  	[smem:$0x3FB7] =	sst s10  }
0x38: {  	s10 =	sld [smem:$0x3FB8]  }
0x39: {  	_ = 	snop;
	(pc) =	sbr.ind lr, $3  }
0x3a: {  	_ = 	snop  }
0x3b: {  	_ = 	snop  }
0x3c: {  	p2 =	seq.s32 s10, $0x1;
	s10 =	sld [smem:$0x3FB7]  }
0x3d: {  	_ =	shalt  }
0x3e: {  	_ =	shalt  }
0x3f: {  	_ =	shalt  }
0x40: {  	_ =	shalt  }
0x41: {  	_ =	shalt  }
0x42: {  	_ =	shalt  }
0x43: {  	_ =	shalt  }
0x44: {  	_ =	shalt  }
0x45: {  	_ =	shalt  }
0x46: {  	_ =	shalt  }
0x47: {  	_ =	shalt  }
0x48: {  	_ =	shalt  }
0x49: {  	_ =	shalt  }
0x4a: {  	_ =	shalt  }
0x4b: {  	_ =	shalt  }
0x4c: {  	_ =	shalt  }
0x4d: {  	_ =	shalt  }
0x4e: {  	_ =	shalt  }
0x4f: {  	_ =	shalt  }
0x50: {  	_ =	shalt  }
0x51: {  	_ =	shalt  }
0x52: {  	_ =	shalt  }
0x53: {  	_ =	shalt  }
0x54: {  	_ =	shalt  }
0x55: {  	_ =	shalt  }
0x56: {  	_ =	shalt  }
0x57: {  	_ =	shalt  }
0x58: {  	_ =	shalt  }
0x59: {  	_ =	shalt  }
0x5a: {  	_ =	shalt  }
0x5b: {  	_ =	shalt  }
0x5c: {  	_ =	shalt  }
0x5d: {  	_ =	shalt  }
0x5e: {  	_ =	shalt  }
0x5f: {  	_ =	shalt  }
0x60: {  	_ =	shalt  }
0x61: {  	_ =	shalt  }
0x62: {  	_ =	shalt  }
0x63: {  	_ =	shalt  }
0x64: {  	_ =	shalt  }
0x65: {  	_ =	shalt  }
0x66: {  	_ =	shalt  }
0x67: {  	_ =	shalt  }
0x68: {  	_ =	shalt  }
0x69: {  	_ =	shalt  }
0x6a: {  	_ =	shalt  }
0x6b: {  	_ =	shalt  }
0x6c: {  	_ =	shalt  }
0x6d: {  	_ =	shalt  }
0x6e: {  	_ =	shalt  }
0x6f: {  	_ =	shalt  }
0x70: {  	_ =	shalt  }
0x71: {  	_ =	shalt  }
0x72: {  	_ =	shalt  }
0x73: {  	_ =	shalt  }
0x74: {  	_ =	shalt  }
0x75: {  	_ =	shalt  }
0x76: {  	_ =	shalt  }
0x77: {  	_ =	shalt  }
0x78: {  	_ =	shalt  }
0x79: {  	_ =	shalt  }
0x7a: {  	_ =	shalt  }
0x7b: {  	_ =	shalt  }
0x7c: {  	_ =	shalt  }
0x7d: {  	_ =	shalt  }
0x7e: {  	_ =	shalt  }
0x7f: {  	_ =	shalt  }
0x80: {  	_ =	shalt  }
0x81: {  	_ =	shalt  }
0x82: {  	_ =	shalt  }
0x83: {  	_ =	shalt  }
0x84: {  	_ =	shalt  }
0x85: {  	_ =	shalt  }
0x86: {  	_ =	shalt  }
0x87: {  	_ =	shalt  }
.Lfunc_end0:
.L_simem_size_0:
called_computation.19_lowered:
.L_overlay_start_0:
0x88: {  	s0 =	sld [smem:$0x3FD9]  }
0x89: {  	s1 =	sld [smem:$0x3FFE];
	_ =	sdelay $0x3  }
0x8a: {  	s0 =	sadd.s32 s1, s0  }
0x8b: {  	[smem:$0x3FC3] =	sst s0  }
0x8c: {  	_ = 	snop  }
0x8d: {  	(tm) =	ssettm $0x1  }
0x8e: {  	s15 =	sld [smem:$0x3FFB];
	_ =	sdelay $0x3  }
0x8f: {  	_ =	strace s15  }
0x90: {  	s0 =	sld [smem:$0x3FFC];
	_ =	sdelay $0x3  }
0x91: {  	_ =	strace s0  }
0x92: {  	s0 =	sld [smem:$0x3FFD];
	_ =	sdelay $0x3  }
0x93: {  	_ =	strace s0  }
0x94: {  	_ =	strace $0x8FFFFFFF  }
0x95: {  	s16 =	sld [smem:$0x3FDB];
	_ =	sdelay $0x1  }
0x96: {  	s17 =	simm.s32 $_scs_section_size  }
0x97: {  	s2 =	simm.s32 $_size__tile_overlayer_lowered;
	s3 =	simm.s32 $_tile_overlayer_lowered  }
0x98: {  	s20 =	simm.s32 $0x1BFF;
	s19 =	sshll.u32 s3, $0x1;
	s0 =	sadd.s32 s17, s16  }
0x99: {  	s4 =	simm.s32 $0x0;
	s18 =	sshll.u32 s2, $0x1;
	s2 =	sadd.s32 s19, s0  }
0x9a: {  	[timem:s4], [sflag:s20] =	dma.local [hbm:s2], s18  }
0x9b: {  	_ =	swait.ge [sflag:s20], s18  }
0x9c: {  	s1 =	ssub.s32 $0x0, s18;
	[sflag:s20] =	ssyncset.done $0x0  }
0x9d: {  	[sflag:s20] =	ssyncadd.s32 s1;
	_ =	sdelay $0x1  }
0x9e: {  	s21 =	simm.s32 $0x1B8B  }
0x9f: {  	_ =	swait.ge [sflag:s21], $0x1  }
0xa0: {  	[sflag:s21] =	ssyncset.done $0x0  }
0xa1: {  	s23 =	simm.s32 $0x1B8E;
	s22 =	sld [smem:$0x3FFE];
	[sflag:s21] =	ssyncadd.s32 $0xFFFFFFFF  }
0xa2: {  	s24 =	simm.s32 $execute0_lowered;
	[smem:$0x3FD2] =	sst s23  }
0xa3: {  	s2 =	sshll.u32 s24, $0x1;
	_ =	strace $0x80000088;
	[dreg:$0x1] =	wrdreg $0xFFFFFFFF  }
0xa4: {  	s25 =	simm.s32 $_size_execute0_lowered;
	s0 =	sadd.s32 s0, s2;
	[dreg:$0x0] =	wrdreg $0x0  }
0xa5: {  	s2 =	sshll.u32 s25, $0x1;
	[dreg:$0x2] =	wrdreg s0  }
0xa6: {  	[dreg:$0x3] =	wrdreg s2  }
0xa7: {  	[dreg:$0x4] =	wrdreg $0xC0  }
0xa8: {  	_ =	task [dreg:s4], $0x5FFFF  }
0xa9: {  	[dreg:$0x1] =	wrdreg $0xFFFFFFFF  }
0xaa: {  	[dreg:$0x0] =	wrdreg $0x60  }
0xab: {  	[dreg:$0x2] =	wrdreg s22  }
0xac: {  	[dreg:$0x3] =	wrdreg $0x9  }
0xad: {  	_ =	task.clear_ibuf [dreg:s4], $0x4FFFF;
	_ =	strace $0x90000088  }
0xae: {  	s26 =	simm.s32 $0x9;
	_ =	strace $0x8000008A  }
0xaf: {  	_ =	swait.ge [sflag:s26], $0x1  }
0xb0: {  	[sflag:s26] =	ssyncadd.s32 $0xFFFFFFFF  }
0xb1: {  	_ =	strace $0x9000008A  }
0xb2: {  	_ =	sfence  }
0xb3: {  	s28 =	sld [smem:$0x0];
	_ =	sdelay $0x1  }
0xb4: {  	s29 =	srdreg.scid  }
0xb5: {  	s30 =	sshll.u32 s29, $0xD;
	s31 =	sshrl.u32 s29, $0x2  }
0xb6: {  	s1 =	sand.u32 $0x1, s29;
	s2 =	sand.u32 $0x4000, s30;
	s0 =	sadd.s32 s31, s28  }
0xb7: {  	s1 =	sor.u32 s2, s1;
	s0 =	sshll.u32 s0, $0x11  }
0xb8: {  	s0 =	sor.u32 s0, s1  }
0xb9: {  	s0 =	sadd.s32 $0x8F2B, s0  }
0xba: {  	[sflag:s0] =	ssyncadd.remote.s32 $0x1  }
0xbb: {  	_ =	sfence.sel $0xFFFF  }
0xbc: {  	[dreg:$0x0] =	wrdreg $0xFFFFFFFF;
	(pc) =	sbr.abs _section_cstart, $3  }
0xbd: {  	[dreg:$0x1] =	wrdreg $0xFFFFFFFF  }
0xbe: {  	_ =	task.clear_ibuf [dreg:s4], $0x2FFFF;
	_ =	strace $0x9FFFFFFF  }
0xbf: {  	(tm) =	ssettm $0x7FFFFFFF  }
tec
execute0_lowered:
.L_overlay_start_1:
0x0: {  	(tag) =	ssettag $0x1  }
0x1: {  	s8 =	rddreg [dreg:$0x0]  }
0x2: {  	s0 =	rddreg [dreg:$0x1];
	_ =	strace $0x80000089  }
0x3: {  	s4 =	simm.s32 $0x1;
	s1 =	stileid.u32;
	s7 =	simm.s32 $0x1  }
0x4: {  	s9 =	simm.s32 $0x1;
	s6 =	simm.s32 $0x2;
	s10 =	simm.s32 $0x3  }
0x5: {  	s13 =	simm.s32 $0x0;
	s12 =	simm.s32 $0x0;
	s2 =	sadd.s32 $0x9EC00, s8  }
.Ltmp0:
0x6: {  	s3 =	sadd.s32 $0x8B400, s8;
	p0 =	slt.u32 s1, $0xA;
	(pc) =	sbr.rel .LBB2_1-.Ltmp0, $4  }
0x7: {  	[sflag:s4] =	ssyncpa.u1 $0x0;
	s7 =	simm.s32 @!p0 $0x0;
	p0 =	sne.s32 s1, $0x9  }
0x8: {  	s5 =	smul.u32 $0x7D0, s1;
	[sflag:s6] =	ssyncpa.u1 $0x0;
	s9 =	simm.s32 @!p0 $0x0  }
0x9: {  	s8 =	sadd.s32 $0x83200, s8;
	[sflag:s10] =	ssyncpa.u1 $0x0;
	s7 =	sadd.s32 s9, s7  }
0xa: {  	vm0 =	vmmov $0xffff;
	s10 =	simm.s32 $0x0;
	s11 =	smov.u32 s5;
	s9 =	sadd.s32 $0x1, s7  }
.LBB2_4:
0xb: {  	v2 =	vnsel vm1, $0x0, v2  }
0xc: {  	vm1 =	vgt.s32 v0, $0x0;
	v2 =	vmin.u32 v2, $0x3FFFFF  }
0xd: {  	v0 =	vnsel vm1, $0x0, v0  }
0xe: {  	v0 =	vmin.u32 v0, $0x3FFFFF  }
0xf: {  	[tilespmem:s18], [sflag:$0x1] =	stream.indirect_vreg.gather [hbm4b:s2+s10], $0x1, v1, vm0, $0x4038;
	[tilespmem:$0x1F40] =	vst v63  }
0x10: {  	(ifvalue) =	ssetifvalue $0x7FFFFFFF  }
0x11: {  	[tilespmem:s15], [sflag:$0x1] =	stream.indirect_vreg.gather [hbm4b:s2+s10], $0x1, v2, vm0, $0x4038;
	[tilespmem:$0x1F40] =	vst v63  }
0x12: {  	s29 =	sadd.s32 $0x10, s15;
	(ifvalue) =	ssetifvalue $0x7FFFFFFF  }
0x13: {  	[tilespmem:s29], [sflag:$0x1] =	stream.indirect_vreg.gather [hbm4b:s2+s10], $0x1, v0, vm0, $0x4038;
	[tilespmem:$0x1F40] =	vst v63  }
0x14: {  	_ =	swait.ge [sflag:s4], $0x7D0  }
0x15: {  	s30 =	sshrl.u32 s13, $0x3;
	[sflag:s4] =	ssyncset.done $0x0  }
0x16: {  	s31 =	sand.u32 $0x7, s13;
	s15 =	sadd.s32 s8, s30;
	[sflag:s4] =	ssyncadd.s32 $0xFFFFF830  }
0x17: {  	[hbm4b:s15+s31] =	stream.linear.scatter [tilespmem:s14], [sflag:$0x3], $0x7D0, $0x38;
	[tilespmem:$0x1F40] =	vst v63  }
.LBB2_5:
0x18: {  	s15 =	sadd.s32 $0x7D00, s11  }
0x19: {  	p1 =	sgt.s32 s15, $0xC34F  }
0x1a: {  	s15 =	smov.u32 @p1 s5;
	p1 =	sne.s32 s12, s9  }
.Ltmp1:
0x1b: {  	p0 =	slt.u32 s12, $0x2;
	(pc) =	sbr.rel @!p1 .LBB2_6-.Ltmp1, $4  }
0x1c: {  	s14 =	simm.s32 @!p0 $0x3  }
0x1d: {  	_ =	swait.ge @!p0 [sflag:s14], $0x7D0  }
0x1e: {  	s16 =	sadd.s32 $0x1, s12;
	s13 =	smov.u32 s11;
	[sflag:s14] =	ssyncset.done @!p0 $0x0  }
0x1f: {  	s12 =	smov.u32 s16;
	s11 =	smov.u32 s15;
	[sflag:s14] =	ssyncadd.s32 @!p0 $0xFFFFF830  }
.LBB2_1:
0x20: {  	p0 =	sge.u32 s12, s7  }
0x21: {  	s14 =	sxor.u32 @!p0 $0x1, s12  }
0x22: {  	s14 =	smul.u32 @!p0 $0x1F40, s14  }
0x23: {  	s31 =	sadd.s32 $0xFFFFFFFF, s12;
	s15 =	sshrl.u32 @!p0 s11, $0x3  }
0x24: {  	s16 =	sand.u32 @!p0 $0x7, s11;
	s15 =	sadd.s32 @!p0 s3, s15;
	s14 =	sshra.s32 @!p0 s14, $0x2  }
0x25: {  	[tilespmem:s14], [sflag:$0x2] =	stream.linear.gather @!p0 [hbm4b:s15+s16], $0x7D0, $0x38;
	[tilespmem:$0x1F40] =	vst v63  }
0x26: {  	p0 =	sge.u32 s31, s7  }
.Ltmp2:
0x27: {  	_ = 	snop;
	(pc) =	sbr.rel @p0 .LBB2_5-.Ltmp2, $1  }
0x28: {  	_ =	sdelay $0x3  }
0x29: {  	s14 =	sand.u32 $0x1, s12  }
0x2a: {  	_ =	swait.ge [sflag:s6], $0x7D0;
	p0 =	seq.s32 s14, $0x1;
	s14 =	simm.s32 $0x7D0  }
0x2b: {  	[sflag:s6] =	ssyncset.done $0x0;
	s14 =	simm.s32 @!p0 $0x0  }
0x2c: {  	[sflag:s6] =	ssyncadd.s32 $0xFFFFF830;
	(ifvalue) =	ssetifvalue $0x7FFFFFFF;
	v0 =	vld.msk [tilespmem:s14+$0x0 ss:$0x1], $0xffff;
	_ =	sdelay $0x4  }
0x2d: {  	s15 =	sadd.s32 $0x10, s14;
	vm1 =	vgt.s32 v0, $0x0  }
0x2e: {  	v2 =	vld.msk [tilespmem:s15+$0x0 ss:$0x1], $0xffff;
	v1 =	vnsel vm1, $0x0, v0  }
0x2f: {  	v1 =	vmin.u32 v1, $0x3FFFFF;
	_ =	sdelay $0x2  }
0x30: {  	s17 =	simm.s32 $0x20;
	s14 =	sadd.s32 $0xFA0, s14;
	s16 =	sadd.s32 $0x10, s15  }
0x31: {  	s15 =	sadd.s32 $0x10, s14;
	s18 =	smov.u32 s14;
	v0 =	vld.msk [tilespmem:s16+$0x0 ss:$0x1], $0xffff;
	vm1 =	vgt.s32 v2, $0x0;
	(ifvalue) =	ssetifvalue $0x7FFFFFFF  }
.LBB2_3:
0x32: {  	[tilespmem:s18], [sflag:$0x1] =	stream.indirect_vreg.gather [hbm4b:s2+s10], $0x1, v1, vm0, $0x4038;
	[tilespmem:$0x1F40] =	vst v63  }
0x33: {  	s17 =	sadd.s32 $0x10, s17  }
0x34: {  	v2 =	vnsel vm1, $0x0, v2;
	p0 =	slt.u32 s17, $0x7C0  }
.Ltmp3:
0x35: {  	s18 =	smov.u32 s15;
	v1 =	vmin.u32 v2, $0x3FFFFF;
	(pc) =	sbr.rel @p0 .LBB2_3-.Ltmp3, $3  }
0x36: {  	_ =	sdelay $0x1  }
0x37: {  	s16 =	sadd.s32 $0x10, s16  }
0x38: {  	vm1 =	vgt.s32 v0, $0x0;
	s15 =	sadd.s32 $0x10, s15;
	v2 =	vmov v0;
	(ifvalue) =	ssetifvalue $0x7FFFFFFF;
	v0 =	vld.msk [tilespmem:s16+$0x0 ss:$0x1], $0xffff  }
.Ltmp4:
0x39: {  	_ = 	snop;
	(pc) =	sbr.rel .LBB2_4-.Ltmp4, $1  }
0x3a: {  	_ =	sdelay $0x3  }
.LBB2_6:
0x3b: {  	_ =	sfence.sel $0x180000  }
0x3c: {  	s2 =	simm.s32 $0x2;
	[bflag:$0x0] =	sbarrier.arrive $0xFFFF  }
0x3d: {  	s30 =	simm.s32 $0x3;
	[sflag:s2] =	ssyncpa.u1 $0x1  }
0x3e: {  	s31 =	simm.s32 $0x1;
	[sflag:s30] =	ssyncpa.u1 $0x1  }
0x3f: {  	[sflag:s31] =	ssyncpa.u1 $0x1  }
0x40: {  	p0 =	sne.s32 s1, $0x0;
	_ =	strace $0x90000089  }
0x41: {  	s0 =	sadd.s32 @!p0 $0x100000, s0;
	[bflag:$0x2] =	sbarrier.arrive $0xFFFF  }
0x42: {  	[sflag:s0] =	ssyncadd.tile.s32 @!p0 $0x1;
	_ =	shalt  }
.Lfunc_end2:
_tile_overlayer_lowered:
.L_overlay_start_2:
0x43: {  	(tag) =	ssettag $0x2  }
0x44: {  	s0 =	rddreg [dreg:$0x0];
	s2 =	stileid.u32  }
0x45: {  	s1 =	rddreg [dreg:$0x1];
	p0 =	sne.s32 s2, $0x0  }
0x46: {  	s3 =	rddreg [dreg:$0x2];
	[bflag:$0x3] =	sbarrier.arrive $0xFFFF;
	s2 =	simm.s32 @!p0 $0x1C01  }
0x47: {  	[timem:s3], [sflag:s2] =	dma.local @!p0 [hbm:s0], s1  }
0x48: {  	s0 =	simm.s32 @!p0 $0x1  }
0x49: {  	_ =	swait.ge @!p0 [sflag:s0], s1  }
0x4a: {  	s1 =	ssub.s32 @!p0 $0x0, s1;
	[sflag:s0] =	ssyncset.done @!p0 $0x0  }
0x4b: {  	[sflag:s0] =	ssyncadd.s32 @!p0 s1  }
0x4c: {  	[bflag:$0x3] =	sbarrier.arrive $0xFFFF  }
0x4d: {  	_ =	shalt  }

// kernel: gather_offload_async_start.1
scs
__scs_entry_jumppad:
0x0: {  	(pc) =	sbr.rel $0x88, $3  }
0x1: {  	(tag) =	ssettag $0x0;
	lr =	simm.s32 $0x1  }
0x2: {  	[smem:$0x3F9C] =	sst lr;
	_ =	strace $0xD0000000  }
0x3: {  	_ = 	snop  }
0x4: {  	_ = 	snop  }
0x5: {  	_ = 	snop  }
0x6: {  	_ = 	snop  }
0x7: {  	_ = 	snop  }
__scs_overlays_trampoline_lowered:
0x8: {  	[smem:$0x3FAB] =	sst s0  }
0x9: {  	[smem:$0x3FAC] =	sst s1  }
0xa: {  	[smem:$0x3FAD] =	sst s2  }
0xb: {  	[smem:$0x3FAE] =	sst s3  }
0xc: {  	[smem:$0x3FAF] =	sst s4  }
0xd: {  	[smem:$0x3FB0] =	sst s5  }
0xe: {  	[smem:$0x3FB1] =	sst s6  }
0xf: {  	[smem:$0x3FB2] =	sst s7  }
0x10: {  	[smem:$0x3FB3] =	sst s8  }
0x11: {  	[smem:$0x3FB4] =	sst s9;
	s0 =	simm.s32 @!p0 $0x0  }
0x12: {  	s1 =	sld [smem:$0x3F9A];
	s0 =	simm.s32 @p0 $0x1  }
0x13: {  	[smem:$0x3FB5] =	sst s0;
	s0 =	simm.s32 @!p1 $0x0  }
0x14: {  	s2 =	sld [smem:$0x3F99];
	s0 =	simm.s32 @p1 $0x1  }
0x15: {  	[smem:$0x3FB6] =	sst s0;
	s0 =	simm.s32 @!p2 $0x0  }
0x16: {  	s3 =	sld [smem:$0x3FDB];
	s0 =	simm.s32 @p2 $0x1  }
0x17: {  	s4 =	simm.s32 $0x1BF5;
	[smem:$0x3FB8] =	sst s0  }
0x18: {  	s0 =	sld [smem:$0x3F9B];
	_ =	swait.ge [sflag:s4], $0x0  }
0x19: {  	s7 =	sld [smem:$0x3F9C]  }
0x1a: {  	s8 =	sadd.s32 $0xFFFFE003, lr  }
0x1b: {  	s9 =	sadd.s32 $0xFFFFFEF7, lr;
	s5 =	simm.s32 $0xFFFFFFFF;
	p2 =	slt.u32 s8, $0xFFFFF086  }
0x1c: {  	p1 =	slt.u32 s9, $0xF7A;
	s5 =	simm.s32 @!p2 $0x0  }
0x1d: {  	s5 =	simm.s32 @p1 $0x1;
	p0 =	seq.s32 s7, s2  }
0x1e: {  	s7 =	smul.u32 @!p0 $0xF7A, s2;
	p2 =	seq.s32 @!p0 s5, $0x0  }
0x1f: {  	s9 =	smul.u32 $0xF7A, s1;
	s8 =	simm.s32 @!p0 $0x1BF5;
	p2 =	por !p2, p0  }
0x20: {  	[sflag:s8] =	ssyncset.s32 @!p0 $0xFFFFF086;
	s6 =	sadd.s32 @!p0 s3, s7;
	s7 =	simm.s32 @!p0 $0x108  }
0x21: {  	s3 =	sadd.s32 s3, s9;
	s6 =	sadd.s32 @!p0 $0x88, s6;
	s7 =	simm.s32 @p2 $0x1082  }
0x22: {  	[simem:s7], [sflag:s8] =	dma.local @!p0 [hbm:s6], $0xF7A  }
0x23: {  	s9 =	sor.u32 $0xD0000000, s2;
	s6 =	simm.s32 $0x108;
	_ =	swait.ge @!p0 [sflag:s8], $0x0  }
0x24: {  	s3 =	sadd.s32 $0x88, s3;
	s6 =	simm.s32 @!p1 $0x1082;
	[sflag:s4] =	ssyncset.s32 $0xFFFFF086  }
0x25: {  	[simem:s6], [sflag:s4] =	dma.local [hbm:s3], $0xF7A  }
0x26: {  	[smem:$0x3F9C] =	sst s1;
	(tag) =	ssettag s2;
	_ =	strace s9  }
0x27: {  	s1 =	sld [smem:$0x3FAC]  }
0x28: {  	s2 =	sld [smem:$0x3FAD]  }
0x29: {  	s4 =	sld [smem:$0x3FAF]  }
0x2a: {  	p0 =	seq.s32 s5, $0x0;
	s5 =	sld [smem:$0x3FB0]  }
0x2b: {  	s6 =	sld [smem:$0x3FB1]  }
0x2c: {  	s7 =	sld [smem:$0x3FB2]  }
0x2d: {  	s3 =	simm.s32 $0x108;
	s8 =	sld [smem:$0x3FB3]  }
0x2e: {  	s3 =	simm.s32 @!p0 $0x1082;
	s9 =	sld [smem:$0x3FB4]  }
0x2f: {  	lr =	sadd.s32 s0, s3;
	s0 =	sld [smem:$0x3FAB]  }
0x30: {  	s3 =	sld [smem:$0x3FAE]  }
0x31: {  	[smem:$0x3FB7] =	sst s10  }
0x32: {  	s10 =	sld [smem:$0x3FB5];
	_ =	sdelay $0x3  }
0x33: {  	p0 =	seq.s32 s10, $0x1;
	s10 =	sld [smem:$0x3FB7];
	_ =	sdelay $0x3  }
0x34: {  	[smem:$0x3FB7] =	sst s10  }
0x35: {  	s10 =	sld [smem:$0x3FB6];
	_ =	sdelay $0x3  }
0x36: {  	p1 =	seq.s32 s10, $0x1;
	s10 =	sld [smem:$0x3FB7];
	_ =	sdelay $0x3  }
0x37: {  	[smem:$0x3FB7] =	sst s10  }
0x38: {  	s10 =	sld [smem:$0x3FB8]  }
0x39: {  	_ = 	snop;
	(pc) =	sbr.ind lr, $3  }
0x3a: {  	_ = 	snop  }
0x3b: {  	_ = 	snop  }
0x3c: {  	p2 =	seq.s32 s10, $0x1;
	s10 =	sld [smem:$0x3FB7]  }
0x3d: {  	_ =	shalt  }
0x3e: {  	_ =	shalt  }
0x3f: {  	_ =	shalt  }
0x40: {  	_ =	shalt  }
0x41: {  	_ =	shalt  }
0x42: {  	_ =	shalt  }
0x43: {  	_ =	shalt  }
0x44: {  	_ =	shalt  }
0x45: {  	_ =	shalt  }
0x46: {  	_ =	shalt  }
0x47: {  	_ =	shalt  }
0x48: {  	_ =	shalt  }
0x49: {  	_ =	shalt  }
0x4a: {  	_ =	shalt  }
0x4b: {  	_ =	shalt  }
0x4c: {  	_ =	shalt  }
0x4d: {  	_ =	shalt  }
0x4e: {  	_ =	shalt  }
0x4f: {  	_ =	shalt  }
0x50: {  	_ =	shalt  }
0x51: {  	_ =	shalt  }
0x52: {  	_ =	shalt  }
0x53: {  	_ =	shalt  }
0x54: {  	_ =	shalt  }
0x55: {  	_ =	shalt  }
0x56: {  	_ =	shalt  }
0x57: {  	_ =	shalt  }
0x58: {  	_ =	shalt  }
0x59: {  	_ =	shalt  }
0x5a: {  	_ =	shalt  }
0x5b: {  	_ =	shalt  }
0x5c: {  	_ =	shalt  }
0x5d: {  	_ =	shalt  }
0x5e: {  	_ =	shalt  }
0x5f: {  	_ =	shalt  }
0x60: {  	_ =	shalt  }
0x61: {  	_ =	shalt  }
0x62: {  	_ =	shalt  }
0x63: {  	_ =	shalt  }
0x64: {  	_ =	shalt  }
0x65: {  	_ =	shalt  }
0x66: {  	_ =	shalt  }
0x67: {  	_ =	shalt  }
0x68: {  	_ =	shalt  }
0x69: {  	_ =	shalt  }
0x6a: {  	_ =	shalt  }
0x6b: {  	_ =	shalt  }
0x6c: {  	_ =	shalt  }
0x6d: {  	_ =	shalt  }
0x6e: {  	_ =	shalt  }
0x6f: {  	_ =	shalt  }
0x70: {  	_ =	shalt  }
0x71: {  	_ =	shalt  }
0x72: {  	_ =	shalt  }
0x73: {  	_ =	shalt  }
0x74: {  	_ =	shalt  }
0x75: {  	_ =	shalt  }
0x76: {  	_ =	shalt  }
0x77: {  	_ =	shalt  }
0x78: {  	_ =	shalt  }
0x79: {  	_ =	shalt  }
0x7a: {  	_ =	shalt  }
0x7b: {  	_ =	shalt  }
0x7c: {  	_ =	shalt  }
0x7d: {  	_ =	shalt  }
0x7e: {  	_ =	shalt  }
0x7f: {  	_ =	shalt  }
0x80: {  	_ =	shalt  }
0x81: {  	_ =	shalt  }
0x82: {  	_ =	shalt  }
0x83: {  	_ =	shalt  }
0x84: {  	_ =	shalt  }
0x85: {  	_ =	shalt  }
0x86: {  	_ =	shalt  }
0x87: {  	_ =	shalt  }
.Lfunc_end0:
.L_simem_size_0:
called_computation.1_lowered:
.L_overlay_start_0:
0x88: {  	s0 =	sld [smem:$0x3FD9]  }
0x89: {  	s1 =	sld [smem:$0x3FFE];
	_ =	sdelay $0x3  }
0x8a: {  	s0 =	sadd.s32 s1, s0  }
0x8b: {  	[smem:$0x3FC3] =	sst s0  }
0x8c: {  	_ = 	snop  }
0x8d: {  	(tm) =	ssettm $0x1  }
0x8e: {  	s15 =	sld [smem:$0x3FFB];
	_ =	sdelay $0x3  }
0x8f: {  	_ =	strace s15  }
0x90: {  	s0 =	sld [smem:$0x3FFC];
	_ =	sdelay $0x3  }
0x91: {  	_ =	strace s0  }
0x92: {  	s0 =	sld [smem:$0x3FFD];
	_ =	sdelay $0x3  }
0x93: {  	_ =	strace s0  }
0x94: {  	_ =	strace $0x8FFFFFFF  }
0x95: {  	s16 =	sld [smem:$0x3FDB];
	_ =	sdelay $0x1  }
0x96: {  	s17 =	simm.s32 $_scs_section_size  }
0x97: {  	s2 =	simm.s32 $_size__tile_overlayer_lowered;
	s3 =	simm.s32 $_tile_overlayer_lowered  }
0x98: {  	s20 =	simm.s32 $0x1BFF;
	s19 =	sshll.u32 s3, $0x1;
	s0 =	sadd.s32 s17, s16  }
0x99: {  	s4 =	simm.s32 $0x0;
	s18 =	sshll.u32 s2, $0x1;
	s2 =	sadd.s32 s19, s0  }
0x9a: {  	[timem:s4], [sflag:s20] =	dma.local [hbm:s2], s18  }
0x9b: {  	_ =	swait.ge [sflag:s20], s18  }
0x9c: {  	s1 =	ssub.s32 $0x0, s18;
	[sflag:s20] =	ssyncset.done $0x0  }
0x9d: {  	[sflag:s20] =	ssyncadd.s32 s1;
	_ =	sdelay $0x1  }
0x9e: {  	s21 =	simm.s32 $0x1B8B  }
0x9f: {  	_ =	swait.ge [sflag:s21], $0x1  }
0xa0: {  	[sflag:s21] =	ssyncset.done $0x0  }
0xa1: {  	s23 =	simm.s32 $0x1B8E;
	s22 =	sld [smem:$0x3FFE];
	[sflag:s21] =	ssyncadd.s32 $0xFFFFFFFF  }
0xa2: {  	s24 =	simm.s32 $execute0_lowered;
	[smem:$0x3FD2] =	sst s23  }
0xa3: {  	s2 =	sshll.u32 s24, $0x1;
	_ =	strace $0x80000049;
	[dreg:$0x1] =	wrdreg $0xFFFFFFFF  }
0xa4: {  	s25 =	simm.s32 $_size_execute0_lowered;
	s0 =	sadd.s32 s0, s2;
	[dreg:$0x0] =	wrdreg $0x0  }
0xa5: {  	s2 =	sshll.u32 s25, $0x1;
	[dreg:$0x2] =	wrdreg s0  }
0xa6: {  	[dreg:$0x3] =	wrdreg s2  }
0xa7: {  	[dreg:$0x4] =	wrdreg $0xC0  }
0xa8: {  	_ =	task [dreg:s4], $0x5FFFF  }
0xa9: {  	[dreg:$0x1] =	wrdreg $0xFFFFFFFF  }
0xaa: {  	[dreg:$0x0] =	wrdreg $0x60  }
0xab: {  	[dreg:$0x2] =	wrdreg s22  }
0xac: {  	[dreg:$0x3] =	wrdreg $0x9  }
0xad: {  	_ =	task.clear_ibuf [dreg:s4], $0x4FFFF;
	_ =	strace $0x90000049  }
0xae: {  	s26 =	simm.s32 $0x9;
	_ =	strace $0x8000004B  }
0xaf: {  	_ =	swait.ge [sflag:s26], $0x1  }
0xb0: {  	[sflag:s26] =	ssyncadd.s32 $0xFFFFFFFF  }
0xb1: {  	_ =	strace $0x9000004B  }
0xb2: {  	_ =	sfence  }
0xb3: {  	s28 =	sld [smem:$0x0];
	_ =	sdelay $0x1  }
0xb4: {  	s29 =	srdreg.scid  }
0xb5: {  	s30 =	sshll.u32 s29, $0xD;
	s31 =	sshrl.u32 s29, $0x2  }
0xb6: {  	s1 =	sand.u32 $0x1, s29;
	s2 =	sand.u32 $0x4000, s30;
	s0 =	sadd.s32 s31, s28  }
0xb7: {  	s1 =	sor.u32 s2, s1;
	s0 =	sshll.u32 s0, $0x11  }
0xb8: {  	s0 =	sor.u32 s0, s1  }
0xb9: {  	s0 =	sadd.s32 $0x8F2B, s0  }
0xba: {  	[sflag:s0] =	ssyncadd.remote.s32 $0x1  }
0xbb: {  	_ =	sfence.sel $0xFFFF  }
0xbc: {  	[dreg:$0x0] =	wrdreg $0xFFFFFFFF;
	(pc) =	sbr.abs _section_cstart, $3  }
0xbd: {  	[dreg:$0x1] =	wrdreg $0xFFFFFFFF  }
0xbe: {  	_ =	task.clear_ibuf [dreg:s4], $0x2FFFF;
	_ =	strace $0x9FFFFFFF  }
0xbf: {  	(tm) =	ssettm $0x7FFFFFFF  }
tec
execute0_lowered:
.L_overlay_start_1:
0x0: {  	(tag) =	ssettag $0x1  }
0x1: {  	s8 =	rddreg [dreg:$0x0]  }
0x2: {  	s0 =	rddreg [dreg:$0x1];
	_ =	strace $0x8000004A  }
0x3: {  	s4 =	simm.s32 $0x1;
	s1 =	stileid.u32;
	s7 =	simm.s32 $0x1  }
0x4: {  	s9 =	simm.s32 $0x1;
	s6 =	simm.s32 $0x2;
	s10 =	simm.s32 $0x3  }
0x5: {  	s13 =	simm.s32 $0x0;
	s12 =	simm.s32 $0x0;
	s2 =	sadd.s32 $0x9EC00, s8  }
.Ltmp0:
0x6: {  	s3 =	sadd.s32 $0x9B800, s8;
	p0 =	slt.u32 s1, $0xA;
	(pc) =	sbr.rel .LBB2_1-.Ltmp0, $4  }
0x7: {  	[sflag:s4] =	ssyncpa.u1 $0x0;
	s7 =	simm.s32 @!p0 $0x0;
	p0 =	sne.s32 s1, $0x9  }
0x8: {  	s5 =	smul.u32 $0x7D0, s1;
	[sflag:s6] =	ssyncpa.u1 $0x0;
	s9 =	simm.s32 @!p0 $0x0  }
0x9: {  	s8 =	sadd.s32 $0x77C00, s8;
	[sflag:s10] =	ssyncpa.u1 $0x0;
	s7 =	sadd.s32 s9, s7  }
0xa: {  	vm0 =	vmmov $0xffff;
	s10 =	simm.s32 $0x0;
	s11 =	smov.u32 s5;
	s9 =	sadd.s32 $0x1, s7  }
.LBB2_4:
0xb: {  	v2 =	vnsel vm1, $0x0, v2  }
0xc: {  	vm1 =	vgt.s32 v0, $0x0;
	v2 =	vmin.u32 v2, $0x3FFFFF  }
0xd: {  	v0 =	vnsel vm1, $0x0, v0  }
0xe: {  	v0 =	vmin.u32 v0, $0x3FFFFF  }
0xf: {  	[tilespmem:s18], [sflag:$0x1] =	stream.indirect_vreg.gather [hbm4b:s2+s10], $0x1, v1, vm0, $0x4038;
	[tilespmem:$0x1F40] =	vst v63  }
0x10: {  	(ifvalue) =	ssetifvalue $0x7FFFFFFF  }
0x11: {  	[tilespmem:s15], [sflag:$0x1] =	stream.indirect_vreg.gather [hbm4b:s2+s10], $0x1, v2, vm0, $0x4038;
	[tilespmem:$0x1F40] =	vst v63  }
0x12: {  	s29 =	sadd.s32 $0x10, s15;
	(ifvalue) =	ssetifvalue $0x7FFFFFFF  }
0x13: {  	[tilespmem:s29], [sflag:$0x1] =	stream.indirect_vreg.gather [hbm4b:s2+s10], $0x1, v0, vm0, $0x4038;
	[tilespmem:$0x1F40] =	vst v63  }
0x14: {  	_ =	swait.ge [sflag:s4], $0x7D0  }
0x15: {  	s30 =	sshrl.u32 s13, $0x3;
	[sflag:s4] =	ssyncset.done $0x0  }
0x16: {  	s31 =	sand.u32 $0x7, s13;
	s15 =	sadd.s32 s8, s30;
	[sflag:s4] =	ssyncadd.s32 $0xFFFFF830  }
0x17: {  	[hbm4b:s15+s31] =	stream.linear.scatter [tilespmem:s14], [sflag:$0x3], $0x7D0, $0x38;
	[tilespmem:$0x1F40] =	vst v63  }
.LBB2_5:
0x18: {  	s15 =	sadd.s32 $0x7D00, s11  }
0x19: {  	p1 =	sgt.s32 s15, $0xC34F  }
0x1a: {  	s15 =	smov.u32 @p1 s5;
	p1 =	sne.s32 s12, s9  }
.Ltmp1:
0x1b: {  	p0 =	slt.u32 s12, $0x2;
	(pc) =	sbr.rel @!p1 .LBB2_6-.Ltmp1, $4  }
0x1c: {  	s14 =	simm.s32 @!p0 $0x3  }
0x1d: {  	_ =	swait.ge @!p0 [sflag:s14], $0x7D0  }
0x1e: {  	s16 =	sadd.s32 $0x1, s12;
	s13 =	smov.u32 s11;
	[sflag:s14] =	ssyncset.done @!p0 $0x0  }
0x1f: {  	s12 =	smov.u32 s16;
	s11 =	smov.u32 s15;
	[sflag:s14] =	ssyncadd.s32 @!p0 $0xFFFFF830  }
.LBB2_1:
0x20: {  	p0 =	sge.u32 s12, s7  }
0x21: {  	s14 =	sxor.u32 @!p0 $0x1, s12  }
0x22: {  	s14 =	smul.u32 @!p0 $0x1F40, s14  }
0x23: {  	s31 =	sadd.s32 $0xFFFFFFFF, s12;
	s15 =	sshrl.u32 @!p0 s11, $0x3  }
0x24: {  	s16 =	sand.u32 @!p0 $0x7, s11;
	s15 =	sadd.s32 @!p0 s3, s15;
	s14 =	sshra.s32 @!p0 s14, $0x2  }
0x25: {  	[tilespmem:s14], [sflag:$0x2] =	stream.linear.gather @!p0 [hbm4b:s15+s16], $0x7D0, $0x38;
	[tilespmem:$0x1F40] =	vst v63  }
0x26: {  	p0 =	sge.u32 s31, s7  }
.Ltmp2:
0x27: {  	_ = 	snop;
	(pc) =	sbr.rel @p0 .LBB2_5-.Ltmp2, $1  }
0x28: {  	_ =	sdelay $0x3  }
0x29: {  	s14 =	sand.u32 $0x1, s12  }
0x2a: {  	_ =	swait.ge [sflag:s6], $0x7D0;
	p0 =	seq.s32 s14, $0x1;
	s14 =	simm.s32 $0x7D0  }
0x2b: {  	[sflag:s6] =	ssyncset.done $0x0;
	s14 =	simm.s32 @!p0 $0x0  }
0x2c: {  	[sflag:s6] =	ssyncadd.s32 $0xFFFFF830;
	(ifvalue) =	ssetifvalue $0x7FFFFFFF;
	v0 =	vld.msk [tilespmem:s14+$0x0 ss:$0x1], $0xffff;
	_ =	sdelay $0x4  }
0x2d: {  	s15 =	sadd.s32 $0x10, s14;
	vm1 =	vgt.s32 v0, $0x0  }
0x2e: {  	v2 =	vld.msk [tilespmem:s15+$0x0 ss:$0x1], $0xffff;
	v1 =	vnsel vm1, $0x0, v0  }
0x2f: {  	v1 =	vmin.u32 v1, $0x3FFFFF;
	_ =	sdelay $0x2  }
0x30: {  	s17 =	simm.s32 $0x20;
	s14 =	sadd.s32 $0xFA0, s14;
	s16 =	sadd.s32 $0x10, s15  }
0x31: {  	s15 =	sadd.s32 $0x10, s14;
	s18 =	smov.u32 s14;
	v0 =	vld.msk [tilespmem:s16+$0x0 ss:$0x1], $0xffff;
	vm1 =	vgt.s32 v2, $0x0;
	(ifvalue) =	ssetifvalue $0x7FFFFFFF  }
.LBB2_3:
0x32: {  	[tilespmem:s18], [sflag:$0x1] =	stream.indirect_vreg.gather [hbm4b:s2+s10], $0x1, v1, vm0, $0x4038;
	[tilespmem:$0x1F40] =	vst v63  }
0x33: {  	s17 =	sadd.s32 $0x10, s17  }
0x34: {  	v2 =	vnsel vm1, $0x0, v2;
	p0 =	slt.u32 s17, $0x7C0  }
.Ltmp3:
0x35: {  	s18 =	smov.u32 s15;
	v1 =	vmin.u32 v2, $0x3FFFFF;
	(pc) =	sbr.rel @p0 .LBB2_3-.Ltmp3, $3  }
0x36: {  	_ =	sdelay $0x1  }
0x37: {  	s16 =	sadd.s32 $0x10, s16  }
0x38: {  	vm1 =	vgt.s32 v0, $0x0;
	s15 =	sadd.s32 $0x10, s15;
	v2 =	vmov v0;
	(ifvalue) =	ssetifvalue $0x7FFFFFFF;
	v0 =	vld.msk [tilespmem:s16+$0x0 ss:$0x1], $0xffff  }
.Ltmp4:
0x39: {  	_ = 	snop;
	(pc) =	sbr.rel .LBB2_4-.Ltmp4, $1  }
0x3a: {  	_ =	sdelay $0x3  }
.LBB2_6:
0x3b: {  	_ =	sfence.sel $0x180000  }
0x3c: {  	s2 =	simm.s32 $0x2;
	[bflag:$0x0] =	sbarrier.arrive $0xFFFF  }
0x3d: {  	s30 =	simm.s32 $0x3;
	[sflag:s2] =	ssyncpa.u1 $0x1  }
0x3e: {  	s31 =	simm.s32 $0x1;
	[sflag:s30] =	ssyncpa.u1 $0x1  }
0x3f: {  	[sflag:s31] =	ssyncpa.u1 $0x1  }
0x40: {  	p0 =	sne.s32 s1, $0x0;
	_ =	strace $0x9000004A  }
0x41: {  	s0 =	sadd.s32 @!p0 $0x100000, s0;
	[bflag:$0x2] =	sbarrier.arrive $0xFFFF  }
0x42: {  	[sflag:s0] =	ssyncadd.tile.s32 @!p0 $0x1;
	_ =	shalt  }
.Lfunc_end2:
_tile_overlayer_lowered:
.L_overlay_start_2:
0x43: {  	(tag) =	ssettag $0x2  }
0x44: {  	s0 =	rddreg [dreg:$0x0];
	s2 =	stileid.u32  }
0x45: {  	s1 =	rddreg [dreg:$0x1];
	p0 =	sne.s32 s2, $0x0  }
0x46: {  	s3 =	rddreg [dreg:$0x2];
	[bflag:$0x3] =	sbarrier.arrive $0xFFFF;
	s2 =	simm.s32 @!p0 $0x1C01  }
0x47: {  	[timem:s3], [sflag:s2] =	dma.local @!p0 [hbm:s0], s1  }
0x48: {  	s0 =	simm.s32 @!p0 $0x1  }
0x49: {  	_ =	swait.ge @!p0 [sflag:s0], s1  }
0x4a: {  	s1 =	ssub.s32 @!p0 $0x0, s1;
	[sflag:s0] =	ssyncset.done @!p0 $0x0  }
0x4b: {  	[sflag:s0] =	ssyncadd.s32 @!p0 s1  }
0x4c: {  	[bflag:$0x3] =	sbarrier.arrive $0xFFFF  }
0x4d: {  	_ =	shalt  }

// kernel: gather_offload_async_start.20
scs
__scs_entry_jumppad:
0x0: {  	(pc) =	sbr.rel $0x88, $3  }
0x1: {  	(tag) =	ssettag $0x0;
	lr =	simm.s32 $0x1  }
0x2: {  	[smem:$0x3F9C] =	sst lr;
	_ =	strace $0xD0000000  }
0x3: {  	_ = 	snop  }
0x4: {  	_ = 	snop  }
0x5: {  	_ = 	snop  }
0x6: {  	_ = 	snop  }
0x7: {  	_ = 	snop  }
__scs_overlays_trampoline_lowered:
0x8: {  	[smem:$0x3FAB] =	sst s0  }
0x9: {  	[smem:$0x3FAC] =	sst s1  }
0xa: {  	[smem:$0x3FAD] =	sst s2  }
0xb: {  	[smem:$0x3FAE] =	sst s3  }
0xc: {  	[smem:$0x3FAF] =	sst s4  }
0xd: {  	[smem:$0x3FB0] =	sst s5  }
0xe: {  	[smem:$0x3FB1] =	sst s6  }
0xf: {  	[smem:$0x3FB2] =	sst s7  }
0x10: {  	[smem:$0x3FB3] =	sst s8  }
0x11: {  	[smem:$0x3FB4] =	sst s9;
	s0 =	simm.s32 @!p0 $0x0  }
0x12: {  	s1 =	sld [smem:$0x3F9A];
	s0 =	simm.s32 @p0 $0x1  }
0x13: {  	[smem:$0x3FB5] =	sst s0;
	s0 =	simm.s32 @!p1 $0x0  }
0x14: {  	s2 =	sld [smem:$0x3F99];
	s0 =	simm.s32 @p1 $0x1  }
0x15: {  	[smem:$0x3FB6] =	sst s0;
	s0 =	simm.s32 @!p2 $0x0  }
0x16: {  	s3 =	sld [smem:$0x3FDB];
	s0 =	simm.s32 @p2 $0x1  }
0x17: {  	s4 =	simm.s32 $0x1BF5;
	[smem:$0x3FB8] =	sst s0  }
0x18: {  	s0 =	sld [smem:$0x3F9B];
	_ =	swait.ge [sflag:s4], $0x0  }
0x19: {  	s7 =	sld [smem:$0x3F9C]  }
0x1a: {  	s8 =	sadd.s32 $0xFFFFE003, lr  }
0x1b: {  	s9 =	sadd.s32 $0xFFFFFEF7, lr;
	s5 =	simm.s32 $0xFFFFFFFF;
	p2 =	slt.u32 s8, $0xFFFFF086  }
0x1c: {  	p1 =	slt.u32 s9, $0xF7A;
	s5 =	simm.s32 @!p2 $0x0  }
0x1d: {  	s5 =	simm.s32 @p1 $0x1;
	p0 =	seq.s32 s7, s2  }
0x1e: {  	s7 =	smul.u32 @!p0 $0xF7A, s2;
	p2 =	seq.s32 @!p0 s5, $0x0  }
0x1f: {  	s9 =	smul.u32 $0xF7A, s1;
	s8 =	simm.s32 @!p0 $0x1BF5;
	p2 =	por !p2, p0  }
0x20: {  	[sflag:s8] =	ssyncset.s32 @!p0 $0xFFFFF086;
	s6 =	sadd.s32 @!p0 s3, s7;
	s7 =	simm.s32 @!p0 $0x108  }
0x21: {  	s3 =	sadd.s32 s3, s9;
	s6 =	sadd.s32 @!p0 $0x88, s6;
	s7 =	simm.s32 @p2 $0x1082  }
0x22: {  	[simem:s7], [sflag:s8] =	dma.local @!p0 [hbm:s6], $0xF7A  }
0x23: {  	s9 =	sor.u32 $0xD0000000, s2;
	s6 =	simm.s32 $0x108;
	_ =	swait.ge @!p0 [sflag:s8], $0x0  }
0x24: {  	s3 =	sadd.s32 $0x88, s3;
	s6 =	simm.s32 @!p1 $0x1082;
	[sflag:s4] =	ssyncset.s32 $0xFFFFF086  }
0x25: {  	[simem:s6], [sflag:s4] =	dma.local [hbm:s3], $0xF7A  }
0x26: {  	[smem:$0x3F9C] =	sst s1;
	(tag) =	ssettag s2;
	_ =	strace s9  }
0x27: {  	s1 =	sld [smem:$0x3FAC]  }
0x28: {  	s2 =	sld [smem:$0x3FAD]  }
0x29: {  	s4 =	sld [smem:$0x3FAF]  }
0x2a: {  	p0 =	seq.s32 s5, $0x0;
	s5 =	sld [smem:$0x3FB0]  }
0x2b: {  	s6 =	sld [smem:$0x3FB1]  }
0x2c: {  	s7 =	sld [smem:$0x3FB2]  }
0x2d: {  	s3 =	simm.s32 $0x108;
	s8 =	sld [smem:$0x3FB3]  }
0x2e: {  	s3 =	simm.s32 @!p0 $0x1082;
	s9 =	sld [smem:$0x3FB4]  }
0x2f: {  	lr =	sadd.s32 s0, s3;
	s0 =	sld [smem:$0x3FAB]  }
0x30: {  	s3 =	sld [smem:$0x3FAE]  }
0x31: {  	[smem:$0x3FB7] =	sst s10  }
0x32: {  	s10 =	sld [smem:$0x3FB5];
	_ =	sdelay $0x3  }
0x33: {  	p0 =	seq.s32 s10, $0x1;
	s10 =	sld [smem:$0x3FB7];
	_ =	sdelay $0x3  }
0x34: {  	[smem:$0x3FB7] =	sst s10  }
0x35: {  	s10 =	sld [smem:$0x3FB6];
	_ =	sdelay $0x3  }
0x36: {  	p1 =	seq.s32 s10, $0x1;
	s10 =	sld [smem:$0x3FB7];
	_ =	sdelay $0x3  }
0x37: {  	[smem:$0x3FB7] =	sst s10  }
0x38: {  	s10 =	sld [smem:$0x3FB8]  }
0x39: {  	_ = 	snop;
	(pc) =	sbr.ind lr, $3  }
0x3a: {  	_ = 	snop  }
0x3b: {  	_ = 	snop  }
0x3c: {  	p2 =	seq.s32 s10, $0x1;
	s10 =	sld [smem:$0x3FB7]  }
0x3d: {  	_ =	shalt  }
0x3e: {  	_ =	shalt  }
0x3f: {  	_ =	shalt  }
0x40: {  	_ =	shalt  }
0x41: {  	_ =	shalt  }
0x42: {  	_ =	shalt  }
0x43: {  	_ =	shalt  }
0x44: {  	_ =	shalt  }
0x45: {  	_ =	shalt  }
0x46: {  	_ =	shalt  }
0x47: {  	_ =	shalt  }
0x48: {  	_ =	shalt  }
0x49: {  	_ =	shalt  }
0x4a: {  	_ =	shalt  }
0x4b: {  	_ =	shalt  }
0x4c: {  	_ =	shalt  }
0x4d: {  	_ =	shalt  }
0x4e: {  	_ =	shalt  }
0x4f: {  	_ =	shalt  }
0x50: {  	_ =	shalt  }
0x51: {  	_ =	shalt  }
0x52: {  	_ =	shalt  }
0x53: {  	_ =	shalt  }
0x54: {  	_ =	shalt  }
0x55: {  	_ =	shalt  }
0x56: {  	_ =	shalt  }
0x57: {  	_ =	shalt  }
0x58: {  	_ =	shalt  }
0x59: {  	_ =	shalt  }
0x5a: {  	_ =	shalt  }
0x5b: {  	_ =	shalt  }
0x5c: {  	_ =	shalt  }
0x5d: {  	_ =	shalt  }
0x5e: {  	_ =	shalt  }
0x5f: {  	_ =	shalt  }
0x60: {  	_ =	shalt  }
0x61: {  	_ =	shalt  }
0x62: {  	_ =	shalt  }
0x63: {  	_ =	shalt  }
0x64: {  	_ =	shalt  }
0x65: {  	_ =	shalt  }
0x66: {  	_ =	shalt  }
0x67: {  	_ =	shalt  }
0x68: {  	_ =	shalt  }
0x69: {  	_ =	shalt  }
0x6a: {  	_ =	shalt  }
0x6b: {  	_ =	shalt  }
0x6c: {  	_ =	shalt  }
0x6d: {  	_ =	shalt  }
0x6e: {  	_ =	shalt  }
0x6f: {  	_ =	shalt  }
0x70: {  	_ =	shalt  }
0x71: {  	_ =	shalt  }
0x72: {  	_ =	shalt  }
0x73: {  	_ =	shalt  }
0x74: {  	_ =	shalt  }
0x75: {  	_ =	shalt  }
0x76: {  	_ =	shalt  }
0x77: {  	_ =	shalt  }
0x78: {  	_ =	shalt  }
0x79: {  	_ =	shalt  }
0x7a: {  	_ =	shalt  }
0x7b: {  	_ =	shalt  }
0x7c: {  	_ =	shalt  }
0x7d: {  	_ =	shalt  }
0x7e: {  	_ =	shalt  }
0x7f: {  	_ =	shalt  }
0x80: {  	_ =	shalt  }
0x81: {  	_ =	shalt  }
0x82: {  	_ =	shalt  }
0x83: {  	_ =	shalt  }
0x84: {  	_ =	shalt  }
0x85: {  	_ =	shalt  }
0x86: {  	_ =	shalt  }
0x87: {  	_ =	shalt  }
.Lfunc_end0:
.L_simem_size_0:
called_computation.20_lowered:
.L_overlay_start_0:
0x88: {  	s0 =	sld [smem:$0x3FD9]  }
0x89: {  	s1 =	sld [smem:$0x3FFE];
	_ =	sdelay $0x3  }
0x8a: {  	s0 =	sadd.s32 s1, s0  }
0x8b: {  	[smem:$0x3FC3] =	sst s0  }
0x8c: {  	_ = 	snop  }
0x8d: {  	(tm) =	ssettm $0x1  }
0x8e: {  	s15 =	sld [smem:$0x3FFB];
	_ =	sdelay $0x3  }
0x8f: {  	_ =	strace s15  }
0x90: {  	s0 =	sld [smem:$0x3FFC];
	_ =	sdelay $0x3  }
0x91: {  	_ =	strace s0  }
0x92: {  	s0 =	sld [smem:$0x3FFD];
	_ =	sdelay $0x3  }
0x93: {  	_ =	strace s0  }
0x94: {  	_ =	strace $0x8FFFFFFF  }
0x95: {  	s16 =	sld [smem:$0x3FDB];
	_ =	sdelay $0x1  }
0x96: {  	s17 =	simm.s32 $_scs_section_size  }
0x97: {  	s2 =	simm.s32 $_size__tile_overlayer_lowered;
	s3 =	simm.s32 $_tile_overlayer_lowered  }
0x98: {  	s20 =	simm.s32 $0x1BFF;
	s19 =	sshll.u32 s3, $0x1;
	s0 =	sadd.s32 s17, s16  }
0x99: {  	s4 =	simm.s32 $0x0;
	s18 =	sshll.u32 s2, $0x1;
	s2 =	sadd.s32 s19, s0  }
0x9a: {  	[timem:s4], [sflag:s20] =	dma.local [hbm:s2], s18  }
0x9b: {  	_ =	swait.ge [sflag:s20], s18  }
0x9c: {  	s1 =	ssub.s32 $0x0, s18;
	[sflag:s20] =	ssyncset.done $0x0  }
0x9d: {  	[sflag:s20] =	ssyncadd.s32 s1;
	_ =	sdelay $0x1  }
0x9e: {  	s21 =	simm.s32 $0x1B8B  }
0x9f: {  	_ =	swait.ge [sflag:s21], $0x1  }
0xa0: {  	[sflag:s21] =	ssyncset.done $0x0  }
0xa1: {  	s23 =	simm.s32 $0x1B8E;
	s22 =	sld [smem:$0x3FFE];
	[sflag:s21] =	ssyncadd.s32 $0xFFFFFFFF  }
0xa2: {  	s24 =	simm.s32 $execute0_lowered;
	[smem:$0x3FD2] =	sst s23  }
0xa3: {  	s2 =	sshll.u32 s24, $0x1;
	_ =	strace $0x8000008B;
	[dreg:$0x1] =	wrdreg $0xFFFFFFFF  }
0xa4: {  	s25 =	simm.s32 $_size_execute0_lowered;
	s0 =	sadd.s32 s0, s2;
	[dreg:$0x0] =	wrdreg $0x0  }
0xa5: {  	s2 =	sshll.u32 s25, $0x1;
	[dreg:$0x2] =	wrdreg s0  }
0xa6: {  	[dreg:$0x3] =	wrdreg s2  }
0xa7: {  	[dreg:$0x4] =	wrdreg $0xC0  }
0xa8: {  	_ =	task [dreg:s4], $0x5FFFF  }
0xa9: {  	[dreg:$0x1] =	wrdreg $0xFFFFFFFF  }
0xaa: {  	[dreg:$0x0] =	wrdreg $0x60  }
0xab: {  	[dreg:$0x2] =	wrdreg s22  }
0xac: {  	[dreg:$0x3] =	wrdreg $0x9  }
0xad: {  	_ =	task.clear_ibuf [dreg:s4], $0x4FFFF;
	_ =	strace $0x9000008B  }
0xae: {  	s26 =	simm.s32 $0x9;
	_ =	strace $0x8000008D  }
0xaf: {  	_ =	swait.ge [sflag:s26], $0x1  }
0xb0: {  	[sflag:s26] =	ssyncadd.s32 $0xFFFFFFFF  }
0xb1: {  	_ =	strace $0x9000008D  }
0xb2: {  	_ =	sfence  }
0xb3: {  	s28 =	sld [smem:$0x0];
	_ =	sdelay $0x1  }
0xb4: {  	s29 =	srdreg.scid  }
0xb5: {  	s30 =	sshll.u32 s29, $0xD;
	s31 =	sshrl.u32 s29, $0x2  }
0xb6: {  	s1 =	sand.u32 $0x1, s29;
	s2 =	sand.u32 $0x4000, s30;
	s0 =	sadd.s32 s31, s28  }
0xb7: {  	s1 =	sor.u32 s2, s1;
	s0 =	sshll.u32 s0, $0x11  }
0xb8: {  	s0 =	sor.u32 s0, s1  }
0xb9: {  	s0 =	sadd.s32 $0x8F2B, s0  }
0xba: {  	[sflag:s0] =	ssyncadd.remote.s32 $0x1  }
0xbb: {  	_ =	sfence.sel $0xFFFF  }
0xbc: {  	[dreg:$0x0] =	wrdreg $0xFFFFFFFF;
	(pc) =	sbr.abs _section_cstart, $3  }
0xbd: {  	[dreg:$0x1] =	wrdreg $0xFFFFFFFF  }
0xbe: {  	_ =	task.clear_ibuf [dreg:s4], $0x2FFFF;
	_ =	strace $0x9FFFFFFF  }
0xbf: {  	(tm) =	ssettm $0x7FFFFFFF  }
tec
execute0_lowered:
.L_overlay_start_1:
0x0: {  	(tag) =	ssettag $0x1  }
0x1: {  	s8 =	rddreg [dreg:$0x0]  }
0x2: {  	s0 =	rddreg [dreg:$0x1];
	_ =	strace $0x8000008C  }
0x3: {  	s4 =	simm.s32 $0x1;
	s1 =	stileid.u32;
	s7 =	simm.s32 $0x1  }
0x4: {  	s9 =	simm.s32 $0x1;
	s6 =	simm.s32 $0x2;
	s10 =	simm.s32 $0x3  }
0x5: {  	s13 =	simm.s32 $0x0;
	s12 =	simm.s32 $0x0;
	s2 =	sadd.s32 $0x9EC00, s8  }
.Ltmp0:
0x6: {  	s3 =	sadd.s32 $0x8CE00, s8;
	p0 =	slt.u32 s1, $0xA;
	(pc) =	sbr.rel .LBB2_1-.Ltmp0, $4  }
0x7: {  	[sflag:s4] =	ssyncpa.u1 $0x0;
	s7 =	simm.s32 @!p0 $0x0;
	p0 =	sne.s32 s1, $0x9  }
0x8: {  	s5 =	smul.u32 $0x7D0, s1;
	[sflag:s6] =	ssyncpa.u1 $0x0;
	s9 =	simm.s32 @!p0 $0x0  }
0x9: {  	s8 =	sadd.s32 $0x8B400, s8;
	[sflag:s10] =	ssyncpa.u1 $0x0;
	s7 =	sadd.s32 s9, s7  }
0xa: {  	vm0 =	vmmov $0xffff;
	s10 =	simm.s32 $0x0;
	s11 =	smov.u32 s5;
	s9 =	sadd.s32 $0x1, s7  }
.LBB2_4:
0xb: {  	v2 =	vnsel vm1, $0x0, v2  }
0xc: {  	vm1 =	vgt.s32 v0, $0x0;
	v2 =	vmin.u32 v2, $0x3FFFFF  }
0xd: {  	v0 =	vnsel vm1, $0x0, v0  }
0xe: {  	v0 =	vmin.u32 v0, $0x3FFFFF  }
0xf: {  	[tilespmem:s18], [sflag:$0x1] =	stream.indirect_vreg.gather [hbm4b:s2+s10], $0x1, v1, vm0, $0x4038;
	[tilespmem:$0x1F40] =	vst v63  }
0x10: {  	(ifvalue) =	ssetifvalue $0x7FFFFFFF  }
0x11: {  	[tilespmem:s15], [sflag:$0x1] =	stream.indirect_vreg.gather [hbm4b:s2+s10], $0x1, v2, vm0, $0x4038;
	[tilespmem:$0x1F40] =	vst v63  }
0x12: {  	s29 =	sadd.s32 $0x10, s15;
	(ifvalue) =	ssetifvalue $0x7FFFFFFF  }
0x13: {  	[tilespmem:s29], [sflag:$0x1] =	stream.indirect_vreg.gather [hbm4b:s2+s10], $0x1, v0, vm0, $0x4038;
	[tilespmem:$0x1F40] =	vst v63  }
0x14: {  	_ =	swait.ge [sflag:s4], $0x7D0  }
0x15: {  	s30 =	sshrl.u32 s13, $0x3;
	[sflag:s4] =	ssyncset.done $0x0  }
0x16: {  	s31 =	sand.u32 $0x7, s13;
	s15 =	sadd.s32 s8, s30;
	[sflag:s4] =	ssyncadd.s32 $0xFFFFF830  }
0x17: {  	[hbm4b:s15+s31] =	stream.linear.scatter [tilespmem:s14], [sflag:$0x3], $0x7D0, $0x38;
	[tilespmem:$0x1F40] =	vst v63  }
.LBB2_5:
0x18: {  	s15 =	sadd.s32 $0x7D00, s11  }
0x19: {  	p1 =	sgt.s32 s15, $0xC34F  }
0x1a: {  	s15 =	smov.u32 @p1 s5;
	p1 =	sne.s32 s12, s9  }
.Ltmp1:
0x1b: {  	p0 =	slt.u32 s12, $0x2;
	(pc) =	sbr.rel @!p1 .LBB2_6-.Ltmp1, $4  }
0x1c: {  	s14 =	simm.s32 @!p0 $0x3  }
0x1d: {  	_ =	swait.ge @!p0 [sflag:s14], $0x7D0  }
0x1e: {  	s16 =	sadd.s32 $0x1, s12;
	s13 =	smov.u32 s11;
	[sflag:s14] =	ssyncset.done @!p0 $0x0  }
0x1f: {  	s12 =	smov.u32 s16;
	s11 =	smov.u32 s15;
	[sflag:s14] =	ssyncadd.s32 @!p0 $0xFFFFF830  }
.LBB2_1:
0x20: {  	p0 =	sge.u32 s12, s7  }
0x21: {  	s14 =	sxor.u32 @!p0 $0x1, s12  }
0x22: {  	s14 =	smul.u32 @!p0 $0x1F40, s14  }
0x23: {  	s31 =	sadd.s32 $0xFFFFFFFF, s12;
	s15 =	sshrl.u32 @!p0 s11, $0x3  }
0x24: {  	s16 =	sand.u32 @!p0 $0x7, s11;
	s15 =	sadd.s32 @!p0 s3, s15;
	s14 =	sshra.s32 @!p0 s14, $0x2  }
0x25: {  	[tilespmem:s14], [sflag:$0x2] =	stream.linear.gather @!p0 [hbm4b:s15+s16], $0x7D0, $0x38;
	[tilespmem:$0x1F40] =	vst v63  }
0x26: {  	p0 =	sge.u32 s31, s7  }
.Ltmp2:
0x27: {  	_ = 	snop;
	(pc) =	sbr.rel @p0 .LBB2_5-.Ltmp2, $1  }
0x28: {  	_ =	sdelay $0x3  }
0x29: {  	s14 =	sand.u32 $0x1, s12  }
0x2a: {  	_ =	swait.ge [sflag:s6], $0x7D0;
	p0 =	seq.s32 s14, $0x1;
	s14 =	simm.s32 $0x7D0  }
0x2b: {  	[sflag:s6] =	ssyncset.done $0x0;
	s14 =	simm.s32 @!p0 $0x0  }
0x2c: {  	[sflag:s6] =	ssyncadd.s32 $0xFFFFF830;
	(ifvalue) =	ssetifvalue $0x7FFFFFFF;
	v0 =	vld.msk [tilespmem:s14+$0x0 ss:$0x1], $0xffff;
	_ =	sdelay $0x4  }
0x2d: {  	s15 =	sadd.s32 $0x10, s14;
	vm1 =	vgt.s32 v0, $0x0  }
0x2e: {  	v2 =	vld.msk [tilespmem:s15+$0x0 ss:$0x1], $0xffff;
	v1 =	vnsel vm1, $0x0, v0  }
0x2f: {  	v1 =	vmin.u32 v1, $0x3FFFFF;
	_ =	sdelay $0x2  }
0x30: {  	s17 =	simm.s32 $0x20;
	s14 =	sadd.s32 $0xFA0, s14;
	s16 =	sadd.s32 $0x10, s15  }
0x31: {  	s15 =	sadd.s32 $0x10, s14;
	s18 =	smov.u32 s14;
	v0 =	vld.msk [tilespmem:s16+$0x0 ss:$0x1], $0xffff;
	vm1 =	vgt.s32 v2, $0x0;
	(ifvalue) =	ssetifvalue $0x7FFFFFFF  }
.LBB2_3:
0x32: {  	[tilespmem:s18], [sflag:$0x1] =	stream.indirect_vreg.gather [hbm4b:s2+s10], $0x1, v1, vm0, $0x4038;
	[tilespmem:$0x1F40] =	vst v63  }
0x33: {  	s17 =	sadd.s32 $0x10, s17  }
0x34: {  	v2 =	vnsel vm1, $0x0, v2;
	p0 =	slt.u32 s17, $0x7C0  }
.Ltmp3:
0x35: {  	s18 =	smov.u32 s15;
	v1 =	vmin.u32 v2, $0x3FFFFF;
	(pc) =	sbr.rel @p0 .LBB2_3-.Ltmp3, $3  }
0x36: {  	_ =	sdelay $0x1  }
0x37: {  	s16 =	sadd.s32 $0x10, s16  }
0x38: {  	vm1 =	vgt.s32 v0, $0x0;
	s15 =	sadd.s32 $0x10, s15;
	v2 =	vmov v0;
	(ifvalue) =	ssetifvalue $0x7FFFFFFF;
	v0 =	vld.msk [tilespmem:s16+$0x0 ss:$0x1], $0xffff  }
.Ltmp4:
0x39: {  	_ = 	snop;
	(pc) =	sbr.rel .LBB2_4-.Ltmp4, $1  }
0x3a: {  	_ =	sdelay $0x3  }
.LBB2_6:
0x3b: {  	_ =	sfence.sel $0x180000  }
0x3c: {  	s2 =	simm.s32 $0x2;
	[bflag:$0x0] =	sbarrier.arrive $0xFFFF  }
0x3d: {  	s30 =	simm.s32 $0x3;
	[sflag:s2] =	ssyncpa.u1 $0x1  }
0x3e: {  	s31 =	simm.s32 $0x1;
	[sflag:s30] =	ssyncpa.u1 $0x1  }
0x3f: {  	[sflag:s31] =	ssyncpa.u1 $0x1  }
0x40: {  	p0 =	sne.s32 s1, $0x0;
	_ =	strace $0x9000008C  }
0x41: {  	s0 =	sadd.s32 @!p0 $0x100000, s0;
	[bflag:$0x2] =	sbarrier.arrive $0xFFFF  }
0x42: {  	[sflag:s0] =	ssyncadd.tile.s32 @!p0 $0x1;
	_ =	shalt  }
.Lfunc_end2:
_tile_overlayer_lowered:
.L_overlay_start_2:
0x43: {  	(tag) =	ssettag $0x2  }
0x44: {  	s0 =	rddreg [dreg:$0x0];
	s2 =	stileid.u32  }
0x45: {  	s1 =	rddreg [dreg:$0x1];
	p0 =	sne.s32 s2, $0x0  }
0x46: {  	s3 =	rddreg [dreg:$0x2];
	[bflag:$0x3] =	sbarrier.arrive $0xFFFF;
	s2 =	simm.s32 @!p0 $0x1C01  }
0x47: {  	[timem:s3], [sflag:s2] =	dma.local @!p0 [hbm:s0], s1  }
0x48: {  	s0 =	simm.s32 @!p0 $0x1  }
0x49: {  	_ =	swait.ge @!p0 [sflag:s0], s1  }
0x4a: {  	s1 =	ssub.s32 @!p0 $0x0, s1;
	[sflag:s0] =	ssyncset.done @!p0 $0x0  }
0x4b: {  	[sflag:s0] =	ssyncadd.s32 @!p0 s1  }
0x4c: {  	[bflag:$0x3] =	sbarrier.arrive $0xFFFF  }
0x4d: {  	_ =	shalt  }

// kernel: gather_offload_async_start.21
scs
__scs_entry_jumppad:
0x0: {  	(pc) =	sbr.rel $0x88, $3  }
0x1: {  	(tag) =	ssettag $0x0;
	lr =	simm.s32 $0x1  }
0x2: {  	[smem:$0x3F9C] =	sst lr;
	_ =	strace $0xD0000000  }
0x3: {  	_ = 	snop  }
0x4: {  	_ = 	snop  }
0x5: {  	_ = 	snop  }
0x6: {  	_ = 	snop  }
0x7: {  	_ = 	snop  }
__scs_overlays_trampoline_lowered:
0x8: {  	[smem:$0x3FAB] =	sst s0  }
0x9: {  	[smem:$0x3FAC] =	sst s1  }
0xa: {  	[smem:$0x3FAD] =	sst s2  }
0xb: {  	[smem:$0x3FAE] =	sst s3  }
0xc: {  	[smem:$0x3FAF] =	sst s4  }
0xd: {  	[smem:$0x3FB0] =	sst s5  }
0xe: {  	[smem:$0x3FB1] =	sst s6  }
0xf: {  	[smem:$0x3FB2] =	sst s7  }
0x10: {  	[smem:$0x3FB3] =	sst s8  }
0x11: {  	[smem:$0x3FB4] =	sst s9;
	s0 =	simm.s32 @!p0 $0x0  }
0x12: {  	s1 =	sld [smem:$0x3F9A];
	s0 =	simm.s32 @p0 $0x1  }
0x13: {  	[smem:$0x3FB5] =	sst s0;
	s0 =	simm.s32 @!p1 $0x0  }
0x14: {  	s2 =	sld [smem:$0x3F99];
	s0 =	simm.s32 @p1 $0x1  }
0x15: {  	[smem:$0x3FB6] =	sst s0;
	s0 =	simm.s32 @!p2 $0x0  }
0x16: {  	s3 =	sld [smem:$0x3FDB];
	s0 =	simm.s32 @p2 $0x1  }
0x17: {  	s4 =	simm.s32 $0x1BF5;
	[smem:$0x3FB8] =	sst s0  }
0x18: {  	s0 =	sld [smem:$0x3F9B];
	_ =	swait.ge [sflag:s4], $0x0  }
0x19: {  	s7 =	sld [smem:$0x3F9C]  }
0x1a: {  	s8 =	sadd.s32 $0xFFFFE003, lr  }
0x1b: {  	s9 =	sadd.s32 $0xFFFFFEF7, lr;
	s5 =	simm.s32 $0xFFFFFFFF;
	p2 =	slt.u32 s8, $0xFFFFF086  }
0x1c: {  	p1 =	slt.u32 s9, $0xF7A;
	s5 =	simm.s32 @!p2 $0x0  }
0x1d: {  	s5 =	simm.s32 @p1 $0x1;
	p0 =	seq.s32 s7, s2  }
0x1e: {  	s7 =	smul.u32 @!p0 $0xF7A, s2;
	p2 =	seq.s32 @!p0 s5, $0x0  }
0x1f: {  	s9 =	smul.u32 $0xF7A, s1;
	s8 =	simm.s32 @!p0 $0x1BF5;
	p2 =	por !p2, p0  }
0x20: {  	[sflag:s8] =	ssyncset.s32 @!p0 $0xFFFFF086;
	s6 =	sadd.s32 @!p0 s3, s7;
	s7 =	simm.s32 @!p0 $0x108  }
0x21: {  	s3 =	sadd.s32 s3, s9;
	s6 =	sadd.s32 @!p0 $0x88, s6;
	s7 =	simm.s32 @p2 $0x1082  }
0x22: {  	[simem:s7], [sflag:s8] =	dma.local @!p0 [hbm:s6], $0xF7A  }
0x23: {  	s9 =	sor.u32 $0xD0000000, s2;
	s6 =	simm.s32 $0x108;
	_ =	swait.ge @!p0 [sflag:s8], $0x0  }
0x24: {  	s3 =	sadd.s32 $0x88, s3;
	s6 =	simm.s32 @!p1 $0x1082;
	[sflag:s4] =	ssyncset.s32 $0xFFFFF086  }
0x25: {  	[simem:s6], [sflag:s4] =	dma.local [hbm:s3], $0xF7A  }
0x26: {  	[smem:$0x3F9C] =	sst s1;
	(tag) =	ssettag s2;
	_ =	strace s9  }
0x27: {  	s1 =	sld [smem:$0x3FAC]  }
0x28: {  	s2 =	sld [smem:$0x3FAD]  }
0x29: {  	s4 =	sld [smem:$0x3FAF]  }
0x2a: {  	p0 =	seq.s32 s5, $0x0;
	s5 =	sld [smem:$0x3FB0]  }
0x2b: {  	s6 =	sld [smem:$0x3FB1]  }
0x2c: {  	s7 =	sld [smem:$0x3FB2]  }
0x2d: {  	s3 =	simm.s32 $0x108;
	s8 =	sld [smem:$0x3FB3]  }
0x2e: {  	s3 =	simm.s32 @!p0 $0x1082;
	s9 =	sld [smem:$0x3FB4]  }
0x2f: {  	lr =	sadd.s32 s0, s3;
	s0 =	sld [smem:$0x3FAB]  }
0x30: {  	s3 =	sld [smem:$0x3FAE]  }
0x31: {  	[smem:$0x3FB7] =	sst s10  }
0x32: {  	s10 =	sld [smem:$0x3FB5];
	_ =	sdelay $0x3  }
0x33: {  	p0 =	seq.s32 s10, $0x1;
	s10 =	sld [smem:$0x3FB7];
	_ =	sdelay $0x3  }
0x34: {  	[smem:$0x3FB7] =	sst s10  }
0x35: {  	s10 =	sld [smem:$0x3FB6];
	_ =	sdelay $0x3  }
0x36: {  	p1 =	seq.s32 s10, $0x1;
	s10 =	sld [smem:$0x3FB7];
	_ =	sdelay $0x3  }
0x37: {  	[smem:$0x3FB7] =	sst s10  }
0x38: {  	s10 =	sld [smem:$0x3FB8]  }
0x39: {  	_ = 	snop;
	(pc) =	sbr.ind lr, $3  }
0x3a: {  	_ = 	snop  }
0x3b: {  	_ = 	snop  }
0x3c: {  	p2 =	seq.s32 s10, $0x1;
	s10 =	sld [smem:$0x3FB7]  }
0x3d: {  	_ =	shalt  }
0x3e: {  	_ =	shalt  }
0x3f: {  	_ =	shalt  }
0x40: {  	_ =	shalt  }
0x41: {  	_ =	shalt  }
0x42: {  	_ =	shalt  }
0x43: {  	_ =	shalt  }
0x44: {  	_ =	shalt  }
0x45: {  	_ =	shalt  }
0x46: {  	_ =	shalt  }
0x47: {  	_ =	shalt  }
0x48: {  	_ =	shalt  }
0x49: {  	_ =	shalt  }
0x4a: {  	_ =	shalt  }
0x4b: {  	_ =	shalt  }
0x4c: {  	_ =	shalt  }
0x4d: {  	_ =	shalt  }
0x4e: {  	_ =	shalt  }
0x4f: {  	_ =	shalt  }
0x50: {  	_ =	shalt  }
0x51: {  	_ =	shalt  }
0x52: {  	_ =	shalt  }
0x53: {  	_ =	shalt  }
0x54: {  	_ =	shalt  }
0x55: {  	_ =	shalt  }
0x56: {  	_ =	shalt  }
0x57: {  	_ =	shalt  }
0x58: {  	_ =	shalt  }
0x59: {  	_ =	shalt  }
0x5a: {  	_ =	shalt  }
0x5b: {  	_ =	shalt  }
0x5c: {  	_ =	shalt  }
0x5d: {  	_ =	shalt  }
0x5e: {  	_ =	shalt  }
0x5f: {  	_ =	shalt  }
0x60: {  	_ =	shalt  }
0x61: {  	_ =	shalt  }
0x62: {  	_ =	shalt  }
0x63: {  	_ =	shalt  }
0x64: {  	_ =	shalt  }
0x65: {  	_ =	shalt  }
0x66: {  	_ =	shalt  }
0x67: {  	_ =	shalt  }
0x68: {  	_ =	shalt  }
0x69: {  	_ =	shalt  }
0x6a: {  	_ =	shalt  }
0x6b: {  	_ =	shalt  }
0x6c: {  	_ =	shalt  }
0x6d: {  	_ =	shalt  }
0x6e: {  	_ =	shalt  }
0x6f: {  	_ =	shalt  }
0x70: {  	_ =	shalt  }
0x71: {  	_ =	shalt  }
0x72: {  	_ =	shalt  }
0x73: {  	_ =	shalt  }
0x74: {  	_ =	shalt  }
0x75: {  	_ =	shalt  }
0x76: {  	_ =	shalt  }
0x77: {  	_ =	shalt  }
0x78: {  	_ =	shalt  }
0x79: {  	_ =	shalt  }
0x7a: {  	_ =	shalt  }
0x7b: {  	_ =	shalt  }
0x7c: {  	_ =	shalt  }
0x7d: {  	_ =	shalt  }
0x7e: {  	_ =	shalt  }
0x7f: {  	_ =	shalt  }
0x80: {  	_ =	shalt  }
0x81: {  	_ =	shalt  }
0x82: {  	_ =	shalt  }
0x83: {  	_ =	shalt  }
0x84: {  	_ =	shalt  }
0x85: {  	_ =	shalt  }
0x86: {  	_ =	shalt  }
0x87: {  	_ =	shalt  }
.Lfunc_end0:
.L_simem_size_0:
called_computation.21_lowered:
.L_overlay_start_0:
0x88: {  	s0 =	sld [smem:$0x3FD9]  }
0x89: {  	s1 =	sld [smem:$0x3FFE];
	_ =	sdelay $0x3  }
0x8a: {  	s0 =	sadd.s32 s1, s0  }
0x8b: {  	[smem:$0x3FC3] =	sst s0  }
0x8c: {  	_ = 	snop  }
0x8d: {  	(tm) =	ssettm $0x1  }
0x8e: {  	s15 =	sld [smem:$0x3FFB];
	_ =	sdelay $0x3  }
0x8f: {  	_ =	strace s15  }
0x90: {  	s0 =	sld [smem:$0x3FFC];
	_ =	sdelay $0x3  }
0x91: {  	_ =	strace s0  }
0x92: {  	s0 =	sld [smem:$0x3FFD];
	_ =	sdelay $0x3  }
0x93: {  	_ =	strace s0  }
0x94: {  	_ =	strace $0x8FFFFFFF  }
0x95: {  	s16 =	sld [smem:$0x3FDB];
	_ =	sdelay $0x1  }
0x96: {  	s17 =	simm.s32 $_scs_section_size  }
0x97: {  	s2 =	simm.s32 $_size__tile_overlayer_lowered;
	s3 =	simm.s32 $_tile_overlayer_lowered  }
0x98: {  	s20 =	simm.s32 $0x1BFF;
	s19 =	sshll.u32 s3, $0x1;
	s0 =	sadd.s32 s17, s16  }
0x99: {  	s4 =	simm.s32 $0x0;
	s18 =	sshll.u32 s2, $0x1;
	s2 =	sadd.s32 s19, s0  }
0x9a: {  	[timem:s4], [sflag:s20] =	dma.local [hbm:s2], s18  }
0x9b: {  	_ =	swait.ge [sflag:s20], s18  }
0x9c: {  	s1 =	ssub.s32 $0x0, s18;
	[sflag:s20] =	ssyncset.done $0x0  }
0x9d: {  	[sflag:s20] =	ssyncadd.s32 s1;
	_ =	sdelay $0x1  }
0x9e: {  	s21 =	simm.s32 $0x1B8B  }
0x9f: {  	_ =	swait.ge [sflag:s21], $0x1  }
0xa0: {  	[sflag:s21] =	ssyncset.done $0x0  }
0xa1: {  	s23 =	simm.s32 $0x1B8E;
	s22 =	sld [smem:$0x3FFE];
	[sflag:s21] =	ssyncadd.s32 $0xFFFFFFFF  }
0xa2: {  	s24 =	simm.s32 $execute0_lowered;
	[smem:$0x3FD2] =	sst s23  }
0xa3: {  	s2 =	sshll.u32 s24, $0x1;
	_ =	strace $0x8000008E;
	[dreg:$0x1] =	wrdreg $0xFFFFFFFF  }
0xa4: {  	s25 =	simm.s32 $_size_execute0_lowered;
	s0 =	sadd.s32 s0, s2;
	[dreg:$0x0] =	wrdreg $0x0  }
0xa5: {  	s2 =	sshll.u32 s25, $0x1;
	[dreg:$0x2] =	wrdreg s0  }
0xa6: {  	[dreg:$0x3] =	wrdreg s2  }
0xa7: {  	[dreg:$0x4] =	wrdreg $0xC0  }
0xa8: {  	_ =	task [dreg:s4], $0x5FFFF  }
0xa9: {  	[dreg:$0x1] =	wrdreg $0xFFFFFFFF  }
0xaa: {  	[dreg:$0x0] =	wrdreg $0x60  }
0xab: {  	[dreg:$0x2] =	wrdreg s22  }
0xac: {  	[dreg:$0x3] =	wrdreg $0x9  }
0xad: {  	_ =	task.clear_ibuf [dreg:s4], $0x4FFFF;
	_ =	strace $0x9000008E  }
0xae: {  	s26 =	simm.s32 $0x9;
	_ =	strace $0x80000090  }
0xaf: {  	_ =	swait.ge [sflag:s26], $0x1  }
0xb0: {  	[sflag:s26] =	ssyncadd.s32 $0xFFFFFFFF  }
0xb1: {  	_ =	strace $0x90000090  }
0xb2: {  	_ =	sfence  }
0xb3: {  	s28 =	sld [smem:$0x0];
	_ =	sdelay $0x1  }
0xb4: {  	s29 =	srdreg.scid  }
0xb5: {  	s30 =	sshll.u32 s29, $0xD;
	s31 =	sshrl.u32 s29, $0x2  }
0xb6: {  	s1 =	sand.u32 $0x1, s29;
	s2 =	sand.u32 $0x4000, s30;
	s0 =	sadd.s32 s31, s28  }
0xb7: {  	s1 =	sor.u32 s2, s1;
	s0 =	sshll.u32 s0, $0x11  }
0xb8: {  	s0 =	sor.u32 s0, s1  }
0xb9: {  	s0 =	sadd.s32 $0x8F2B, s0  }
0xba: {  	[sflag:s0] =	ssyncadd.remote.s32 $0x1  }
0xbb: {  	_ =	sfence.sel $0xFFFF  }
0xbc: {  	[dreg:$0x0] =	wrdreg $0xFFFFFFFF;
	(pc) =	sbr.abs _section_cstart, $3  }
0xbd: {  	[dreg:$0x1] =	wrdreg $0xFFFFFFFF  }
0xbe: {  	_ =	task.clear_ibuf [dreg:s4], $0x2FFFF;
	_ =	strace $0x9FFFFFFF  }
0xbf: {  	(tm) =	ssettm $0x7FFFFFFF  }
tec
execute0_lowered:
.L_overlay_start_1:
0x0: {  	(tag) =	ssettag $0x1  }
0x1: {  	s8 =	rddreg [dreg:$0x0]  }
0x2: {  	s0 =	rddreg [dreg:$0x1];
	_ =	strace $0x8000008F  }
0x3: {  	s4 =	simm.s32 $0x1;
	s1 =	stileid.u32;
	s7 =	simm.s32 $0x1  }
0x4: {  	s9 =	simm.s32 $0x1;
	s6 =	simm.s32 $0x2;
	s10 =	simm.s32 $0x3  }
0x5: {  	s13 =	simm.s32 $0x0;
	s12 =	simm.s32 $0x0;
	s2 =	sadd.s32 $0x9EC00, s8  }
.Ltmp0:
0x6: {  	s3 =	sadd.s32 $0x89A00, s8;
	p0 =	slt.u32 s1, $0xA;
	(pc) =	sbr.rel .LBB2_1-.Ltmp0, $4  }
0x7: {  	[sflag:s4] =	ssyncpa.u1 $0x0;
	s7 =	simm.s32 @!p0 $0x0;
	p0 =	sne.s32 s1, $0x9  }
0x8: {  	s5 =	smul.u32 $0x7D0, s1;
	[sflag:s6] =	ssyncpa.u1 $0x0;
	s9 =	simm.s32 @!p0 $0x0  }
0x9: {  	s8 =	sadd.s32 $0x8CE00, s8;
	[sflag:s10] =	ssyncpa.u1 $0x0;
	s7 =	sadd.s32 s9, s7  }
0xa: {  	vm0 =	vmmov $0xffff;
	s10 =	simm.s32 $0x0;
	s11 =	smov.u32 s5;
	s9 =	sadd.s32 $0x1, s7  }
.LBB2_4:
0xb: {  	v2 =	vnsel vm1, $0x0, v2  }
0xc: {  	vm1 =	vgt.s32 v0, $0x0;
	v2 =	vmin.u32 v2, $0x3FFFFF  }
0xd: {  	v0 =	vnsel vm1, $0x0, v0  }
0xe: {  	v0 =	vmin.u32 v0, $0x3FFFFF  }
0xf: {  	[tilespmem:s18], [sflag:$0x1] =	stream.indirect_vreg.gather [hbm4b:s2+s10], $0x1, v1, vm0, $0x4038;
	[tilespmem:$0x1F40] =	vst v63  }
0x10: {  	(ifvalue) =	ssetifvalue $0x7FFFFFFF  }
0x11: {  	[tilespmem:s15], [sflag:$0x1] =	stream.indirect_vreg.gather [hbm4b:s2+s10], $0x1, v2, vm0, $0x4038;
	[tilespmem:$0x1F40] =	vst v63  }
0x12: {  	s29 =	sadd.s32 $0x10, s15;
	(ifvalue) =	ssetifvalue $0x7FFFFFFF  }
0x13: {  	[tilespmem:s29], [sflag:$0x1] =	stream.indirect_vreg.gather [hbm4b:s2+s10], $0x1, v0, vm0, $0x4038;
	[tilespmem:$0x1F40] =	vst v63  }
0x14: {  	_ =	swait.ge [sflag:s4], $0x7D0  }
0x15: {  	s30 =	sshrl.u32 s13, $0x3;
	[sflag:s4] =	ssyncset.done $0x0  }
0x16: {  	s31 =	sand.u32 $0x7, s13;
	s15 =	sadd.s32 s8, s30;
	[sflag:s4] =	ssyncadd.s32 $0xFFFFF830  }
0x17: {  	[hbm4b:s15+s31] =	stream.linear.scatter [tilespmem:s14], [sflag:$0x3], $0x7D0, $0x38;
	[tilespmem:$0x1F40] =	vst v63  }
.LBB2_5:
0x18: {  	s15 =	sadd.s32 $0x7D00, s11  }
0x19: {  	p1 =	sgt.s32 s15, $0xC34F  }
0x1a: {  	s15 =	smov.u32 @p1 s5;
	p1 =	sne.s32 s12, s9  }
.Ltmp1:
0x1b: {  	p0 =	slt.u32 s12, $0x2;
	(pc) =	sbr.rel @!p1 .LBB2_6-.Ltmp1, $4  }
0x1c: {  	s14 =	simm.s32 @!p0 $0x3  }
0x1d: {  	_ =	swait.ge @!p0 [sflag:s14], $0x7D0  }
0x1e: {  	s16 =	sadd.s32 $0x1, s12;
	s13 =	smov.u32 s11;
	[sflag:s14] =	ssyncset.done @!p0 $0x0  }
0x1f: {  	s12 =	smov.u32 s16;
	s11 =	smov.u32 s15;
	[sflag:s14] =	ssyncadd.s32 @!p0 $0xFFFFF830  }
.LBB2_1:
0x20: {  	p0 =	sge.u32 s12, s7  }
0x21: {  	s14 =	sxor.u32 @!p0 $0x1, s12  }
0x22: {  	s14 =	smul.u32 @!p0 $0x1F40, s14  }
0x23: {  	s31 =	sadd.s32 $0xFFFFFFFF, s12;
	s15 =	sshrl.u32 @!p0 s11, $0x3  }
0x24: {  	s16 =	sand.u32 @!p0 $0x7, s11;
	s15 =	sadd.s32 @!p0 s3, s15;
	s14 =	sshra.s32 @!p0 s14, $0x2  }
0x25: {  	[tilespmem:s14], [sflag:$0x2] =	stream.linear.gather @!p0 [hbm4b:s15+s16], $0x7D0, $0x38;
	[tilespmem:$0x1F40] =	vst v63  }
0x26: {  	p0 =	sge.u32 s31, s7  }
.Ltmp2:
0x27: {  	_ = 	snop;
	(pc) =	sbr.rel @p0 .LBB2_5-.Ltmp2, $1  }
0x28: {  	_ =	sdelay $0x3  }
0x29: {  	s14 =	sand.u32 $0x1, s12  }
0x2a: {  	_ =	swait.ge [sflag:s6], $0x7D0;
	p0 =	seq.s32 s14, $0x1;
	s14 =	simm.s32 $0x7D0  }
0x2b: {  	[sflag:s6] =	ssyncset.done $0x0;
	s14 =	simm.s32 @!p0 $0x0  }
0x2c: {  	[sflag:s6] =	ssyncadd.s32 $0xFFFFF830;
	(ifvalue) =	ssetifvalue $0x7FFFFFFF;
	v0 =	vld.msk [tilespmem:s14+$0x0 ss:$0x1], $0xffff;
	_ =	sdelay $0x4  }
0x2d: {  	s15 =	sadd.s32 $0x10, s14;
	vm1 =	vgt.s32 v0, $0x0  }
0x2e: {  	v2 =	vld.msk [tilespmem:s15+$0x0 ss:$0x1], $0xffff;
	v1 =	vnsel vm1, $0x0, v0  }
0x2f: {  	v1 =	vmin.u32 v1, $0x3FFFFF;
	_ =	sdelay $0x2  }
0x30: {  	s17 =	simm.s32 $0x20;
	s14 =	sadd.s32 $0xFA0, s14;
	s16 =	sadd.s32 $0x10, s15  }
0x31: {  	s15 =	sadd.s32 $0x10, s14;
	s18 =	smov.u32 s14;
	v0 =	vld.msk [tilespmem:s16+$0x0 ss:$0x1], $0xffff;
	vm1 =	vgt.s32 v2, $0x0;
	(ifvalue) =	ssetifvalue $0x7FFFFFFF  }
.LBB2_3:
0x32: {  	[tilespmem:s18], [sflag:$0x1] =	stream.indirect_vreg.gather [hbm4b:s2+s10], $0x1, v1, vm0, $0x4038;
	[tilespmem:$0x1F40] =	vst v63  }
0x33: {  	s17 =	sadd.s32 $0x10, s17  }
0x34: {  	v2 =	vnsel vm1, $0x0, v2;
	p0 =	slt.u32 s17, $0x7C0  }
.Ltmp3:
0x35: {  	s18 =	smov.u32 s15;
	v1 =	vmin.u32 v2, $0x3FFFFF;
	(pc) =	sbr.rel @p0 .LBB2_3-.Ltmp3, $3  }
0x36: {  	_ =	sdelay $0x1  }
0x37: {  	s16 =	sadd.s32 $0x10, s16  }
0x38: {  	vm1 =	vgt.s32 v0, $0x0;
	s15 =	sadd.s32 $0x10, s15;
	v2 =	vmov v0;
	(ifvalue) =	ssetifvalue $0x7FFFFFFF;
	v0 =	vld.msk [tilespmem:s16+$0x0 ss:$0x1], $0xffff  }
.Ltmp4:
0x39: {  	_ = 	snop;
	(pc) =	sbr.rel .LBB2_4-.Ltmp4, $1  }
0x3a: {  	_ =	sdelay $0x3  }
.LBB2_6:
0x3b: {  	_ =	sfence.sel $0x180000  }
0x3c: {  	s2 =	simm.s32 $0x2;
	[bflag:$0x0] =	sbarrier.arrive $0xFFFF  }
0x3d: {  	s30 =	simm.s32 $0x3;
	[sflag:s2] =	ssyncpa.u1 $0x1  }
0x3e: {  	s31 =	simm.s32 $0x1;
	[sflag:s30] =	ssyncpa.u1 $0x1  }
0x3f: {  	[sflag:s31] =	ssyncpa.u1 $0x1  }
0x40: {  	p0 =	sne.s32 s1, $0x0;
	_ =	strace $0x9000008F  }
0x41: {  	s0 =	sadd.s32 @!p0 $0x100000, s0;
	[bflag:$0x2] =	sbarrier.arrive $0xFFFF  }
0x42: {  	[sflag:s0] =	ssyncadd.tile.s32 @!p0 $0x1;
	_ =	shalt  }
.Lfunc_end2:
_tile_overlayer_lowered:
.L_overlay_start_2:
0x43: {  	(tag) =	ssettag $0x2  }
0x44: {  	s0 =	rddreg [dreg:$0x0];
	s2 =	stileid.u32  }
0x45: {  	s1 =	rddreg [dreg:$0x1];
	p0 =	sne.s32 s2, $0x0  }
0x46: {  	s3 =	rddreg [dreg:$0x2];
	[bflag:$0x3] =	sbarrier.arrive $0xFFFF;
	s2 =	simm.s32 @!p0 $0x1C01  }
0x47: {  	[timem:s3], [sflag:s2] =	dma.local @!p0 [hbm:s0], s1  }
0x48: {  	s0 =	simm.s32 @!p0 $0x1  }
0x49: {  	_ =	swait.ge @!p0 [sflag:s0], s1  }
0x4a: {  	s1 =	ssub.s32 @!p0 $0x0, s1;
	[sflag:s0] =	ssyncset.done @!p0 $0x0  }
0x4b: {  	[sflag:s0] =	ssyncadd.s32 @!p0 s1  }
0x4c: {  	[bflag:$0x3] =	sbarrier.arrive $0xFFFF  }
0x4d: {  	_ =	shalt  }

// kernel: gather_offload_async_start.22
scs
__scs_entry_jumppad:
0x0: {  	(pc) =	sbr.rel $0x88, $3  }
0x1: {  	(tag) =	ssettag $0x0;
	lr =	simm.s32 $0x1  }
0x2: {  	[smem:$0x3F9C] =	sst lr;
	_ =	strace $0xD0000000  }
0x3: {  	_ = 	snop  }
0x4: {  	_ = 	snop  }
0x5: {  	_ = 	snop  }
0x6: {  	_ = 	snop  }
0x7: {  	_ = 	snop  }
__scs_overlays_trampoline_lowered:
0x8: {  	[smem:$0x3FAB] =	sst s0  }
0x9: {  	[smem:$0x3FAC] =	sst s1  }
0xa: {  	[smem:$0x3FAD] =	sst s2  }
0xb: {  	[smem:$0x3FAE] =	sst s3  }
0xc: {  	[smem:$0x3FAF] =	sst s4  }
0xd: {  	[smem:$0x3FB0] =	sst s5  }
0xe: {  	[smem:$0x3FB1] =	sst s6  }
0xf: {  	[smem:$0x3FB2] =	sst s7  }
0x10: {  	[smem:$0x3FB3] =	sst s8  }
0x11: {  	[smem:$0x3FB4] =	sst s9;
	s0 =	simm.s32 @!p0 $0x0  }
0x12: {  	s1 =	sld [smem:$0x3F9A];
	s0 =	simm.s32 @p0 $0x1  }
0x13: {  	[smem:$0x3FB5] =	sst s0;
	s0 =	simm.s32 @!p1 $0x0  }
0x14: {  	s2 =	sld [smem:$0x3F99];
	s0 =	simm.s32 @p1 $0x1  }
0x15: {  	[smem:$0x3FB6] =	sst s0;
	s0 =	simm.s32 @!p2 $0x0  }
0x16: {  	s3 =	sld [smem:$0x3FDB];
	s0 =	simm.s32 @p2 $0x1  }
0x17: {  	s4 =	simm.s32 $0x1BF5;
	[smem:$0x3FB8] =	sst s0  }
0x18: {  	s0 =	sld [smem:$0x3F9B];
	_ =	swait.ge [sflag:s4], $0x0  }
0x19: {  	s7 =	sld [smem:$0x3F9C]  }
0x1a: {  	s8 =	sadd.s32 $0xFFFFE003, lr  }
0x1b: {  	s9 =	sadd.s32 $0xFFFFFEF7, lr;
	s5 =	simm.s32 $0xFFFFFFFF;
	p2 =	slt.u32 s8, $0xFFFFF086  }
0x1c: {  	p1 =	slt.u32 s9, $0xF7A;
	s5 =	simm.s32 @!p2 $0x0  }
0x1d: {  	s5 =	simm.s32 @p1 $0x1;
	p0 =	seq.s32 s7, s2  }
0x1e: {  	s7 =	smul.u32 @!p0 $0xF7A, s2;
	p2 =	seq.s32 @!p0 s5, $0x0  }
0x1f: {  	s9 =	smul.u32 $0xF7A, s1;
	s8 =	simm.s32 @!p0 $0x1BF5;
	p2 =	por !p2, p0  }
0x20: {  	[sflag:s8] =	ssyncset.s32 @!p0 $0xFFFFF086;
	s6 =	sadd.s32 @!p0 s3, s7;
	s7 =	simm.s32 @!p0 $0x108  }
0x21: {  	s3 =	sadd.s32 s3, s9;
	s6 =	sadd.s32 @!p0 $0x88, s6;
	s7 =	simm.s32 @p2 $0x1082  }
0x22: {  	[simem:s7], [sflag:s8] =	dma.local @!p0 [hbm:s6], $0xF7A  }
0x23: {  	s9 =	sor.u32 $0xD0000000, s2;
	s6 =	simm.s32 $0x108;
	_ =	swait.ge @!p0 [sflag:s8], $0x0  }
0x24: {  	s3 =	sadd.s32 $0x88, s3;
	s6 =	simm.s32 @!p1 $0x1082;
	[sflag:s4] =	ssyncset.s32 $0xFFFFF086  }
0x25: {  	[simem:s6], [sflag:s4] =	dma.local [hbm:s3], $0xF7A  }
0x26: {  	[smem:$0x3F9C] =	sst s1;
	(tag) =	ssettag s2;
	_ =	strace s9  }
0x27: {  	s1 =	sld [smem:$0x3FAC]  }
0x28: {  	s2 =	sld [smem:$0x3FAD]  }
0x29: {  	s4 =	sld [smem:$0x3FAF]  }
0x2a: {  	p0 =	seq.s32 s5, $0x0;
	s5 =	sld [smem:$0x3FB0]  }
0x2b: {  	s6 =	sld [smem:$0x3FB1]  }
0x2c: {  	s7 =	sld [smem:$0x3FB2]  }
0x2d: {  	s3 =	simm.s32 $0x108;
	s8 =	sld [smem:$0x3FB3]  }
0x2e: {  	s3 =	simm.s32 @!p0 $0x1082;
	s9 =	sld [smem:$0x3FB4]  }
0x2f: {  	lr =	sadd.s32 s0, s3;
	s0 =	sld [smem:$0x3FAB]  }
0x30: {  	s3 =	sld [smem:$0x3FAE]  }
0x31: {  	[smem:$0x3FB7] =	sst s10  }
0x32: {  	s10 =	sld [smem:$0x3FB5];
	_ =	sdelay $0x3  }
0x33: {  	p0 =	seq.s32 s10, $0x1;
	s10 =	sld [smem:$0x3FB7];
	_ =	sdelay $0x3  }
0x34: {  	[smem:$0x3FB7] =	sst s10  }
0x35: {  	s10 =	sld [smem:$0x3FB6];
	_ =	sdelay $0x3  }
0x36: {  	p1 =	seq.s32 s10, $0x1;
	s10 =	sld [smem:$0x3FB7];
	_ =	sdelay $0x3  }
0x37: {  	[smem:$0x3FB7] =	sst s10  }
0x38: {  	s10 =	sld [smem:$0x3FB8]  }
0x39: {  	_ = 	snop;
	(pc) =	sbr.ind lr, $3  }
0x3a: {  	_ = 	snop  }
0x3b: {  	_ = 	snop  }
0x3c: {  	p2 =	seq.s32 s10, $0x1;
	s10 =	sld [smem:$0x3FB7]  }
0x3d: {  	_ =	shalt  }
0x3e: {  	_ =	shalt  }
0x3f: {  	_ =	shalt  }
0x40: {  	_ =	shalt  }
0x41: {  	_ =	shalt  }
0x42: {  	_ =	shalt  }
0x43: {  	_ =	shalt  }
0x44: {  	_ =	shalt  }
0x45: {  	_ =	shalt  }
0x46: {  	_ =	shalt  }
0x47: {  	_ =	shalt  }
0x48: {  	_ =	shalt  }
0x49: {  	_ =	shalt  }
0x4a: {  	_ =	shalt  }
0x4b: {  	_ =	shalt  }
0x4c: {  	_ =	shalt  }
0x4d: {  	_ =	shalt  }
0x4e: {  	_ =	shalt  }
0x4f: {  	_ =	shalt  }
0x50: {  	_ =	shalt  }
0x51: {  	_ =	shalt  }
0x52: {  	_ =	shalt  }
0x53: {  	_ =	shalt  }
0x54: {  	_ =	shalt  }
0x55: {  	_ =	shalt  }
0x56: {  	_ =	shalt  }
0x57: {  	_ =	shalt  }
0x58: {  	_ =	shalt  }
0x59: {  	_ =	shalt  }
0x5a: {  	_ =	shalt  }
0x5b: {  	_ =	shalt  }
0x5c: {  	_ =	shalt  }
0x5d: {  	_ =	shalt  }
0x5e: {  	_ =	shalt  }
0x5f: {  	_ =	shalt  }
0x60: {  	_ =	shalt  }
0x61: {  	_ =	shalt  }
0x62: {  	_ =	shalt  }
0x63: {  	_ =	shalt  }
0x64: {  	_ =	shalt  }
0x65: {  	_ =	shalt  }
0x66: {  	_ =	shalt  }
0x67: {  	_ =	shalt  }
0x68: {  	_ =	shalt  }
0x69: {  	_ =	shalt  }
0x6a: {  	_ =	shalt  }
0x6b: {  	_ =	shalt  }
0x6c: {  	_ =	shalt  }
0x6d: {  	_ =	shalt  }
0x6e: {  	_ =	shalt  }
0x6f: {  	_ =	shalt  }
0x70: {  	_ =	shalt  }
0x71: {  	_ =	shalt  }
0x72: {  	_ =	shalt  }
0x73: {  	_ =	shalt  }
0x74: {  	_ =	shalt  }
0x75: {  	_ =	shalt  }
0x76: {  	_ =	shalt  }
0x77: {  	_ =	shalt  }
0x78: {  	_ =	shalt  }
0x79: {  	_ =	shalt  }
0x7a: {  	_ =	shalt  }
0x7b: {  	_ =	shalt  }
0x7c: {  	_ =	shalt  }
0x7d: {  	_ =	shalt  }
0x7e: {  	_ =	shalt  }
0x7f: {  	_ =	shalt  }
0x80: {  	_ =	shalt  }
0x81: {  	_ =	shalt  }
0x82: {  	_ =	shalt  }
0x83: {  	_ =	shalt  }
0x84: {  	_ =	shalt  }
0x85: {  	_ =	shalt  }
0x86: {  	_ =	shalt  }
0x87: {  	_ =	shalt  }
.Lfunc_end0:
.L_simem_size_0:
called_computation.22_lowered:
.L_overlay_start_0:
0x88: {  	s0 =	sld [smem:$0x3FD9]  }
0x89: {  	s1 =	sld [smem:$0x3FFE];
	_ =	sdelay $0x3  }
0x8a: {  	s0 =	sadd.s32 s1, s0  }
0x8b: {  	[smem:$0x3FC3] =	sst s0  }
0x8c: {  	_ = 	snop  }
0x8d: {  	(tm) =	ssettm $0x1  }
0x8e: {  	s15 =	sld [smem:$0x3FFB];
	_ =	sdelay $0x3  }
0x8f: {  	_ =	strace s15  }
0x90: {  	s0 =	sld [smem:$0x3FFC];
	_ =	sdelay $0x3  }
0x91: {  	_ =	strace s0  }
0x92: {  	s0 =	sld [smem:$0x3FFD];
	_ =	sdelay $0x3  }
0x93: {  	_ =	strace s0  }
0x94: {  	_ =	strace $0x8FFFFFFF  }
0x95: {  	s16 =	sld [smem:$0x3FDB];
	_ =	sdelay $0x1  }
0x96: {  	s17 =	simm.s32 $_scs_section_size  }
0x97: {  	s2 =	simm.s32 $_size__tile_overlayer_lowered;
	s3 =	simm.s32 $_tile_overlayer_lowered  }
0x98: {  	s20 =	simm.s32 $0x1BFF;
	s19 =	sshll.u32 s3, $0x1;
	s0 =	sadd.s32 s17, s16  }
0x99: {  	s4 =	simm.s32 $0x0;
	s18 =	sshll.u32 s2, $0x1;
	s2 =	sadd.s32 s19, s0  }
0x9a: {  	[timem:s4], [sflag:s20] =	dma.local [hbm:s2], s18  }
0x9b: {  	_ =	swait.ge [sflag:s20], s18  }
0x9c: {  	s1 =	ssub.s32 $0x0, s18;
	[sflag:s20] =	ssyncset.done $0x0  }
0x9d: {  	[sflag:s20] =	ssyncadd.s32 s1;
	_ =	sdelay $0x1  }
0x9e: {  	s21 =	simm.s32 $0x1B8B  }
0x9f: {  	_ =	swait.ge [sflag:s21], $0x1  }
0xa0: {  	[sflag:s21] =	ssyncset.done $0x0  }
0xa1: {  	s23 =	simm.s32 $0x1B8E;
	s22 =	sld [smem:$0x3FFE];
	[sflag:s21] =	ssyncadd.s32 $0xFFFFFFFF  }
0xa2: {  	s24 =	simm.s32 $execute0_lowered;
	[smem:$0x3FD2] =	sst s23  }
0xa3: {  	s2 =	sshll.u32 s24, $0x1;
	_ =	strace $0x80000091;
	[dreg:$0x1] =	wrdreg $0xFFFFFFFF  }
0xa4: {  	s25 =	simm.s32 $_size_execute0_lowered;
	s0 =	sadd.s32 s0, s2;
	[dreg:$0x0] =	wrdreg $0x0  }
0xa5: {  	s2 =	sshll.u32 s25, $0x1;
	[dreg:$0x2] =	wrdreg s0  }
0xa6: {  	[dreg:$0x3] =	wrdreg s2  }
0xa7: {  	[dreg:$0x4] =	wrdreg $0xC0  }
0xa8: {  	_ =	task [dreg:s4], $0x5FFFF  }
0xa9: {  	[dreg:$0x1] =	wrdreg $0xFFFFFFFF  }
0xaa: {  	[dreg:$0x0] =	wrdreg $0x60  }
0xab: {  	[dreg:$0x2] =	wrdreg s22  }
0xac: {  	[dreg:$0x3] =	wrdreg $0x9  }
0xad: {  	_ =	task.clear_ibuf [dreg:s4], $0x4FFFF;
	_ =	strace $0x90000091  }
0xae: {  	s26 =	simm.s32 $0x9;
	_ =	strace $0x80000093  }
0xaf: {  	_ =	swait.ge [sflag:s26], $0x1  }
0xb0: {  	[sflag:s26] =	ssyncadd.s32 $0xFFFFFFFF  }
0xb1: {  	_ =	strace $0x90000093  }
0xb2: {  	_ =	sfence  }
0xb3: {  	s28 =	sld [smem:$0x0];
	_ =	sdelay $0x1  }
0xb4: {  	s29 =	srdreg.scid  }
0xb5: {  	s30 =	sshll.u32 s29, $0xD;
	s31 =	sshrl.u32 s29, $0x2  }
0xb6: {  	s1 =	sand.u32 $0x1, s29;
	s2 =	sand.u32 $0x4000, s30;
	s0 =	sadd.s32 s31, s28  }
0xb7: {  	s1 =	sor.u32 s2, s1;
	s0 =	sshll.u32 s0, $0x11  }
0xb8: {  	s0 =	sor.u32 s0, s1  }
0xb9: {  	s0 =	sadd.s32 $0x8F2B, s0  }
0xba: {  	[sflag:s0] =	ssyncadd.remote.s32 $0x1  }
0xbb: {  	_ =	sfence.sel $0xFFFF  }
0xbc: {  	[dreg:$0x0] =	wrdreg $0xFFFFFFFF;
	(pc) =	sbr.abs _section_cstart, $3  }
0xbd: {  	[dreg:$0x1] =	wrdreg $0xFFFFFFFF  }
0xbe: {  	_ =	task.clear_ibuf [dreg:s4], $0x2FFFF;
	_ =	strace $0x9FFFFFFF  }
0xbf: {  	(tm) =	ssettm $0x7FFFFFFF  }
tec
execute0_lowered:
.L_overlay_start_1:
0x0: {  	(tag) =	ssettag $0x1  }
0x1: {  	s8 =	rddreg [dreg:$0x0]  }
0x2: {  	s0 =	rddreg [dreg:$0x1];
	_ =	strace $0x80000092  }
0x3: {  	s4 =	simm.s32 $0x1;
	s1 =	stileid.u32;
	s7 =	simm.s32 $0x1  }
0x4: {  	s9 =	simm.s32 $0x1;
	s6 =	simm.s32 $0x2;
	s10 =	simm.s32 $0x3  }
0x5: {  	s13 =	simm.s32 $0x0;
	s12 =	simm.s32 $0x0;
	s2 =	sadd.s32 $0x9EC00, s8  }
.Ltmp0:
0x6: {  	s3 =	sadd.s32 $0x96A00, s8;
	p0 =	slt.u32 s1, $0xA;
	(pc) =	sbr.rel .LBB2_1-.Ltmp0, $4  }
0x7: {  	[sflag:s4] =	ssyncpa.u1 $0x0;
	s7 =	simm.s32 @!p0 $0x0;
	p0 =	sne.s32 s1, $0x9  }
0x8: {  	s5 =	smul.u32 $0x7D0, s1;
	[sflag:s6] =	ssyncpa.u1 $0x0;
	s9 =	simm.s32 @!p0 $0x0  }
0x9: {  	s8 =	sadd.s32 $0x89A00, s8;
	[sflag:s10] =	ssyncpa.u1 $0x0;
	s7 =	sadd.s32 s9, s7  }
0xa: {  	vm0 =	vmmov $0xffff;
	s10 =	simm.s32 $0x0;
	s11 =	smov.u32 s5;
	s9 =	sadd.s32 $0x1, s7  }
.LBB2_4:
0xb: {  	v2 =	vnsel vm1, $0x0, v2  }
0xc: {  	vm1 =	vgt.s32 v0, $0x0;
	v2 =	vmin.u32 v2, $0x3FFFFF  }
0xd: {  	v0 =	vnsel vm1, $0x0, v0  }
0xe: {  	v0 =	vmin.u32 v0, $0x3FFFFF  }
0xf: {  	[tilespmem:s18], [sflag:$0x1] =	stream.indirect_vreg.gather [hbm4b:s2+s10], $0x1, v1, vm0, $0x4038;
	[tilespmem:$0x1F40] =	vst v63  }
0x10: {  	(ifvalue) =	ssetifvalue $0x7FFFFFFF  }
0x11: {  	[tilespmem:s15], [sflag:$0x1] =	stream.indirect_vreg.gather [hbm4b:s2+s10], $0x1, v2, vm0, $0x4038;
	[tilespmem:$0x1F40] =	vst v63  }
0x12: {  	s29 =	sadd.s32 $0x10, s15;
	(ifvalue) =	ssetifvalue $0x7FFFFFFF  }
0x13: {  	[tilespmem:s29], [sflag:$0x1] =	stream.indirect_vreg.gather [hbm4b:s2+s10], $0x1, v0, vm0, $0x4038;
	[tilespmem:$0x1F40] =	vst v63  }
0x14: {  	_ =	swait.ge [sflag:s4], $0x7D0  }
0x15: {  	s30 =	sshrl.u32 s13, $0x3;
	[sflag:s4] =	ssyncset.done $0x0  }
0x16: {  	s31 =	sand.u32 $0x7, s13;
	s15 =	sadd.s32 s8, s30;
	[sflag:s4] =	ssyncadd.s32 $0xFFFFF830  }
0x17: {  	[hbm4b:s15+s31] =	stream.linear.scatter [tilespmem:s14], [sflag:$0x3], $0x7D0, $0x38;
	[tilespmem:$0x1F40] =	vst v63  }
.LBB2_5:
0x18: {  	s15 =	sadd.s32 $0x7D00, s11  }
0x19: {  	p1 =	sgt.s32 s15, $0xC34F  }
0x1a: {  	s15 =	smov.u32 @p1 s5;
	p1 =	sne.s32 s12, s9  }
.Ltmp1:
0x1b: {  	p0 =	slt.u32 s12, $0x2;
	(pc) =	sbr.rel @!p1 .LBB2_6-.Ltmp1, $4  }
0x1c: {  	s14 =	simm.s32 @!p0 $0x3  }
0x1d: {  	_ =	swait.ge @!p0 [sflag:s14], $0x7D0  }
0x1e: {  	s16 =	sadd.s32 $0x1, s12;
	s13 =	smov.u32 s11;
	[sflag:s14] =	ssyncset.done @!p0 $0x0  }
0x1f: {  	s12 =	smov.u32 s16;
	s11 =	smov.u32 s15;
	[sflag:s14] =	ssyncadd.s32 @!p0 $0xFFFFF830  }
.LBB2_1:
0x20: {  	p0 =	sge.u32 s12, s7  }
0x21: {  	s14 =	sxor.u32 @!p0 $0x1, s12  }
0x22: {  	s14 =	smul.u32 @!p0 $0x1F40, s14  }
0x23: {  	s31 =	sadd.s32 $0xFFFFFFFF, s12;
	s15 =	sshrl.u32 @!p0 s11, $0x3  }
0x24: {  	s16 =	sand.u32 @!p0 $0x7, s11;
	s15 =	sadd.s32 @!p0 s3, s15;
	s14 =	sshra.s32 @!p0 s14, $0x2  }
0x25: {  	[tilespmem:s14], [sflag:$0x2] =	stream.linear.gather @!p0 [hbm4b:s15+s16], $0x7D0, $0x38;
	[tilespmem:$0x1F40] =	vst v63  }
0x26: {  	p0 =	sge.u32 s31, s7  }
.Ltmp2:
0x27: {  	_ = 	snop;
	(pc) =	sbr.rel @p0 .LBB2_5-.Ltmp2, $1  }
0x28: {  	_ =	sdelay $0x3  }
0x29: {  	s14 =	sand.u32 $0x1, s12  }
0x2a: {  	_ =	swait.ge [sflag:s6], $0x7D0;
	p0 =	seq.s32 s14, $0x1;
	s14 =	simm.s32 $0x7D0  }
0x2b: {  	[sflag:s6] =	ssyncset.done $0x0;
	s14 =	simm.s32 @!p0 $0x0  }
0x2c: {  	[sflag:s6] =	ssyncadd.s32 $0xFFFFF830;
	(ifvalue) =	ssetifvalue $0x7FFFFFFF;
	v0 =	vld.msk [tilespmem:s14+$0x0 ss:$0x1], $0xffff;
	_ =	sdelay $0x4  }
0x2d: {  	s15 =	sadd.s32 $0x10, s14;
	vm1 =	vgt.s32 v0, $0x0  }
0x2e: {  	v2 =	vld.msk [tilespmem:s15+$0x0 ss:$0x1], $0xffff;
	v1 =	vnsel vm1, $0x0, v0  }
0x2f: {  	v1 =	vmin.u32 v1, $0x3FFFFF;
	_ =	sdelay $0x2  }
0x30: {  	s17 =	simm.s32 $0x20;
	s14 =	sadd.s32 $0xFA0, s14;
	s16 =	sadd.s32 $0x10, s15  }
0x31: {  	s15 =	sadd.s32 $0x10, s14;
	s18 =	smov.u32 s14;
	v0 =	vld.msk [tilespmem:s16+$0x0 ss:$0x1], $0xffff;
	vm1 =	vgt.s32 v2, $0x0;
	(ifvalue) =	ssetifvalue $0x7FFFFFFF  }
.LBB2_3:
0x32: {  	[tilespmem:s18], [sflag:$0x1] =	stream.indirect_vreg.gather [hbm4b:s2+s10], $0x1, v1, vm0, $0x4038;
	[tilespmem:$0x1F40] =	vst v63  }
0x33: {  	s17 =	sadd.s32 $0x10, s17  }
0x34: {  	v2 =	vnsel vm1, $0x0, v2;
	p0 =	slt.u32 s17, $0x7C0  }
.Ltmp3:
0x35: {  	s18 =	smov.u32 s15;
	v1 =	vmin.u32 v2, $0x3FFFFF;
	(pc) =	sbr.rel @p0 .LBB2_3-.Ltmp3, $3  }
0x36: {  	_ =	sdelay $0x1  }
0x37: {  	s16 =	sadd.s32 $0x10, s16  }
0x38: {  	vm1 =	vgt.s32 v0, $0x0;
	s15 =	sadd.s32 $0x10, s15;
	v2 =	vmov v0;
	(ifvalue) =	ssetifvalue $0x7FFFFFFF;
	v0 =	vld.msk [tilespmem:s16+$0x0 ss:$0x1], $0xffff  }
.Ltmp4:
0x39: {  	_ = 	snop;
	(pc) =	sbr.rel .LBB2_4-.Ltmp4, $1  }
0x3a: {  	_ =	sdelay $0x3  }
.LBB2_6:
0x3b: {  	_ =	sfence.sel $0x180000  }
0x3c: {  	s2 =	simm.s32 $0x2;
	[bflag:$0x0] =	sbarrier.arrive $0xFFFF  }
0x3d: {  	s30 =	simm.s32 $0x3;
	[sflag:s2] =	ssyncpa.u1 $0x1  }
0x3e: {  	s31 =	simm.s32 $0x1;
	[sflag:s30] =	ssyncpa.u1 $0x1  }
0x3f: {  	[sflag:s31] =	ssyncpa.u1 $0x1  }
0x40: {  	p0 =	sne.s32 s1, $0x0;
	_ =	strace $0x90000092  }
0x41: {  	s0 =	sadd.s32 @!p0 $0x100000, s0;
	[bflag:$0x2] =	sbarrier.arrive $0xFFFF  }
0x42: {  	[sflag:s0] =	ssyncadd.tile.s32 @!p0 $0x1;
	_ =	shalt  }
.Lfunc_end2:
_tile_overlayer_lowered:
.L_overlay_start_2:
0x43: {  	(tag) =	ssettag $0x2  }
0x44: {  	s0 =	rddreg [dreg:$0x0];
	s2 =	stileid.u32  }
0x45: {  	s1 =	rddreg [dreg:$0x1];
	p0 =	sne.s32 s2, $0x0  }
0x46: {  	s3 =	rddreg [dreg:$0x2];
	[bflag:$0x3] =	sbarrier.arrive $0xFFFF;
	s2 =	simm.s32 @!p0 $0x1C01  }
0x47: {  	[timem:s3], [sflag:s2] =	dma.local @!p0 [hbm:s0], s1  }
0x48: {  	s0 =	simm.s32 @!p0 $0x1  }
0x49: {  	_ =	swait.ge @!p0 [sflag:s0], s1  }
0x4a: {  	s1 =	ssub.s32 @!p0 $0x0, s1;
	[sflag:s0] =	ssyncset.done @!p0 $0x0  }
0x4b: {  	[sflag:s0] =	ssyncadd.s32 @!p0 s1  }
0x4c: {  	[bflag:$0x3] =	sbarrier.arrive $0xFFFF  }
0x4d: {  	_ =	shalt  }

// kernel: gather_offload_async_start.23
scs
__scs_entry_jumppad:
0x0: {  	(pc) =	sbr.rel $0x88, $3  }
0x1: {  	(tag) =	ssettag $0x0;
	lr =	simm.s32 $0x1  }
0x2: {  	[smem:$0x3F9C] =	sst lr;
	_ =	strace $0xD0000000  }
0x3: {  	_ = 	snop  }
0x4: {  	_ = 	snop  }
0x5: {  	_ = 	snop  }
0x6: {  	_ = 	snop  }
0x7: {  	_ = 	snop  }
__scs_overlays_trampoline_lowered:
0x8: {  	[smem:$0x3FAB] =	sst s0  }
0x9: {  	[smem:$0x3FAC] =	sst s1  }
0xa: {  	[smem:$0x3FAD] =	sst s2  }
0xb: {  	[smem:$0x3FAE] =	sst s3  }
0xc: {  	[smem:$0x3FAF] =	sst s4  }
0xd: {  	[smem:$0x3FB0] =	sst s5  }
0xe: {  	[smem:$0x3FB1] =	sst s6  }
0xf: {  	[smem:$0x3FB2] =	sst s7  }
0x10: {  	[smem:$0x3FB3] =	sst s8  }
0x11: {  	[smem:$0x3FB4] =	sst s9;
	s0 =	simm.s32 @!p0 $0x0  }
0x12: {  	s1 =	sld [smem:$0x3F9A];
	s0 =	simm.s32 @p0 $0x1  }
0x13: {  	[smem:$0x3FB5] =	sst s0;
	s0 =	simm.s32 @!p1 $0x0  }
0x14: {  	s2 =	sld [smem:$0x3F99];
	s0 =	simm.s32 @p1 $0x1  }
0x15: {  	[smem:$0x3FB6] =	sst s0;
	s0 =	simm.s32 @!p2 $0x0  }
0x16: {  	s3 =	sld [smem:$0x3FDB];
	s0 =	simm.s32 @p2 $0x1  }
0x17: {  	s4 =	simm.s32 $0x1BF5;
	[smem:$0x3FB8] =	sst s0  }
0x18: {  	s0 =	sld [smem:$0x3F9B];
	_ =	swait.ge [sflag:s4], $0x0  }
0x19: {  	s7 =	sld [smem:$0x3F9C]  }
0x1a: {  	s8 =	sadd.s32 $0xFFFFE003, lr  }
0x1b: {  	s9 =	sadd.s32 $0xFFFFFEF7, lr;
	s5 =	simm.s32 $0xFFFFFFFF;
	p2 =	slt.u32 s8, $0xFFFFF086  }
0x1c: {  	p1 =	slt.u32 s9, $0xF7A;
	s5 =	simm.s32 @!p2 $0x0  }
0x1d: {  	s5 =	simm.s32 @p1 $0x1;
	p0 =	seq.s32 s7, s2  }
0x1e: {  	s7 =	smul.u32 @!p0 $0xF7A, s2;
	p2 =	seq.s32 @!p0 s5, $0x0  }
0x1f: {  	s9 =	smul.u32 $0xF7A, s1;
	s8 =	simm.s32 @!p0 $0x1BF5;
	p2 =	por !p2, p0  }
0x20: {  	[sflag:s8] =	ssyncset.s32 @!p0 $0xFFFFF086;
	s6 =	sadd.s32 @!p0 s3, s7;
	s7 =	simm.s32 @!p0 $0x108  }
0x21: {  	s3 =	sadd.s32 s3, s9;
	s6 =	sadd.s32 @!p0 $0x88, s6;
	s7 =	simm.s32 @p2 $0x1082  }
0x22: {  	[simem:s7], [sflag:s8] =	dma.local @!p0 [hbm:s6], $0xF7A  }
0x23: {  	s9 =	sor.u32 $0xD0000000, s2;
	s6 =	simm.s32 $0x108;
	_ =	swait.ge @!p0 [sflag:s8], $0x0  }
0x24: {  	s3 =	sadd.s32 $0x88, s3;
	s6 =	simm.s32 @!p1 $0x1082;
	[sflag:s4] =	ssyncset.s32 $0xFFFFF086  }
0x25: {  	[simem:s6], [sflag:s4] =	dma.local [hbm:s3], $0xF7A  }
0x26: {  	[smem:$0x3F9C] =	sst s1;
	(tag) =	ssettag s2;
	_ =	strace s9  }
0x27: {  	s1 =	sld [smem:$0x3FAC]  }
0x28: {  	s2 =	sld [smem:$0x3FAD]  }
0x29: {  	s4 =	sld [smem:$0x3FAF]  }
0x2a: {  	p0 =	seq.s32 s5, $0x0;
	s5 =	sld [smem:$0x3FB0]  }
0x2b: {  	s6 =	sld [smem:$0x3FB1]  }
0x2c: {  	s7 =	sld [smem:$0x3FB2]  }
0x2d: {  	s3 =	simm.s32 $0x108;
	s8 =	sld [smem:$0x3FB3]  }
0x2e: {  	s3 =	simm.s32 @!p0 $0x1082;
	s9 =	sld [smem:$0x3FB4]  }
0x2f: {  	lr =	sadd.s32 s0, s3;
	s0 =	sld [smem:$0x3FAB]  }
0x30: {  	s3 =	sld [smem:$0x3FAE]  }
0x31: {  	[smem:$0x3FB7] =	sst s10  }
0x32: {  	s10 =	sld [smem:$0x3FB5];
	_ =	sdelay $0x3  }
0x33: {  	p0 =	seq.s32 s10, $0x1;
	s10 =	sld [smem:$0x3FB7];
	_ =	sdelay $0x3  }
0x34: {  	[smem:$0x3FB7] =	sst s10  }
0x35: {  	s10 =	sld [smem:$0x3FB6];
	_ =	sdelay $0x3  }
0x36: {  	p1 =	seq.s32 s10, $0x1;
	s10 =	sld [smem:$0x3FB7];
	_ =	sdelay $0x3  }
0x37: {  	[smem:$0x3FB7] =	sst s10  }
0x38: {  	s10 =	sld [smem:$0x3FB8]  }
0x39: {  	_ = 	snop;
	(pc) =	sbr.ind lr, $3  }
0x3a: {  	_ = 	snop  }
0x3b: {  	_ = 	snop  }
0x3c: {  	p2 =	seq.s32 s10, $0x1;
	s10 =	sld [smem:$0x3FB7]  }
0x3d: {  	_ =	shalt  }
0x3e: {  	_ =	shalt  }
0x3f: {  	_ =	shalt  }
0x40: {  	_ =	shalt  }
0x41: {  	_ =	shalt  }
0x42: {  	_ =	shalt  }
0x43: {  	_ =	shalt  }
0x44: {  	_ =	shalt  }
0x45: {  	_ =	shalt  }
0x46: {  	_ =	shalt  }
0x47: {  	_ =	shalt  }
0x48: {  	_ =	shalt  }
0x49: {  	_ =	shalt  }
0x4a: {  	_ =	shalt  }
0x4b: {  	_ =	shalt  }
0x4c: {  	_ =	shalt  }
0x4d: {  	_ =	shalt  }
0x4e: {  	_ =	shalt  }
0x4f: {  	_ =	shalt  }
0x50: {  	_ =	shalt  }
0x51: {  	_ =	shalt  }
0x52: {  	_ =	shalt  }
0x53: {  	_ =	shalt  }
0x54: {  	_ =	shalt  }
0x55: {  	_ =	shalt  }
0x56: {  	_ =	shalt  }
0x57: {  	_ =	shalt  }
0x58: {  	_ =	shalt  }
0x59: {  	_ =	shalt  }
0x5a: {  	_ =	shalt  }
0x5b: {  	_ =	shalt  }
0x5c: {  	_ =	shalt  }
0x5d: {  	_ =	shalt  }
0x5e: {  	_ =	shalt  }
0x5f: {  	_ =	shalt  }
0x60: {  	_ =	shalt  }
0x61: {  	_ =	shalt  }
0x62: {  	_ =	shalt  }
0x63: {  	_ =	shalt  }
0x64: {  	_ =	shalt  }
0x65: {  	_ =	shalt  }
0x66: {  	_ =	shalt  }
0x67: {  	_ =	shalt  }
0x68: {  	_ =	shalt  }
0x69: {  	_ =	shalt  }
0x6a: {  	_ =	shalt  }
0x6b: {  	_ =	shalt  }
0x6c: {  	_ =	shalt  }
0x6d: {  	_ =	shalt  }
0x6e: {  	_ =	shalt  }
0x6f: {  	_ =	shalt  }
0x70: {  	_ =	shalt  }
0x71: {  	_ =	shalt  }
0x72: {  	_ =	shalt  }
0x73: {  	_ =	shalt  }
0x74: {  	_ =	shalt  }
0x75: {  	_ =	shalt  }
0x76: {  	_ =	shalt  }
0x77: {  	_ =	shalt  }
0x78: {  	_ =	shalt  }
0x79: {  	_ =	shalt  }
0x7a: {  	_ =	shalt  }
0x7b: {  	_ =	shalt  }
0x7c: {  	_ =	shalt  }
0x7d: {  	_ =	shalt  }
0x7e: {  	_ =	shalt  }
0x7f: {  	_ =	shalt  }
0x80: {  	_ =	shalt  }
0x81: {  	_ =	shalt  }
0x82: {  	_ =	shalt  }
0x83: {  	_ =	shalt  }
0x84: {  	_ =	shalt  }
0x85: {  	_ =	shalt  }
0x86: {  	_ =	shalt  }
0x87: {  	_ =	shalt  }
.Lfunc_end0:
.L_simem_size_0:
called_computation.23_lowered:
.L_overlay_start_0:
0x88: {  	s0 =	sld [smem:$0x3FD9]  }
0x89: {  	s1 =	sld [smem:$0x3FFE];
	_ =	sdelay $0x3  }
0x8a: {  	s0 =	sadd.s32 s1, s0  }
0x8b: {  	[smem:$0x3FC3] =	sst s0  }
0x8c: {  	_ = 	snop  }
0x8d: {  	(tm) =	ssettm $0x1  }
0x8e: {  	s15 =	sld [smem:$0x3FFB];
	_ =	sdelay $0x3  }
0x8f: {  	_ =	strace s15  }
0x90: {  	s0 =	sld [smem:$0x3FFC];
	_ =	sdelay $0x3  }
0x91: {  	_ =	strace s0  }
0x92: {  	s0 =	sld [smem:$0x3FFD];
	_ =	sdelay $0x3  }
0x93: {  	_ =	strace s0  }
0x94: {  	_ =	strace $0x8FFFFFFF  }
0x95: {  	s16 =	sld [smem:$0x3FDB];
	_ =	sdelay $0x1  }
0x96: {  	s17 =	simm.s32 $_scs_section_size  }
0x97: {  	s2 =	simm.s32 $_size__tile_overlayer_lowered;
	s3 =	simm.s32 $_tile_overlayer_lowered  }
0x98: {  	s20 =	simm.s32 $0x1BFF;
	s19 =	sshll.u32 s3, $0x1;
	s0 =	sadd.s32 s17, s16  }
0x99: {  	s4 =	simm.s32 $0x0;
	s18 =	sshll.u32 s2, $0x1;
	s2 =	sadd.s32 s19, s0  }
0x9a: {  	[timem:s4], [sflag:s20] =	dma.local [hbm:s2], s18  }
0x9b: {  	_ =	swait.ge [sflag:s20], s18  }
0x9c: {  	s1 =	ssub.s32 $0x0, s18;
	[sflag:s20] =	ssyncset.done $0x0  }
0x9d: {  	[sflag:s20] =	ssyncadd.s32 s1;
	_ =	sdelay $0x1  }
0x9e: {  	s21 =	simm.s32 $0x1B8B  }
0x9f: {  	_ =	swait.ge [sflag:s21], $0x1  }
0xa0: {  	[sflag:s21] =	ssyncset.done $0x0  }
0xa1: {  	s23 =	simm.s32 $0x1B8E;
	s22 =	sld [smem:$0x3FFE];
	[sflag:s21] =	ssyncadd.s32 $0xFFFFFFFF  }
0xa2: {  	s24 =	simm.s32 $execute0_lowered;
	[smem:$0x3FD2] =	sst s23  }
0xa3: {  	s2 =	sshll.u32 s24, $0x1;
	_ =	strace $0x80000094;
	[dreg:$0x1] =	wrdreg $0xFFFFFFFF  }
0xa4: {  	s25 =	simm.s32 $_size_execute0_lowered;
	s0 =	sadd.s32 s0, s2;
	[dreg:$0x0] =	wrdreg $0x0  }
0xa5: {  	s2 =	sshll.u32 s25, $0x1;
	[dreg:$0x2] =	wrdreg s0  }
0xa6: {  	[dreg:$0x3] =	wrdreg s2  }
0xa7: {  	[dreg:$0x4] =	wrdreg $0xC0  }
0xa8: {  	_ =	task [dreg:s4], $0x5FFFF  }
0xa9: {  	[dreg:$0x1] =	wrdreg $0xFFFFFFFF  }
0xaa: {  	[dreg:$0x0] =	wrdreg $0x60  }
0xab: {  	[dreg:$0x2] =	wrdreg s22  }
0xac: {  	[dreg:$0x3] =	wrdreg $0x9  }
0xad: {  	_ =	task.clear_ibuf [dreg:s4], $0x4FFFF;
	_ =	strace $0x90000094  }
0xae: {  	s26 =	simm.s32 $0x9;
	_ =	strace $0x80000096  }
0xaf: {  	_ =	swait.ge [sflag:s26], $0x1  }
0xb0: {  	[sflag:s26] =	ssyncadd.s32 $0xFFFFFFFF  }
0xb1: {  	_ =	strace $0x90000096  }
0xb2: {  	_ =	sfence  }
0xb3: {  	s28 =	sld [smem:$0x0];
	_ =	sdelay $0x1  }
0xb4: {  	s29 =	srdreg.scid  }
0xb5: {  	s30 =	sshll.u32 s29, $0xD;
	s31 =	sshrl.u32 s29, $0x2  }
0xb6: {  	s1 =	sand.u32 $0x1, s29;
	s2 =	sand.u32 $0x4000, s30;
	s0 =	sadd.s32 s31, s28  }
0xb7: {  	s1 =	sor.u32 s2, s1;
	s0 =	sshll.u32 s0, $0x11  }
0xb8: {  	s0 =	sor.u32 s0, s1  }
0xb9: {  	s0 =	sadd.s32 $0x8F2B, s0  }
0xba: {  	[sflag:s0] =	ssyncadd.remote.s32 $0x1  }
0xbb: {  	_ =	sfence.sel $0xFFFF  }
0xbc: {  	[dreg:$0x0] =	wrdreg $0xFFFFFFFF;
	(pc) =	sbr.abs _section_cstart, $3  }
0xbd: {  	[dreg:$0x1] =	wrdreg $0xFFFFFFFF  }
0xbe: {  	_ =	task.clear_ibuf [dreg:s4], $0x2FFFF;
	_ =	strace $0x9FFFFFFF  }
0xbf: {  	(tm) =	ssettm $0x7FFFFFFF  }
tec
execute0_lowered:
.L_overlay_start_1:
0x0: {  	(tag) =	ssettag $0x1  }
0x1: {  	s8 =	rddreg [dreg:$0x0]  }
0x2: {  	s0 =	rddreg [dreg:$0x1];
	_ =	strace $0x80000095  }
0x3: {  	s4 =	simm.s32 $0x1;
	s1 =	stileid.u32;
	s7 =	simm.s32 $0x1  }
0x4: {  	s9 =	simm.s32 $0x1;
	s6 =	simm.s32 $0x2;
	s10 =	simm.s32 $0x3  }
0x5: {  	s13 =	simm.s32 $0x0;
	s12 =	simm.s32 $0x0;
	s2 =	sadd.s32 $0x9EC00, s8  }
.Ltmp0:
0x6: {  	s3 =	sadd.s32 $0x93600, s8;
	p0 =	slt.u32 s1, $0xA;
	(pc) =	sbr.rel .LBB2_1-.Ltmp0, $4  }
0x7: {  	[sflag:s4] =	ssyncpa.u1 $0x0;
	s7 =	simm.s32 @!p0 $0x0;
	p0 =	sne.s32 s1, $0x9  }
0x8: {  	s5 =	smul.u32 $0x7D0, s1;
	[sflag:s6] =	ssyncpa.u1 $0x0;
	s9 =	simm.s32 @!p0 $0x0  }
0x9: {  	s8 =	sadd.s32 $0x121C00, s8;
	[sflag:s10] =	ssyncpa.u1 $0x0;
	s7 =	sadd.s32 s9, s7  }
0xa: {  	vm0 =	vmmov $0xffff;
	s10 =	simm.s32 $0x0;
	s11 =	smov.u32 s5;
	s9 =	sadd.s32 $0x1, s7  }
.LBB2_4:
0xb: {  	v2 =	vnsel vm1, $0x0, v2  }
0xc: {  	vm1 =	vgt.s32 v0, $0x0;
	v2 =	vmin.u32 v2, $0x3FFFFF  }
0xd: {  	v0 =	vnsel vm1, $0x0, v0  }
0xe: {  	v0 =	vmin.u32 v0, $0x3FFFFF  }
0xf: {  	[tilespmem:s18], [sflag:$0x1] =	stream.indirect_vreg.gather [hbm4b:s2+s10], $0x1, v1, vm0, $0x4038;
	[tilespmem:$0x1F40] =	vst v63  }
0x10: {  	(ifvalue) =	ssetifvalue $0x7FFFFFFF  }
0x11: {  	[tilespmem:s15], [sflag:$0x1] =	stream.indirect_vreg.gather [hbm4b:s2+s10], $0x1, v2, vm0, $0x4038;
	[tilespmem:$0x1F40] =	vst v63  }
0x12: {  	s29 =	sadd.s32 $0x10, s15;
	(ifvalue) =	ssetifvalue $0x7FFFFFFF  }
0x13: {  	[tilespmem:s29], [sflag:$0x1] =	stream.indirect_vreg.gather [hbm4b:s2+s10], $0x1, v0, vm0, $0x4038;
	[tilespmem:$0x1F40] =	vst v63  }
0x14: {  	_ =	swait.ge [sflag:s4], $0x7D0  }
0x15: {  	s30 =	sshrl.u32 s13, $0x3;
	[sflag:s4] =	ssyncset.done $0x0  }
0x16: {  	s31 =	sand.u32 $0x7, s13;
	s15 =	sadd.s32 s8, s30;
	[sflag:s4] =	ssyncadd.s32 $0xFFFFF830  }
0x17: {  	[hbm4b:s15+s31] =	stream.linear.scatter [tilespmem:s14], [sflag:$0x3], $0x7D0, $0x38;
	[tilespmem:$0x1F40] =	vst v63  }
.LBB2_5:
0x18: {  	s15 =	sadd.s32 $0x7D00, s11  }
0x19: {  	p1 =	sgt.s32 s15, $0xC34F  }
0x1a: {  	s15 =	smov.u32 @p1 s5;
	p1 =	sne.s32 s12, s9  }
.Ltmp1:
0x1b: {  	p0 =	slt.u32 s12, $0x2;
	(pc) =	sbr.rel @!p1 .LBB2_6-.Ltmp1, $4  }
0x1c: {  	s14 =	simm.s32 @!p0 $0x3  }
0x1d: {  	_ =	swait.ge @!p0 [sflag:s14], $0x7D0  }
0x1e: {  	s16 =	sadd.s32 $0x1, s12;
	s13 =	smov.u32 s11;
	[sflag:s14] =	ssyncset.done @!p0 $0x0  }
0x1f: {  	s12 =	smov.u32 s16;
	s11 =	smov.u32 s15;
	[sflag:s14] =	ssyncadd.s32 @!p0 $0xFFFFF830  }
.LBB2_1:
0x20: {  	p0 =	sge.u32 s12, s7  }
0x21: {  	s14 =	sxor.u32 @!p0 $0x1, s12  }
0x22: {  	s14 =	smul.u32 @!p0 $0x1F40, s14  }
0x23: {  	s31 =	sadd.s32 $0xFFFFFFFF, s12;
	s15 =	sshrl.u32 @!p0 s11, $0x3  }
0x24: {  	s16 =	sand.u32 @!p0 $0x7, s11;
	s15 =	sadd.s32 @!p0 s3, s15;
	s14 =	sshra.s32 @!p0 s14, $0x2  }
0x25: {  	[tilespmem:s14], [sflag:$0x2] =	stream.linear.gather @!p0 [hbm4b:s15+s16], $0x7D0, $0x38;
	[tilespmem:$0x1F40] =	vst v63  }
0x26: {  	p0 =	sge.u32 s31, s7  }
.Ltmp2:
0x27: {  	_ = 	snop;
	(pc) =	sbr.rel @p0 .LBB2_5-.Ltmp2, $1  }
0x28: {  	_ =	sdelay $0x3  }
0x29: {  	s14 =	sand.u32 $0x1, s12  }
0x2a: {  	_ =	swait.ge [sflag:s6], $0x7D0;
	p0 =	seq.s32 s14, $0x1;
	s14 =	simm.s32 $0x7D0  }
0x2b: {  	[sflag:s6] =	ssyncset.done $0x0;
	s14 =	simm.s32 @!p0 $0x0  }
0x2c: {  	[sflag:s6] =	ssyncadd.s32 $0xFFFFF830;
	(ifvalue) =	ssetifvalue $0x7FFFFFFF;
	v0 =	vld.msk [tilespmem:s14+$0x0 ss:$0x1], $0xffff;
	_ =	sdelay $0x4  }
0x2d: {  	s15 =	sadd.s32 $0x10, s14;
	vm1 =	vgt.s32 v0, $0x0  }
0x2e: {  	v2 =	vld.msk [tilespmem:s15+$0x0 ss:$0x1], $0xffff;
	v1 =	vnsel vm1, $0x0, v0  }
0x2f: {  	v1 =	vmin.u32 v1, $0x3FFFFF;
	_ =	sdelay $0x2  }
0x30: {  	s17 =	simm.s32 $0x20;
	s14 =	sadd.s32 $0xFA0, s14;
	s16 =	sadd.s32 $0x10, s15  }
0x31: {  	s15 =	sadd.s32 $0x10, s14;
	s18 =	smov.u32 s14;
	v0 =	vld.msk [tilespmem:s16+$0x0 ss:$0x1], $0xffff;
	vm1 =	vgt.s32 v2, $0x0;
	(ifvalue) =	ssetifvalue $0x7FFFFFFF  }
.LBB2_3:
0x32: {  	[tilespmem:s18], [sflag:$0x1] =	stream.indirect_vreg.gather [hbm4b:s2+s10], $0x1, v1, vm0, $0x4038;
	[tilespmem:$0x1F40] =	vst v63  }
0x33: {  	s17 =	sadd.s32 $0x10, s17  }
0x34: {  	v2 =	vnsel vm1, $0x0, v2;
	p0 =	slt.u32 s17, $0x7C0  }
.Ltmp3:
0x35: {  	s18 =	smov.u32 s15;
	v1 =	vmin.u32 v2, $0x3FFFFF;
	(pc) =	sbr.rel @p0 .LBB2_3-.Ltmp3, $3  }
0x36: {  	_ =	sdelay $0x1  }
0x37: {  	s16 =	sadd.s32 $0x10, s16  }
0x38: {  	vm1 =	vgt.s32 v0, $0x0;
	s15 =	sadd.s32 $0x10, s15;
	v2 =	vmov v0;
	(ifvalue) =	ssetifvalue $0x7FFFFFFF;
	v0 =	vld.msk [tilespmem:s16+$0x0 ss:$0x1], $0xffff  }
.Ltmp4:
0x39: {  	_ = 	snop;
	(pc) =	sbr.rel .LBB2_4-.Ltmp4, $1  }
0x3a: {  	_ =	sdelay $0x3  }
.LBB2_6:
0x3b: {  	_ =	sfence.sel $0x180000  }
0x3c: {  	s2 =	simm.s32 $0x2;
	[bflag:$0x0] =	sbarrier.arrive $0xFFFF  }
0x3d: {  	s30 =	simm.s32 $0x3;
	[sflag:s2] =	ssyncpa.u1 $0x1  }
0x3e: {  	s31 =	simm.s32 $0x1;
	[sflag:s30] =	ssyncpa.u1 $0x1  }
0x3f: {  	[sflag:s31] =	ssyncpa.u1 $0x1  }
0x40: {  	p0 =	sne.s32 s1, $0x0;
	_ =	strace $0x90000095  }
0x41: {  	s0 =	sadd.s32 @!p0 $0x100000, s0;
	[bflag:$0x2] =	sbarrier.arrive $0xFFFF  }
0x42: {  	[sflag:s0] =	ssyncadd.tile.s32 @!p0 $0x1;
	_ =	shalt  }
.Lfunc_end2:
_tile_overlayer_lowered:
.L_overlay_start_2:
0x43: {  	(tag) =	ssettag $0x2  }
0x44: {  	s0 =	rddreg [dreg:$0x0];
	s2 =	stileid.u32  }
0x45: {  	s1 =	rddreg [dreg:$0x1];
	p0 =	sne.s32 s2, $0x0  }
0x46: {  	s3 =	rddreg [dreg:$0x2];
	[bflag:$0x3] =	sbarrier.arrive $0xFFFF;
	s2 =	simm.s32 @!p0 $0x1C01  }
0x47: {  	[timem:s3], [sflag:s2] =	dma.local @!p0 [hbm:s0], s1  }
0x48: {  	s0 =	simm.s32 @!p0 $0x1  }
0x49: {  	_ =	swait.ge @!p0 [sflag:s0], s1  }
0x4a: {  	s1 =	ssub.s32 @!p0 $0x0, s1;
	[sflag:s0] =	ssyncset.done @!p0 $0x0  }
0x4b: {  	[sflag:s0] =	ssyncadd.s32 @!p0 s1  }
0x4c: {  	[bflag:$0x3] =	sbarrier.arrive $0xFFFF  }
0x4d: {  	_ =	shalt  }

// kernel: gather_offload_async_start.24
scs
__scs_entry_jumppad:
0x0: {  	(pc) =	sbr.rel $0x88, $3  }
0x1: {  	(tag) =	ssettag $0x0;
	lr =	simm.s32 $0x1  }
0x2: {  	[smem:$0x3F9C] =	sst lr;
	_ =	strace $0xD0000000  }
0x3: {  	_ = 	snop  }
0x4: {  	_ = 	snop  }
0x5: {  	_ = 	snop  }
0x6: {  	_ = 	snop  }
0x7: {  	_ = 	snop  }
__scs_overlays_trampoline_lowered:
0x8: {  	[smem:$0x3FAB] =	sst s0  }
0x9: {  	[smem:$0x3FAC] =	sst s1  }
0xa: {  	[smem:$0x3FAD] =	sst s2  }
0xb: {  	[smem:$0x3FAE] =	sst s3  }
0xc: {  	[smem:$0x3FAF] =	sst s4  }
0xd: {  	[smem:$0x3FB0] =	sst s5  }
0xe: {  	[smem:$0x3FB1] =	sst s6  }
0xf: {  	[smem:$0x3FB2] =	sst s7  }
0x10: {  	[smem:$0x3FB3] =	sst s8  }
0x11: {  	[smem:$0x3FB4] =	sst s9;
	s0 =	simm.s32 @!p0 $0x0  }
0x12: {  	s1 =	sld [smem:$0x3F9A];
	s0 =	simm.s32 @p0 $0x1  }
0x13: {  	[smem:$0x3FB5] =	sst s0;
	s0 =	simm.s32 @!p1 $0x0  }
0x14: {  	s2 =	sld [smem:$0x3F99];
	s0 =	simm.s32 @p1 $0x1  }
0x15: {  	[smem:$0x3FB6] =	sst s0;
	s0 =	simm.s32 @!p2 $0x0  }
0x16: {  	s3 =	sld [smem:$0x3FDB];
	s0 =	simm.s32 @p2 $0x1  }
0x17: {  	s4 =	simm.s32 $0x1BF5;
	[smem:$0x3FB8] =	sst s0  }
0x18: {  	s0 =	sld [smem:$0x3F9B];
	_ =	swait.ge [sflag:s4], $0x0  }
0x19: {  	s7 =	sld [smem:$0x3F9C]  }
0x1a: {  	s8 =	sadd.s32 $0xFFFFE003, lr  }
0x1b: {  	s9 =	sadd.s32 $0xFFFFFEF7, lr;
	s5 =	simm.s32 $0xFFFFFFFF;
	p2 =	slt.u32 s8, $0xFFFFF086  }
0x1c: {  	p1 =	slt.u32 s9, $0xF7A;
	s5 =	simm.s32 @!p2 $0x0  }
0x1d: {  	s5 =	simm.s32 @p1 $0x1;
	p0 =	seq.s32 s7, s2  }
0x1e: {  	s7 =	smul.u32 @!p0 $0xF7A, s2;
	p2 =	seq.s32 @!p0 s5, $0x0  }
0x1f: {  	s9 =	smul.u32 $0xF7A, s1;
	s8 =	simm.s32 @!p0 $0x1BF5;
	p2 =	por !p2, p0  }
0x20: {  	[sflag:s8] =	ssyncset.s32 @!p0 $0xFFFFF086;
	s6 =	sadd.s32 @!p0 s3, s7;
	s7 =	simm.s32 @!p0 $0x108  }
0x21: {  	s3 =	sadd.s32 s3, s9;
	s6 =	sadd.s32 @!p0 $0x88, s6;
	s7 =	simm.s32 @p2 $0x1082  }
0x22: {  	[simem:s7], [sflag:s8] =	dma.local @!p0 [hbm:s6], $0xF7A  }
0x23: {  	s9 =	sor.u32 $0xD0000000, s2;
	s6 =	simm.s32 $0x108;
	_ =	swait.ge @!p0 [sflag:s8], $0x0  }
0x24: {  	s3 =	sadd.s32 $0x88, s3;
	s6 =	simm.s32 @!p1 $0x1082;
	[sflag:s4] =	ssyncset.s32 $0xFFFFF086  }
0x25: {  	[simem:s6], [sflag:s4] =	dma.local [hbm:s3], $0xF7A  }
0x26: {  	[smem:$0x3F9C] =	sst s1;
	(tag) =	ssettag s2;
	_ =	strace s9  }
0x27: {  	s1 =	sld [smem:$0x3FAC]  }
0x28: {  	s2 =	sld [smem:$0x3FAD]  }
0x29: {  	s4 =	sld [smem:$0x3FAF]  }
0x2a: {  	p0 =	seq.s32 s5, $0x0;
	s5 =	sld [smem:$0x3FB0]  }
0x2b: {  	s6 =	sld [smem:$0x3FB1]  }
0x2c: {  	s7 =	sld [smem:$0x3FB2]  }
0x2d: {  	s3 =	simm.s32 $0x108;
	s8 =	sld [smem:$0x3FB3]  }
0x2e: {  	s3 =	simm.s32 @!p0 $0x1082;
	s9 =	sld [smem:$0x3FB4]  }
0x2f: {  	lr =	sadd.s32 s0, s3;
	s0 =	sld [smem:$0x3FAB]  }
0x30: {  	s3 =	sld [smem:$0x3FAE]  }
0x31: {  	[smem:$0x3FB7] =	sst s10  }
0x32: {  	s10 =	sld [smem:$0x3FB5];
	_ =	sdelay $0x3  }
0x33: {  	p0 =	seq.s32 s10, $0x1;
	s10 =	sld [smem:$0x3FB7];
	_ =	sdelay $0x3  }
0x34: {  	[smem:$0x3FB7] =	sst s10  }
0x35: {  	s10 =	sld [smem:$0x3FB6];
	_ =	sdelay $0x3  }
0x36: {  	p1 =	seq.s32 s10, $0x1;
	s10 =	sld [smem:$0x3FB7];
	_ =	sdelay $0x3  }
0x37: {  	[smem:$0x3FB7] =	sst s10  }
0x38: {  	s10 =	sld [smem:$0x3FB8]  }
0x39: {  	_ = 	snop;
	(pc) =	sbr.ind lr, $3  }
0x3a: {  	_ = 	snop  }
0x3b: {  	_ = 	snop  }
0x3c: {  	p2 =	seq.s32 s10, $0x1;
	s10 =	sld [smem:$0x3FB7]  }
0x3d: {  	_ =	shalt  }
0x3e: {  	_ =	shalt  }
0x3f: {  	_ =	shalt  }
0x40: {  	_ =	shalt  }
0x41: {  	_ =	shalt  }
0x42: {  	_ =	shalt  }
0x43: {  	_ =	shalt  }
0x44: {  	_ =	shalt  }
0x45: {  	_ =	shalt  }
0x46: {  	_ =	shalt  }
0x47: {  	_ =	shalt  }
0x48: {  	_ =	shalt  }
0x49: {  	_ =	shalt  }
0x4a: {  	_ =	shalt  }
0x4b: {  	_ =	shalt  }
0x4c: {  	_ =	shalt  }
0x4d: {  	_ =	shalt  }
0x4e: {  	_ =	shalt  }
0x4f: {  	_ =	shalt  }
0x50: {  	_ =	shalt  }
0x51: {  	_ =	shalt  }
0x52: {  	_ =	shalt  }
0x53: {  	_ =	shalt  }
0x54: {  	_ =	shalt  }
0x55: {  	_ =	shalt  }
0x56: {  	_ =	shalt  }
0x57: {  	_ =	shalt  }
0x58: {  	_ =	shalt  }
0x59: {  	_ =	shalt  }
0x5a: {  	_ =	shalt  }
0x5b: {  	_ =	shalt  }
0x5c: {  	_ =	shalt  }
0x5d: {  	_ =	shalt  }
0x5e: {  	_ =	shalt  }
0x5f: {  	_ =	shalt  }
0x60: {  	_ =	shalt  }
0x61: {  	_ =	shalt  }
0x62: {  	_ =	shalt  }
0x63: {  	_ =	shalt  }
0x64: {  	_ =	shalt  }
0x65: {  	_ =	shalt  }
0x66: {  	_ =	shalt  }
0x67: {  	_ =	shalt  }
0x68: {  	_ =	shalt  }
0x69: {  	_ =	shalt  }
0x6a: {  	_ =	shalt  }
0x6b: {  	_ =	shalt  }
0x6c: {  	_ =	shalt  }
0x6d: {  	_ =	shalt  }
0x6e: {  	_ =	shalt  }
0x6f: {  	_ =	shalt  }
0x70: {  	_ =	shalt  }
0x71: {  	_ =	shalt  }
0x72: {  	_ =	shalt  }
0x73: {  	_ =	shalt  }
0x74: {  	_ =	shalt  }
0x75: {  	_ =	shalt  }
0x76: {  	_ =	shalt  }
0x77: {  	_ =	shalt  }
0x78: {  	_ =	shalt  }
0x79: {  	_ =	shalt  }
0x7a: {  	_ =	shalt  }
0x7b: {  	_ =	shalt  }
0x7c: {  	_ =	shalt  }
0x7d: {  	_ =	shalt  }
0x7e: {  	_ =	shalt  }
0x7f: {  	_ =	shalt  }
0x80: {  	_ =	shalt  }
0x81: {  	_ =	shalt  }
0x82: {  	_ =	shalt  }
0x83: {  	_ =	shalt  }
0x84: {  	_ =	shalt  }
0x85: {  	_ =	shalt  }
0x86: {  	_ =	shalt  }
0x87: {  	_ =	shalt  }
.Lfunc_end0:
.L_simem_size_0:
called_computation.24_lowered:
.L_overlay_start_0:
0x88: {  	s0 =	sld [smem:$0x3FD9]  }
0x89: {  	s1 =	sld [smem:$0x3FFE];
	_ =	sdelay $0x3  }
0x8a: {  	s0 =	sadd.s32 s1, s0  }
0x8b: {  	[smem:$0x3FC3] =	sst s0  }
0x8c: {  	_ = 	snop  }
0x8d: {  	(tm) =	ssettm $0x1  }
0x8e: {  	s15 =	sld [smem:$0x3FFB];
	_ =	sdelay $0x3  }
0x8f: {  	_ =	strace s15  }
0x90: {  	s0 =	sld [smem:$0x3FFC];
	_ =	sdelay $0x3  }
0x91: {  	_ =	strace s0  }
0x92: {  	s0 =	sld [smem:$0x3FFD];
	_ =	sdelay $0x3  }
0x93: {  	_ =	strace s0  }
0x94: {  	_ =	strace $0x8FFFFFFF  }
0x95: {  	s16 =	sld [smem:$0x3FDB];
	_ =	sdelay $0x1  }
0x96: {  	s17 =	simm.s32 $_scs_section_size  }
0x97: {  	s2 =	simm.s32 $_size__tile_overlayer_lowered;
	s3 =	simm.s32 $_tile_overlayer_lowered  }
0x98: {  	s20 =	simm.s32 $0x1BFF;
	s19 =	sshll.u32 s3, $0x1;
	s0 =	sadd.s32 s17, s16  }
0x99: {  	s4 =	simm.s32 $0x0;
	s18 =	sshll.u32 s2, $0x1;
	s2 =	sadd.s32 s19, s0  }
0x9a: {  	[timem:s4], [sflag:s20] =	dma.local [hbm:s2], s18  }
0x9b: {  	_ =	swait.ge [sflag:s20], s18  }
0x9c: {  	s1 =	ssub.s32 $0x0, s18;
	[sflag:s20] =	ssyncset.done $0x0  }
0x9d: {  	[sflag:s20] =	ssyncadd.s32 s1;
	_ =	sdelay $0x1  }
0x9e: {  	s21 =	simm.s32 $0x1B8B  }
0x9f: {  	_ =	swait.ge [sflag:s21], $0x1  }
0xa0: {  	[sflag:s21] =	ssyncset.done $0x0  }
0xa1: {  	s23 =	simm.s32 $0x1B8E;
	s22 =	sld [smem:$0x3FFE];
	[sflag:s21] =	ssyncadd.s32 $0xFFFFFFFF  }
0xa2: {  	s24 =	simm.s32 $execute0_lowered;
	[smem:$0x3FD2] =	sst s23  }
0xa3: {  	s2 =	sshll.u32 s24, $0x1;
	_ =	strace $0x80000061;
	[dreg:$0x1] =	wrdreg $0xFFFFFFFF  }
0xa4: {  	s25 =	simm.s32 $_size_execute0_lowered;
	s0 =	sadd.s32 s0, s2;
	[dreg:$0x0] =	wrdreg $0x0  }
0xa5: {  	s2 =	sshll.u32 s25, $0x1;
	[dreg:$0x2] =	wrdreg s0  }
0xa6: {  	[dreg:$0x3] =	wrdreg s2  }
0xa7: {  	[dreg:$0x4] =	wrdreg $0xC0  }
0xa8: {  	_ =	task [dreg:s4], $0x5FFFF  }
0xa9: {  	[dreg:$0x1] =	wrdreg $0xFFFFFFFF  }
0xaa: {  	[dreg:$0x0] =	wrdreg $0x60  }
0xab: {  	[dreg:$0x2] =	wrdreg s22  }
0xac: {  	[dreg:$0x3] =	wrdreg $0xA  }
0xad: {  	_ =	task.clear_ibuf [dreg:s4], $0x4FFFF;
	_ =	strace $0x90000061  }
0xae: {  	s26 =	simm.s32 $0xA;
	_ =	strace $0x80000063  }
0xaf: {  	_ =	swait.ge [sflag:s26], $0x1  }
0xb0: {  	[sflag:s26] =	ssyncadd.s32 $0xFFFFFFFF  }
0xb1: {  	_ =	strace $0x90000063  }
0xb2: {  	_ =	sfence  }
0xb3: {  	s28 =	sld [smem:$0x0];
	_ =	sdelay $0x1  }
0xb4: {  	s29 =	srdreg.scid  }
0xb5: {  	s30 =	sshll.u32 s29, $0xD;
	s31 =	sshrl.u32 s29, $0x2  }
0xb6: {  	s1 =	sand.u32 $0x1, s29;
	s2 =	sand.u32 $0x4000, s30;
	s0 =	sadd.s32 s31, s28  }
0xb7: {  	s1 =	sor.u32 s2, s1;
	s0 =	sshll.u32 s0, $0x11  }
0xb8: {  	s0 =	sor.u32 s0, s1  }
0xb9: {  	s0 =	sadd.s32 $0x8F2B, s0  }
0xba: {  	[sflag:s0] =	ssyncadd.remote.s32 $0x1  }
0xbb: {  	_ =	sfence.sel $0xFFFF  }
0xbc: {  	[dreg:$0x0] =	wrdreg $0xFFFFFFFF;
	(pc) =	sbr.abs _section_cstart, $3  }
0xbd: {  	[dreg:$0x1] =	wrdreg $0xFFFFFFFF  }
0xbe: {  	_ =	task.clear_ibuf [dreg:s4], $0x2FFFF;
	_ =	strace $0x9FFFFFFF  }
0xbf: {  	(tm) =	ssettm $0x7FFFFFFF  }
tec
execute0_lowered:
.L_overlay_start_1:
0x0: {  	(tag) =	ssettag $0x1  }
0x1: {  	s8 =	rddreg [dreg:$0x0]  }
0x2: {  	s0 =	rddreg [dreg:$0x1];
	_ =	strace $0x80000062  }
0x3: {  	s4 =	simm.s32 $0x1;
	s1 =	stileid.u32;
	s7 =	simm.s32 $0x1  }
0x4: {  	s9 =	simm.s32 $0x1;
	s6 =	simm.s32 $0x2;
	s10 =	simm.s32 $0x3  }
0x5: {  	s13 =	simm.s32 $0x0;
	s12 =	simm.s32 $0x0;
	s2 =	sadd.s32 $0x9EC00, s8  }
.Ltmp0:
0x6: {  	s3 =	sadd.s32 $0x81800, s8;
	p0 =	slt.u32 s1, $0xA;
	(pc) =	sbr.rel .LBB2_1-.Ltmp0, $4  }
0x7: {  	[sflag:s4] =	ssyncpa.u1 $0x0;
	s7 =	simm.s32 @!p0 $0x0;
	p0 =	sne.s32 s1, $0x9  }
0x8: {  	s5 =	smul.u32 $0x7D0, s1;
	[sflag:s6] =	ssyncpa.u1 $0x0;
	s9 =	simm.s32 @!p0 $0x0  }
0x9: {  	s8 =	sadd.s32 $0x84C00, s8;
	[sflag:s10] =	ssyncpa.u1 $0x0;
	s7 =	sadd.s32 s9, s7  }
0xa: {  	vm0 =	vmmov $0xffff;
	s10 =	simm.s32 $0x0;
	s11 =	smov.u32 s5;
	s9 =	sadd.s32 $0x1, s7  }
.LBB2_4:
0xb: {  	v2 =	vnsel vm1, $0x0, v2  }
0xc: {  	vm1 =	vgt.s32 v0, $0x0;
	v2 =	vmin.u32 v2, $0x3FFFFF  }
0xd: {  	v0 =	vnsel vm1, $0x0, v0  }
0xe: {  	v0 =	vmin.u32 v0, $0x3FFFFF  }
0xf: {  	[tilespmem:s18], [sflag:$0x1] =	stream.indirect_vreg.gather [hbm4b:s2+s10], $0x1, v1, vm0, $0x4038;
	[tilespmem:$0x1F40] =	vst v63  }
0x10: {  	(ifvalue) =	ssetifvalue $0x7FFFFFFF  }
0x11: {  	[tilespmem:s15], [sflag:$0x1] =	stream.indirect_vreg.gather [hbm4b:s2+s10], $0x1, v2, vm0, $0x4038;
	[tilespmem:$0x1F40] =	vst v63  }
0x12: {  	s29 =	sadd.s32 $0x10, s15;
	(ifvalue) =	ssetifvalue $0x7FFFFFFF  }
0x13: {  	[tilespmem:s29], [sflag:$0x1] =	stream.indirect_vreg.gather [hbm4b:s2+s10], $0x1, v0, vm0, $0x4038;
	[tilespmem:$0x1F40] =	vst v63  }
0x14: {  	_ =	swait.ge [sflag:s4], $0x7D0  }
0x15: {  	s30 =	sshrl.u32 s13, $0x3;
	[sflag:s4] =	ssyncset.done $0x0  }
0x16: {  	s31 =	sand.u32 $0x7, s13;
	s15 =	sadd.s32 s8, s30;
	[sflag:s4] =	ssyncadd.s32 $0xFFFFF830  }
0x17: {  	[hbm4b:s15+s31] =	stream.linear.scatter [tilespmem:s14], [sflag:$0x3], $0x7D0, $0x38;
	[tilespmem:$0x1F40] =	vst v63  }
.LBB2_5:
0x18: {  	s15 =	sadd.s32 $0x7D00, s11  }
0x19: {  	p1 =	sgt.s32 s15, $0xC34F  }
0x1a: {  	s15 =	smov.u32 @p1 s5;
	p1 =	sne.s32 s12, s9  }
.Ltmp1:
0x1b: {  	p0 =	slt.u32 s12, $0x2;
	(pc) =	sbr.rel @!p1 .LBB2_6-.Ltmp1, $4  }
0x1c: {  	s14 =	simm.s32 @!p0 $0x3  }
0x1d: {  	_ =	swait.ge @!p0 [sflag:s14], $0x7D0  }
0x1e: {  	s16 =	sadd.s32 $0x1, s12;
	s13 =	smov.u32 s11;
	[sflag:s14] =	ssyncset.done @!p0 $0x0  }
0x1f: {  	s12 =	smov.u32 s16;
	s11 =	smov.u32 s15;
	[sflag:s14] =	ssyncadd.s32 @!p0 $0xFFFFF830  }
.LBB2_1:
0x20: {  	p0 =	sge.u32 s12, s7  }
0x21: {  	s14 =	sxor.u32 @!p0 $0x1, s12  }
0x22: {  	s14 =	smul.u32 @!p0 $0x1F40, s14  }
0x23: {  	s31 =	sadd.s32 $0xFFFFFFFF, s12;
	s15 =	sshrl.u32 @!p0 s11, $0x3  }
0x24: {  	s16 =	sand.u32 @!p0 $0x7, s11;
	s15 =	sadd.s32 @!p0 s3, s15;
	s14 =	sshra.s32 @!p0 s14, $0x2  }
0x25: {  	[tilespmem:s14], [sflag:$0x2] =	stream.linear.gather @!p0 [hbm4b:s15+s16], $0x7D0, $0x38;
	[tilespmem:$0x1F40] =	vst v63  }
0x26: {  	p0 =	sge.u32 s31, s7  }
.Ltmp2:
0x27: {  	_ = 	snop;
	(pc) =	sbr.rel @p0 .LBB2_5-.Ltmp2, $1  }
0x28: {  	_ =	sdelay $0x3  }
0x29: {  	s14 =	sand.u32 $0x1, s12  }
0x2a: {  	_ =	swait.ge [sflag:s6], $0x7D0;
	p0 =	seq.s32 s14, $0x1;
	s14 =	simm.s32 $0x7D0  }
0x2b: {  	[sflag:s6] =	ssyncset.done $0x0;
	s14 =	simm.s32 @!p0 $0x0  }
0x2c: {  	[sflag:s6] =	ssyncadd.s32 $0xFFFFF830;
	(ifvalue) =	ssetifvalue $0x7FFFFFFF;
	v0 =	vld.msk [tilespmem:s14+$0x0 ss:$0x1], $0xffff;
	_ =	sdelay $0x4  }
0x2d: {  	s15 =	sadd.s32 $0x10, s14;
	vm1 =	vgt.s32 v0, $0x0  }
0x2e: {  	v2 =	vld.msk [tilespmem:s15+$0x0 ss:$0x1], $0xffff;
	v1 =	vnsel vm1, $0x0, v0  }
0x2f: {  	v1 =	vmin.u32 v1, $0x3FFFFF;
	_ =	sdelay $0x2  }
0x30: {  	s17 =	simm.s32 $0x20;
	s14 =	sadd.s32 $0xFA0, s14;
	s16 =	sadd.s32 $0x10, s15  }
0x31: {  	s15 =	sadd.s32 $0x10, s14;
	s18 =	smov.u32 s14;
	v0 =	vld.msk [tilespmem:s16+$0x0 ss:$0x1], $0xffff;
	vm1 =	vgt.s32 v2, $0x0;
	(ifvalue) =	ssetifvalue $0x7FFFFFFF  }
.LBB2_3:
0x32: {  	[tilespmem:s18], [sflag:$0x1] =	stream.indirect_vreg.gather [hbm4b:s2+s10], $0x1, v1, vm0, $0x4038;
	[tilespmem:$0x1F40] =	vst v63  }
0x33: {  	s17 =	sadd.s32 $0x10, s17  }
0x34: {  	v2 =	vnsel vm1, $0x0, v2;
	p0 =	slt.u32 s17, $0x7C0  }
.Ltmp3:
0x35: {  	s18 =	smov.u32 s15;
	v1 =	vmin.u32 v2, $0x3FFFFF;
	(pc) =	sbr.rel @p0 .LBB2_3-.Ltmp3, $3  }
0x36: {  	_ =	sdelay $0x1  }
0x37: {  	s16 =	sadd.s32 $0x10, s16  }
0x38: {  	vm1 =	vgt.s32 v0, $0x0;
	s15 =	sadd.s32 $0x10, s15;
	v2 =	vmov v0;
	(ifvalue) =	ssetifvalue $0x7FFFFFFF;
	v0 =	vld.msk [tilespmem:s16+$0x0 ss:$0x1], $0xffff  }
.Ltmp4:
0x39: {  	_ = 	snop;
	(pc) =	sbr.rel .LBB2_4-.Ltmp4, $1  }
0x3a: {  	_ =	sdelay $0x3  }
.LBB2_6:
0x3b: {  	_ =	sfence.sel $0x180000  }
0x3c: {  	s2 =	simm.s32 $0x2;
	[bflag:$0x0] =	sbarrier.arrive $0xFFFF  }
0x3d: {  	s30 =	simm.s32 $0x3;
	[sflag:s2] =	ssyncpa.u1 $0x1  }
0x3e: {  	s31 =	simm.s32 $0x1;
	[sflag:s30] =	ssyncpa.u1 $0x1  }
0x3f: {  	[sflag:s31] =	ssyncpa.u1 $0x1  }
0x40: {  	p0 =	sne.s32 s1, $0x0;
	_ =	strace $0x90000062  }
0x41: {  	s0 =	sadd.s32 @!p0 $0x100000, s0;
	[bflag:$0x2] =	sbarrier.arrive $0xFFFF  }
0x42: {  	[sflag:s0] =	ssyncadd.tile.s32 @!p0 $0x1;
	_ =	shalt  }
.Lfunc_end2:
_tile_overlayer_lowered:
.L_overlay_start_2:
0x43: {  	(tag) =	ssettag $0x2  }
0x44: {  	s0 =	rddreg [dreg:$0x0];
	s2 =	stileid.u32  }
0x45: {  	s1 =	rddreg [dreg:$0x1];
	p0 =	sne.s32 s2, $0x0  }
0x46: {  	s3 =	rddreg [dreg:$0x2];
	[bflag:$0x3] =	sbarrier.arrive $0xFFFF;
	s2 =	simm.s32 @!p0 $0x1C01  }
0x47: {  	[timem:s3], [sflag:s2] =	dma.local @!p0 [hbm:s0], s1  }
0x48: {  	s0 =	simm.s32 @!p0 $0x1  }
0x49: {  	_ =	swait.ge @!p0 [sflag:s0], s1  }
0x4a: {  	s1 =	ssub.s32 @!p0 $0x0, s1;
	[sflag:s0] =	ssyncset.done @!p0 $0x0  }
0x4b: {  	[sflag:s0] =	ssyncadd.s32 @!p0 s1  }
0x4c: {  	[bflag:$0x3] =	sbarrier.arrive $0xFFFF  }
0x4d: {  	_ =	shalt  }

// kernel: gather_offload_async_start.25
scs
__scs_entry_jumppad:
0x0: {  	(pc) =	sbr.rel $0x88, $3  }
0x1: {  	(tag) =	ssettag $0x0;
	lr =	simm.s32 $0x1  }
0x2: {  	[smem:$0x3F9C] =	sst lr;
	_ =	strace $0xD0000000  }
0x3: {  	_ = 	snop  }
0x4: {  	_ = 	snop  }
0x5: {  	_ = 	snop  }
0x6: {  	_ = 	snop  }
0x7: {  	_ = 	snop  }
__scs_overlays_trampoline_lowered:
0x8: {  	[smem:$0x3FAB] =	sst s0  }
0x9: {  	[smem:$0x3FAC] =	sst s1  }
0xa: {  	[smem:$0x3FAD] =	sst s2  }
0xb: {  	[smem:$0x3FAE] =	sst s3  }
0xc: {  	[smem:$0x3FAF] =	sst s4  }
0xd: {  	[smem:$0x3FB0] =	sst s5  }
0xe: {  	[smem:$0x3FB1] =	sst s6  }
0xf: {  	[smem:$0x3FB2] =	sst s7  }
0x10: {  	[smem:$0x3FB3] =	sst s8  }
0x11: {  	[smem:$0x3FB4] =	sst s9;
	s0 =	simm.s32 @!p0 $0x0  }
0x12: {  	s1 =	sld [smem:$0x3F9A];
	s0 =	simm.s32 @p0 $0x1  }
0x13: {  	[smem:$0x3FB5] =	sst s0;
	s0 =	simm.s32 @!p1 $0x0  }
0x14: {  	s2 =	sld [smem:$0x3F99];
	s0 =	simm.s32 @p1 $0x1  }
0x15: {  	[smem:$0x3FB6] =	sst s0;
	s0 =	simm.s32 @!p2 $0x0  }
0x16: {  	s3 =	sld [smem:$0x3FDB];
	s0 =	simm.s32 @p2 $0x1  }
0x17: {  	s4 =	simm.s32 $0x1BF5;
	[smem:$0x3FB8] =	sst s0  }
0x18: {  	s0 =	sld [smem:$0x3F9B];
	_ =	swait.ge [sflag:s4], $0x0  }
0x19: {  	s7 =	sld [smem:$0x3F9C]  }
0x1a: {  	s8 =	sadd.s32 $0xFFFFE003, lr  }
0x1b: {  	s9 =	sadd.s32 $0xFFFFFEF7, lr;
	s5 =	simm.s32 $0xFFFFFFFF;
	p2 =	slt.u32 s8, $0xFFFFF086  }
0x1c: {  	p1 =	slt.u32 s9, $0xF7A;
	s5 =	simm.s32 @!p2 $0x0  }
0x1d: {  	s5 =	simm.s32 @p1 $0x1;
	p0 =	seq.s32 s7, s2  }
0x1e: {  	s7 =	smul.u32 @!p0 $0xF7A, s2;
	p2 =	seq.s32 @!p0 s5, $0x0  }
0x1f: {  	s9 =	smul.u32 $0xF7A, s1;
	s8 =	simm.s32 @!p0 $0x1BF5;
	p2 =	por !p2, p0  }
0x20: {  	[sflag:s8] =	ssyncset.s32 @!p0 $0xFFFFF086;
	s6 =	sadd.s32 @!p0 s3, s7;
	s7 =	simm.s32 @!p0 $0x108  }
0x21: {  	s3 =	sadd.s32 s3, s9;
	s6 =	sadd.s32 @!p0 $0x88, s6;
	s7 =	simm.s32 @p2 $0x1082  }
0x22: {  	[simem:s7], [sflag:s8] =	dma.local @!p0 [hbm:s6], $0xF7A  }
0x23: {  	s9 =	sor.u32 $0xD0000000, s2;
	s6 =	simm.s32 $0x108;
	_ =	swait.ge @!p0 [sflag:s8], $0x0  }
0x24: {  	s3 =	sadd.s32 $0x88, s3;
	s6 =	simm.s32 @!p1 $0x1082;
	[sflag:s4] =	ssyncset.s32 $0xFFFFF086  }
0x25: {  	[simem:s6], [sflag:s4] =	dma.local [hbm:s3], $0xF7A  }
0x26: {  	[smem:$0x3F9C] =	sst s1;
	(tag) =	ssettag s2;
	_ =	strace s9  }
0x27: {  	s1 =	sld [smem:$0x3FAC]  }
0x28: {  	s2 =	sld [smem:$0x3FAD]  }
0x29: {  	s4 =	sld [smem:$0x3FAF]  }
0x2a: {  	p0 =	seq.s32 s5, $0x0;
	s5 =	sld [smem:$0x3FB0]  }
0x2b: {  	s6 =	sld [smem:$0x3FB1]  }
0x2c: {  	s7 =	sld [smem:$0x3FB2]  }
0x2d: {  	s3 =	simm.s32 $0x108;
	s8 =	sld [smem:$0x3FB3]  }
0x2e: {  	s3 =	simm.s32 @!p0 $0x1082;
	s9 =	sld [smem:$0x3FB4]  }
0x2f: {  	lr =	sadd.s32 s0, s3;
	s0 =	sld [smem:$0x3FAB]  }
0x30: {  	s3 =	sld [smem:$0x3FAE]  }
0x31: {  	[smem:$0x3FB7] =	sst s10  }
0x32: {  	s10 =	sld [smem:$0x3FB5];
	_ =	sdelay $0x3  }
0x33: {  	p0 =	seq.s32 s10, $0x1;
	s10 =	sld [smem:$0x3FB7];
	_ =	sdelay $0x3  }
0x34: {  	[smem:$0x3FB7] =	sst s10  }
0x35: {  	s10 =	sld [smem:$0x3FB6];
	_ =	sdelay $0x3  }
0x36: {  	p1 =	seq.s32 s10, $0x1;
	s10 =	sld [smem:$0x3FB7];
	_ =	sdelay $0x3  }
0x37: {  	[smem:$0x3FB7] =	sst s10  }
0x38: {  	s10 =	sld [smem:$0x3FB8]  }
0x39: {  	_ = 	snop;
	(pc) =	sbr.ind lr, $3  }
0x3a: {  	_ = 	snop  }
0x3b: {  	_ = 	snop  }
0x3c: {  	p2 =	seq.s32 s10, $0x1;
	s10 =	sld [smem:$0x3FB7]  }
0x3d: {  	_ =	shalt  }
0x3e: {  	_ =	shalt  }
0x3f: {  	_ =	shalt  }
0x40: {  	_ =	shalt  }
0x41: {  	_ =	shalt  }
0x42: {  	_ =	shalt  }
0x43: {  	_ =	shalt  }
0x44: {  	_ =	shalt  }
0x45: {  	_ =	shalt  }
0x46: {  	_ =	shalt  }
0x47: {  	_ =	shalt  }
0x48: {  	_ =	shalt  }
0x49: {  	_ =	shalt  }
0x4a: {  	_ =	shalt  }
0x4b: {  	_ =	shalt  }
0x4c: {  	_ =	shalt  }
0x4d: {  	_ =	shalt  }
0x4e: {  	_ =	shalt  }
0x4f: {  	_ =	shalt  }
0x50: {  	_ =	shalt  }
0x51: {  	_ =	shalt  }
0x52: {  	_ =	shalt  }
0x53: {  	_ =	shalt  }
0x54: {  	_ =	shalt  }
0x55: {  	_ =	shalt  }
0x56: {  	_ =	shalt  }
0x57: {  	_ =	shalt  }
0x58: {  	_ =	shalt  }
0x59: {  	_ =	shalt  }
0x5a: {  	_ =	shalt  }
0x5b: {  	_ =	shalt  }
0x5c: {  	_ =	shalt  }
0x5d: {  	_ =	shalt  }
0x5e: {  	_ =	shalt  }
0x5f: {  	_ =	shalt  }
0x60: {  	_ =	shalt  }
0x61: {  	_ =	shalt  }
0x62: {  	_ =	shalt  }
0x63: {  	_ =	shalt  }
0x64: {  	_ =	shalt  }
0x65: {  	_ =	shalt  }
0x66: {  	_ =	shalt  }
0x67: {  	_ =	shalt  }
0x68: {  	_ =	shalt  }
0x69: {  	_ =	shalt  }
0x6a: {  	_ =	shalt  }
0x6b: {  	_ =	shalt  }
0x6c: {  	_ =	shalt  }
0x6d: {  	_ =	shalt  }
0x6e: {  	_ =	shalt  }
0x6f: {  	_ =	shalt  }
0x70: {  	_ =	shalt  }
0x71: {  	_ =	shalt  }
0x72: {  	_ =	shalt  }
0x73: {  	_ =	shalt  }
0x74: {  	_ =	shalt  }
0x75: {  	_ =	shalt  }
0x76: {  	_ =	shalt  }
0x77: {  	_ =	shalt  }
0x78: {  	_ =	shalt  }
0x79: {  	_ =	shalt  }
0x7a: {  	_ =	shalt  }
0x7b: {  	_ =	shalt  }
0x7c: {  	_ =	shalt  }
0x7d: {  	_ =	shalt  }
0x7e: {  	_ =	shalt  }
0x7f: {  	_ =	shalt  }
0x80: {  	_ =	shalt  }
0x81: {  	_ =	shalt  }
0x82: {  	_ =	shalt  }
0x83: {  	_ =	shalt  }
0x84: {  	_ =	shalt  }
0x85: {  	_ =	shalt  }
0x86: {  	_ =	shalt  }
0x87: {  	_ =	shalt  }
.Lfunc_end0:
.L_simem_size_0:
called_computation.25_lowered:
.L_overlay_start_0:
0x88: {  	s0 =	sld [smem:$0x3FD9]  }
0x89: {  	s1 =	sld [smem:$0x3FFE];
	_ =	sdelay $0x3  }
0x8a: {  	s0 =	sadd.s32 s1, s0  }
0x8b: {  	[smem:$0x3FC3] =	sst s0  }
0x8c: {  	_ = 	snop  }
0x8d: {  	(tm) =	ssettm $0x1  }
0x8e: {  	s15 =	sld [smem:$0x3FFB];
	_ =	sdelay $0x3  }
0x8f: {  	_ =	strace s15  }
0x90: {  	s0 =	sld [smem:$0x3FFC];
	_ =	sdelay $0x3  }
0x91: {  	_ =	strace s0  }
0x92: {  	s0 =	sld [smem:$0x3FFD];
	_ =	sdelay $0x3  }
0x93: {  	_ =	strace s0  }
0x94: {  	_ =	strace $0x8FFFFFFF  }
0x95: {  	s16 =	sld [smem:$0x3FDB];
	_ =	sdelay $0x1  }
0x96: {  	s17 =	simm.s32 $_scs_section_size  }
0x97: {  	s2 =	simm.s32 $_size__tile_overlayer_lowered;
	s3 =	simm.s32 $_tile_overlayer_lowered  }
0x98: {  	s20 =	simm.s32 $0x1BFF;
	s19 =	sshll.u32 s3, $0x1;
	s0 =	sadd.s32 s17, s16  }
0x99: {  	s4 =	simm.s32 $0x0;
	s18 =	sshll.u32 s2, $0x1;
	s2 =	sadd.s32 s19, s0  }
0x9a: {  	[timem:s4], [sflag:s20] =	dma.local [hbm:s2], s18  }
0x9b: {  	_ =	swait.ge [sflag:s20], s18  }
0x9c: {  	s1 =	ssub.s32 $0x0, s18;
	[sflag:s20] =	ssyncset.done $0x0  }
0x9d: {  	[sflag:s20] =	ssyncadd.s32 s1;
	_ =	sdelay $0x1  }
0x9e: {  	s21 =	simm.s32 $0x1B8B  }
0x9f: {  	_ =	swait.ge [sflag:s21], $0x1  }
0xa0: {  	[sflag:s21] =	ssyncset.done $0x0  }
0xa1: {  	s23 =	simm.s32 $0x1B8E;
	s22 =	sld [smem:$0x3FFE];
	[sflag:s21] =	ssyncadd.s32 $0xFFFFFFFF  }
0xa2: {  	s24 =	simm.s32 $execute0_lowered;
	[smem:$0x3FD2] =	sst s23  }
0xa3: {  	s2 =	sshll.u32 s24, $0x1;
	_ =	strace $0x80000070;
	[dreg:$0x1] =	wrdreg $0xFFFFFFFF  }
0xa4: {  	s25 =	simm.s32 $_size_execute0_lowered;
	s0 =	sadd.s32 s0, s2;
	[dreg:$0x0] =	wrdreg $0x0  }
0xa5: {  	s2 =	sshll.u32 s25, $0x1;
	[dreg:$0x2] =	wrdreg s0  }
0xa6: {  	[dreg:$0x3] =	wrdreg s2  }
0xa7: {  	[dreg:$0x4] =	wrdreg $0xC0  }
0xa8: {  	_ =	task [dreg:s4], $0x5FFFF  }
0xa9: {  	[dreg:$0x1] =	wrdreg $0xFFFFFFFF  }
0xaa: {  	[dreg:$0x0] =	wrdreg $0x60  }
0xab: {  	[dreg:$0x2] =	wrdreg s22  }
0xac: {  	[dreg:$0x3] =	wrdreg $0x9  }
0xad: {  	_ =	task.clear_ibuf [dreg:s4], $0x4FFFF;
	_ =	strace $0x90000070  }
0xae: {  	s26 =	simm.s32 $0x9;
	_ =	strace $0x80000072  }
0xaf: {  	_ =	swait.ge [sflag:s26], $0x1  }
0xb0: {  	[sflag:s26] =	ssyncadd.s32 $0xFFFFFFFF  }
0xb1: {  	_ =	strace $0x90000072  }
0xb2: {  	_ =	sfence  }
0xb3: {  	s28 =	sld [smem:$0x0];
	_ =	sdelay $0x1  }
0xb4: {  	s29 =	srdreg.scid  }
0xb5: {  	s30 =	sshll.u32 s29, $0xD;
	s31 =	sshrl.u32 s29, $0x2  }
0xb6: {  	s1 =	sand.u32 $0x1, s29;
	s2 =	sand.u32 $0x4000, s30;
	s0 =	sadd.s32 s31, s28  }
0xb7: {  	s1 =	sor.u32 s2, s1;
	s0 =	sshll.u32 s0, $0x11  }
0xb8: {  	s0 =	sor.u32 s0, s1  }
0xb9: {  	s0 =	sadd.s32 $0x8F2B, s0  }
0xba: {  	[sflag:s0] =	ssyncadd.remote.s32 $0x1  }
0xbb: {  	_ =	sfence.sel $0xFFFF  }
0xbc: {  	[dreg:$0x0] =	wrdreg $0xFFFFFFFF;
	(pc) =	sbr.abs _section_cstart, $3  }
0xbd: {  	[dreg:$0x1] =	wrdreg $0xFFFFFFFF  }
0xbe: {  	_ =	task.clear_ibuf [dreg:s4], $0x2FFFF;
	_ =	strace $0x9FFFFFFF  }
0xbf: {  	(tm) =	ssettm $0x7FFFFFFF  }
tec
execute0_lowered:
.L_overlay_start_1:
0x0: {  	(tag) =	ssettag $0x1  }
0x1: {  	s8 =	rddreg [dreg:$0x0]  }
0x2: {  	s0 =	rddreg [dreg:$0x1];
	_ =	strace $0x80000071  }
0x3: {  	s4 =	simm.s32 $0x1;
	s1 =	stileid.u32;
	s7 =	simm.s32 $0x1  }
0x4: {  	s9 =	simm.s32 $0x1;
	s6 =	simm.s32 $0x2;
	s10 =	simm.s32 $0x3  }
0x5: {  	s13 =	simm.s32 $0x0;
	s12 =	simm.s32 $0x0;
	s2 =	sadd.s32 $0x9EC00, s8  }
.Ltmp0:
0x6: {  	s3 =	sadd.s32 $0x91C00, s8;
	p0 =	slt.u32 s1, $0xA;
	(pc) =	sbr.rel .LBB2_1-.Ltmp0, $4  }
0x7: {  	[sflag:s4] =	ssyncpa.u1 $0x0;
	s7 =	simm.s32 @!p0 $0x0;
	p0 =	sne.s32 s1, $0x9  }
0x8: {  	s5 =	smul.u32 $0x7D0, s1;
	[sflag:s6] =	ssyncpa.u1 $0x0;
	s9 =	simm.s32 @!p0 $0x0  }
0x9: {  	s8 =	sadd.s32 $0x192600, s8;
	[sflag:s10] =	ssyncpa.u1 $0x0;
	s7 =	sadd.s32 s9, s7  }
0xa: {  	vm0 =	vmmov $0xffff;
	s10 =	simm.s32 $0x0;
	s11 =	smov.u32 s5;
	s9 =	sadd.s32 $0x1, s7  }
.LBB2_4:
0xb: {  	v2 =	vnsel vm1, $0x0, v2  }
0xc: {  	vm1 =	vgt.s32 v0, $0x0;
	v2 =	vmin.u32 v2, $0x3FFFFF  }
0xd: {  	v0 =	vnsel vm1, $0x0, v0  }
0xe: {  	v0 =	vmin.u32 v0, $0x3FFFFF  }
0xf: {  	[tilespmem:s18], [sflag:$0x1] =	stream.indirect_vreg.gather [hbm4b:s2+s10], $0x1, v1, vm0, $0x4038;
	[tilespmem:$0x1F40] =	vst v63  }
0x10: {  	(ifvalue) =	ssetifvalue $0x7FFFFFFF  }
0x11: {  	[tilespmem:s15], [sflag:$0x1] =	stream.indirect_vreg.gather [hbm4b:s2+s10], $0x1, v2, vm0, $0x4038;
	[tilespmem:$0x1F40] =	vst v63  }
0x12: {  	s29 =	sadd.s32 $0x10, s15;
	(ifvalue) =	ssetifvalue $0x7FFFFFFF  }
0x13: {  	[tilespmem:s29], [sflag:$0x1] =	stream.indirect_vreg.gather [hbm4b:s2+s10], $0x1, v0, vm0, $0x4038;
	[tilespmem:$0x1F40] =	vst v63  }
0x14: {  	_ =	swait.ge [sflag:s4], $0x7D0  }
0x15: {  	s30 =	sshrl.u32 s13, $0x3;
	[sflag:s4] =	ssyncset.done $0x0  }
0x16: {  	s31 =	sand.u32 $0x7, s13;
	s15 =	sadd.s32 s8, s30;
	[sflag:s4] =	ssyncadd.s32 $0xFFFFF830  }
0x17: {  	[hbm4b:s15+s31] =	stream.linear.scatter [tilespmem:s14], [sflag:$0x3], $0x7D0, $0x38;
	[tilespmem:$0x1F40] =	vst v63  }
.LBB2_5:
0x18: {  	s15 =	sadd.s32 $0x7D00, s11  }
0x19: {  	p1 =	sgt.s32 s15, $0xC34F  }
0x1a: {  	s15 =	smov.u32 @p1 s5;
	p1 =	sne.s32 s12, s9  }
.Ltmp1:
0x1b: {  	p0 =	slt.u32 s12, $0x2;
	(pc) =	sbr.rel @!p1 .LBB2_6-.Ltmp1, $4  }
0x1c: {  	s14 =	simm.s32 @!p0 $0x3  }
0x1d: {  	_ =	swait.ge @!p0 [sflag:s14], $0x7D0  }
0x1e: {  	s16 =	sadd.s32 $0x1, s12;
	s13 =	smov.u32 s11;
	[sflag:s14] =	ssyncset.done @!p0 $0x0  }
0x1f: {  	s12 =	smov.u32 s16;
	s11 =	smov.u32 s15;
	[sflag:s14] =	ssyncadd.s32 @!p0 $0xFFFFF830  }
.LBB2_1:
0x20: {  	p0 =	sge.u32 s12, s7  }
0x21: {  	s14 =	sxor.u32 @!p0 $0x1, s12  }
0x22: {  	s14 =	smul.u32 @!p0 $0x1F40, s14  }
0x23: {  	s31 =	sadd.s32 $0xFFFFFFFF, s12;
	s15 =	sshrl.u32 @!p0 s11, $0x3  }
0x24: {  	s16 =	sand.u32 @!p0 $0x7, s11;
	s15 =	sadd.s32 @!p0 s3, s15;
	s14 =	sshra.s32 @!p0 s14, $0x2  }
0x25: {  	[tilespmem:s14], [sflag:$0x2] =	stream.linear.gather @!p0 [hbm4b:s15+s16], $0x7D0, $0x38;
	[tilespmem:$0x1F40] =	vst v63  }
0x26: {  	p0 =	sge.u32 s31, s7  }
.Ltmp2:
0x27: {  	_ = 	snop;
	(pc) =	sbr.rel @p0 .LBB2_5-.Ltmp2, $1  }
0x28: {  	_ =	sdelay $0x3  }
0x29: {  	s14 =	sand.u32 $0x1, s12  }
0x2a: {  	_ =	swait.ge [sflag:s6], $0x7D0;
	p0 =	seq.s32 s14, $0x1;
	s14 =	simm.s32 $0x7D0  }
0x2b: {  	[sflag:s6] =	ssyncset.done $0x0;
	s14 =	simm.s32 @!p0 $0x0  }
0x2c: {  	[sflag:s6] =	ssyncadd.s32 $0xFFFFF830;
	(ifvalue) =	ssetifvalue $0x7FFFFFFF;
	v0 =	vld.msk [tilespmem:s14+$0x0 ss:$0x1], $0xffff;
	_ =	sdelay $0x4  }
0x2d: {  	s15 =	sadd.s32 $0x10, s14;
	vm1 =	vgt.s32 v0, $0x0  }
0x2e: {  	v2 =	vld.msk [tilespmem:s15+$0x0 ss:$0x1], $0xffff;
	v1 =	vnsel vm1, $0x0, v0  }
0x2f: {  	v1 =	vmin.u32 v1, $0x3FFFFF;
	_ =	sdelay $0x2  }
0x30: {  	s17 =	simm.s32 $0x20;
	s14 =	sadd.s32 $0xFA0, s14;
	s16 =	sadd.s32 $0x10, s15  }
0x31: {  	s15 =	sadd.s32 $0x10, s14;
	s18 =	smov.u32 s14;
	v0 =	vld.msk [tilespmem:s16+$0x0 ss:$0x1], $0xffff;
	vm1 =	vgt.s32 v2, $0x0;
	(ifvalue) =	ssetifvalue $0x7FFFFFFF  }
.LBB2_3:
0x32: {  	[tilespmem:s18], [sflag:$0x1] =	stream.indirect_vreg.gather [hbm4b:s2+s10], $0x1, v1, vm0, $0x4038;
	[tilespmem:$0x1F40] =	vst v63  }
0x33: {  	s17 =	sadd.s32 $0x10, s17  }
0x34: {  	v2 =	vnsel vm1, $0x0, v2;
	p0 =	slt.u32 s17, $0x7C0  }
.Ltmp3:
0x35: {  	s18 =	smov.u32 s15;
	v1 =	vmin.u32 v2, $0x3FFFFF;
	(pc) =	sbr.rel @p0 .LBB2_3-.Ltmp3, $3  }
0x36: {  	_ =	sdelay $0x1  }
0x37: {  	s16 =	sadd.s32 $0x10, s16  }
0x38: {  	vm1 =	vgt.s32 v0, $0x0;
	s15 =	sadd.s32 $0x10, s15;
	v2 =	vmov v0;
	(ifvalue) =	ssetifvalue $0x7FFFFFFF;
	v0 =	vld.msk [tilespmem:s16+$0x0 ss:$0x1], $0xffff  }
.Ltmp4:
0x39: {  	_ = 	snop;
	(pc) =	sbr.rel .LBB2_4-.Ltmp4, $1  }
0x3a: {  	_ =	sdelay $0x3  }
.LBB2_6:
0x3b: {  	_ =	sfence.sel $0x180000  }
0x3c: {  	s2 =	simm.s32 $0x2;
	[bflag:$0x0] =	sbarrier.arrive $0xFFFF  }
0x3d: {  	s30 =	simm.s32 $0x3;
	[sflag:s2] =	ssyncpa.u1 $0x1  }
0x3e: {  	s31 =	simm.s32 $0x1;
	[sflag:s30] =	ssyncpa.u1 $0x1  }
0x3f: {  	[sflag:s31] =	ssyncpa.u1 $0x1  }
0x40: {  	p0 =	sne.s32 s1, $0x0;
	_ =	strace $0x90000071  }
0x41: {  	s0 =	sadd.s32 @!p0 $0x100000, s0;
	[bflag:$0x2] =	sbarrier.arrive $0xFFFF  }
0x42: {  	[sflag:s0] =	ssyncadd.tile.s32 @!p0 $0x1;
	_ =	shalt  }
.Lfunc_end2:
_tile_overlayer_lowered:
.L_overlay_start_2:
0x43: {  	(tag) =	ssettag $0x2  }
0x44: {  	s0 =	rddreg [dreg:$0x0];
	s2 =	stileid.u32  }
0x45: {  	s1 =	rddreg [dreg:$0x1];
	p0 =	sne.s32 s2, $0x0  }
0x46: {  	s3 =	rddreg [dreg:$0x2];
	[bflag:$0x3] =	sbarrier.arrive $0xFFFF;
	s2 =	simm.s32 @!p0 $0x1C01  }
0x47: {  	[timem:s3], [sflag:s2] =	dma.local @!p0 [hbm:s0], s1  }
0x48: {  	s0 =	simm.s32 @!p0 $0x1  }
0x49: {  	_ =	swait.ge @!p0 [sflag:s0], s1  }
0x4a: {  	s1 =	ssub.s32 @!p0 $0x0, s1;
	[sflag:s0] =	ssyncset.done @!p0 $0x0  }
0x4b: {  	[sflag:s0] =	ssyncadd.s32 @!p0 s1  }
0x4c: {  	[bflag:$0x3] =	sbarrier.arrive $0xFFFF  }
0x4d: {  	_ =	shalt  }

// kernel: gather_offload_async_start.26
scs
__scs_entry_jumppad:
0x0: {  	(pc) =	sbr.rel $0x88, $3  }
0x1: {  	(tag) =	ssettag $0x0;
	lr =	simm.s32 $0x1  }
0x2: {  	[smem:$0x3F9C] =	sst lr;
	_ =	strace $0xD0000000  }
0x3: {  	_ = 	snop  }
0x4: {  	_ = 	snop  }
0x5: {  	_ = 	snop  }
0x6: {  	_ = 	snop  }
0x7: {  	_ = 	snop  }
__scs_overlays_trampoline_lowered:
0x8: {  	[smem:$0x3FAB] =	sst s0  }
0x9: {  	[smem:$0x3FAC] =	sst s1  }
0xa: {  	[smem:$0x3FAD] =	sst s2  }
0xb: {  	[smem:$0x3FAE] =	sst s3  }
0xc: {  	[smem:$0x3FAF] =	sst s4  }
0xd: {  	[smem:$0x3FB0] =	sst s5  }
0xe: {  	[smem:$0x3FB1] =	sst s6  }
0xf: {  	[smem:$0x3FB2] =	sst s7  }
0x10: {  	[smem:$0x3FB3] =	sst s8  }
0x11: {  	[smem:$0x3FB4] =	sst s9;
	s0 =	simm.s32 @!p0 $0x0  }
0x12: {  	s1 =	sld [smem:$0x3F9A];
	s0 =	simm.s32 @p0 $0x1  }
0x13: {  	[smem:$0x3FB5] =	sst s0;
	s0 =	simm.s32 @!p1 $0x0  }
0x14: {  	s2 =	sld [smem:$0x3F99];
	s0 =	simm.s32 @p1 $0x1  }
0x15: {  	[smem:$0x3FB6] =	sst s0;
	s0 =	simm.s32 @!p2 $0x0  }
0x16: {  	s3 =	sld [smem:$0x3FDB];
	s0 =	simm.s32 @p2 $0x1  }
0x17: {  	s4 =	simm.s32 $0x1BF5;
	[smem:$0x3FB8] =	sst s0  }
0x18: {  	s0 =	sld [smem:$0x3F9B];
	_ =	swait.ge [sflag:s4], $0x0  }
0x19: {  	s7 =	sld [smem:$0x3F9C]  }
0x1a: {  	s8 =	sadd.s32 $0xFFFFE003, lr  }
0x1b: {  	s9 =	sadd.s32 $0xFFFFFEF7, lr;
	s5 =	simm.s32 $0xFFFFFFFF;
	p2 =	slt.u32 s8, $0xFFFFF086  }
0x1c: {  	p1 =	slt.u32 s9, $0xF7A;
	s5 =	simm.s32 @!p2 $0x0  }
0x1d: {  	s5 =	simm.s32 @p1 $0x1;
	p0 =	seq.s32 s7, s2  }
0x1e: {  	s7 =	smul.u32 @!p0 $0xF7A, s2;
	p2 =	seq.s32 @!p0 s5, $0x0  }
0x1f: {  	s9 =	smul.u32 $0xF7A, s1;
	s8 =	simm.s32 @!p0 $0x1BF5;
	p2 =	por !p2, p0  }
0x20: {  	[sflag:s8] =	ssyncset.s32 @!p0 $0xFFFFF086;
	s6 =	sadd.s32 @!p0 s3, s7;
	s7 =	simm.s32 @!p0 $0x108  }
0x21: {  	s3 =	sadd.s32 s3, s9;
	s6 =	sadd.s32 @!p0 $0x88, s6;
	s7 =	simm.s32 @p2 $0x1082  }
0x22: {  	[simem:s7], [sflag:s8] =	dma.local @!p0 [hbm:s6], $0xF7A  }
0x23: {  	s9 =	sor.u32 $0xD0000000, s2;
	s6 =	simm.s32 $0x108;
	_ =	swait.ge @!p0 [sflag:s8], $0x0  }
0x24: {  	s3 =	sadd.s32 $0x88, s3;
	s6 =	simm.s32 @!p1 $0x1082;
	[sflag:s4] =	ssyncset.s32 $0xFFFFF086  }
0x25: {  	[simem:s6], [sflag:s4] =	dma.local [hbm:s3], $0xF7A  }
0x26: {  	[smem:$0x3F9C] =	sst s1;
	(tag) =	ssettag s2;
	_ =	strace s9  }
0x27: {  	s1 =	sld [smem:$0x3FAC]  }
0x28: {  	s2 =	sld [smem:$0x3FAD]  }
0x29: {  	s4 =	sld [smem:$0x3FAF]  }
0x2a: {  	p0 =	seq.s32 s5, $0x0;
	s5 =	sld [smem:$0x3FB0]  }
0x2b: {  	s6 =	sld [smem:$0x3FB1]  }
0x2c: {  	s7 =	sld [smem:$0x3FB2]  }
0x2d: {  	s3 =	simm.s32 $0x108;
	s8 =	sld [smem:$0x3FB3]  }
0x2e: {  	s3 =	simm.s32 @!p0 $0x1082;
	s9 =	sld [smem:$0x3FB4]  }
0x2f: {  	lr =	sadd.s32 s0, s3;
	s0 =	sld [smem:$0x3FAB]  }
0x30: {  	s3 =	sld [smem:$0x3FAE]  }
0x31: {  	[smem:$0x3FB7] =	sst s10  }
0x32: {  	s10 =	sld [smem:$0x3FB5];
	_ =	sdelay $0x3  }
0x33: {  	p0 =	seq.s32 s10, $0x1;
	s10 =	sld [smem:$0x3FB7];
	_ =	sdelay $0x3  }
0x34: {  	[smem:$0x3FB7] =	sst s10  }
0x35: {  	s10 =	sld [smem:$0x3FB6];
	_ =	sdelay $0x3  }
0x36: {  	p1 =	seq.s32 s10, $0x1;
	s10 =	sld [smem:$0x3FB7];
	_ =	sdelay $0x3  }
0x37: {  	[smem:$0x3FB7] =	sst s10  }
0x38: {  	s10 =	sld [smem:$0x3FB8]  }
0x39: {  	_ = 	snop;
	(pc) =	sbr.ind lr, $3  }
0x3a: {  	_ = 	snop  }
0x3b: {  	_ = 	snop  }
0x3c: {  	p2 =	seq.s32 s10, $0x1;
	s10 =	sld [smem:$0x3FB7]  }
0x3d: {  	_ =	shalt  }
0x3e: {  	_ =	shalt  }
0x3f: {  	_ =	shalt  }
0x40: {  	_ =	shalt  }
0x41: {  	_ =	shalt  }
0x42: {  	_ =	shalt  }
0x43: {  	_ =	shalt  }
0x44: {  	_ =	shalt  }
0x45: {  	_ =	shalt  }
0x46: {  	_ =	shalt  }
0x47: {  	_ =	shalt  }
0x48: {  	_ =	shalt  }
0x49: {  	_ =	shalt  }
0x4a: {  	_ =	shalt  }
0x4b: {  	_ =	shalt  }
0x4c: {  	_ =	shalt  }
0x4d: {  	_ =	shalt  }
0x4e: {  	_ =	shalt  }
0x4f: {  	_ =	shalt  }
0x50: {  	_ =	shalt  }
0x51: {  	_ =	shalt  }
0x52: {  	_ =	shalt  }
0x53: {  	_ =	shalt  }
0x54: {  	_ =	shalt  }
0x55: {  	_ =	shalt  }
0x56: {  	_ =	shalt  }
0x57: {  	_ =	shalt  }
0x58: {  	_ =	shalt  }
0x59: {  	_ =	shalt  }
0x5a: {  	_ =	shalt  }
0x5b: {  	_ =	shalt  }
0x5c: {  	_ =	shalt  }
0x5d: {  	_ =	shalt  }
0x5e: {  	_ =	shalt  }
0x5f: {  	_ =	shalt  }
0x60: {  	_ =	shalt  }
0x61: {  	_ =	shalt  }
0x62: {  	_ =	shalt  }
0x63: {  	_ =	shalt  }
0x64: {  	_ =	shalt  }
0x65: {  	_ =	shalt  }
0x66: {  	_ =	shalt  }
0x67: {  	_ =	shalt  }
0x68: {  	_ =	shalt  }
0x69: {  	_ =	shalt  }
0x6a: {  	_ =	shalt  }
0x6b: {  	_ =	shalt  }
0x6c: {  	_ =	shalt  }
0x6d: {  	_ =	shalt  }
0x6e: {  	_ =	shalt  }
0x6f: {  	_ =	shalt  }
0x70: {  	_ =	shalt  }
0x71: {  	_ =	shalt  }
0x72: {  	_ =	shalt  }
0x73: {  	_ =	shalt  }
0x74: {  	_ =	shalt  }
0x75: {  	_ =	shalt  }
0x76: {  	_ =	shalt  }
0x77: {  	_ =	shalt  }
0x78: {  	_ =	shalt  }
0x79: {  	_ =	shalt  }
0x7a: {  	_ =	shalt  }
0x7b: {  	_ =	shalt  }
0x7c: {  	_ =	shalt  }
0x7d: {  	_ =	shalt  }
0x7e: {  	_ =	shalt  }
0x7f: {  	_ =	shalt  }
0x80: {  	_ =	shalt  }
0x81: {  	_ =	shalt  }
0x82: {  	_ =	shalt  }
0x83: {  	_ =	shalt  }
0x84: {  	_ =	shalt  }
0x85: {  	_ =	shalt  }
0x86: {  	_ =	shalt  }
0x87: {  	_ =	shalt  }
.Lfunc_end0:
.L_simem_size_0:
called_computation.26_lowered:
.L_overlay_start_0:
0x88: {  	s0 =	sld [smem:$0x3FD9]  }
0x89: {  	s1 =	sld [smem:$0x3FFE];
	_ =	sdelay $0x3  }
0x8a: {  	s0 =	sadd.s32 s1, s0  }
0x8b: {  	[smem:$0x3FC3] =	sst s0  }
0x8c: {  	_ = 	snop  }
0x8d: {  	(tm) =	ssettm $0x1  }
0x8e: {  	s15 =	sld [smem:$0x3FFB];
	_ =	sdelay $0x3  }
0x8f: {  	_ =	strace s15  }
0x90: {  	s0 =	sld [smem:$0x3FFC];
	_ =	sdelay $0x3  }
0x91: {  	_ =	strace s0  }
0x92: {  	s0 =	sld [smem:$0x3FFD];
	_ =	sdelay $0x3  }
0x93: {  	_ =	strace s0  }
0x94: {  	_ =	strace $0x8FFFFFFF  }
0x95: {  	s16 =	sld [smem:$0x3FDB];
	_ =	sdelay $0x1  }
0x96: {  	s17 =	simm.s32 $_scs_section_size  }
0x97: {  	s2 =	simm.s32 $_size__tile_overlayer_lowered;
	s3 =	simm.s32 $_tile_overlayer_lowered  }
0x98: {  	s20 =	simm.s32 $0x1BFF;
	s19 =	sshll.u32 s3, $0x1;
	s0 =	sadd.s32 s17, s16  }
0x99: {  	s4 =	simm.s32 $0x0;
	s18 =	sshll.u32 s2, $0x1;
	s2 =	sadd.s32 s19, s0  }
0x9a: {  	[timem:s4], [sflag:s20] =	dma.local [hbm:s2], s18  }
0x9b: {  	_ =	swait.ge [sflag:s20], s18  }
0x9c: {  	s1 =	ssub.s32 $0x0, s18;
	[sflag:s20] =	ssyncset.done $0x0  }
0x9d: {  	[sflag:s20] =	ssyncadd.s32 s1;
	_ =	sdelay $0x1  }
0x9e: {  	s21 =	simm.s32 $0x1B8B  }
0x9f: {  	_ =	swait.ge [sflag:s21], $0x1  }
0xa0: {  	[sflag:s21] =	ssyncset.done $0x0  }
0xa1: {  	s23 =	simm.s32 $0x1B8E;
	s22 =	sld [smem:$0x3FFE];
	[sflag:s21] =	ssyncadd.s32 $0xFFFFFFFF  }
0xa2: {  	s24 =	simm.s32 $execute0_lowered;
	[smem:$0x3FD2] =	sst s23  }
0xa3: {  	s2 =	sshll.u32 s24, $0x1;
	_ =	strace $0x8000006D;
	[dreg:$0x1] =	wrdreg $0xFFFFFFFF  }
0xa4: {  	s25 =	simm.s32 $_size_execute0_lowered;
	s0 =	sadd.s32 s0, s2;
	[dreg:$0x0] =	wrdreg $0x0  }
0xa5: {  	s2 =	sshll.u32 s25, $0x1;
	[dreg:$0x2] =	wrdreg s0  }
0xa6: {  	[dreg:$0x3] =	wrdreg s2  }
0xa7: {  	[dreg:$0x4] =	wrdreg $0xC0  }
0xa8: {  	_ =	task [dreg:s4], $0x5FFFF  }
0xa9: {  	[dreg:$0x1] =	wrdreg $0xFFFFFFFF  }
0xaa: {  	[dreg:$0x0] =	wrdreg $0x60  }
0xab: {  	[dreg:$0x2] =	wrdreg s22  }
0xac: {  	[dreg:$0x3] =	wrdreg $0xA  }
0xad: {  	_ =	task.clear_ibuf [dreg:s4], $0x4FFFF;
	_ =	strace $0x9000006D  }
0xae: {  	s26 =	simm.s32 $0xA;
	_ =	strace $0x8000006F  }
0xaf: {  	_ =	swait.ge [sflag:s26], $0x1  }
0xb0: {  	[sflag:s26] =	ssyncadd.s32 $0xFFFFFFFF  }
0xb1: {  	_ =	strace $0x9000006F  }
0xb2: {  	_ =	sfence  }
0xb3: {  	s28 =	sld [smem:$0x0];
	_ =	sdelay $0x1  }
0xb4: {  	s29 =	srdreg.scid  }
0xb5: {  	s30 =	sshll.u32 s29, $0xD;
	s31 =	sshrl.u32 s29, $0x2  }
0xb6: {  	s1 =	sand.u32 $0x1, s29;
	s2 =	sand.u32 $0x4000, s30;
	s0 =	sadd.s32 s31, s28  }
0xb7: {  	s1 =	sor.u32 s2, s1;
	s0 =	sshll.u32 s0, $0x11  }
0xb8: {  	s0 =	sor.u32 s0, s1  }
0xb9: {  	s0 =	sadd.s32 $0x8F2B, s0  }
0xba: {  	[sflag:s0] =	ssyncadd.remote.s32 $0x1  }
0xbb: {  	_ =	sfence.sel $0xFFFF  }
0xbc: {  	[dreg:$0x0] =	wrdreg $0xFFFFFFFF;
	(pc) =	sbr.abs _section_cstart, $3  }
0xbd: {  	[dreg:$0x1] =	wrdreg $0xFFFFFFFF  }
0xbe: {  	_ =	task.clear_ibuf [dreg:s4], $0x2FFFF;
	_ =	strace $0x9FFFFFFF  }
0xbf: {  	(tm) =	ssettm $0x7FFFFFFF  }
tec
execute0_lowered:
.L_overlay_start_1:
0x0: {  	(tag) =	ssettag $0x1  }
0x1: {  	s8 =	rddreg [dreg:$0x0]  }
0x2: {  	s0 =	rddreg [dreg:$0x1];
	_ =	strace $0x8000006E  }
0x3: {  	s4 =	simm.s32 $0x1;
	s1 =	stileid.u32;
	s7 =	simm.s32 $0x1  }
0x4: {  	s9 =	simm.s32 $0x1;
	s6 =	simm.s32 $0x2;
	s10 =	simm.s32 $0x3  }
0x5: {  	s13 =	simm.s32 $0x0;
	s12 =	simm.s32 $0x0;
	s2 =	sadd.s32 $0x9EC00, s8  }
.Ltmp0:
0x6: {  	s3 =	sadd.s32 $0x88000, s8;
	p0 =	slt.u32 s1, $0xA;
	(pc) =	sbr.rel .LBB2_1-.Ltmp0, $4  }
0x7: {  	[sflag:s4] =	ssyncpa.u1 $0x0;
	s7 =	simm.s32 @!p0 $0x0;
	p0 =	sne.s32 s1, $0x9  }
0x8: {  	s5 =	smul.u32 $0x7D0, s1;
	[sflag:s6] =	ssyncpa.u1 $0x0;
	s9 =	simm.s32 @!p0 $0x0  }
0x9: {  	s8 =	sadd.s32 $0x190C00, s8;
	[sflag:s10] =	ssyncpa.u1 $0x0;
	s7 =	sadd.s32 s9, s7  }
0xa: {  	vm0 =	vmmov $0xffff;
	s10 =	simm.s32 $0x0;
	s11 =	smov.u32 s5;
	s9 =	sadd.s32 $0x1, s7  }
.LBB2_4:
0xb: {  	v2 =	vnsel vm1, $0x0, v2  }
0xc: {  	vm1 =	vgt.s32 v0, $0x0;
	v2 =	vmin.u32 v2, $0x3FFFFF  }
0xd: {  	v0 =	vnsel vm1, $0x0, v0  }
0xe: {  	v0 =	vmin.u32 v0, $0x3FFFFF  }
0xf: {  	[tilespmem:s18], [sflag:$0x1] =	stream.indirect_vreg.gather [hbm4b:s2+s10], $0x1, v1, vm0, $0x4038;
	[tilespmem:$0x1F40] =	vst v63  }
0x10: {  	(ifvalue) =	ssetifvalue $0x7FFFFFFF  }
0x11: {  	[tilespmem:s15], [sflag:$0x1] =	stream.indirect_vreg.gather [hbm4b:s2+s10], $0x1, v2, vm0, $0x4038;
	[tilespmem:$0x1F40] =	vst v63  }
0x12: {  	s29 =	sadd.s32 $0x10, s15;
	(ifvalue) =	ssetifvalue $0x7FFFFFFF  }
0x13: {  	[tilespmem:s29], [sflag:$0x1] =	stream.indirect_vreg.gather [hbm4b:s2+s10], $0x1, v0, vm0, $0x4038;
	[tilespmem:$0x1F40] =	vst v63  }
0x14: {  	_ =	swait.ge [sflag:s4], $0x7D0  }
0x15: {  	s30 =	sshrl.u32 s13, $0x3;
	[sflag:s4] =	ssyncset.done $0x0  }
0x16: {  	s31 =	sand.u32 $0x7, s13;
	s15 =	sadd.s32 s8, s30;
	[sflag:s4] =	ssyncadd.s32 $0xFFFFF830  }
0x17: {  	[hbm4b:s15+s31] =	stream.linear.scatter [tilespmem:s14], [sflag:$0x3], $0x7D0, $0x38;
	[tilespmem:$0x1F40] =	vst v63  }
.LBB2_5:
0x18: {  	s15 =	sadd.s32 $0x7D00, s11  }
0x19: {  	p1 =	sgt.s32 s15, $0xC34F  }
0x1a: {  	s15 =	smov.u32 @p1 s5;
	p1 =	sne.s32 s12, s9  }
.Ltmp1:
0x1b: {  	p0 =	slt.u32 s12, $0x2;
	(pc) =	sbr.rel @!p1 .LBB2_6-.Ltmp1, $4  }
0x1c: {  	s14 =	simm.s32 @!p0 $0x3  }
0x1d: {  	_ =	swait.ge @!p0 [sflag:s14], $0x7D0  }
0x1e: {  	s16 =	sadd.s32 $0x1, s12;
	s13 =	smov.u32 s11;
	[sflag:s14] =	ssyncset.done @!p0 $0x0  }
0x1f: {  	s12 =	smov.u32 s16;
	s11 =	smov.u32 s15;
	[sflag:s14] =	ssyncadd.s32 @!p0 $0xFFFFF830  }
.LBB2_1:
0x20: {  	p0 =	sge.u32 s12, s7  }
0x21: {  	s14 =	sxor.u32 @!p0 $0x1, s12  }
0x22: {  	s14 =	smul.u32 @!p0 $0x1F40, s14  }
0x23: {  	s31 =	sadd.s32 $0xFFFFFFFF, s12;
	s15 =	sshrl.u32 @!p0 s11, $0x3  }
0x24: {  	s16 =	sand.u32 @!p0 $0x7, s11;
	s15 =	sadd.s32 @!p0 s3, s15;
	s14 =	sshra.s32 @!p0 s14, $0x2  }
0x25: {  	[tilespmem:s14], [sflag:$0x2] =	stream.linear.gather @!p0 [hbm4b:s15+s16], $0x7D0, $0x38;
	[tilespmem:$0x1F40] =	vst v63  }
0x26: {  	p0 =	sge.u32 s31, s7  }
.Ltmp2:
0x27: {  	_ = 	snop;
	(pc) =	sbr.rel @p0 .LBB2_5-.Ltmp2, $1  }
0x28: {  	_ =	sdelay $0x3  }
0x29: {  	s14 =	sand.u32 $0x1, s12  }
0x2a: {  	_ =	swait.ge [sflag:s6], $0x7D0;
	p0 =	seq.s32 s14, $0x1;
	s14 =	simm.s32 $0x7D0  }
0x2b: {  	[sflag:s6] =	ssyncset.done $0x0;
	s14 =	simm.s32 @!p0 $0x0  }
0x2c: {  	[sflag:s6] =	ssyncadd.s32 $0xFFFFF830;
	(ifvalue) =	ssetifvalue $0x7FFFFFFF;
	v0 =	vld.msk [tilespmem:s14+$0x0 ss:$0x1], $0xffff;
	_ =	sdelay $0x4  }
0x2d: {  	s15 =	sadd.s32 $0x10, s14;
	vm1 =	vgt.s32 v0, $0x0  }
0x2e: {  	v2 =	vld.msk [tilespmem:s15+$0x0 ss:$0x1], $0xffff;
	v1 =	vnsel vm1, $0x0, v0  }
0x2f: {  	v1 =	vmin.u32 v1, $0x3FFFFF;
	_ =	sdelay $0x2  }
0x30: {  	s17 =	simm.s32 $0x20;
	s14 =	sadd.s32 $0xFA0, s14;
	s16 =	sadd.s32 $0x10, s15  }
0x31: {  	s15 =	sadd.s32 $0x10, s14;
	s18 =	smov.u32 s14;
	v0 =	vld.msk [tilespmem:s16+$0x0 ss:$0x1], $0xffff;
	vm1 =	vgt.s32 v2, $0x0;
	(ifvalue) =	ssetifvalue $0x7FFFFFFF  }
.LBB2_3:
0x32: {  	[tilespmem:s18], [sflag:$0x1] =	stream.indirect_vreg.gather [hbm4b:s2+s10], $0x1, v1, vm0, $0x4038;
	[tilespmem:$0x1F40] =	vst v63  }
0x33: {  	s17 =	sadd.s32 $0x10, s17  }
0x34: {  	v2 =	vnsel vm1, $0x0, v2;
	p0 =	slt.u32 s17, $0x7C0  }
.Ltmp3:
0x35: {  	s18 =	smov.u32 s15;
	v1 =	vmin.u32 v2, $0x3FFFFF;
	(pc) =	sbr.rel @p0 .LBB2_3-.Ltmp3, $3  }
0x36: {  	_ =	sdelay $0x1  }
0x37: {  	s16 =	sadd.s32 $0x10, s16  }
0x38: {  	vm1 =	vgt.s32 v0, $0x0;
	s15 =	sadd.s32 $0x10, s15;
	v2 =	vmov v0;
	(ifvalue) =	ssetifvalue $0x7FFFFFFF;
	v0 =	vld.msk [tilespmem:s16+$0x0 ss:$0x1], $0xffff  }
.Ltmp4:
0x39: {  	_ = 	snop;
	(pc) =	sbr.rel .LBB2_4-.Ltmp4, $1  }
0x3a: {  	_ =	sdelay $0x3  }
.LBB2_6:
0x3b: {  	_ =	sfence.sel $0x180000  }
0x3c: {  	s2 =	simm.s32 $0x2;
	[bflag:$0x0] =	sbarrier.arrive $0xFFFF  }
0x3d: {  	s30 =	simm.s32 $0x3;
	[sflag:s2] =	ssyncpa.u1 $0x1  }
0x3e: {  	s31 =	simm.s32 $0x1;
	[sflag:s30] =	ssyncpa.u1 $0x1  }
0x3f: {  	[sflag:s31] =	ssyncpa.u1 $0x1  }
0x40: {  	p0 =	sne.s32 s1, $0x0;
	_ =	strace $0x9000006E  }
0x41: {  	s0 =	sadd.s32 @!p0 $0x100000, s0;
	[bflag:$0x2] =	sbarrier.arrive $0xFFFF  }
0x42: {  	[sflag:s0] =	ssyncadd.tile.s32 @!p0 $0x1;
	_ =	shalt  }
.Lfunc_end2:
_tile_overlayer_lowered:
.L_overlay_start_2:
0x43: {  	(tag) =	ssettag $0x2  }
0x44: {  	s0 =	rddreg [dreg:$0x0];
	s2 =	stileid.u32  }
0x45: {  	s1 =	rddreg [dreg:$0x1];
	p0 =	sne.s32 s2, $0x0  }
0x46: {  	s3 =	rddreg [dreg:$0x2];
	[bflag:$0x3] =	sbarrier.arrive $0xFFFF;
	s2 =	simm.s32 @!p0 $0x1C01  }
0x47: {  	[timem:s3], [sflag:s2] =	dma.local @!p0 [hbm:s0], s1  }
0x48: {  	s0 =	simm.s32 @!p0 $0x1  }
0x49: {  	_ =	swait.ge @!p0 [sflag:s0], s1  }
0x4a: {  	s1 =	ssub.s32 @!p0 $0x0, s1;
	[sflag:s0] =	ssyncset.done @!p0 $0x0  }
0x4b: {  	[sflag:s0] =	ssyncadd.s32 @!p0 s1  }
0x4c: {  	[bflag:$0x3] =	sbarrier.arrive $0xFFFF  }
0x4d: {  	_ =	shalt  }

// kernel: gather_offload_async_start.2
scs
__scs_entry_jumppad:
0x0: {  	(pc) =	sbr.rel $0x88, $3  }
0x1: {  	(tag) =	ssettag $0x0;
	lr =	simm.s32 $0x1  }
0x2: {  	[smem:$0x3F9C] =	sst lr;
	_ =	strace $0xD0000000  }
0x3: {  	_ = 	snop  }
0x4: {  	_ = 	snop  }
0x5: {  	_ = 	snop  }
0x6: {  	_ = 	snop  }
0x7: {  	_ = 	snop  }
__scs_overlays_trampoline_lowered:
0x8: {  	[smem:$0x3FAB] =	sst s0  }
0x9: {  	[smem:$0x3FAC] =	sst s1  }
0xa: {  	[smem:$0x3FAD] =	sst s2  }
0xb: {  	[smem:$0x3FAE] =	sst s3  }
0xc: {  	[smem:$0x3FAF] =	sst s4  }
0xd: {  	[smem:$0x3FB0] =	sst s5  }
0xe: {  	[smem:$0x3FB1] =	sst s6  }
0xf: {  	[smem:$0x3FB2] =	sst s7  }
0x10: {  	[smem:$0x3FB3] =	sst s8  }
0x11: {  	[smem:$0x3FB4] =	sst s9;
	s0 =	simm.s32 @!p0 $0x0  }
0x12: {  	s1 =	sld [smem:$0x3F9A];
	s0 =	simm.s32 @p0 $0x1  }
0x13: {  	[smem:$0x3FB5] =	sst s0;
	s0 =	simm.s32 @!p1 $0x0  }
0x14: {  	s2 =	sld [smem:$0x3F99];
	s0 =	simm.s32 @p1 $0x1  }
0x15: {  	[smem:$0x3FB6] =	sst s0;
	s0 =	simm.s32 @!p2 $0x0  }
0x16: {  	s3 =	sld [smem:$0x3FDB];
	s0 =	simm.s32 @p2 $0x1  }
0x17: {  	s4 =	simm.s32 $0x1BF5;
	[smem:$0x3FB8] =	sst s0  }
0x18: {  	s0 =	sld [smem:$0x3F9B];
	_ =	swait.ge [sflag:s4], $0x0  }
0x19: {  	s7 =	sld [smem:$0x3F9C]  }
0x1a: {  	s8 =	sadd.s32 $0xFFFFE003, lr  }
0x1b: {  	s9 =	sadd.s32 $0xFFFFFEF7, lr;
	s5 =	simm.s32 $0xFFFFFFFF;
	p2 =	slt.u32 s8, $0xFFFFF086  }
0x1c: {  	p1 =	slt.u32 s9, $0xF7A;
	s5 =	simm.s32 @!p2 $0x0  }
0x1d: {  	s5 =	simm.s32 @p1 $0x1;
	p0 =	seq.s32 s7, s2  }
0x1e: {  	s7 =	smul.u32 @!p0 $0xF7A, s2;
	p2 =	seq.s32 @!p0 s5, $0x0  }
0x1f: {  	s9 =	smul.u32 $0xF7A, s1;
	s8 =	simm.s32 @!p0 $0x1BF5;
	p2 =	por !p2, p0  }
0x20: {  	[sflag:s8] =	ssyncset.s32 @!p0 $0xFFFFF086;
	s6 =	sadd.s32 @!p0 s3, s7;
	s7 =	simm.s32 @!p0 $0x108  }
0x21: {  	s3 =	sadd.s32 s3, s9;
	s6 =	sadd.s32 @!p0 $0x88, s6;
	s7 =	simm.s32 @p2 $0x1082  }
0x22: {  	[simem:s7], [sflag:s8] =	dma.local @!p0 [hbm:s6], $0xF7A  }
0x23: {  	s9 =	sor.u32 $0xD0000000, s2;
	s6 =	simm.s32 $0x108;
	_ =	swait.ge @!p0 [sflag:s8], $0x0  }
0x24: {  	s3 =	sadd.s32 $0x88, s3;
	s6 =	simm.s32 @!p1 $0x1082;
	[sflag:s4] =	ssyncset.s32 $0xFFFFF086  }
0x25: {  	[simem:s6], [sflag:s4] =	dma.local [hbm:s3], $0xF7A  }
0x26: {  	[smem:$0x3F9C] =	sst s1;
	(tag) =	ssettag s2;
	_ =	strace s9  }
0x27: {  	s1 =	sld [smem:$0x3FAC]  }
0x28: {  	s2 =	sld [smem:$0x3FAD]  }
0x29: {  	s4 =	sld [smem:$0x3FAF]  }
0x2a: {  	p0 =	seq.s32 s5, $0x0;
	s5 =	sld [smem:$0x3FB0]  }
0x2b: {  	s6 =	sld [smem:$0x3FB1]  }
0x2c: {  	s7 =	sld [smem:$0x3FB2]  }
0x2d: {  	s3 =	simm.s32 $0x108;
	s8 =	sld [smem:$0x3FB3]  }
0x2e: {  	s3 =	simm.s32 @!p0 $0x1082;
	s9 =	sld [smem:$0x3FB4]  }
0x2f: {  	lr =	sadd.s32 s0, s3;
	s0 =	sld [smem:$0x3FAB]  }
0x30: {  	s3 =	sld [smem:$0x3FAE]  }
0x31: {  	[smem:$0x3FB7] =	sst s10  }
0x32: {  	s10 =	sld [smem:$0x3FB5];
	_ =	sdelay $0x3  }
0x33: {  	p0 =	seq.s32 s10, $0x1;
	s10 =	sld [smem:$0x3FB7];
	_ =	sdelay $0x3  }
0x34: {  	[smem:$0x3FB7] =	sst s10  }
0x35: {  	s10 =	sld [smem:$0x3FB6];
	_ =	sdelay $0x3  }
0x36: {  	p1 =	seq.s32 s10, $0x1;
	s10 =	sld [smem:$0x3FB7];
	_ =	sdelay $0x3  }
0x37: {  	[smem:$0x3FB7] =	sst s10  }
0x38: {  	s10 =	sld [smem:$0x3FB8]  }
0x39: {  	_ = 	snop;
	(pc) =	sbr.ind lr, $3  }
0x3a: {  	_ = 	snop  }
0x3b: {  	_ = 	snop  }
0x3c: {  	p2 =	seq.s32 s10, $0x1;
	s10 =	sld [smem:$0x3FB7]  }
0x3d: {  	_ =	shalt  }
0x3e: {  	_ =	shalt  }
0x3f: {  	_ =	shalt  }
0x40: {  	_ =	shalt  }
0x41: {  	_ =	shalt  }
0x42: {  	_ =	shalt  }
0x43: {  	_ =	shalt  }
0x44: {  	_ =	shalt  }
0x45: {  	_ =	shalt  }
0x46: {  	_ =	shalt  }
0x47: {  	_ =	shalt  }
0x48: {  	_ =	shalt  }
0x49: {  	_ =	shalt  }
0x4a: {  	_ =	shalt  }
0x4b: {  	_ =	shalt  }
0x4c: {  	_ =	shalt  }
0x4d: {  	_ =	shalt  }
0x4e: {  	_ =	shalt  }
0x4f: {  	_ =	shalt  }
0x50: {  	_ =	shalt  }
0x51: {  	_ =	shalt  }
0x52: {  	_ =	shalt  }
0x53: {  	_ =	shalt  }
0x54: {  	_ =	shalt  }
0x55: {  	_ =	shalt  }
0x56: {  	_ =	shalt  }
0x57: {  	_ =	shalt  }
0x58: {  	_ =	shalt  }
0x59: {  	_ =	shalt  }
0x5a: {  	_ =	shalt  }
0x5b: {  	_ =	shalt  }
0x5c: {  	_ =	shalt  }
0x5d: {  	_ =	shalt  }
0x5e: {  	_ =	shalt  }
0x5f: {  	_ =	shalt  }
0x60: {  	_ =	shalt  }
0x61: {  	_ =	shalt  }
0x62: {  	_ =	shalt  }
0x63: {  	_ =	shalt  }
0x64: {  	_ =	shalt  }
0x65: {  	_ =	shalt  }
0x66: {  	_ =	shalt  }
0x67: {  	_ =	shalt  }
0x68: {  	_ =	shalt  }
0x69: {  	_ =	shalt  }
0x6a: {  	_ =	shalt  }
0x6b: {  	_ =	shalt  }
0x6c: {  	_ =	shalt  }
0x6d: {  	_ =	shalt  }
0x6e: {  	_ =	shalt  }
0x6f: {  	_ =	shalt  }
0x70: {  	_ =	shalt  }
0x71: {  	_ =	shalt  }
0x72: {  	_ =	shalt  }
0x73: {  	_ =	shalt  }
0x74: {  	_ =	shalt  }
0x75: {  	_ =	shalt  }
0x76: {  	_ =	shalt  }
0x77: {  	_ =	shalt  }
0x78: {  	_ =	shalt  }
0x79: {  	_ =	shalt  }
0x7a: {  	_ =	shalt  }
0x7b: {  	_ =	shalt  }
0x7c: {  	_ =	shalt  }
0x7d: {  	_ =	shalt  }
0x7e: {  	_ =	shalt  }
0x7f: {  	_ =	shalt  }
0x80: {  	_ =	shalt  }
0x81: {  	_ =	shalt  }
0x82: {  	_ =	shalt  }
0x83: {  	_ =	shalt  }
0x84: {  	_ =	shalt  }
0x85: {  	_ =	shalt  }
0x86: {  	_ =	shalt  }
0x87: {  	_ =	shalt  }
.Lfunc_end0:
.L_simem_size_0:
called_computation.2_lowered:
.L_overlay_start_0:
0x88: {  	s0 =	sld [smem:$0x3FD9]  }
0x89: {  	s1 =	sld [smem:$0x3FFE];
	_ =	sdelay $0x3  }
0x8a: {  	s0 =	sadd.s32 s1, s0  }
0x8b: {  	[smem:$0x3FC3] =	sst s0  }
0x8c: {  	_ = 	snop  }
0x8d: {  	(tm) =	ssettm $0x1  }
0x8e: {  	s15 =	sld [smem:$0x3FFB];
	_ =	sdelay $0x3  }
0x8f: {  	_ =	strace s15  }
0x90: {  	s0 =	sld [smem:$0x3FFC];
	_ =	sdelay $0x3  }
0x91: {  	_ =	strace s0  }
0x92: {  	s0 =	sld [smem:$0x3FFD];
	_ =	sdelay $0x3  }
0x93: {  	_ =	strace s0  }
0x94: {  	_ =	strace $0x8FFFFFFF  }
0x95: {  	s16 =	sld [smem:$0x3FDB];
	_ =	sdelay $0x1  }
0x96: {  	s17 =	simm.s32 $_scs_section_size  }
0x97: {  	s2 =	simm.s32 $_size__tile_overlayer_lowered;
	s3 =	simm.s32 $_tile_overlayer_lowered  }
0x98: {  	s20 =	simm.s32 $0x1BFF;
	s19 =	sshll.u32 s3, $0x1;
	s0 =	sadd.s32 s17, s16  }
0x99: {  	s4 =	simm.s32 $0x0;
	s18 =	sshll.u32 s2, $0x1;
	s2 =	sadd.s32 s19, s0  }
0x9a: {  	[timem:s4], [sflag:s20] =	dma.local [hbm:s2], s18  }
0x9b: {  	_ =	swait.ge [sflag:s20], s18  }
0x9c: {  	s1 =	ssub.s32 $0x0, s18;
	[sflag:s20] =	ssyncset.done $0x0  }
0x9d: {  	[sflag:s20] =	ssyncadd.s32 s1;
	_ =	sdelay $0x1  }
0x9e: {  	s21 =	simm.s32 $0x1B8B  }
0x9f: {  	_ =	swait.ge [sflag:s21], $0x1  }
0xa0: {  	[sflag:s21] =	ssyncset.done $0x0  }
0xa1: {  	s23 =	simm.s32 $0x1B8E;
	s22 =	sld [smem:$0x3FFE];
	[sflag:s21] =	ssyncadd.s32 $0xFFFFFFFF  }
0xa2: {  	s24 =	simm.s32 $execute0_lowered;
	[smem:$0x3FD2] =	sst s23  }
0xa3: {  	s2 =	sshll.u32 s24, $0x1;
	_ =	strace $0x80000064;
	[dreg:$0x1] =	wrdreg $0xFFFFFFFF  }
0xa4: {  	s25 =	simm.s32 $_size_execute0_lowered;
	s0 =	sadd.s32 s0, s2;
	[dreg:$0x0] =	wrdreg $0x0  }
0xa5: {  	s2 =	sshll.u32 s25, $0x1;
	[dreg:$0x2] =	wrdreg s0  }
0xa6: {  	[dreg:$0x3] =	wrdreg s2  }
0xa7: {  	[dreg:$0x4] =	wrdreg $0xC0  }
0xa8: {  	_ =	task [dreg:s4], $0x5FFFF  }
0xa9: {  	[dreg:$0x1] =	wrdreg $0xFFFFFFFF  }
0xaa: {  	[dreg:$0x0] =	wrdreg $0x60  }
0xab: {  	[dreg:$0x2] =	wrdreg s22  }
0xac: {  	[dreg:$0x3] =	wrdreg $0x9  }
0xad: {  	_ =	task.clear_ibuf [dreg:s4], $0x4FFFF;
	_ =	strace $0x90000064  }
0xae: {  	s26 =	simm.s32 $0x9;
	_ =	strace $0x80000066  }
0xaf: {  	_ =	swait.ge [sflag:s26], $0x1  }
0xb0: {  	[sflag:s26] =	ssyncadd.s32 $0xFFFFFFFF  }
0xb1: {  	_ =	strace $0x90000066  }
0xb2: {  	_ =	sfence  }
0xb3: {  	s28 =	sld [smem:$0x0];
	_ =	sdelay $0x1  }
0xb4: {  	s29 =	srdreg.scid  }
0xb5: {  	s30 =	sshll.u32 s29, $0xD;
	s31 =	sshrl.u32 s29, $0x2  }
0xb6: {  	s1 =	sand.u32 $0x1, s29;
	s2 =	sand.u32 $0x4000, s30;
	s0 =	sadd.s32 s31, s28  }
0xb7: {  	s1 =	sor.u32 s2, s1;
	s0 =	sshll.u32 s0, $0x11  }
0xb8: {  	s0 =	sor.u32 s0, s1  }
0xb9: {  	s0 =	sadd.s32 $0x8F2B, s0  }
0xba: {  	[sflag:s0] =	ssyncadd.remote.s32 $0x1  }
0xbb: {  	_ =	sfence.sel $0xFFFF  }
0xbc: {  	[dreg:$0x0] =	wrdreg $0xFFFFFFFF;
	(pc) =	sbr.abs _section_cstart, $3  }
0xbd: {  	[dreg:$0x1] =	wrdreg $0xFFFFFFFF  }
0xbe: {  	_ =	task.clear_ibuf [dreg:s4], $0x2FFFF;
	_ =	strace $0x9FFFFFFF  }
0xbf: {  	(tm) =	ssettm $0x7FFFFFFF  }
tec
execute0_lowered:
.L_overlay_start_1:
0x0: {  	(tag) =	ssettag $0x1  }
0x1: {  	s8 =	rddreg [dreg:$0x0]  }
0x2: {  	s0 =	rddreg [dreg:$0x1];
	_ =	strace $0x80000065  }
0x3: {  	s4 =	simm.s32 $0x1;
	s1 =	stileid.u32;
	s7 =	simm.s32 $0x1  }
0x4: {  	s9 =	simm.s32 $0x1;
	s6 =	simm.s32 $0x2;
	s10 =	simm.s32 $0x3  }
0x5: {  	s13 =	simm.s32 $0x0;
	s12 =	simm.s32 $0x0;
	s2 =	sadd.s32 $0x9EC00, s8  }
.Ltmp0:
0x6: {  	s3 =	sadd.s32 $0x9D200, s8;
	p0 =	slt.u32 s1, $0xA;
	(pc) =	sbr.rel .LBB2_1-.Ltmp0, $4  }
0x7: {  	[sflag:s4] =	ssyncpa.u1 $0x0;
	s7 =	simm.s32 @!p0 $0x0;
	p0 =	sne.s32 s1, $0x9  }
0x8: {  	s5 =	smul.u32 $0x7D0, s1;
	[sflag:s6] =	ssyncpa.u1 $0x0;
	s9 =	simm.s32 @!p0 $0x0  }
0x9: {  	s8 =	sadd.s32 $0x18D800, s8;
	[sflag:s10] =	ssyncpa.u1 $0x0;
	s7 =	sadd.s32 s9, s7  }
0xa: {  	vm0 =	vmmov $0xffff;
	s10 =	simm.s32 $0x0;
	s11 =	smov.u32 s5;
	s9 =	sadd.s32 $0x1, s7  }
.LBB2_4:
0xb: {  	v2 =	vnsel vm1, $0x0, v2  }
0xc: {  	vm1 =	vgt.s32 v0, $0x0;
	v2 =	vmin.u32 v2, $0x3FFFFF  }
0xd: {  	v0 =	vnsel vm1, $0x0, v0  }
0xe: {  	v0 =	vmin.u32 v0, $0x3FFFFF  }
0xf: {  	[tilespmem:s18], [sflag:$0x1] =	stream.indirect_vreg.gather [hbm4b:s2+s10], $0x1, v1, vm0, $0x4038;
	[tilespmem:$0x1F40] =	vst v63  }
0x10: {  	(ifvalue) =	ssetifvalue $0x7FFFFFFF  }
0x11: {  	[tilespmem:s15], [sflag:$0x1] =	stream.indirect_vreg.gather [hbm4b:s2+s10], $0x1, v2, vm0, $0x4038;
	[tilespmem:$0x1F40] =	vst v63  }
0x12: {  	s29 =	sadd.s32 $0x10, s15;
	(ifvalue) =	ssetifvalue $0x7FFFFFFF  }
0x13: {  	[tilespmem:s29], [sflag:$0x1] =	stream.indirect_vreg.gather [hbm4b:s2+s10], $0x1, v0, vm0, $0x4038;
	[tilespmem:$0x1F40] =	vst v63  }
0x14: {  	_ =	swait.ge [sflag:s4], $0x7D0  }
0x15: {  	s30 =	sshrl.u32 s13, $0x3;
	[sflag:s4] =	ssyncset.done $0x0  }
0x16: {  	s31 =	sand.u32 $0x7, s13;
	s15 =	sadd.s32 s8, s30;
	[sflag:s4] =	ssyncadd.s32 $0xFFFFF830  }
0x17: {  	[hbm4b:s15+s31] =	stream.linear.scatter [tilespmem:s14], [sflag:$0x3], $0x7D0, $0x38;
	[tilespmem:$0x1F40] =	vst v63  }
.LBB2_5:
0x18: {  	s15 =	sadd.s32 $0x7D00, s11  }
0x19: {  	p1 =	sgt.s32 s15, $0xC34F  }
0x1a: {  	s15 =	smov.u32 @p1 s5;
	p1 =	sne.s32 s12, s9  }
.Ltmp1:
0x1b: {  	p0 =	slt.u32 s12, $0x2;
	(pc) =	sbr.rel @!p1 .LBB2_6-.Ltmp1, $4  }
0x1c: {  	s14 =	simm.s32 @!p0 $0x3  }
0x1d: {  	_ =	swait.ge @!p0 [sflag:s14], $0x7D0  }
0x1e: {  	s16 =	sadd.s32 $0x1, s12;
	s13 =	smov.u32 s11;
	[sflag:s14] =	ssyncset.done @!p0 $0x0  }
0x1f: {  	s12 =	smov.u32 s16;
	s11 =	smov.u32 s15;
	[sflag:s14] =	ssyncadd.s32 @!p0 $0xFFFFF830  }
.LBB2_1:
0x20: {  	p0 =	sge.u32 s12, s7  }
0x21: {  	s14 =	sxor.u32 @!p0 $0x1, s12  }
0x22: {  	s14 =	smul.u32 @!p0 $0x1F40, s14  }
0x23: {  	s31 =	sadd.s32 $0xFFFFFFFF, s12;
	s15 =	sshrl.u32 @!p0 s11, $0x3  }
0x24: {  	s16 =	sand.u32 @!p0 $0x7, s11;
	s15 =	sadd.s32 @!p0 s3, s15;
	s14 =	sshra.s32 @!p0 s14, $0x2  }
0x25: {  	[tilespmem:s14], [sflag:$0x2] =	stream.linear.gather @!p0 [hbm4b:s15+s16], $0x7D0, $0x38;
	[tilespmem:$0x1F40] =	vst v63  }
0x26: {  	p0 =	sge.u32 s31, s7  }
.Ltmp2:
0x27: {  	_ = 	snop;
	(pc) =	sbr.rel @p0 .LBB2_5-.Ltmp2, $1  }
0x28: {  	_ =	sdelay $0x3  }
0x29: {  	s14 =	sand.u32 $0x1, s12  }
0x2a: {  	_ =	swait.ge [sflag:s6], $0x7D0;
	p0 =	seq.s32 s14, $0x1;
	s14 =	simm.s32 $0x7D0  }
0x2b: {  	[sflag:s6] =	ssyncset.done $0x0;
	s14 =	simm.s32 @!p0 $0x0  }
0x2c: {  	[sflag:s6] =	ssyncadd.s32 $0xFFFFF830;
	(ifvalue) =	ssetifvalue $0x7FFFFFFF;
	v0 =	vld.msk [tilespmem:s14+$0x0 ss:$0x1], $0xffff;
	_ =	sdelay $0x4  }
0x2d: {  	s15 =	sadd.s32 $0x10, s14;
	vm1 =	vgt.s32 v0, $0x0  }
0x2e: {  	v2 =	vld.msk [tilespmem:s15+$0x0 ss:$0x1], $0xffff;
	v1 =	vnsel vm1, $0x0, v0  }
0x2f: {  	v1 =	vmin.u32 v1, $0x3FFFFF;
	_ =	sdelay $0x2  }
0x30: {  	s17 =	simm.s32 $0x20;
	s14 =	sadd.s32 $0xFA0, s14;
	s16 =	sadd.s32 $0x10, s15  }
0x31: {  	s15 =	sadd.s32 $0x10, s14;
	s18 =	smov.u32 s14;
	v0 =	vld.msk [tilespmem:s16+$0x0 ss:$0x1], $0xffff;
	vm1 =	vgt.s32 v2, $0x0;
	(ifvalue) =	ssetifvalue $0x7FFFFFFF  }
.LBB2_3:
0x32: {  	[tilespmem:s18], [sflag:$0x1] =	stream.indirect_vreg.gather [hbm4b:s2+s10], $0x1, v1, vm0, $0x4038;
	[tilespmem:$0x1F40] =	vst v63  }
0x33: {  	s17 =	sadd.s32 $0x10, s17  }
0x34: {  	v2 =	vnsel vm1, $0x0, v2;
	p0 =	slt.u32 s17, $0x7C0  }
.Ltmp3:
0x35: {  	s18 =	smov.u32 s15;
	v1 =	vmin.u32 v2, $0x3FFFFF;
	(pc) =	sbr.rel @p0 .LBB2_3-.Ltmp3, $3  }
0x36: {  	_ =	sdelay $0x1  }
0x37: {  	s16 =	sadd.s32 $0x10, s16  }
0x38: {  	vm1 =	vgt.s32 v0, $0x0;
	s15 =	sadd.s32 $0x10, s15;
	v2 =	vmov v0;
	(ifvalue) =	ssetifvalue $0x7FFFFFFF;
	v0 =	vld.msk [tilespmem:s16+$0x0 ss:$0x1], $0xffff  }
.Ltmp4:
0x39: {  	_ = 	snop;
	(pc) =	sbr.rel .LBB2_4-.Ltmp4, $1  }
0x3a: {  	_ =	sdelay $0x3  }
.LBB2_6:
0x3b: {  	_ =	sfence.sel $0x180000  }
0x3c: {  	s2 =	simm.s32 $0x2;
	[bflag:$0x0] =	sbarrier.arrive $0xFFFF  }
0x3d: {  	s30 =	simm.s32 $0x3;
	[sflag:s2] =	ssyncpa.u1 $0x1  }
0x3e: {  	s31 =	simm.s32 $0x1;
	[sflag:s30] =	ssyncpa.u1 $0x1  }
0x3f: {  	[sflag:s31] =	ssyncpa.u1 $0x1  }
0x40: {  	p0 =	sne.s32 s1, $0x0;
	_ =	strace $0x90000065  }
0x41: {  	s0 =	sadd.s32 @!p0 $0x100000, s0;
	[bflag:$0x2] =	sbarrier.arrive $0xFFFF  }
0x42: {  	[sflag:s0] =	ssyncadd.tile.s32 @!p0 $0x1;
	_ =	shalt  }
.Lfunc_end2:
_tile_overlayer_lowered:
.L_overlay_start_2:
0x43: {  	(tag) =	ssettag $0x2  }
0x44: {  	s0 =	rddreg [dreg:$0x0];
	s2 =	stileid.u32  }
0x45: {  	s1 =	rddreg [dreg:$0x1];
	p0 =	sne.s32 s2, $0x0  }
0x46: {  	s3 =	rddreg [dreg:$0x2];
	[bflag:$0x3] =	sbarrier.arrive $0xFFFF;
	s2 =	simm.s32 @!p0 $0x1C01  }
0x47: {  	[timem:s3], [sflag:s2] =	dma.local @!p0 [hbm:s0], s1  }
0x48: {  	s0 =	simm.s32 @!p0 $0x1  }
0x49: {  	_ =	swait.ge @!p0 [sflag:s0], s1  }
0x4a: {  	s1 =	ssub.s32 @!p0 $0x0, s1;
	[sflag:s0] =	ssyncset.done @!p0 $0x0  }
0x4b: {  	[sflag:s0] =	ssyncadd.s32 @!p0 s1  }
0x4c: {  	[bflag:$0x3] =	sbarrier.arrive $0xFFFF  }
0x4d: {  	_ =	shalt  }

// kernel: gather_offload_async_start.3
scs
__scs_entry_jumppad:
0x0: {  	(pc) =	sbr.rel $0x88, $3  }
0x1: {  	(tag) =	ssettag $0x0;
	lr =	simm.s32 $0x1  }
0x2: {  	[smem:$0x3F9C] =	sst lr;
	_ =	strace $0xD0000000  }
0x3: {  	_ = 	snop  }
0x4: {  	_ = 	snop  }
0x5: {  	_ = 	snop  }
0x6: {  	_ = 	snop  }
0x7: {  	_ = 	snop  }
__scs_overlays_trampoline_lowered:
0x8: {  	[smem:$0x3FAB] =	sst s0  }
0x9: {  	[smem:$0x3FAC] =	sst s1  }
0xa: {  	[smem:$0x3FAD] =	sst s2  }
0xb: {  	[smem:$0x3FAE] =	sst s3  }
0xc: {  	[smem:$0x3FAF] =	sst s4  }
0xd: {  	[smem:$0x3FB0] =	sst s5  }
0xe: {  	[smem:$0x3FB1] =	sst s6  }
0xf: {  	[smem:$0x3FB2] =	sst s7  }
0x10: {  	[smem:$0x3FB3] =	sst s8  }
0x11: {  	[smem:$0x3FB4] =	sst s9;
	s0 =	simm.s32 @!p0 $0x0  }
0x12: {  	s1 =	sld [smem:$0x3F9A];
	s0 =	simm.s32 @p0 $0x1  }
0x13: {  	[smem:$0x3FB5] =	sst s0;
	s0 =	simm.s32 @!p1 $0x0  }
0x14: {  	s2 =	sld [smem:$0x3F99];
	s0 =	simm.s32 @p1 $0x1  }
0x15: {  	[smem:$0x3FB6] =	sst s0;
	s0 =	simm.s32 @!p2 $0x0  }
0x16: {  	s3 =	sld [smem:$0x3FDB];
	s0 =	simm.s32 @p2 $0x1  }
0x17: {  	s4 =	simm.s32 $0x1BF5;
	[smem:$0x3FB8] =	sst s0  }
0x18: {  	s0 =	sld [smem:$0x3F9B];
	_ =	swait.ge [sflag:s4], $0x0  }
0x19: {  	s7 =	sld [smem:$0x3F9C]  }
0x1a: {  	s8 =	sadd.s32 $0xFFFFE003, lr  }
0x1b: {  	s9 =	sadd.s32 $0xFFFFFEF7, lr;
	s5 =	simm.s32 $0xFFFFFFFF;
	p2 =	slt.u32 s8, $0xFFFFF086  }
0x1c: {  	p1 =	slt.u32 s9, $0xF7A;
	s5 =	simm.s32 @!p2 $0x0  }
0x1d: {  	s5 =	simm.s32 @p1 $0x1;
	p0 =	seq.s32 s7, s2  }
0x1e: {  	s7 =	smul.u32 @!p0 $0xF7A, s2;
	p2 =	seq.s32 @!p0 s5, $0x0  }
0x1f: {  	s9 =	smul.u32 $0xF7A, s1;
	s8 =	simm.s32 @!p0 $0x1BF5;
	p2 =	por !p2, p0  }
0x20: {  	[sflag:s8] =	ssyncset.s32 @!p0 $0xFFFFF086;
	s6 =	sadd.s32 @!p0 s3, s7;
	s7 =	simm.s32 @!p0 $0x108  }
0x21: {  	s3 =	sadd.s32 s3, s9;
	s6 =	sadd.s32 @!p0 $0x88, s6;
	s7 =	simm.s32 @p2 $0x1082  }
0x22: {  	[simem:s7], [sflag:s8] =	dma.local @!p0 [hbm:s6], $0xF7A  }
0x23: {  	s9 =	sor.u32 $0xD0000000, s2;
	s6 =	simm.s32 $0x108;
	_ =	swait.ge @!p0 [sflag:s8], $0x0  }
0x24: {  	s3 =	sadd.s32 $0x88, s3;
	s6 =	simm.s32 @!p1 $0x1082;
	[sflag:s4] =	ssyncset.s32 $0xFFFFF086  }
0x25: {  	[simem:s6], [sflag:s4] =	dma.local [hbm:s3], $0xF7A  }
0x26: {  	[smem:$0x3F9C] =	sst s1;
	(tag) =	ssettag s2;
	_ =	strace s9  }
0x27: {  	s1 =	sld [smem:$0x3FAC]  }
0x28: {  	s2 =	sld [smem:$0x3FAD]  }
0x29: {  	s4 =	sld [smem:$0x3FAF]  }
0x2a: {  	p0 =	seq.s32 s5, $0x0;
	s5 =	sld [smem:$0x3FB0]  }
0x2b: {  	s6 =	sld [smem:$0x3FB1]  }
0x2c: {  	s7 =	sld [smem:$0x3FB2]  }
0x2d: {  	s3 =	simm.s32 $0x108;
	s8 =	sld [smem:$0x3FB3]  }
0x2e: {  	s3 =	simm.s32 @!p0 $0x1082;
	s9 =	sld [smem:$0x3FB4]  }
0x2f: {  	lr =	sadd.s32 s0, s3;
	s0 =	sld [smem:$0x3FAB]  }
0x30: {  	s3 =	sld [smem:$0x3FAE]  }
0x31: {  	[smem:$0x3FB7] =	sst s10  }
0x32: {  	s10 =	sld [smem:$0x3FB5];
	_ =	sdelay $0x3  }
0x33: {  	p0 =	seq.s32 s10, $0x1;
	s10 =	sld [smem:$0x3FB7];
	_ =	sdelay $0x3  }
0x34: {  	[smem:$0x3FB7] =	sst s10  }
0x35: {  	s10 =	sld [smem:$0x3FB6];
	_ =	sdelay $0x3  }
0x36: {  	p1 =	seq.s32 s10, $0x1;
	s10 =	sld [smem:$0x3FB7];
	_ =	sdelay $0x3  }
0x37: {  	[smem:$0x3FB7] =	sst s10  }
0x38: {  	s10 =	sld [smem:$0x3FB8]  }
0x39: {  	_ = 	snop;
	(pc) =	sbr.ind lr, $3  }
0x3a: {  	_ = 	snop  }
0x3b: {  	_ = 	snop  }
0x3c: {  	p2 =	seq.s32 s10, $0x1;
	s10 =	sld [smem:$0x3FB7]  }
0x3d: {  	_ =	shalt  }
0x3e: {  	_ =	shalt  }
0x3f: {  	_ =	shalt  }
0x40: {  	_ =	shalt  }
0x41: {  	_ =	shalt  }
0x42: {  	_ =	shalt  }
0x43: {  	_ =	shalt  }
0x44: {  	_ =	shalt  }
0x45: {  	_ =	shalt  }
0x46: {  	_ =	shalt  }
0x47: {  	_ =	shalt  }
0x48: {  	_ =	shalt  }
0x49: {  	_ =	shalt  }
0x4a: {  	_ =	shalt  }
0x4b: {  	_ =	shalt  }
0x4c: {  	_ =	shalt  }
0x4d: {  	_ =	shalt  }
0x4e: {  	_ =	shalt  }
0x4f: {  	_ =	shalt  }
0x50: {  	_ =	shalt  }
0x51: {  	_ =	shalt  }
0x52: {  	_ =	shalt  }
0x53: {  	_ =	shalt  }
0x54: {  	_ =	shalt  }
0x55: {  	_ =	shalt  }
0x56: {  	_ =	shalt  }
0x57: {  	_ =	shalt  }
0x58: {  	_ =	shalt  }
0x59: {  	_ =	shalt  }
0x5a: {  	_ =	shalt  }
0x5b: {  	_ =	shalt  }
0x5c: {  	_ =	shalt  }
0x5d: {  	_ =	shalt  }
0x5e: {  	_ =	shalt  }
0x5f: {  	_ =	shalt  }
0x60: {  	_ =	shalt  }
0x61: {  	_ =	shalt  }
0x62: {  	_ =	shalt  }
0x63: {  	_ =	shalt  }
0x64: {  	_ =	shalt  }
0x65: {  	_ =	shalt  }
0x66: {  	_ =	shalt  }
0x67: {  	_ =	shalt  }
0x68: {  	_ =	shalt  }
0x69: {  	_ =	shalt  }
0x6a: {  	_ =	shalt  }
0x6b: {  	_ =	shalt  }
0x6c: {  	_ =	shalt  }
0x6d: {  	_ =	shalt  }
0x6e: {  	_ =	shalt  }
0x6f: {  	_ =	shalt  }
0x70: {  	_ =	shalt  }
0x71: {  	_ =	shalt  }
0x72: {  	_ =	shalt  }
0x73: {  	_ =	shalt  }
0x74: {  	_ =	shalt  }
0x75: {  	_ =	shalt  }
0x76: {  	_ =	shalt  }
0x77: {  	_ =	shalt  }
0x78: {  	_ =	shalt  }
0x79: {  	_ =	shalt  }
0x7a: {  	_ =	shalt  }
0x7b: {  	_ =	shalt  }
0x7c: {  	_ =	shalt  }
0x7d: {  	_ =	shalt  }
0x7e: {  	_ =	shalt  }
0x7f: {  	_ =	shalt  }
0x80: {  	_ =	shalt  }
0x81: {  	_ =	shalt  }
0x82: {  	_ =	shalt  }
0x83: {  	_ =	shalt  }
0x84: {  	_ =	shalt  }
0x85: {  	_ =	shalt  }
0x86: {  	_ =	shalt  }
0x87: {  	_ =	shalt  }
.Lfunc_end0:
.L_simem_size_0:
called_computation.3_lowered:
.L_overlay_start_0:
0x88: {  	s0 =	sld [smem:$0x3FD9]  }
0x89: {  	s1 =	sld [smem:$0x3FFE];
	_ =	sdelay $0x3  }
0x8a: {  	s0 =	sadd.s32 s1, s0  }
0x8b: {  	[smem:$0x3FC3] =	sst s0  }
0x8c: {  	_ = 	snop  }
0x8d: {  	(tm) =	ssettm $0x1  }
0x8e: {  	s15 =	sld [smem:$0x3FFB];
	_ =	sdelay $0x3  }
0x8f: {  	_ =	strace s15  }
0x90: {  	s0 =	sld [smem:$0x3FFC];
	_ =	sdelay $0x3  }
0x91: {  	_ =	strace s0  }
0x92: {  	s0 =	sld [smem:$0x3FFD];
	_ =	sdelay $0x3  }
0x93: {  	_ =	strace s0  }
0x94: {  	_ =	strace $0x8FFFFFFF  }
0x95: {  	s16 =	sld [smem:$0x3FDB];
	_ =	sdelay $0x1  }
0x96: {  	s17 =	simm.s32 $_scs_section_size  }
0x97: {  	s2 =	simm.s32 $_size__tile_overlayer_lowered;
	s3 =	simm.s32 $_tile_overlayer_lowered  }
0x98: {  	s20 =	simm.s32 $0x1BFF;
	s19 =	sshll.u32 s3, $0x1;
	s0 =	sadd.s32 s17, s16  }
0x99: {  	s4 =	simm.s32 $0x0;
	s18 =	sshll.u32 s2, $0x1;
	s2 =	sadd.s32 s19, s0  }
0x9a: {  	[timem:s4], [sflag:s20] =	dma.local [hbm:s2], s18  }
0x9b: {  	_ =	swait.ge [sflag:s20], s18  }
0x9c: {  	s1 =	ssub.s32 $0x0, s18;
	[sflag:s20] =	ssyncset.done $0x0  }
0x9d: {  	[sflag:s20] =	ssyncadd.s32 s1;
	_ =	sdelay $0x1  }
0x9e: {  	s21 =	simm.s32 $0x1B8B  }
0x9f: {  	_ =	swait.ge [sflag:s21], $0x1  }
0xa0: {  	[sflag:s21] =	ssyncset.done $0x0  }
0xa1: {  	s23 =	simm.s32 $0x1B8E;
	s22 =	sld [smem:$0x3FFE];
	[sflag:s21] =	ssyncadd.s32 $0xFFFFFFFF  }
0xa2: {  	s24 =	simm.s32 $execute0_lowered;
	[smem:$0x3FD2] =	sst s23  }
0xa3: {  	s2 =	sshll.u32 s24, $0x1;
	_ =	strace $0x80000052;
	[dreg:$0x1] =	wrdreg $0xFFFFFFFF  }
0xa4: {  	s25 =	simm.s32 $_size_execute0_lowered;
	s0 =	sadd.s32 s0, s2;
	[dreg:$0x0] =	wrdreg $0x0  }
0xa5: {  	s2 =	sshll.u32 s25, $0x1;
	[dreg:$0x2] =	wrdreg s0  }
0xa6: {  	[dreg:$0x3] =	wrdreg s2  }
0xa7: {  	[dreg:$0x4] =	wrdreg $0xC0  }
0xa8: {  	_ =	task [dreg:s4], $0x5FFFF  }
0xa9: {  	[dreg:$0x1] =	wrdreg $0xFFFFFFFF  }
0xaa: {  	[dreg:$0x0] =	wrdreg $0x60  }
0xab: {  	[dreg:$0x2] =	wrdreg s22  }
0xac: {  	[dreg:$0x3] =	wrdreg $0x9  }
0xad: {  	_ =	task.clear_ibuf [dreg:s4], $0x4FFFF;
	_ =	strace $0x90000052  }
0xae: {  	s26 =	simm.s32 $0x9;
	_ =	strace $0x80000054  }
0xaf: {  	_ =	swait.ge [sflag:s26], $0x1  }
0xb0: {  	[sflag:s26] =	ssyncadd.s32 $0xFFFFFFFF  }
0xb1: {  	_ =	strace $0x90000054  }
0xb2: {  	_ =	sfence  }
0xb3: {  	s28 =	sld [smem:$0x0];
	_ =	sdelay $0x1  }
0xb4: {  	s29 =	srdreg.scid  }
0xb5: {  	s30 =	sshll.u32 s29, $0xD;
	s31 =	sshrl.u32 s29, $0x2  }
0xb6: {  	s1 =	sand.u32 $0x1, s29;
	s2 =	sand.u32 $0x4000, s30;
	s0 =	sadd.s32 s31, s28  }
0xb7: {  	s1 =	sor.u32 s2, s1;
	s0 =	sshll.u32 s0, $0x11  }
0xb8: {  	s0 =	sor.u32 s0, s1  }
0xb9: {  	s0 =	sadd.s32 $0x8F2B, s0  }
0xba: {  	[sflag:s0] =	ssyncadd.remote.s32 $0x1  }
0xbb: {  	_ =	sfence.sel $0xFFFF  }
0xbc: {  	[dreg:$0x0] =	wrdreg $0xFFFFFFFF;
	(pc) =	sbr.abs _section_cstart, $3  }
0xbd: {  	[dreg:$0x1] =	wrdreg $0xFFFFFFFF  }
0xbe: {  	_ =	task.clear_ibuf [dreg:s4], $0x2FFFF;
	_ =	strace $0x9FFFFFFF  }
0xbf: {  	(tm) =	ssettm $0x7FFFFFFF  }
tec
execute0_lowered:
.L_overlay_start_1:
0x0: {  	(tag) =	ssettag $0x1  }
0x1: {  	s8 =	rddreg [dreg:$0x0]  }
0x2: {  	s0 =	rddreg [dreg:$0x1];
	_ =	strace $0x80000053  }
0x3: {  	s4 =	simm.s32 $0x1;
	s1 =	stileid.u32;
	s7 =	simm.s32 $0x1  }
0x4: {  	s9 =	simm.s32 $0x1;
	s6 =	simm.s32 $0x2;
	s10 =	simm.s32 $0x3  }
0x5: {  	s13 =	simm.s32 $0x0;
	s12 =	simm.s32 $0x0;
	s2 =	sadd.s32 $0x9EC00, s8  }
.Ltmp0:
0x6: {  	s3 =	sadd.s32 $0x7CA00, s8;
	p0 =	slt.u32 s1, $0xA;
	(pc) =	sbr.rel .LBB2_1-.Ltmp0, $4  }
0x7: {  	[sflag:s4] =	ssyncpa.u1 $0x0;
	s7 =	simm.s32 @!p0 $0x0;
	p0 =	sne.s32 s1, $0x9  }
0x8: {  	s5 =	smul.u32 $0x7D0, s1;
	[sflag:s6] =	ssyncpa.u1 $0x0;
	s9 =	simm.s32 @!p0 $0x0  }
0x9: {  	s8 =	sadd.s32 $0x185600, s8;
	[sflag:s10] =	ssyncpa.u1 $0x0;
	s7 =	sadd.s32 s9, s7  }
0xa: {  	vm0 =	vmmov $0xffff;
	s10 =	simm.s32 $0x0;
	s11 =	smov.u32 s5;
	s9 =	sadd.s32 $0x1, s7  }
.LBB2_4:
0xb: {  	v2 =	vnsel vm1, $0x0, v2  }
0xc: {  	vm1 =	vgt.s32 v0, $0x0;
	v2 =	vmin.u32 v2, $0x3FFFFF  }
0xd: {  	v0 =	vnsel vm1, $0x0, v0  }
0xe: {  	v0 =	vmin.u32 v0, $0x3FFFFF  }
0xf: {  	[tilespmem:s18], [sflag:$0x1] =	stream.indirect_vreg.gather [hbm4b:s2+s10], $0x1, v1, vm0, $0x4038;
	[tilespmem:$0x1F40] =	vst v63  }
0x10: {  	(ifvalue) =	ssetifvalue $0x7FFFFFFF  }
0x11: {  	[tilespmem:s15], [sflag:$0x1] =	stream.indirect_vreg.gather [hbm4b:s2+s10], $0x1, v2, vm0, $0x4038;
	[tilespmem:$0x1F40] =	vst v63  }
0x12: {  	s29 =	sadd.s32 $0x10, s15;
	(ifvalue) =	ssetifvalue $0x7FFFFFFF  }
0x13: {  	[tilespmem:s29], [sflag:$0x1] =	stream.indirect_vreg.gather [hbm4b:s2+s10], $0x1, v0, vm0, $0x4038;
	[tilespmem:$0x1F40] =	vst v63  }
0x14: {  	_ =	swait.ge [sflag:s4], $0x7D0  }
0x15: {  	s30 =	sshrl.u32 s13, $0x3;
	[sflag:s4] =	ssyncset.done $0x0  }
0x16: {  	s31 =	sand.u32 $0x7, s13;
	s15 =	sadd.s32 s8, s30;
	[sflag:s4] =	ssyncadd.s32 $0xFFFFF830  }
0x17: {  	[hbm4b:s15+s31] =	stream.linear.scatter [tilespmem:s14], [sflag:$0x3], $0x7D0, $0x38;
	[tilespmem:$0x1F40] =	vst v63  }
.LBB2_5:
0x18: {  	s15 =	sadd.s32 $0x7D00, s11  }
0x19: {  	p1 =	sgt.s32 s15, $0xC34F  }
0x1a: {  	s15 =	smov.u32 @p1 s5;
	p1 =	sne.s32 s12, s9  }
.Ltmp1:
0x1b: {  	p0 =	slt.u32 s12, $0x2;
	(pc) =	sbr.rel @!p1 .LBB2_6-.Ltmp1, $4  }
0x1c: {  	s14 =	simm.s32 @!p0 $0x3  }
0x1d: {  	_ =	swait.ge @!p0 [sflag:s14], $0x7D0  }
0x1e: {  	s16 =	sadd.s32 $0x1, s12;
	s13 =	smov.u32 s11;
	[sflag:s14] =	ssyncset.done @!p0 $0x0  }
0x1f: {  	s12 =	smov.u32 s16;
	s11 =	smov.u32 s15;
	[sflag:s14] =	ssyncadd.s32 @!p0 $0xFFFFF830  }
.LBB2_1:
0x20: {  	p0 =	sge.u32 s12, s7  }
0x21: {  	s14 =	sxor.u32 @!p0 $0x1, s12  }
0x22: {  	s14 =	smul.u32 @!p0 $0x1F40, s14  }
0x23: {  	s31 =	sadd.s32 $0xFFFFFFFF, s12;
	s15 =	sshrl.u32 @!p0 s11, $0x3  }
0x24: {  	s16 =	sand.u32 @!p0 $0x7, s11;
	s15 =	sadd.s32 @!p0 s3, s15;
	s14 =	sshra.s32 @!p0 s14, $0x2  }
0x25: {  	[tilespmem:s14], [sflag:$0x2] =	stream.linear.gather @!p0 [hbm4b:s15+s16], $0x7D0, $0x38;
	[tilespmem:$0x1F40] =	vst v63  }
0x26: {  	p0 =	sge.u32 s31, s7  }
.Ltmp2:
0x27: {  	_ = 	snop;
	(pc) =	sbr.rel @p0 .LBB2_5-.Ltmp2, $1  }
0x28: {  	_ =	sdelay $0x3  }
0x29: {  	s14 =	sand.u32 $0x1, s12  }
0x2a: {  	_ =	swait.ge [sflag:s6], $0x7D0;
	p0 =	seq.s32 s14, $0x1;
	s14 =	simm.s32 $0x7D0  }
0x2b: {  	[sflag:s6] =	ssyncset.done $0x0;
	s14 =	simm.s32 @!p0 $0x0  }
0x2c: {  	[sflag:s6] =	ssyncadd.s32 $0xFFFFF830;
	(ifvalue) =	ssetifvalue $0x7FFFFFFF;
	v0 =	vld.msk [tilespmem:s14+$0x0 ss:$0x1], $0xffff;
	_ =	sdelay $0x4  }
0x2d: {  	s15 =	sadd.s32 $0x10, s14;
	vm1 =	vgt.s32 v0, $0x0  }
0x2e: {  	v2 =	vld.msk [tilespmem:s15+$0x0 ss:$0x1], $0xffff;
	v1 =	vnsel vm1, $0x0, v0  }
0x2f: {  	v1 =	vmin.u32 v1, $0x3FFFFF;
	_ =	sdelay $0x2  }
0x30: {  	s17 =	simm.s32 $0x20;
	s14 =	sadd.s32 $0xFA0, s14;
	s16 =	sadd.s32 $0x10, s15  }
0x31: {  	s15 =	sadd.s32 $0x10, s14;
	s18 =	smov.u32 s14;
	v0 =	vld.msk [tilespmem:s16+$0x0 ss:$0x1], $0xffff;
	vm1 =	vgt.s32 v2, $0x0;
	(ifvalue) =	ssetifvalue $0x7FFFFFFF  }
.LBB2_3:
0x32: {  	[tilespmem:s18], [sflag:$0x1] =	stream.indirect_vreg.gather [hbm4b:s2+s10], $0x1, v1, vm0, $0x4038;
	[tilespmem:$0x1F40] =	vst v63  }
0x33: {  	s17 =	sadd.s32 $0x10, s17  }
0x34: {  	v2 =	vnsel vm1, $0x0, v2;
	p0 =	slt.u32 s17, $0x7C0  }
.Ltmp3:
0x35: {  	s18 =	smov.u32 s15;
	v1 =	vmin.u32 v2, $0x3FFFFF;
	(pc) =	sbr.rel @p0 .LBB2_3-.Ltmp3, $3  }
0x36: {  	_ =	sdelay $0x1  }
0x37: {  	s16 =	sadd.s32 $0x10, s16  }
0x38: {  	vm1 =	vgt.s32 v0, $0x0;
	s15 =	sadd.s32 $0x10, s15;
	v2 =	vmov v0;
	(ifvalue) =	ssetifvalue $0x7FFFFFFF;
	v0 =	vld.msk [tilespmem:s16+$0x0 ss:$0x1], $0xffff  }
.Ltmp4:
0x39: {  	_ = 	snop;
	(pc) =	sbr.rel .LBB2_4-.Ltmp4, $1  }
0x3a: {  	_ =	sdelay $0x3  }
.LBB2_6:
0x3b: {  	_ =	sfence.sel $0x180000  }
0x3c: {  	s2 =	simm.s32 $0x2;
	[bflag:$0x0] =	sbarrier.arrive $0xFFFF  }
0x3d: {  	s30 =	simm.s32 $0x3;
	[sflag:s2] =	ssyncpa.u1 $0x1  }
0x3e: {  	s31 =	simm.s32 $0x1;
	[sflag:s30] =	ssyncpa.u1 $0x1  }
0x3f: {  	[sflag:s31] =	ssyncpa.u1 $0x1  }
0x40: {  	p0 =	sne.s32 s1, $0x0;
	_ =	strace $0x90000053  }
0x41: {  	s0 =	sadd.s32 @!p0 $0x100000, s0;
	[bflag:$0x2] =	sbarrier.arrive $0xFFFF  }
0x42: {  	[sflag:s0] =	ssyncadd.tile.s32 @!p0 $0x1;
	_ =	shalt  }
.Lfunc_end2:
_tile_overlayer_lowered:
.L_overlay_start_2:
0x43: {  	(tag) =	ssettag $0x2  }
0x44: {  	s0 =	rddreg [dreg:$0x0];
	s2 =	stileid.u32  }
0x45: {  	s1 =	rddreg [dreg:$0x1];
	p0 =	sne.s32 s2, $0x0  }
0x46: {  	s3 =	rddreg [dreg:$0x2];
	[bflag:$0x3] =	sbarrier.arrive $0xFFFF;
	s2 =	simm.s32 @!p0 $0x1C01  }
0x47: {  	[timem:s3], [sflag:s2] =	dma.local @!p0 [hbm:s0], s1  }
0x48: {  	s0 =	simm.s32 @!p0 $0x1  }
0x49: {  	_ =	swait.ge @!p0 [sflag:s0], s1  }
0x4a: {  	s1 =	ssub.s32 @!p0 $0x0, s1;
	[sflag:s0] =	ssyncset.done @!p0 $0x0  }
0x4b: {  	[sflag:s0] =	ssyncadd.s32 @!p0 s1  }
0x4c: {  	[bflag:$0x3] =	sbarrier.arrive $0xFFFF  }
0x4d: {  	_ =	shalt  }

// kernel: gather_offload_async_start.4
scs
__scs_entry_jumppad:
0x0: {  	(pc) =	sbr.rel $0x88, $3  }
0x1: {  	(tag) =	ssettag $0x0;
	lr =	simm.s32 $0x1  }
0x2: {  	[smem:$0x3F9C] =	sst lr;
	_ =	strace $0xD0000000  }
0x3: {  	_ = 	snop  }
0x4: {  	_ = 	snop  }
0x5: {  	_ = 	snop  }
0x6: {  	_ = 	snop  }
0x7: {  	_ = 	snop  }
__scs_overlays_trampoline_lowered:
0x8: {  	[smem:$0x3FAB] =	sst s0  }
0x9: {  	[smem:$0x3FAC] =	sst s1  }
0xa: {  	[smem:$0x3FAD] =	sst s2  }
0xb: {  	[smem:$0x3FAE] =	sst s3  }
0xc: {  	[smem:$0x3FAF] =	sst s4  }
0xd: {  	[smem:$0x3FB0] =	sst s5  }
0xe: {  	[smem:$0x3FB1] =	sst s6  }
0xf: {  	[smem:$0x3FB2] =	sst s7  }
0x10: {  	[smem:$0x3FB3] =	sst s8  }
0x11: {  	[smem:$0x3FB4] =	sst s9;
	s0 =	simm.s32 @!p0 $0x0  }
0x12: {  	s1 =	sld [smem:$0x3F9A];
	s0 =	simm.s32 @p0 $0x1  }
0x13: {  	[smem:$0x3FB5] =	sst s0;
	s0 =	simm.s32 @!p1 $0x0  }
0x14: {  	s2 =	sld [smem:$0x3F99];
	s0 =	simm.s32 @p1 $0x1  }
0x15: {  	[smem:$0x3FB6] =	sst s0;
	s0 =	simm.s32 @!p2 $0x0  }
0x16: {  	s3 =	sld [smem:$0x3FDB];
	s0 =	simm.s32 @p2 $0x1  }
0x17: {  	s4 =	simm.s32 $0x1BF5;
	[smem:$0x3FB8] =	sst s0  }
0x18: {  	s0 =	sld [smem:$0x3F9B];
	_ =	swait.ge [sflag:s4], $0x0  }
0x19: {  	s7 =	sld [smem:$0x3F9C]  }
0x1a: {  	s8 =	sadd.s32 $0xFFFFE003, lr  }
0x1b: {  	s9 =	sadd.s32 $0xFFFFFEF7, lr;
	s5 =	simm.s32 $0xFFFFFFFF;
	p2 =	slt.u32 s8, $0xFFFFF086  }
0x1c: {  	p1 =	slt.u32 s9, $0xF7A;
	s5 =	simm.s32 @!p2 $0x0  }
0x1d: {  	s5 =	simm.s32 @p1 $0x1;
	p0 =	seq.s32 s7, s2  }
0x1e: {  	s7 =	smul.u32 @!p0 $0xF7A, s2;
	p2 =	seq.s32 @!p0 s5, $0x0  }
0x1f: {  	s9 =	smul.u32 $0xF7A, s1;
	s8 =	simm.s32 @!p0 $0x1BF5;
	p2 =	por !p2, p0  }
0x20: {  	[sflag:s8] =	ssyncset.s32 @!p0 $0xFFFFF086;
	s6 =	sadd.s32 @!p0 s3, s7;
	s7 =	simm.s32 @!p0 $0x108  }
0x21: {  	s3 =	sadd.s32 s3, s9;
	s6 =	sadd.s32 @!p0 $0x88, s6;
	s7 =	simm.s32 @p2 $0x1082  }
0x22: {  	[simem:s7], [sflag:s8] =	dma.local @!p0 [hbm:s6], $0xF7A  }
0x23: {  	s9 =	sor.u32 $0xD0000000, s2;
	s6 =	simm.s32 $0x108;
	_ =	swait.ge @!p0 [sflag:s8], $0x0  }
0x24: {  	s3 =	sadd.s32 $0x88, s3;
	s6 =	simm.s32 @!p1 $0x1082;
	[sflag:s4] =	ssyncset.s32 $0xFFFFF086  }
0x25: {  	[simem:s6], [sflag:s4] =	dma.local [hbm:s3], $0xF7A  }
0x26: {  	[smem:$0x3F9C] =	sst s1;
	(tag) =	ssettag s2;
	_ =	strace s9  }
0x27: {  	s1 =	sld [smem:$0x3FAC]  }
0x28: {  	s2 =	sld [smem:$0x3FAD]  }
0x29: {  	s4 =	sld [smem:$0x3FAF]  }
0x2a: {  	p0 =	seq.s32 s5, $0x0;
	s5 =	sld [smem:$0x3FB0]  }
0x2b: {  	s6 =	sld [smem:$0x3FB1]  }
0x2c: {  	s7 =	sld [smem:$0x3FB2]  }
0x2d: {  	s3 =	simm.s32 $0x108;
	s8 =	sld [smem:$0x3FB3]  }
0x2e: {  	s3 =	simm.s32 @!p0 $0x1082;
	s9 =	sld [smem:$0x3FB4]  }
0x2f: {  	lr =	sadd.s32 s0, s3;
	s0 =	sld [smem:$0x3FAB]  }
0x30: {  	s3 =	sld [smem:$0x3FAE]  }
0x31: {  	[smem:$0x3FB7] =	sst s10  }
0x32: {  	s10 =	sld [smem:$0x3FB5];
	_ =	sdelay $0x3  }
0x33: {  	p0 =	seq.s32 s10, $0x1;
	s10 =	sld [smem:$0x3FB7];
	_ =	sdelay $0x3  }
0x34: {  	[smem:$0x3FB7] =	sst s10  }
0x35: {  	s10 =	sld [smem:$0x3FB6];
	_ =	sdelay $0x3  }
0x36: {  	p1 =	seq.s32 s10, $0x1;
	s10 =	sld [smem:$0x3FB7];
	_ =	sdelay $0x3  }
0x37: {  	[smem:$0x3FB7] =	sst s10  }
0x38: {  	s10 =	sld [smem:$0x3FB8]  }
0x39: {  	_ = 	snop;
	(pc) =	sbr.ind lr, $3  }
0x3a: {  	_ = 	snop  }
0x3b: {  	_ = 	snop  }
0x3c: {  	p2 =	seq.s32 s10, $0x1;
	s10 =	sld [smem:$0x3FB7]  }
0x3d: {  	_ =	shalt  }
0x3e: {  	_ =	shalt  }
0x3f: {  	_ =	shalt  }
0x40: {  	_ =	shalt  }
0x41: {  	_ =	shalt  }
0x42: {  	_ =	shalt  }
0x43: {  	_ =	shalt  }
0x44: {  	_ =	shalt  }
0x45: {  	_ =	shalt  }
0x46: {  	_ =	shalt  }
0x47: {  	_ =	shalt  }
0x48: {  	_ =	shalt  }
0x49: {  	_ =	shalt  }
0x4a: {  	_ =	shalt  }
0x4b: {  	_ =	shalt  }
0x4c: {  	_ =	shalt  }
0x4d: {  	_ =	shalt  }
0x4e: {  	_ =	shalt  }
0x4f: {  	_ =	shalt  }
0x50: {  	_ =	shalt  }
0x51: {  	_ =	shalt  }
0x52: {  	_ =	shalt  }
0x53: {  	_ =	shalt  }
0x54: {  	_ =	shalt  }
0x55: {  	_ =	shalt  }
0x56: {  	_ =	shalt  }
0x57: {  	_ =	shalt  }
0x58: {  	_ =	shalt  }
0x59: {  	_ =	shalt  }
0x5a: {  	_ =	shalt  }
0x5b: {  	_ =	shalt  }
0x5c: {  	_ =	shalt  }
0x5d: {  	_ =	shalt  }
0x5e: {  	_ =	shalt  }
0x5f: {  	_ =	shalt  }
0x60: {  	_ =	shalt  }
0x61: {  	_ =	shalt  }
0x62: {  	_ =	shalt  }
0x63: {  	_ =	shalt  }
0x64: {  	_ =	shalt  }
0x65: {  	_ =	shalt  }
0x66: {  	_ =	shalt  }
0x67: {  	_ =	shalt  }
0x68: {  	_ =	shalt  }
0x69: {  	_ =	shalt  }
0x6a: {  	_ =	shalt  }
0x6b: {  	_ =	shalt  }
0x6c: {  	_ =	shalt  }
0x6d: {  	_ =	shalt  }
0x6e: {  	_ =	shalt  }
0x6f: {  	_ =	shalt  }
0x70: {  	_ =	shalt  }
0x71: {  	_ =	shalt  }
0x72: {  	_ =	shalt  }
0x73: {  	_ =	shalt  }
0x74: {  	_ =	shalt  }
0x75: {  	_ =	shalt  }
0x76: {  	_ =	shalt  }
0x77: {  	_ =	shalt  }
0x78: {  	_ =	shalt  }
0x79: {  	_ =	shalt  }
0x7a: {  	_ =	shalt  }
0x7b: {  	_ =	shalt  }
0x7c: {  	_ =	shalt  }
0x7d: {  	_ =	shalt  }
0x7e: {  	_ =	shalt  }
0x7f: {  	_ =	shalt  }
0x80: {  	_ =	shalt  }
0x81: {  	_ =	shalt  }
0x82: {  	_ =	shalt  }
0x83: {  	_ =	shalt  }
0x84: {  	_ =	shalt  }
0x85: {  	_ =	shalt  }
0x86: {  	_ =	shalt  }
0x87: {  	_ =	shalt  }
.Lfunc_end0:
.L_simem_size_0:
called_computation.4_lowered:
.L_overlay_start_0:
0x88: {  	s0 =	sld [smem:$0x3FD9]  }
0x89: {  	s1 =	sld [smem:$0x3FFE];
	_ =	sdelay $0x3  }
0x8a: {  	s0 =	sadd.s32 s1, s0  }
0x8b: {  	[smem:$0x3FC3] =	sst s0  }
0x8c: {  	_ = 	snop  }
0x8d: {  	(tm) =	ssettm $0x1  }
0x8e: {  	s15 =	sld [smem:$0x3FFB];
	_ =	sdelay $0x3  }
0x8f: {  	_ =	strace s15  }
0x90: {  	s0 =	sld [smem:$0x3FFC];
	_ =	sdelay $0x3  }
0x91: {  	_ =	strace s0  }
0x92: {  	s0 =	sld [smem:$0x3FFD];
	_ =	sdelay $0x3  }
0x93: {  	_ =	strace s0  }
0x94: {  	_ =	strace $0x8FFFFFFF  }
0x95: {  	s16 =	sld [smem:$0x3FDB];
	_ =	sdelay $0x1  }
0x96: {  	s17 =	simm.s32 $_scs_section_size  }
0x97: {  	s2 =	simm.s32 $_size__tile_overlayer_lowered;
	s3 =	simm.s32 $_tile_overlayer_lowered  }
0x98: {  	s20 =	simm.s32 $0x1BFF;
	s19 =	sshll.u32 s3, $0x1;
	s0 =	sadd.s32 s17, s16  }
0x99: {  	s4 =	simm.s32 $0x0;
	s18 =	sshll.u32 s2, $0x1;
	s2 =	sadd.s32 s19, s0  }
0x9a: {  	[timem:s4], [sflag:s20] =	dma.local [hbm:s2], s18  }
0x9b: {  	_ =	swait.ge [sflag:s20], s18  }
0x9c: {  	s1 =	ssub.s32 $0x0, s18;
	[sflag:s20] =	ssyncset.done $0x0  }
0x9d: {  	[sflag:s20] =	ssyncadd.s32 s1;
	_ =	sdelay $0x1  }
0x9e: {  	s21 =	simm.s32 $0x1B8B  }
0x9f: {  	_ =	swait.ge [sflag:s21], $0x1  }
0xa0: {  	[sflag:s21] =	ssyncset.done $0x0  }
0xa1: {  	s23 =	simm.s32 $0x1B8E;
	s22 =	sld [smem:$0x3FFE];
	[sflag:s21] =	ssyncadd.s32 $0xFFFFFFFF  }
0xa2: {  	s24 =	simm.s32 $execute0_lowered;
	[smem:$0x3FD2] =	sst s23  }
0xa3: {  	s2 =	sshll.u32 s24, $0x1;
	_ =	strace $0x8000005B;
	[dreg:$0x1] =	wrdreg $0xFFFFFFFF  }
0xa4: {  	s25 =	simm.s32 $_size_execute0_lowered;
	s0 =	sadd.s32 s0, s2;
	[dreg:$0x0] =	wrdreg $0x0  }
0xa5: {  	s2 =	sshll.u32 s25, $0x1;
	[dreg:$0x2] =	wrdreg s0  }
0xa6: {  	[dreg:$0x3] =	wrdreg s2  }
0xa7: {  	[dreg:$0x4] =	wrdreg $0xC0  }
0xa8: {  	_ =	task [dreg:s4], $0x5FFFF  }
0xa9: {  	[dreg:$0x1] =	wrdreg $0xFFFFFFFF  }
0xaa: {  	[dreg:$0x0] =	wrdreg $0x60  }
0xab: {  	[dreg:$0x2] =	wrdreg s22  }
0xac: {  	[dreg:$0x3] =	wrdreg $0xA  }
0xad: {  	_ =	task.clear_ibuf [dreg:s4], $0x4FFFF;
	_ =	strace $0x9000005B  }
0xae: {  	s26 =	simm.s32 $0xA;
	_ =	strace $0x8000005D  }
0xaf: {  	_ =	swait.ge [sflag:s26], $0x1  }
0xb0: {  	[sflag:s26] =	ssyncadd.s32 $0xFFFFFFFF  }
0xb1: {  	_ =	strace $0x9000005D  }
0xb2: {  	_ =	sfence  }
0xb3: {  	s28 =	sld [smem:$0x0];
	_ =	sdelay $0x1  }
0xb4: {  	s29 =	srdreg.scid  }
0xb5: {  	s30 =	sshll.u32 s29, $0xD;
	s31 =	sshrl.u32 s29, $0x2  }
0xb6: {  	s1 =	sand.u32 $0x1, s29;
	s2 =	sand.u32 $0x4000, s30;
	s0 =	sadd.s32 s31, s28  }
0xb7: {  	s1 =	sor.u32 s2, s1;
	s0 =	sshll.u32 s0, $0x11  }
0xb8: {  	s0 =	sor.u32 s0, s1  }
0xb9: {  	s0 =	sadd.s32 $0x8F2B, s0  }
0xba: {  	[sflag:s0] =	ssyncadd.remote.s32 $0x1  }
0xbb: {  	_ =	sfence.sel $0xFFFF  }
0xbc: {  	[dreg:$0x0] =	wrdreg $0xFFFFFFFF;
	(pc) =	sbr.abs _section_cstart, $3  }
0xbd: {  	[dreg:$0x1] =	wrdreg $0xFFFFFFFF  }
0xbe: {  	_ =	task.clear_ibuf [dreg:s4], $0x2FFFF;
	_ =	strace $0x9FFFFFFF  }
0xbf: {  	(tm) =	ssettm $0x7FFFFFFF  }
tec
execute0_lowered:
.L_overlay_start_1:
0x0: {  	(tag) =	ssettag $0x1  }
0x1: {  	s8 =	rddreg [dreg:$0x0]  }
0x2: {  	s0 =	rddreg [dreg:$0x1];
	_ =	strace $0x8000005C  }
0x3: {  	s4 =	simm.s32 $0x1;
	s1 =	stileid.u32;
	s7 =	simm.s32 $0x1  }
0x4: {  	s9 =	simm.s32 $0x1;
	s6 =	simm.s32 $0x2;
	s10 =	simm.s32 $0x3  }
0x5: {  	s13 =	simm.s32 $0x0;
	s12 =	simm.s32 $0x0;
	s2 =	sadd.s32 $0x9EC00, s8  }
.Ltmp0:
0x6: {  	s3 =	sadd.s32 $0x11200, s8;
	p0 =	slt.u32 s1, $0xA;
	(pc) =	sbr.rel .LBB2_1-.Ltmp0, $4  }
0x7: {  	[sflag:s4] =	ssyncpa.u1 $0x0;
	s7 =	simm.s32 @!p0 $0x0;
	p0 =	sne.s32 s1, $0x9  }
0x8: {  	s5 =	smul.u32 $0x7D0, s1;
	[sflag:s6] =	ssyncpa.u1 $0x0;
	s9 =	simm.s32 @!p0 $0x0  }
0x9: {  	s8 =	sadd.s32 $0x188A00, s8;
	[sflag:s10] =	ssyncpa.u1 $0x0;
	s7 =	sadd.s32 s9, s7  }
0xa: {  	vm0 =	vmmov $0xffff;
	s10 =	simm.s32 $0x0;
	s11 =	smov.u32 s5;
	s9 =	sadd.s32 $0x1, s7  }
.LBB2_4:
0xb: {  	v2 =	vnsel vm1, $0x0, v2  }
0xc: {  	vm1 =	vgt.s32 v0, $0x0;
	v2 =	vmin.u32 v2, $0x3FFFFF  }
0xd: {  	v0 =	vnsel vm1, $0x0, v0  }
0xe: {  	v0 =	vmin.u32 v0, $0x3FFFFF  }
0xf: {  	[tilespmem:s18], [sflag:$0x1] =	stream.indirect_vreg.gather [hbm4b:s2+s10], $0x1, v1, vm0, $0x4038;
	[tilespmem:$0x1F40] =	vst v63  }
0x10: {  	(ifvalue) =	ssetifvalue $0x7FFFFFFF  }
0x11: {  	[tilespmem:s15], [sflag:$0x1] =	stream.indirect_vreg.gather [hbm4b:s2+s10], $0x1, v2, vm0, $0x4038;
	[tilespmem:$0x1F40] =	vst v63  }
0x12: {  	s29 =	sadd.s32 $0x10, s15;
	(ifvalue) =	ssetifvalue $0x7FFFFFFF  }
0x13: {  	[tilespmem:s29], [sflag:$0x1] =	stream.indirect_vreg.gather [hbm4b:s2+s10], $0x1, v0, vm0, $0x4038;
	[tilespmem:$0x1F40] =	vst v63  }
0x14: {  	_ =	swait.ge [sflag:s4], $0x7D0  }
0x15: {  	s30 =	sshrl.u32 s13, $0x3;
	[sflag:s4] =	ssyncset.done $0x0  }
0x16: {  	s31 =	sand.u32 $0x7, s13;
	s15 =	sadd.s32 s8, s30;
	[sflag:s4] =	ssyncadd.s32 $0xFFFFF830  }
0x17: {  	[hbm4b:s15+s31] =	stream.linear.scatter [tilespmem:s14], [sflag:$0x3], $0x7D0, $0x38;
	[tilespmem:$0x1F40] =	vst v63  }
.LBB2_5:
0x18: {  	s15 =	sadd.s32 $0x7D00, s11  }
0x19: {  	p1 =	sgt.s32 s15, $0xC34F  }
0x1a: {  	s15 =	smov.u32 @p1 s5;
	p1 =	sne.s32 s12, s9  }
.Ltmp1:
0x1b: {  	p0 =	slt.u32 s12, $0x2;
	(pc) =	sbr.rel @!p1 .LBB2_6-.Ltmp1, $4  }
0x1c: {  	s14 =	simm.s32 @!p0 $0x3  }
0x1d: {  	_ =	swait.ge @!p0 [sflag:s14], $0x7D0  }
0x1e: {  	s16 =	sadd.s32 $0x1, s12;
	s13 =	smov.u32 s11;
	[sflag:s14] =	ssyncset.done @!p0 $0x0  }
0x1f: {  	s12 =	smov.u32 s16;
	s11 =	smov.u32 s15;
	[sflag:s14] =	ssyncadd.s32 @!p0 $0xFFFFF830  }
.LBB2_1:
0x20: {  	p0 =	sge.u32 s12, s7  }
0x21: {  	s14 =	sxor.u32 @!p0 $0x1, s12  }
0x22: {  	s14 =	smul.u32 @!p0 $0x1F40, s14  }
0x23: {  	s31 =	sadd.s32 $0xFFFFFFFF, s12;
	s15 =	sshrl.u32 @!p0 s11, $0x3  }
0x24: {  	s16 =	sand.u32 @!p0 $0x7, s11;
	s15 =	sadd.s32 @!p0 s3, s15;
	s14 =	sshra.s32 @!p0 s14, $0x2  }
0x25: {  	[tilespmem:s14], [sflag:$0x2] =	stream.linear.gather @!p0 [hbm4b:s15+s16], $0x7D0, $0x38;
	[tilespmem:$0x1F40] =	vst v63  }
0x26: {  	p0 =	sge.u32 s31, s7  }
.Ltmp2:
0x27: {  	_ = 	snop;
	(pc) =	sbr.rel @p0 .LBB2_5-.Ltmp2, $1  }
0x28: {  	_ =	sdelay $0x3  }
0x29: {  	s14 =	sand.u32 $0x1, s12  }
0x2a: {  	_ =	swait.ge [sflag:s6], $0x7D0;
	p0 =	seq.s32 s14, $0x1;
	s14 =	simm.s32 $0x7D0  }
0x2b: {  	[sflag:s6] =	ssyncset.done $0x0;
	s14 =	simm.s32 @!p0 $0x0  }
0x2c: {  	[sflag:s6] =	ssyncadd.s32 $0xFFFFF830;
	(ifvalue) =	ssetifvalue $0x7FFFFFFF;
	v0 =	vld.msk [tilespmem:s14+$0x0 ss:$0x1], $0xffff;
	_ =	sdelay $0x4  }
0x2d: {  	s15 =	sadd.s32 $0x10, s14;
	vm1 =	vgt.s32 v0, $0x0  }
0x2e: {  	v2 =	vld.msk [tilespmem:s15+$0x0 ss:$0x1], $0xffff;
	v1 =	vnsel vm1, $0x0, v0  }
0x2f: {  	v1 =	vmin.u32 v1, $0x3FFFFF;
	_ =	sdelay $0x2  }
0x30: {  	s17 =	simm.s32 $0x20;
	s14 =	sadd.s32 $0xFA0, s14;
	s16 =	sadd.s32 $0x10, s15  }
0x31: {  	s15 =	sadd.s32 $0x10, s14;
	s18 =	smov.u32 s14;
	v0 =	vld.msk [tilespmem:s16+$0x0 ss:$0x1], $0xffff;
	vm1 =	vgt.s32 v2, $0x0;
	(ifvalue) =	ssetifvalue $0x7FFFFFFF  }
.LBB2_3:
0x32: {  	[tilespmem:s18], [sflag:$0x1] =	stream.indirect_vreg.gather [hbm4b:s2+s10], $0x1, v1, vm0, $0x4038;
	[tilespmem:$0x1F40] =	vst v63  }
0x33: {  	s17 =	sadd.s32 $0x10, s17  }
0x34: {  	v2 =	vnsel vm1, $0x0, v2;
	p0 =	slt.u32 s17, $0x7C0  }
.Ltmp3:
0x35: {  	s18 =	smov.u32 s15;
	v1 =	vmin.u32 v2, $0x3FFFFF;
	(pc) =	sbr.rel @p0 .LBB2_3-.Ltmp3, $3  }
0x36: {  	_ =	sdelay $0x1  }
0x37: {  	s16 =	sadd.s32 $0x10, s16  }
0x38: {  	vm1 =	vgt.s32 v0, $0x0;
	s15 =	sadd.s32 $0x10, s15;
	v2 =	vmov v0;
	(ifvalue) =	ssetifvalue $0x7FFFFFFF;
	v0 =	vld.msk [tilespmem:s16+$0x0 ss:$0x1], $0xffff  }
.Ltmp4:
0x39: {  	_ = 	snop;
	(pc) =	sbr.rel .LBB2_4-.Ltmp4, $1  }
0x3a: {  	_ =	sdelay $0x3  }
.LBB2_6:
0x3b: {  	_ =	sfence.sel $0x180000  }
0x3c: {  	s2 =	simm.s32 $0x2;
	[bflag:$0x0] =	sbarrier.arrive $0xFFFF  }
0x3d: {  	s30 =	simm.s32 $0x3;
	[sflag:s2] =	ssyncpa.u1 $0x1  }
0x3e: {  	s31 =	simm.s32 $0x1;
	[sflag:s30] =	ssyncpa.u1 $0x1  }
0x3f: {  	[sflag:s31] =	ssyncpa.u1 $0x1  }
0x40: {  	p0 =	sne.s32 s1, $0x0;
	_ =	strace $0x9000005C  }
0x41: {  	s0 =	sadd.s32 @!p0 $0x100000, s0;
	[bflag:$0x2] =	sbarrier.arrive $0xFFFF  }
0x42: {  	[sflag:s0] =	ssyncadd.tile.s32 @!p0 $0x1;
	_ =	shalt  }
.Lfunc_end2:
_tile_overlayer_lowered:
.L_overlay_start_2:
0x43: {  	(tag) =	ssettag $0x2  }
0x44: {  	s0 =	rddreg [dreg:$0x0];
	s2 =	stileid.u32  }
0x45: {  	s1 =	rddreg [dreg:$0x1];
	p0 =	sne.s32 s2, $0x0  }
0x46: {  	s3 =	rddreg [dreg:$0x2];
	[bflag:$0x3] =	sbarrier.arrive $0xFFFF;
	s2 =	simm.s32 @!p0 $0x1C01  }
0x47: {  	[timem:s3], [sflag:s2] =	dma.local @!p0 [hbm:s0], s1  }
0x48: {  	s0 =	simm.s32 @!p0 $0x1  }
0x49: {  	_ =	swait.ge @!p0 [sflag:s0], s1  }
0x4a: {  	s1 =	ssub.s32 @!p0 $0x0, s1;
	[sflag:s0] =	ssyncset.done @!p0 $0x0  }
0x4b: {  	[sflag:s0] =	ssyncadd.s32 @!p0 s1  }
0x4c: {  	[bflag:$0x3] =	sbarrier.arrive $0xFFFF  }
0x4d: {  	_ =	shalt  }

// kernel: gather_offload_async_start.5
scs
__scs_entry_jumppad:
0x0: {  	(pc) =	sbr.rel $0x88, $3  }
0x1: {  	(tag) =	ssettag $0x0;
	lr =	simm.s32 $0x1  }
0x2: {  	[smem:$0x3F9C] =	sst lr;
	_ =	strace $0xD0000000  }
0x3: {  	_ = 	snop  }
0x4: {  	_ = 	snop  }
0x5: {  	_ = 	snop  }
0x6: {  	_ = 	snop  }
0x7: {  	_ = 	snop  }
__scs_overlays_trampoline_lowered:
0x8: {  	[smem:$0x3FAB] =	sst s0  }
0x9: {  	[smem:$0x3FAC] =	sst s1  }
0xa: {  	[smem:$0x3FAD] =	sst s2  }
0xb: {  	[smem:$0x3FAE] =	sst s3  }
0xc: {  	[smem:$0x3FAF] =	sst s4  }
0xd: {  	[smem:$0x3FB0] =	sst s5  }
0xe: {  	[smem:$0x3FB1] =	sst s6  }
0xf: {  	[smem:$0x3FB2] =	sst s7  }
0x10: {  	[smem:$0x3FB3] =	sst s8  }
0x11: {  	[smem:$0x3FB4] =	sst s9;
	s0 =	simm.s32 @!p0 $0x0  }
0x12: {  	s1 =	sld [smem:$0x3F9A];
	s0 =	simm.s32 @p0 $0x1  }
0x13: {  	[smem:$0x3FB5] =	sst s0;
	s0 =	simm.s32 @!p1 $0x0  }
0x14: {  	s2 =	sld [smem:$0x3F99];
	s0 =	simm.s32 @p1 $0x1  }
0x15: {  	[smem:$0x3FB6] =	sst s0;
	s0 =	simm.s32 @!p2 $0x0  }
0x16: {  	s3 =	sld [smem:$0x3FDB];
	s0 =	simm.s32 @p2 $0x1  }
0x17: {  	s4 =	simm.s32 $0x1BF5;
	[smem:$0x3FB8] =	sst s0  }
0x18: {  	s0 =	sld [smem:$0x3F9B];
	_ =	swait.ge [sflag:s4], $0x0  }
0x19: {  	s7 =	sld [smem:$0x3F9C]  }
0x1a: {  	s8 =	sadd.s32 $0xFFFFE003, lr  }
0x1b: {  	s9 =	sadd.s32 $0xFFFFFEF7, lr;
	s5 =	simm.s32 $0xFFFFFFFF;
	p2 =	slt.u32 s8, $0xFFFFF086  }
0x1c: {  	p1 =	slt.u32 s9, $0xF7A;
	s5 =	simm.s32 @!p2 $0x0  }
0x1d: {  	s5 =	simm.s32 @p1 $0x1;
	p0 =	seq.s32 s7, s2  }
0x1e: {  	s7 =	smul.u32 @!p0 $0xF7A, s2;
	p2 =	seq.s32 @!p0 s5, $0x0  }
0x1f: {  	s9 =	smul.u32 $0xF7A, s1;
	s8 =	simm.s32 @!p0 $0x1BF5;
	p2 =	por !p2, p0  }
0x20: {  	[sflag:s8] =	ssyncset.s32 @!p0 $0xFFFFF086;
	s6 =	sadd.s32 @!p0 s3, s7;
	s7 =	simm.s32 @!p0 $0x108  }
0x21: {  	s3 =	sadd.s32 s3, s9;
	s6 =	sadd.s32 @!p0 $0x88, s6;
	s7 =	simm.s32 @p2 $0x1082  }
0x22: {  	[simem:s7], [sflag:s8] =	dma.local @!p0 [hbm:s6], $0xF7A  }
0x23: {  	s9 =	sor.u32 $0xD0000000, s2;
	s6 =	simm.s32 $0x108;
	_ =	swait.ge @!p0 [sflag:s8], $0x0  }
0x24: {  	s3 =	sadd.s32 $0x88, s3;
	s6 =	simm.s32 @!p1 $0x1082;
	[sflag:s4] =	ssyncset.s32 $0xFFFFF086  }
0x25: {  	[simem:s6], [sflag:s4] =	dma.local [hbm:s3], $0xF7A  }
0x26: {  	[smem:$0x3F9C] =	sst s1;
	(tag) =	ssettag s2;
	_ =	strace s9  }
0x27: {  	s1 =	sld [smem:$0x3FAC]  }
0x28: {  	s2 =	sld [smem:$0x3FAD]  }
0x29: {  	s4 =	sld [smem:$0x3FAF]  }
0x2a: {  	p0 =	seq.s32 s5, $0x0;
	s5 =	sld [smem:$0x3FB0]  }
0x2b: {  	s6 =	sld [smem:$0x3FB1]  }
0x2c: {  	s7 =	sld [smem:$0x3FB2]  }
0x2d: {  	s3 =	simm.s32 $0x108;
	s8 =	sld [smem:$0x3FB3]  }
0x2e: {  	s3 =	simm.s32 @!p0 $0x1082;
	s9 =	sld [smem:$0x3FB4]  }
0x2f: {  	lr =	sadd.s32 s0, s3;
	s0 =	sld [smem:$0x3FAB]  }
0x30: {  	s3 =	sld [smem:$0x3FAE]  }
0x31: {  	[smem:$0x3FB7] =	sst s10  }
0x32: {  	s10 =	sld [smem:$0x3FB5];
	_ =	sdelay $0x3  }
0x33: {  	p0 =	seq.s32 s10, $0x1;
	s10 =	sld [smem:$0x3FB7];
	_ =	sdelay $0x3  }
0x34: {  	[smem:$0x3FB7] =	sst s10  }
0x35: {  	s10 =	sld [smem:$0x3FB6];
	_ =	sdelay $0x3  }
0x36: {  	p1 =	seq.s32 s10, $0x1;
	s10 =	sld [smem:$0x3FB7];
	_ =	sdelay $0x3  }
0x37: {  	[smem:$0x3FB7] =	sst s10  }
0x38: {  	s10 =	sld [smem:$0x3FB8]  }
0x39: {  	_ = 	snop;
	(pc) =	sbr.ind lr, $3  }
0x3a: {  	_ = 	snop  }
0x3b: {  	_ = 	snop  }
0x3c: {  	p2 =	seq.s32 s10, $0x1;
	s10 =	sld [smem:$0x3FB7]  }
0x3d: {  	_ =	shalt  }
0x3e: {  	_ =	shalt  }
0x3f: {  	_ =	shalt  }
0x40: {  	_ =	shalt  }
0x41: {  	_ =	shalt  }
0x42: {  	_ =	shalt  }
0x43: {  	_ =	shalt  }
0x44: {  	_ =	shalt  }
0x45: {  	_ =	shalt  }
0x46: {  	_ =	shalt  }
0x47: {  	_ =	shalt  }
0x48: {  	_ =	shalt  }
0x49: {  	_ =	shalt  }
0x4a: {  	_ =	shalt  }
0x4b: {  	_ =	shalt  }
0x4c: {  	_ =	shalt  }
0x4d: {  	_ =	shalt  }
0x4e: {  	_ =	shalt  }
0x4f: {  	_ =	shalt  }
0x50: {  	_ =	shalt  }
0x51: {  	_ =	shalt  }
0x52: {  	_ =	shalt  }
0x53: {  	_ =	shalt  }
0x54: {  	_ =	shalt  }
0x55: {  	_ =	shalt  }
0x56: {  	_ =	shalt  }
0x57: {  	_ =	shalt  }
0x58: {  	_ =	shalt  }
0x59: {  	_ =	shalt  }
0x5a: {  	_ =	shalt  }
0x5b: {  	_ =	shalt  }
0x5c: {  	_ =	shalt  }
0x5d: {  	_ =	shalt  }
0x5e: {  	_ =	shalt  }
0x5f: {  	_ =	shalt  }
0x60: {  	_ =	shalt  }
0x61: {  	_ =	shalt  }
0x62: {  	_ =	shalt  }
0x63: {  	_ =	shalt  }
0x64: {  	_ =	shalt  }
0x65: {  	_ =	shalt  }
0x66: {  	_ =	shalt  }
0x67: {  	_ =	shalt  }
0x68: {  	_ =	shalt  }
0x69: {  	_ =	shalt  }
0x6a: {  	_ =	shalt  }
0x6b: {  	_ =	shalt  }
0x6c: {  	_ =	shalt  }
0x6d: {  	_ =	shalt  }
0x6e: {  	_ =	shalt  }
0x6f: {  	_ =	shalt  }
0x70: {  	_ =	shalt  }
0x71: {  	_ =	shalt  }
0x72: {  	_ =	shalt  }
0x73: {  	_ =	shalt  }
0x74: {  	_ =	shalt  }
0x75: {  	_ =	shalt  }
0x76: {  	_ =	shalt  }
0x77: {  	_ =	shalt  }
0x78: {  	_ =	shalt  }
0x79: {  	_ =	shalt  }
0x7a: {  	_ =	shalt  }
0x7b: {  	_ =	shalt  }
0x7c: {  	_ =	shalt  }
0x7d: {  	_ =	shalt  }
0x7e: {  	_ =	shalt  }
0x7f: {  	_ =	shalt  }
0x80: {  	_ =	shalt  }
0x81: {  	_ =	shalt  }
0x82: {  	_ =	shalt  }
0x83: {  	_ =	shalt  }
0x84: {  	_ =	shalt  }
0x85: {  	_ =	shalt  }
0x86: {  	_ =	shalt  }
0x87: {  	_ =	shalt  }
.Lfunc_end0:
.L_simem_size_0:
called_computation.5_lowered:
.L_overlay_start_0:
0x88: {  	s0 =	sld [smem:$0x3FD9]  }
0x89: {  	s1 =	sld [smem:$0x3FFE];
	_ =	sdelay $0x3  }
0x8a: {  	s0 =	sadd.s32 s1, s0  }
0x8b: {  	[smem:$0x3FC3] =	sst s0  }
0x8c: {  	_ = 	snop  }
0x8d: {  	(tm) =	ssettm $0x1  }
0x8e: {  	s15 =	sld [smem:$0x3FFB];
	_ =	sdelay $0x3  }
0x8f: {  	_ =	strace s15  }
0x90: {  	s0 =	sld [smem:$0x3FFC];
	_ =	sdelay $0x3  }
0x91: {  	_ =	strace s0  }
0x92: {  	s0 =	sld [smem:$0x3FFD];
	_ =	sdelay $0x3  }
0x93: {  	_ =	strace s0  }
0x94: {  	_ =	strace $0x8FFFFFFF  }
0x95: {  	s16 =	sld [smem:$0x3FDB];
	_ =	sdelay $0x1  }
0x96: {  	s17 =	simm.s32 $_scs_section_size  }
0x97: {  	s2 =	simm.s32 $_size__tile_overlayer_lowered;
	s3 =	simm.s32 $_tile_overlayer_lowered  }
0x98: {  	s20 =	simm.s32 $0x1BFF;
	s19 =	sshll.u32 s3, $0x1;
	s0 =	sadd.s32 s17, s16  }
0x99: {  	s4 =	simm.s32 $0x0;
	s18 =	sshll.u32 s2, $0x1;
	s2 =	sadd.s32 s19, s0  }
0x9a: {  	[timem:s4], [sflag:s20] =	dma.local [hbm:s2], s18  }
0x9b: {  	_ =	swait.ge [sflag:s20], s18  }
0x9c: {  	s1 =	ssub.s32 $0x0, s18;
	[sflag:s20] =	ssyncset.done $0x0  }
0x9d: {  	[sflag:s20] =	ssyncadd.s32 s1;
	_ =	sdelay $0x1  }
0x9e: {  	s21 =	simm.s32 $0x1B8B  }
0x9f: {  	_ =	swait.ge [sflag:s21], $0x1  }
0xa0: {  	[sflag:s21] =	ssyncset.done $0x0  }
0xa1: {  	s23 =	simm.s32 $0x1B8E;
	s22 =	sld [smem:$0x3FFE];
	[sflag:s21] =	ssyncadd.s32 $0xFFFFFFFF  }
0xa2: {  	s24 =	simm.s32 $execute0_lowered;
	[smem:$0x3FD2] =	sst s23  }
0xa3: {  	s2 =	sshll.u32 s24, $0x1;
	_ =	strace $0x80000058;
	[dreg:$0x1] =	wrdreg $0xFFFFFFFF  }
0xa4: {  	s25 =	simm.s32 $_size_execute0_lowered;
	s0 =	sadd.s32 s0, s2;
	[dreg:$0x0] =	wrdreg $0x0  }
0xa5: {  	s2 =	sshll.u32 s25, $0x1;
	[dreg:$0x2] =	wrdreg s0  }
0xa6: {  	[dreg:$0x3] =	wrdreg s2  }
0xa7: {  	[dreg:$0x4] =	wrdreg $0xC0  }
0xa8: {  	_ =	task [dreg:s4], $0x5FFFF  }
0xa9: {  	[dreg:$0x1] =	wrdreg $0xFFFFFFFF  }
0xaa: {  	[dreg:$0x0] =	wrdreg $0x60  }
0xab: {  	[dreg:$0x2] =	wrdreg s22  }
0xac: {  	[dreg:$0x3] =	wrdreg $0x9  }
0xad: {  	_ =	task.clear_ibuf [dreg:s4], $0x4FFFF;
	_ =	strace $0x90000058  }
0xae: {  	s26 =	simm.s32 $0x9;
	_ =	strace $0x8000005A  }
0xaf: {  	_ =	swait.ge [sflag:s26], $0x1  }
0xb0: {  	[sflag:s26] =	ssyncadd.s32 $0xFFFFFFFF  }
0xb1: {  	_ =	strace $0x9000005A  }
0xb2: {  	_ =	sfence  }
0xb3: {  	s28 =	sld [smem:$0x0];
	_ =	sdelay $0x1  }
0xb4: {  	s29 =	srdreg.scid  }
0xb5: {  	s30 =	sshll.u32 s29, $0xD;
	s31 =	sshrl.u32 s29, $0x2  }
0xb6: {  	s1 =	sand.u32 $0x1, s29;
	s2 =	sand.u32 $0x4000, s30;
	s0 =	sadd.s32 s31, s28  }
0xb7: {  	s1 =	sor.u32 s2, s1;
	s0 =	sshll.u32 s0, $0x11  }
0xb8: {  	s0 =	sor.u32 s0, s1  }
0xb9: {  	s0 =	sadd.s32 $0x8F2B, s0  }
0xba: {  	[sflag:s0] =	ssyncadd.remote.s32 $0x1  }
0xbb: {  	_ =	sfence.sel $0xFFFF  }
0xbc: {  	[dreg:$0x0] =	wrdreg $0xFFFFFFFF;
	(pc) =	sbr.abs _section_cstart, $3  }
0xbd: {  	[dreg:$0x1] =	wrdreg $0xFFFFFFFF  }
0xbe: {  	_ =	task.clear_ibuf [dreg:s4], $0x2FFFF;
	_ =	strace $0x9FFFFFFF  }
0xbf: {  	(tm) =	ssettm $0x7FFFFFFF  }
tec
execute0_lowered:
.L_overlay_start_1:
0x0: {  	(tag) =	ssettag $0x1  }
0x1: {  	s8 =	rddreg [dreg:$0x0]  }
0x2: {  	s0 =	rddreg [dreg:$0x1];
	_ =	strace $0x80000059  }
0x3: {  	s4 =	simm.s32 $0x1;
	s1 =	stileid.u32;
	s7 =	simm.s32 $0x1  }
0x4: {  	s9 =	simm.s32 $0x1;
	s6 =	simm.s32 $0x2;
	s10 =	simm.s32 $0x3  }
0x5: {  	s13 =	simm.s32 $0x0;
	s12 =	simm.s32 $0x0;
	s2 =	sadd.s32 $0x9EC00, s8  }
.Ltmp0:
0x6: {  	s3 =	sadd.s32 $0x7FE00, s8;
	p0 =	slt.u32 s1, $0xA;
	(pc) =	sbr.rel .LBB2_1-.Ltmp0, $4  }
0x7: {  	[sflag:s4] =	ssyncpa.u1 $0x0;
	s7 =	simm.s32 @!p0 $0x0;
	p0 =	sne.s32 s1, $0x9  }
0x8: {  	s5 =	smul.u32 $0x7D0, s1;
	[sflag:s6] =	ssyncpa.u1 $0x0;
	s9 =	simm.s32 @!p0 $0x0  }
0x9: {  	s8 =	sadd.s32 $0x187000, s8;
	[sflag:s10] =	ssyncpa.u1 $0x0;
	s7 =	sadd.s32 s9, s7  }
0xa: {  	vm0 =	vmmov $0xffff;
	s10 =	simm.s32 $0x0;
	s11 =	smov.u32 s5;
	s9 =	sadd.s32 $0x1, s7  }
.LBB2_4:
0xb: {  	v2 =	vnsel vm1, $0x0, v2  }
0xc: {  	vm1 =	vgt.s32 v0, $0x0;
	v2 =	vmin.u32 v2, $0x3FFFFF  }
0xd: {  	v0 =	vnsel vm1, $0x0, v0  }
0xe: {  	v0 =	vmin.u32 v0, $0x3FFFFF  }
0xf: {  	[tilespmem:s18], [sflag:$0x1] =	stream.indirect_vreg.gather [hbm4b:s2+s10], $0x1, v1, vm0, $0x4038;
	[tilespmem:$0x1F40] =	vst v63  }
0x10: {  	(ifvalue) =	ssetifvalue $0x7FFFFFFF  }
0x11: {  	[tilespmem:s15], [sflag:$0x1] =	stream.indirect_vreg.gather [hbm4b:s2+s10], $0x1, v2, vm0, $0x4038;
	[tilespmem:$0x1F40] =	vst v63  }
0x12: {  	s29 =	sadd.s32 $0x10, s15;
	(ifvalue) =	ssetifvalue $0x7FFFFFFF  }
0x13: {  	[tilespmem:s29], [sflag:$0x1] =	stream.indirect_vreg.gather [hbm4b:s2+s10], $0x1, v0, vm0, $0x4038;
	[tilespmem:$0x1F40] =	vst v63  }
0x14: {  	_ =	swait.ge [sflag:s4], $0x7D0  }
0x15: {  	s30 =	sshrl.u32 s13, $0x3;
	[sflag:s4] =	ssyncset.done $0x0  }
0x16: {  	s31 =	sand.u32 $0x7, s13;
	s15 =	sadd.s32 s8, s30;
	[sflag:s4] =	ssyncadd.s32 $0xFFFFF830  }
0x17: {  	[hbm4b:s15+s31] =	stream.linear.scatter [tilespmem:s14], [sflag:$0x3], $0x7D0, $0x38;
	[tilespmem:$0x1F40] =	vst v63  }
.LBB2_5:
0x18: {  	s15 =	sadd.s32 $0x7D00, s11  }
0x19: {  	p1 =	sgt.s32 s15, $0xC34F  }
0x1a: {  	s15 =	smov.u32 @p1 s5;
	p1 =	sne.s32 s12, s9  }
.Ltmp1:
0x1b: {  	p0 =	slt.u32 s12, $0x2;
	(pc) =	sbr.rel @!p1 .LBB2_6-.Ltmp1, $4  }
0x1c: {  	s14 =	simm.s32 @!p0 $0x3  }
0x1d: {  	_ =	swait.ge @!p0 [sflag:s14], $0x7D0  }
0x1e: {  	s16 =	sadd.s32 $0x1, s12;
	s13 =	smov.u32 s11;
	[sflag:s14] =	ssyncset.done @!p0 $0x0  }
0x1f: {  	s12 =	smov.u32 s16;
	s11 =	smov.u32 s15;
	[sflag:s14] =	ssyncadd.s32 @!p0 $0xFFFFF830  }
.LBB2_1:
0x20: {  	p0 =	sge.u32 s12, s7  }
0x21: {  	s14 =	sxor.u32 @!p0 $0x1, s12  }
0x22: {  	s14 =	smul.u32 @!p0 $0x1F40, s14  }
0x23: {  	s31 =	sadd.s32 $0xFFFFFFFF, s12;
	s15 =	sshrl.u32 @!p0 s11, $0x3  }
0x24: {  	s16 =	sand.u32 @!p0 $0x7, s11;
	s15 =	sadd.s32 @!p0 s3, s15;
	s14 =	sshra.s32 @!p0 s14, $0x2  }
0x25: {  	[tilespmem:s14], [sflag:$0x2] =	stream.linear.gather @!p0 [hbm4b:s15+s16], $0x7D0, $0x38;
	[tilespmem:$0x1F40] =	vst v63  }
0x26: {  	p0 =	sge.u32 s31, s7  }
.Ltmp2:
0x27: {  	_ = 	snop;
	(pc) =	sbr.rel @p0 .LBB2_5-.Ltmp2, $1  }
0x28: {  	_ =	sdelay $0x3  }
0x29: {  	s14 =	sand.u32 $0x1, s12  }
0x2a: {  	_ =	swait.ge [sflag:s6], $0x7D0;
	p0 =	seq.s32 s14, $0x1;
	s14 =	simm.s32 $0x7D0  }
0x2b: {  	[sflag:s6] =	ssyncset.done $0x0;
	s14 =	simm.s32 @!p0 $0x0  }
0x2c: {  	[sflag:s6] =	ssyncadd.s32 $0xFFFFF830;
	(ifvalue) =	ssetifvalue $0x7FFFFFFF;
	v0 =	vld.msk [tilespmem:s14+$0x0 ss:$0x1], $0xffff;
	_ =	sdelay $0x4  }
0x2d: {  	s15 =	sadd.s32 $0x10, s14;
	vm1 =	vgt.s32 v0, $0x0  }
0x2e: {  	v2 =	vld.msk [tilespmem:s15+$0x0 ss:$0x1], $0xffff;
	v1 =	vnsel vm1, $0x0, v0  }
0x2f: {  	v1 =	vmin.u32 v1, $0x3FFFFF;
	_ =	sdelay $0x2  }
0x30: {  	s17 =	simm.s32 $0x20;
	s14 =	sadd.s32 $0xFA0, s14;
	s16 =	sadd.s32 $0x10, s15  }
0x31: {  	s15 =	sadd.s32 $0x10, s14;
	s18 =	smov.u32 s14;
	v0 =	vld.msk [tilespmem:s16+$0x0 ss:$0x1], $0xffff;
	vm1 =	vgt.s32 v2, $0x0;
	(ifvalue) =	ssetifvalue $0x7FFFFFFF  }
.LBB2_3:
0x32: {  	[tilespmem:s18], [sflag:$0x1] =	stream.indirect_vreg.gather [hbm4b:s2+s10], $0x1, v1, vm0, $0x4038;
	[tilespmem:$0x1F40] =	vst v63  }
0x33: {  	s17 =	sadd.s32 $0x10, s17  }
0x34: {  	v2 =	vnsel vm1, $0x0, v2;
	p0 =	slt.u32 s17, $0x7C0  }
.Ltmp3:
0x35: {  	s18 =	smov.u32 s15;
	v1 =	vmin.u32 v2, $0x3FFFFF;
	(pc) =	sbr.rel @p0 .LBB2_3-.Ltmp3, $3  }
0x36: {  	_ =	sdelay $0x1  }
0x37: {  	s16 =	sadd.s32 $0x10, s16  }
0x38: {  	vm1 =	vgt.s32 v0, $0x0;
	s15 =	sadd.s32 $0x10, s15;
	v2 =	vmov v0;
	(ifvalue) =	ssetifvalue $0x7FFFFFFF;
	v0 =	vld.msk [tilespmem:s16+$0x0 ss:$0x1], $0xffff  }
.Ltmp4:
0x39: {  	_ = 	snop;
	(pc) =	sbr.rel .LBB2_4-.Ltmp4, $1  }
0x3a: {  	_ =	sdelay $0x3  }
.LBB2_6:
0x3b: {  	_ =	sfence.sel $0x180000  }
0x3c: {  	s2 =	simm.s32 $0x2;
	[bflag:$0x0] =	sbarrier.arrive $0xFFFF  }
0x3d: {  	s30 =	simm.s32 $0x3;
	[sflag:s2] =	ssyncpa.u1 $0x1  }
0x3e: {  	s31 =	simm.s32 $0x1;
	[sflag:s30] =	ssyncpa.u1 $0x1  }
0x3f: {  	[sflag:s31] =	ssyncpa.u1 $0x1  }
0x40: {  	p0 =	sne.s32 s1, $0x0;
	_ =	strace $0x90000059  }
0x41: {  	s0 =	sadd.s32 @!p0 $0x100000, s0;
	[bflag:$0x2] =	sbarrier.arrive $0xFFFF  }
0x42: {  	[sflag:s0] =	ssyncadd.tile.s32 @!p0 $0x1;
	_ =	shalt  }
.Lfunc_end2:
_tile_overlayer_lowered:
.L_overlay_start_2:
0x43: {  	(tag) =	ssettag $0x2  }
0x44: {  	s0 =	rddreg [dreg:$0x0];
	s2 =	stileid.u32  }
0x45: {  	s1 =	rddreg [dreg:$0x1];
	p0 =	sne.s32 s2, $0x0  }
0x46: {  	s3 =	rddreg [dreg:$0x2];
	[bflag:$0x3] =	sbarrier.arrive $0xFFFF;
	s2 =	simm.s32 @!p0 $0x1C01  }
0x47: {  	[timem:s3], [sflag:s2] =	dma.local @!p0 [hbm:s0], s1  }
0x48: {  	s0 =	simm.s32 @!p0 $0x1  }
0x49: {  	_ =	swait.ge @!p0 [sflag:s0], s1  }
0x4a: {  	s1 =	ssub.s32 @!p0 $0x0, s1;
	[sflag:s0] =	ssyncset.done @!p0 $0x0  }
0x4b: {  	[sflag:s0] =	ssyncadd.s32 @!p0 s1  }
0x4c: {  	[bflag:$0x3] =	sbarrier.arrive $0xFFFF  }
0x4d: {  	_ =	shalt  }

// kernel: gather_offload_async_start.6
scs
__scs_entry_jumppad:
0x0: {  	(pc) =	sbr.rel $0x88, $3  }
0x1: {  	(tag) =	ssettag $0x0;
	lr =	simm.s32 $0x1  }
0x2: {  	[smem:$0x3F9C] =	sst lr;
	_ =	strace $0xD0000000  }
0x3: {  	_ = 	snop  }
0x4: {  	_ = 	snop  }
0x5: {  	_ = 	snop  }
0x6: {  	_ = 	snop  }
0x7: {  	_ = 	snop  }
__scs_overlays_trampoline_lowered:
0x8: {  	[smem:$0x3FAB] =	sst s0  }
0x9: {  	[smem:$0x3FAC] =	sst s1  }
0xa: {  	[smem:$0x3FAD] =	sst s2  }
0xb: {  	[smem:$0x3FAE] =	sst s3  }
0xc: {  	[smem:$0x3FAF] =	sst s4  }
0xd: {  	[smem:$0x3FB0] =	sst s5  }
0xe: {  	[smem:$0x3FB1] =	sst s6  }
0xf: {  	[smem:$0x3FB2] =	sst s7  }
0x10: {  	[smem:$0x3FB3] =	sst s8  }
0x11: {  	[smem:$0x3FB4] =	sst s9;
	s0 =	simm.s32 @!p0 $0x0  }
0x12: {  	s1 =	sld [smem:$0x3F9A];
	s0 =	simm.s32 @p0 $0x1  }
0x13: {  	[smem:$0x3FB5] =	sst s0;
	s0 =	simm.s32 @!p1 $0x0  }
0x14: {  	s2 =	sld [smem:$0x3F99];
	s0 =	simm.s32 @p1 $0x1  }
0x15: {  	[smem:$0x3FB6] =	sst s0;
	s0 =	simm.s32 @!p2 $0x0  }
0x16: {  	s3 =	sld [smem:$0x3FDB];
	s0 =	simm.s32 @p2 $0x1  }
0x17: {  	s4 =	simm.s32 $0x1BF5;
	[smem:$0x3FB8] =	sst s0  }
0x18: {  	s0 =	sld [smem:$0x3F9B];
	_ =	swait.ge [sflag:s4], $0x0  }
0x19: {  	s7 =	sld [smem:$0x3F9C]  }
0x1a: {  	s8 =	sadd.s32 $0xFFFFE003, lr  }
0x1b: {  	s9 =	sadd.s32 $0xFFFFFEF7, lr;
	s5 =	simm.s32 $0xFFFFFFFF;
	p2 =	slt.u32 s8, $0xFFFFF086  }
0x1c: {  	p1 =	slt.u32 s9, $0xF7A;
	s5 =	simm.s32 @!p2 $0x0  }
0x1d: {  	s5 =	simm.s32 @p1 $0x1;
	p0 =	seq.s32 s7, s2  }
0x1e: {  	s7 =	smul.u32 @!p0 $0xF7A, s2;
	p2 =	seq.s32 @!p0 s5, $0x0  }
0x1f: {  	s9 =	smul.u32 $0xF7A, s1;
	s8 =	simm.s32 @!p0 $0x1BF5;
	p2 =	por !p2, p0  }
0x20: {  	[sflag:s8] =	ssyncset.s32 @!p0 $0xFFFFF086;
	s6 =	sadd.s32 @!p0 s3, s7;
	s7 =	simm.s32 @!p0 $0x108  }
0x21: {  	s3 =	sadd.s32 s3, s9;
	s6 =	sadd.s32 @!p0 $0x88, s6;
	s7 =	simm.s32 @p2 $0x1082  }
0x22: {  	[simem:s7], [sflag:s8] =	dma.local @!p0 [hbm:s6], $0xF7A  }
0x23: {  	s9 =	sor.u32 $0xD0000000, s2;
	s6 =	simm.s32 $0x108;
	_ =	swait.ge @!p0 [sflag:s8], $0x0  }
0x24: {  	s3 =	sadd.s32 $0x88, s3;
	s6 =	simm.s32 @!p1 $0x1082;
	[sflag:s4] =	ssyncset.s32 $0xFFFFF086  }
0x25: {  	[simem:s6], [sflag:s4] =	dma.local [hbm:s3], $0xF7A  }
0x26: {  	[smem:$0x3F9C] =	sst s1;
	(tag) =	ssettag s2;
	_ =	strace s9  }
0x27: {  	s1 =	sld [smem:$0x3FAC]  }
0x28: {  	s2 =	sld [smem:$0x3FAD]  }
0x29: {  	s4 =	sld [smem:$0x3FAF]  }
0x2a: {  	p0 =	seq.s32 s5, $0x0;
	s5 =	sld [smem:$0x3FB0]  }
0x2b: {  	s6 =	sld [smem:$0x3FB1]  }
0x2c: {  	s7 =	sld [smem:$0x3FB2]  }
0x2d: {  	s3 =	simm.s32 $0x108;
	s8 =	sld [smem:$0x3FB3]  }
0x2e: {  	s3 =	simm.s32 @!p0 $0x1082;
	s9 =	sld [smem:$0x3FB4]  }
0x2f: {  	lr =	sadd.s32 s0, s3;
	s0 =	sld [smem:$0x3FAB]  }
0x30: {  	s3 =	sld [smem:$0x3FAE]  }
0x31: {  	[smem:$0x3FB7] =	sst s10  }
0x32: {  	s10 =	sld [smem:$0x3FB5];
	_ =	sdelay $0x3  }
0x33: {  	p0 =	seq.s32 s10, $0x1;
	s10 =	sld [smem:$0x3FB7];
	_ =	sdelay $0x3  }
0x34: {  	[smem:$0x3FB7] =	sst s10  }
0x35: {  	s10 =	sld [smem:$0x3FB6];
	_ =	sdelay $0x3  }
0x36: {  	p1 =	seq.s32 s10, $0x1;
	s10 =	sld [smem:$0x3FB7];
	_ =	sdelay $0x3  }
0x37: {  	[smem:$0x3FB7] =	sst s10  }
0x38: {  	s10 =	sld [smem:$0x3FB8]  }
0x39: {  	_ = 	snop;
	(pc) =	sbr.ind lr, $3  }
0x3a: {  	_ = 	snop  }
0x3b: {  	_ = 	snop  }
0x3c: {  	p2 =	seq.s32 s10, $0x1;
	s10 =	sld [smem:$0x3FB7]  }
0x3d: {  	_ =	shalt  }
0x3e: {  	_ =	shalt  }
0x3f: {  	_ =	shalt  }
0x40: {  	_ =	shalt  }
0x41: {  	_ =	shalt  }
0x42: {  	_ =	shalt  }
0x43: {  	_ =	shalt  }
0x44: {  	_ =	shalt  }
0x45: {  	_ =	shalt  }
0x46: {  	_ =	shalt  }
0x47: {  	_ =	shalt  }
0x48: {  	_ =	shalt  }
0x49: {  	_ =	shalt  }
0x4a: {  	_ =	shalt  }
0x4b: {  	_ =	shalt  }
0x4c: {  	_ =	shalt  }
0x4d: {  	_ =	shalt  }
0x4e: {  	_ =	shalt  }
0x4f: {  	_ =	shalt  }
0x50: {  	_ =	shalt  }
0x51: {  	_ =	shalt  }
0x52: {  	_ =	shalt  }
0x53: {  	_ =	shalt  }
0x54: {  	_ =	shalt  }
0x55: {  	_ =	shalt  }
0x56: {  	_ =	shalt  }
0x57: {  	_ =	shalt  }
0x58: {  	_ =	shalt  }
0x59: {  	_ =	shalt  }
0x5a: {  	_ =	shalt  }
0x5b: {  	_ =	shalt  }
0x5c: {  	_ =	shalt  }
0x5d: {  	_ =	shalt  }
0x5e: {  	_ =	shalt  }
0x5f: {  	_ =	shalt  }
0x60: {  	_ =	shalt  }
0x61: {  	_ =	shalt  }
0x62: {  	_ =	shalt  }
0x63: {  	_ =	shalt  }
0x64: {  	_ =	shalt  }
0x65: {  	_ =	shalt  }
0x66: {  	_ =	shalt  }
0x67: {  	_ =	shalt  }
0x68: {  	_ =	shalt  }
0x69: {  	_ =	shalt  }
0x6a: {  	_ =	shalt  }
0x6b: {  	_ =	shalt  }
0x6c: {  	_ =	shalt  }
0x6d: {  	_ =	shalt  }
0x6e: {  	_ =	shalt  }
0x6f: {  	_ =	shalt  }
0x70: {  	_ =	shalt  }
0x71: {  	_ =	shalt  }
0x72: {  	_ =	shalt  }
0x73: {  	_ =	shalt  }
0x74: {  	_ =	shalt  }
0x75: {  	_ =	shalt  }
0x76: {  	_ =	shalt  }
0x77: {  	_ =	shalt  }
0x78: {  	_ =	shalt  }
0x79: {  	_ =	shalt  }
0x7a: {  	_ =	shalt  }
0x7b: {  	_ =	shalt  }
0x7c: {  	_ =	shalt  }
0x7d: {  	_ =	shalt  }
0x7e: {  	_ =	shalt  }
0x7f: {  	_ =	shalt  }
0x80: {  	_ =	shalt  }
0x81: {  	_ =	shalt  }
0x82: {  	_ =	shalt  }
0x83: {  	_ =	shalt  }
0x84: {  	_ =	shalt  }
0x85: {  	_ =	shalt  }
0x86: {  	_ =	shalt  }
0x87: {  	_ =	shalt  }
.Lfunc_end0:
.L_simem_size_0:
called_computation.6_lowered:
.L_overlay_start_0:
0x88: {  	s0 =	sld [smem:$0x3FD9]  }
0x89: {  	s1 =	sld [smem:$0x3FFE];
	_ =	sdelay $0x3  }
0x8a: {  	s0 =	sadd.s32 s1, s0  }
0x8b: {  	[smem:$0x3FC3] =	sst s0  }
0x8c: {  	_ = 	snop  }
0x8d: {  	(tm) =	ssettm $0x1  }
0x8e: {  	s15 =	sld [smem:$0x3FFB];
	_ =	sdelay $0x3  }
0x8f: {  	_ =	strace s15  }
0x90: {  	s0 =	sld [smem:$0x3FFC];
	_ =	sdelay $0x3  }
0x91: {  	_ =	strace s0  }
0x92: {  	s0 =	sld [smem:$0x3FFD];
	_ =	sdelay $0x3  }
0x93: {  	_ =	strace s0  }
0x94: {  	_ =	strace $0x8FFFFFFF  }
0x95: {  	s16 =	sld [smem:$0x3FDB];
	_ =	sdelay $0x1  }
0x96: {  	s17 =	simm.s32 $_scs_section_size  }
0x97: {  	s2 =	simm.s32 $_size__tile_overlayer_lowered;
	s3 =	simm.s32 $_tile_overlayer_lowered  }
0x98: {  	s20 =	simm.s32 $0x1BFF;
	s19 =	sshll.u32 s3, $0x1;
	s0 =	sadd.s32 s17, s16  }
0x99: {  	s4 =	simm.s32 $0x0;
	s18 =	sshll.u32 s2, $0x1;
	s2 =	sadd.s32 s19, s0  }
0x9a: {  	[timem:s4], [sflag:s20] =	dma.local [hbm:s2], s18  }
0x9b: {  	_ =	swait.ge [sflag:s20], s18  }
0x9c: {  	s1 =	ssub.s32 $0x0, s18;
	[sflag:s20] =	ssyncset.done $0x0  }
0x9d: {  	[sflag:s20] =	ssyncadd.s32 s1;
	_ =	sdelay $0x1  }
0x9e: {  	s21 =	simm.s32 $0x1B8B  }
0x9f: {  	_ =	swait.ge [sflag:s21], $0x1  }
0xa0: {  	[sflag:s21] =	ssyncset.done $0x0  }
0xa1: {  	s23 =	simm.s32 $0x1B8E;
	s22 =	sld [smem:$0x3FFE];
	[sflag:s21] =	ssyncadd.s32 $0xFFFFFFFF  }
0xa2: {  	s24 =	simm.s32 $execute0_lowered;
	[smem:$0x3FD2] =	sst s23  }
0xa3: {  	s2 =	sshll.u32 s24, $0x1;
	_ =	strace $0x8000004C;
	[dreg:$0x1] =	wrdreg $0xFFFFFFFF  }
0xa4: {  	s25 =	simm.s32 $_size_execute0_lowered;
	s0 =	sadd.s32 s0, s2;
	[dreg:$0x0] =	wrdreg $0x0  }
0xa5: {  	s2 =	sshll.u32 s25, $0x1;
	[dreg:$0x2] =	wrdreg s0  }
0xa6: {  	[dreg:$0x3] =	wrdreg s2  }
0xa7: {  	[dreg:$0x4] =	wrdreg $0xC0  }
0xa8: {  	_ =	task [dreg:s4], $0x5FFFF  }
0xa9: {  	[dreg:$0x1] =	wrdreg $0xFFFFFFFF  }
0xaa: {  	[dreg:$0x0] =	wrdreg $0x60  }
0xab: {  	[dreg:$0x2] =	wrdreg s22  }
0xac: {  	[dreg:$0x3] =	wrdreg $0x9  }
0xad: {  	_ =	task.clear_ibuf [dreg:s4], $0x4FFFF;
	_ =	strace $0x9000004C  }
0xae: {  	s26 =	simm.s32 $0x9;
	_ =	strace $0x8000004E  }
0xaf: {  	_ =	swait.ge [sflag:s26], $0x1  }
0xb0: {  	[sflag:s26] =	ssyncadd.s32 $0xFFFFFFFF  }
0xb1: {  	_ =	strace $0x9000004E  }
0xb2: {  	_ =	sfence  }
0xb3: {  	s28 =	sld [smem:$0x0];
	_ =	sdelay $0x1  }
0xb4: {  	s29 =	srdreg.scid  }
0xb5: {  	s30 =	sshll.u32 s29, $0xD;
	s31 =	sshrl.u32 s29, $0x2  }
0xb6: {  	s1 =	sand.u32 $0x1, s29;
	s2 =	sand.u32 $0x4000, s30;
	s0 =	sadd.s32 s31, s28  }
0xb7: {  	s1 =	sor.u32 s2, s1;
	s0 =	sshll.u32 s0, $0x11  }
0xb8: {  	s0 =	sor.u32 s0, s1  }
0xb9: {  	s0 =	sadd.s32 $0x8F2B, s0  }
0xba: {  	[sflag:s0] =	ssyncadd.remote.s32 $0x1  }
0xbb: {  	_ =	sfence.sel $0xFFFF  }
0xbc: {  	[dreg:$0x0] =	wrdreg $0xFFFFFFFF;
	(pc) =	sbr.abs _section_cstart, $3  }
0xbd: {  	[dreg:$0x1] =	wrdreg $0xFFFFFFFF  }
0xbe: {  	_ =	task.clear_ibuf [dreg:s4], $0x2FFFF;
	_ =	strace $0x9FFFFFFF  }
0xbf: {  	(tm) =	ssettm $0x7FFFFFFF  }
tec
execute0_lowered:
.L_overlay_start_1:
0x0: {  	(tag) =	ssettag $0x1  }
0x1: {  	s8 =	rddreg [dreg:$0x0]  }
0x2: {  	s0 =	rddreg [dreg:$0x1];
	_ =	strace $0x8000004D  }
0x3: {  	s4 =	simm.s32 $0x1;
	s1 =	stileid.u32;
	s7 =	simm.s32 $0x1  }
0x4: {  	s9 =	simm.s32 $0x1;
	s6 =	simm.s32 $0x2;
	s10 =	simm.s32 $0x3  }
0x5: {  	s13 =	simm.s32 $0x0;
	s12 =	simm.s32 $0x0;
	s2 =	sadd.s32 $0x9EC00, s8  }
.Ltmp0:
0x6: {  	s3 =	sadd.s32 $0x79600, s8;
	p0 =	slt.u32 s1, $0xA;
	(pc) =	sbr.rel .LBB2_1-.Ltmp0, $4  }
0x7: {  	[sflag:s4] =	ssyncpa.u1 $0x0;
	s7 =	simm.s32 @!p0 $0x0;
	p0 =	sne.s32 s1, $0x9  }
0x8: {  	s5 =	smul.u32 $0x7D0, s1;
	[sflag:s6] =	ssyncpa.u1 $0x0;
	s9 =	simm.s32 @!p0 $0x0  }
0x9: {  	s8 =	sadd.s32 $0x122000, s8;
	[sflag:s10] =	ssyncpa.u1 $0x0;
	s7 =	sadd.s32 s9, s7  }
0xa: {  	vm0 =	vmmov $0xffff;
	s10 =	simm.s32 $0x0;
	s11 =	smov.u32 s5;
	s9 =	sadd.s32 $0x1, s7  }
.LBB2_4:
0xb: {  	v2 =	vnsel vm1, $0x0, v2  }
0xc: {  	vm1 =	vgt.s32 v0, $0x0;
	v2 =	vmin.u32 v2, $0x3FFFFF  }
0xd: {  	v0 =	vnsel vm1, $0x0, v0  }
0xe: {  	v0 =	vmin.u32 v0, $0x3FFFFF  }
0xf: {  	[tilespmem:s18], [sflag:$0x1] =	stream.indirect_vreg.gather [hbm4b:s2+s10], $0x1, v1, vm0, $0x4038;
	[tilespmem:$0x1F40] =	vst v63  }
0x10: {  	(ifvalue) =	ssetifvalue $0x7FFFFFFF  }
0x11: {  	[tilespmem:s15], [sflag:$0x1] =	stream.indirect_vreg.gather [hbm4b:s2+s10], $0x1, v2, vm0, $0x4038;
	[tilespmem:$0x1F40] =	vst v63  }
0x12: {  	s29 =	sadd.s32 $0x10, s15;
	(ifvalue) =	ssetifvalue $0x7FFFFFFF  }
0x13: {  	[tilespmem:s29], [sflag:$0x1] =	stream.indirect_vreg.gather [hbm4b:s2+s10], $0x1, v0, vm0, $0x4038;
	[tilespmem:$0x1F40] =	vst v63  }
0x14: {  	_ =	swait.ge [sflag:s4], $0x7D0  }
0x15: {  	s30 =	sshrl.u32 s13, $0x3;
	[sflag:s4] =	ssyncset.done $0x0  }
0x16: {  	s31 =	sand.u32 $0x7, s13;
	s15 =	sadd.s32 s8, s30;
	[sflag:s4] =	ssyncadd.s32 $0xFFFFF830  }
0x17: {  	[hbm4b:s15+s31] =	stream.linear.scatter [tilespmem:s14], [sflag:$0x3], $0x7D0, $0x38;
	[tilespmem:$0x1F40] =	vst v63  }
.LBB2_5:
0x18: {  	s15 =	sadd.s32 $0x7D00, s11  }
0x19: {  	p1 =	sgt.s32 s15, $0xC34F  }
0x1a: {  	s15 =	smov.u32 @p1 s5;
	p1 =	sne.s32 s12, s9  }
.Ltmp1:
0x1b: {  	p0 =	slt.u32 s12, $0x2;
	(pc) =	sbr.rel @!p1 .LBB2_6-.Ltmp1, $4  }
0x1c: {  	s14 =	simm.s32 @!p0 $0x3  }
0x1d: {  	_ =	swait.ge @!p0 [sflag:s14], $0x7D0  }
0x1e: {  	s16 =	sadd.s32 $0x1, s12;
	s13 =	smov.u32 s11;
	[sflag:s14] =	ssyncset.done @!p0 $0x0  }
0x1f: {  	s12 =	smov.u32 s16;
	s11 =	smov.u32 s15;
	[sflag:s14] =	ssyncadd.s32 @!p0 $0xFFFFF830  }
.LBB2_1:
0x20: {  	p0 =	sge.u32 s12, s7  }
0x21: {  	s14 =	sxor.u32 @!p0 $0x1, s12  }
0x22: {  	s14 =	smul.u32 @!p0 $0x1F40, s14  }
0x23: {  	s31 =	sadd.s32 $0xFFFFFFFF, s12;
	s15 =	sshrl.u32 @!p0 s11, $0x3  }
0x24: {  	s16 =	sand.u32 @!p0 $0x7, s11;
	s15 =	sadd.s32 @!p0 s3, s15;
	s14 =	sshra.s32 @!p0 s14, $0x2  }
0x25: {  	[tilespmem:s14], [sflag:$0x2] =	stream.linear.gather @!p0 [hbm4b:s15+s16], $0x7D0, $0x38;
	[tilespmem:$0x1F40] =	vst v63  }
0x26: {  	p0 =	sge.u32 s31, s7  }
.Ltmp2:
0x27: {  	_ = 	snop;
	(pc) =	sbr.rel @p0 .LBB2_5-.Ltmp2, $1  }
0x28: {  	_ =	sdelay $0x3  }
0x29: {  	s14 =	sand.u32 $0x1, s12  }
0x2a: {  	_ =	swait.ge [sflag:s6], $0x7D0;
	p0 =	seq.s32 s14, $0x1;
	s14 =	simm.s32 $0x7D0  }
0x2b: {  	[sflag:s6] =	ssyncset.done $0x0;
	s14 =	simm.s32 @!p0 $0x0  }
0x2c: {  	[sflag:s6] =	ssyncadd.s32 $0xFFFFF830;
	(ifvalue) =	ssetifvalue $0x7FFFFFFF;
	v0 =	vld.msk [tilespmem:s14+$0x0 ss:$0x1], $0xffff;
	_ =	sdelay $0x4  }
0x2d: {  	s15 =	sadd.s32 $0x10, s14;
	vm1 =	vgt.s32 v0, $0x0  }
0x2e: {  	v2 =	vld.msk [tilespmem:s15+$0x0 ss:$0x1], $0xffff;
	v1 =	vnsel vm1, $0x0, v0  }
0x2f: {  	v1 =	vmin.u32 v1, $0x3FFFFF;
	_ =	sdelay $0x2  }
0x30: {  	s17 =	simm.s32 $0x20;
	s14 =	sadd.s32 $0xFA0, s14;
	s16 =	sadd.s32 $0x10, s15  }
0x31: {  	s15 =	sadd.s32 $0x10, s14;
	s18 =	smov.u32 s14;
	v0 =	vld.msk [tilespmem:s16+$0x0 ss:$0x1], $0xffff;
	vm1 =	vgt.s32 v2, $0x0;
	(ifvalue) =	ssetifvalue $0x7FFFFFFF  }
.LBB2_3:
0x32: {  	[tilespmem:s18], [sflag:$0x1] =	stream.indirect_vreg.gather [hbm4b:s2+s10], $0x1, v1, vm0, $0x4038;
	[tilespmem:$0x1F40] =	vst v63  }
0x33: {  	s17 =	sadd.s32 $0x10, s17  }
0x34: {  	v2 =	vnsel vm1, $0x0, v2;
	p0 =	slt.u32 s17, $0x7C0  }
.Ltmp3:
0x35: {  	s18 =	smov.u32 s15;
	v1 =	vmin.u32 v2, $0x3FFFFF;
	(pc) =	sbr.rel @p0 .LBB2_3-.Ltmp3, $3  }
0x36: {  	_ =	sdelay $0x1  }
0x37: {  	s16 =	sadd.s32 $0x10, s16  }
0x38: {  	vm1 =	vgt.s32 v0, $0x0;
	s15 =	sadd.s32 $0x10, s15;
	v2 =	vmov v0;
	(ifvalue) =	ssetifvalue $0x7FFFFFFF;
	v0 =	vld.msk [tilespmem:s16+$0x0 ss:$0x1], $0xffff  }
.Ltmp4:
0x39: {  	_ = 	snop;
	(pc) =	sbr.rel .LBB2_4-.Ltmp4, $1  }
0x3a: {  	_ =	sdelay $0x3  }
.LBB2_6:
0x3b: {  	_ =	sfence.sel $0x180000  }
0x3c: {  	s2 =	simm.s32 $0x2;
	[bflag:$0x0] =	sbarrier.arrive $0xFFFF  }
0x3d: {  	s30 =	simm.s32 $0x3;
	[sflag:s2] =	ssyncpa.u1 $0x1  }
0x3e: {  	s31 =	simm.s32 $0x1;
	[sflag:s30] =	ssyncpa.u1 $0x1  }
0x3f: {  	[sflag:s31] =	ssyncpa.u1 $0x1  }
0x40: {  	p0 =	sne.s32 s1, $0x0;
	_ =	strace $0x9000004D  }
0x41: {  	s0 =	sadd.s32 @!p0 $0x100000, s0;
	[bflag:$0x2] =	sbarrier.arrive $0xFFFF  }
0x42: {  	[sflag:s0] =	ssyncadd.tile.s32 @!p0 $0x1;
	_ =	shalt  }
.Lfunc_end2:
_tile_overlayer_lowered:
.L_overlay_start_2:
0x43: {  	(tag) =	ssettag $0x2  }
0x44: {  	s0 =	rddreg [dreg:$0x0];
	s2 =	stileid.u32  }
0x45: {  	s1 =	rddreg [dreg:$0x1];
	p0 =	sne.s32 s2, $0x0  }
0x46: {  	s3 =	rddreg [dreg:$0x2];
	[bflag:$0x3] =	sbarrier.arrive $0xFFFF;
	s2 =	simm.s32 @!p0 $0x1C01  }
0x47: {  	[timem:s3], [sflag:s2] =	dma.local @!p0 [hbm:s0], s1  }
0x48: {  	s0 =	simm.s32 @!p0 $0x1  }
0x49: {  	_ =	swait.ge @!p0 [sflag:s0], s1  }
0x4a: {  	s1 =	ssub.s32 @!p0 $0x0, s1;
	[sflag:s0] =	ssyncset.done @!p0 $0x0  }
0x4b: {  	[sflag:s0] =	ssyncadd.s32 @!p0 s1  }
0x4c: {  	[bflag:$0x3] =	sbarrier.arrive $0xFFFF  }
0x4d: {  	_ =	shalt  }

// kernel: gather_offload_async_start.7
scs
__scs_entry_jumppad:
0x0: {  	(pc) =	sbr.rel $0x88, $3  }
0x1: {  	(tag) =	ssettag $0x0;
	lr =	simm.s32 $0x1  }
0x2: {  	[smem:$0x3F9C] =	sst lr;
	_ =	strace $0xD0000000  }
0x3: {  	_ = 	snop  }
0x4: {  	_ = 	snop  }
0x5: {  	_ = 	snop  }
0x6: {  	_ = 	snop  }
0x7: {  	_ = 	snop  }
__scs_overlays_trampoline_lowered:
0x8: {  	[smem:$0x3FAB] =	sst s0  }
0x9: {  	[smem:$0x3FAC] =	sst s1  }
0xa: {  	[smem:$0x3FAD] =	sst s2  }
0xb: {  	[smem:$0x3FAE] =	sst s3  }
0xc: {  	[smem:$0x3FAF] =	sst s4  }
0xd: {  	[smem:$0x3FB0] =	sst s5  }
0xe: {  	[smem:$0x3FB1] =	sst s6  }
0xf: {  	[smem:$0x3FB2] =	sst s7  }
0x10: {  	[smem:$0x3FB3] =	sst s8  }
0x11: {  	[smem:$0x3FB4] =	sst s9;
	s0 =	simm.s32 @!p0 $0x0  }
0x12: {  	s1 =	sld [smem:$0x3F9A];
	s0 =	simm.s32 @p0 $0x1  }
0x13: {  	[smem:$0x3FB5] =	sst s0;
	s0 =	simm.s32 @!p1 $0x0  }
0x14: {  	s2 =	sld [smem:$0x3F99];
	s0 =	simm.s32 @p1 $0x1  }
0x15: {  	[smem:$0x3FB6] =	sst s0;
	s0 =	simm.s32 @!p2 $0x0  }
0x16: {  	s3 =	sld [smem:$0x3FDB];
	s0 =	simm.s32 @p2 $0x1  }
0x17: {  	s4 =	simm.s32 $0x1BF5;
	[smem:$0x3FB8] =	sst s0  }
0x18: {  	s0 =	sld [smem:$0x3F9B];
	_ =	swait.ge [sflag:s4], $0x0  }
0x19: {  	s7 =	sld [smem:$0x3F9C]  }
0x1a: {  	s8 =	sadd.s32 $0xFFFFE003, lr  }
0x1b: {  	s9 =	sadd.s32 $0xFFFFFEF7, lr;
	s5 =	simm.s32 $0xFFFFFFFF;
	p2 =	slt.u32 s8, $0xFFFFF086  }
0x1c: {  	p1 =	slt.u32 s9, $0xF7A;
	s5 =	simm.s32 @!p2 $0x0  }
0x1d: {  	s5 =	simm.s32 @p1 $0x1;
	p0 =	seq.s32 s7, s2  }
0x1e: {  	s7 =	smul.u32 @!p0 $0xF7A, s2;
	p2 =	seq.s32 @!p0 s5, $0x0  }
0x1f: {  	s9 =	smul.u32 $0xF7A, s1;
	s8 =	simm.s32 @!p0 $0x1BF5;
	p2 =	por !p2, p0  }
0x20: {  	[sflag:s8] =	ssyncset.s32 @!p0 $0xFFFFF086;
	s6 =	sadd.s32 @!p0 s3, s7;
	s7 =	simm.s32 @!p0 $0x108  }
0x21: {  	s3 =	sadd.s32 s3, s9;
	s6 =	sadd.s32 @!p0 $0x88, s6;
	s7 =	simm.s32 @p2 $0x1082  }
0x22: {  	[simem:s7], [sflag:s8] =	dma.local @!p0 [hbm:s6], $0xF7A  }
0x23: {  	s9 =	sor.u32 $0xD0000000, s2;
	s6 =	simm.s32 $0x108;
	_ =	swait.ge @!p0 [sflag:s8], $0x0  }
0x24: {  	s3 =	sadd.s32 $0x88, s3;
	s6 =	simm.s32 @!p1 $0x1082;
	[sflag:s4] =	ssyncset.s32 $0xFFFFF086  }
0x25: {  	[simem:s6], [sflag:s4] =	dma.local [hbm:s3], $0xF7A  }
0x26: {  	[smem:$0x3F9C] =	sst s1;
	(tag) =	ssettag s2;
	_ =	strace s9  }
0x27: {  	s1 =	sld [smem:$0x3FAC]  }
0x28: {  	s2 =	sld [smem:$0x3FAD]  }
0x29: {  	s4 =	sld [smem:$0x3FAF]  }
0x2a: {  	p0 =	seq.s32 s5, $0x0;
	s5 =	sld [smem:$0x3FB0]  }
0x2b: {  	s6 =	sld [smem:$0x3FB1]  }
0x2c: {  	s7 =	sld [smem:$0x3FB2]  }
0x2d: {  	s3 =	simm.s32 $0x108;
	s8 =	sld [smem:$0x3FB3]  }
0x2e: {  	s3 =	simm.s32 @!p0 $0x1082;
	s9 =	sld [smem:$0x3FB4]  }
0x2f: {  	lr =	sadd.s32 s0, s3;
	s0 =	sld [smem:$0x3FAB]  }
0x30: {  	s3 =	sld [smem:$0x3FAE]  }
0x31: {  	[smem:$0x3FB7] =	sst s10  }
0x32: {  	s10 =	sld [smem:$0x3FB5];
	_ =	sdelay $0x3  }
0x33: {  	p0 =	seq.s32 s10, $0x1;
	s10 =	sld [smem:$0x3FB7];
	_ =	sdelay $0x3  }
0x34: {  	[smem:$0x3FB7] =	sst s10  }
0x35: {  	s10 =	sld [smem:$0x3FB6];
	_ =	sdelay $0x3  }
0x36: {  	p1 =	seq.s32 s10, $0x1;
	s10 =	sld [smem:$0x3FB7];
	_ =	sdelay $0x3  }
0x37: {  	[smem:$0x3FB7] =	sst s10  }
0x38: {  	s10 =	sld [smem:$0x3FB8]  }
0x39: {  	_ = 	snop;
	(pc) =	sbr.ind lr, $3  }
0x3a: {  	_ = 	snop  }
0x3b: {  	_ = 	snop  }
0x3c: {  	p2 =	seq.s32 s10, $0x1;
	s10 =	sld [smem:$0x3FB7]  }
0x3d: {  	_ =	shalt  }
0x3e: {  	_ =	shalt  }
0x3f: {  	_ =	shalt  }
0x40: {  	_ =	shalt  }
0x41: {  	_ =	shalt  }
0x42: {  	_ =	shalt  }
0x43: {  	_ =	shalt  }
0x44: {  	_ =	shalt  }
0x45: {  	_ =	shalt  }
0x46: {  	_ =	shalt  }
0x47: {  	_ =	shalt  }
0x48: {  	_ =	shalt  }
0x49: {  	_ =	shalt  }
0x4a: {  	_ =	shalt  }
0x4b: {  	_ =	shalt  }
0x4c: {  	_ =	shalt  }
0x4d: {  	_ =	shalt  }
0x4e: {  	_ =	shalt  }
0x4f: {  	_ =	shalt  }
0x50: {  	_ =	shalt  }
0x51: {  	_ =	shalt  }
0x52: {  	_ =	shalt  }
0x53: {  	_ =	shalt  }
0x54: {  	_ =	shalt  }
0x55: {  	_ =	shalt  }
0x56: {  	_ =	shalt  }
0x57: {  	_ =	shalt  }
0x58: {  	_ =	shalt  }
0x59: {  	_ =	shalt  }
0x5a: {  	_ =	shalt  }
0x5b: {  	_ =	shalt  }
0x5c: {  	_ =	shalt  }
0x5d: {  	_ =	shalt  }
0x5e: {  	_ =	shalt  }
0x5f: {  	_ =	shalt  }
0x60: {  	_ =	shalt  }
0x61: {  	_ =	shalt  }
0x62: {  	_ =	shalt  }
0x63: {  	_ =	shalt  }
0x64: {  	_ =	shalt  }
0x65: {  	_ =	shalt  }
0x66: {  	_ =	shalt  }
0x67: {  	_ =	shalt  }
0x68: {  	_ =	shalt  }
0x69: {  	_ =	shalt  }
0x6a: {  	_ =	shalt  }
0x6b: {  	_ =	shalt  }
0x6c: {  	_ =	shalt  }
0x6d: {  	_ =	shalt  }
0x6e: {  	_ =	shalt  }
0x6f: {  	_ =	shalt  }
0x70: {  	_ =	shalt  }
0x71: {  	_ =	shalt  }
0x72: {  	_ =	shalt  }
0x73: {  	_ =	shalt  }
0x74: {  	_ =	shalt  }
0x75: {  	_ =	shalt  }
0x76: {  	_ =	shalt  }
0x77: {  	_ =	shalt  }
0x78: {  	_ =	shalt  }
0x79: {  	_ =	shalt  }
0x7a: {  	_ =	shalt  }
0x7b: {  	_ =	shalt  }
0x7c: {  	_ =	shalt  }
0x7d: {  	_ =	shalt  }
0x7e: {  	_ =	shalt  }
0x7f: {  	_ =	shalt  }
0x80: {  	_ =	shalt  }
0x81: {  	_ =	shalt  }
0x82: {  	_ =	shalt  }
0x83: {  	_ =	shalt  }
0x84: {  	_ =	shalt  }
0x85: {  	_ =	shalt  }
0x86: {  	_ =	shalt  }
0x87: {  	_ =	shalt  }
.Lfunc_end0:
.L_simem_size_0:
called_computation.7_lowered:
.L_overlay_start_0:
0x88: {  	s0 =	sld [smem:$0x3FD9]  }
0x89: {  	s1 =	sld [smem:$0x3FFE];
	_ =	sdelay $0x3  }
0x8a: {  	s0 =	sadd.s32 s1, s0  }
0x8b: {  	[smem:$0x3FC3] =	sst s0  }
0x8c: {  	_ = 	snop  }
0x8d: {  	(tm) =	ssettm $0x1  }
0x8e: {  	s15 =	sld [smem:$0x3FFB];
	_ =	sdelay $0x3  }
0x8f: {  	_ =	strace s15  }
0x90: {  	s0 =	sld [smem:$0x3FFC];
	_ =	sdelay $0x3  }
0x91: {  	_ =	strace s0  }
0x92: {  	s0 =	sld [smem:$0x3FFD];
	_ =	sdelay $0x3  }
0x93: {  	_ =	strace s0  }
0x94: {  	_ =	strace $0x8FFFFFFF  }
0x95: {  	s16 =	sld [smem:$0x3FDB];
	_ =	sdelay $0x1  }
0x96: {  	s17 =	simm.s32 $_scs_section_size  }
0x97: {  	s2 =	simm.s32 $_size__tile_overlayer_lowered;
	s3 =	simm.s32 $_tile_overlayer_lowered  }
0x98: {  	s20 =	simm.s32 $0x1BFF;
	s19 =	sshll.u32 s3, $0x1;
	s0 =	sadd.s32 s17, s16  }
0x99: {  	s4 =	simm.s32 $0x0;
	s18 =	sshll.u32 s2, $0x1;
	s2 =	sadd.s32 s19, s0  }
0x9a: {  	[timem:s4], [sflag:s20] =	dma.local [hbm:s2], s18  }
0x9b: {  	_ =	swait.ge [sflag:s20], s18  }
0x9c: {  	s1 =	ssub.s32 $0x0, s18;
	[sflag:s20] =	ssyncset.done $0x0  }
0x9d: {  	[sflag:s20] =	ssyncadd.s32 s1;
	_ =	sdelay $0x1  }
0x9e: {  	s21 =	simm.s32 $0x1B8B  }
0x9f: {  	_ =	swait.ge [sflag:s21], $0x1  }
0xa0: {  	[sflag:s21] =	ssyncset.done $0x0  }
0xa1: {  	s23 =	simm.s32 $0x1B8E;
	s22 =	sld [smem:$0x3FFE];
	[sflag:s21] =	ssyncadd.s32 $0xFFFFFFFF  }
0xa2: {  	s24 =	simm.s32 $execute0_lowered;
	[smem:$0x3FD2] =	sst s23  }
0xa3: {  	s2 =	sshll.u32 s24, $0x1;
	_ =	strace $0x80000055;
	[dreg:$0x1] =	wrdreg $0xFFFFFFFF  }
0xa4: {  	s25 =	simm.s32 $_size_execute0_lowered;
	s0 =	sadd.s32 s0, s2;
	[dreg:$0x0] =	wrdreg $0x0  }
0xa5: {  	s2 =	sshll.u32 s25, $0x1;
	[dreg:$0x2] =	wrdreg s0  }
0xa6: {  	[dreg:$0x3] =	wrdreg s2  }
0xa7: {  	[dreg:$0x4] =	wrdreg $0xC0  }
0xa8: {  	_ =	task [dreg:s4], $0x5FFFF  }
0xa9: {  	[dreg:$0x1] =	wrdreg $0xFFFFFFFF  }
0xaa: {  	[dreg:$0x0] =	wrdreg $0x60  }
0xab: {  	[dreg:$0x2] =	wrdreg s22  }
0xac: {  	[dreg:$0x3] =	wrdreg $0xA  }
0xad: {  	_ =	task.clear_ibuf [dreg:s4], $0x4FFFF;
	_ =	strace $0x90000055  }
0xae: {  	s26 =	simm.s32 $0xA;
	_ =	strace $0x80000057  }
0xaf: {  	_ =	swait.ge [sflag:s26], $0x1  }
0xb0: {  	[sflag:s26] =	ssyncadd.s32 $0xFFFFFFFF  }
0xb1: {  	_ =	strace $0x90000057  }
0xb2: {  	_ =	sfence  }
0xb3: {  	s28 =	sld [smem:$0x0];
	_ =	sdelay $0x1  }
0xb4: {  	s29 =	srdreg.scid  }
0xb5: {  	s30 =	sshll.u32 s29, $0xD;
	s31 =	sshrl.u32 s29, $0x2  }
0xb6: {  	s1 =	sand.u32 $0x1, s29;
	s2 =	sand.u32 $0x4000, s30;
	s0 =	sadd.s32 s31, s28  }
0xb7: {  	s1 =	sor.u32 s2, s1;
	s0 =	sshll.u32 s0, $0x11  }
0xb8: {  	s0 =	sor.u32 s0, s1  }
0xb9: {  	s0 =	sadd.s32 $0x8F2B, s0  }
0xba: {  	[sflag:s0] =	ssyncadd.remote.s32 $0x1  }
0xbb: {  	_ =	sfence.sel $0xFFFF  }
0xbc: {  	[dreg:$0x0] =	wrdreg $0xFFFFFFFF;
	(pc) =	sbr.abs _section_cstart, $3  }
0xbd: {  	[dreg:$0x1] =	wrdreg $0xFFFFFFFF  }
0xbe: {  	_ =	task.clear_ibuf [dreg:s4], $0x2FFFF;
	_ =	strace $0x9FFFFFFF  }
0xbf: {  	(tm) =	ssettm $0x7FFFFFFF  }
tec
execute0_lowered:
.L_overlay_start_1:
0x0: {  	(tag) =	ssettag $0x1  }
0x1: {  	s8 =	rddreg [dreg:$0x0]  }
0x2: {  	s0 =	rddreg [dreg:$0x1];
	_ =	strace $0x80000056  }
0x3: {  	s4 =	simm.s32 $0x1;
	s1 =	stileid.u32;
	s7 =	simm.s32 $0x1  }
0x4: {  	s9 =	simm.s32 $0x1;
	s6 =	simm.s32 $0x2;
	s10 =	simm.s32 $0x3  }
0x5: {  	s13 =	simm.s32 $0x0;
	s12 =	simm.s32 $0x0;
	s2 =	sadd.s32 $0x9EC00, s8  }
.Ltmp0:
0x6: {  	s3 =	sadd.s32 $0x7E400, s8;
	p0 =	slt.u32 s1, $0xA;
	(pc) =	sbr.rel .LBB2_1-.Ltmp0, $4  }
0x7: {  	[sflag:s4] =	ssyncpa.u1 $0x0;
	s7 =	simm.s32 @!p0 $0x0;
	p0 =	sne.s32 s1, $0x9  }
0x8: {  	s5 =	smul.u32 $0x7D0, s1;
	[sflag:s6] =	ssyncpa.u1 $0x0;
	s9 =	simm.s32 @!p0 $0x0  }
0x9: {  	s8 =	sadd.s32 $0x7C600, s8;
	[sflag:s10] =	ssyncpa.u1 $0x0;
	s7 =	sadd.s32 s9, s7  }
0xa: {  	vm0 =	vmmov $0xffff;
	s10 =	simm.s32 $0x0;
	s11 =	smov.u32 s5;
	s9 =	sadd.s32 $0x1, s7  }
.LBB2_4:
0xb: {  	v2 =	vnsel vm1, $0x0, v2  }
0xc: {  	vm1 =	vgt.s32 v0, $0x0;
	v2 =	vmin.u32 v2, $0x3FFFFF  }
0xd: {  	v0 =	vnsel vm1, $0x0, v0  }
0xe: {  	v0 =	vmin.u32 v0, $0x3FFFFF  }
0xf: {  	[tilespmem:s18], [sflag:$0x1] =	stream.indirect_vreg.gather [hbm4b:s2+s10], $0x1, v1, vm0, $0x4038;
	[tilespmem:$0x1F40] =	vst v63  }
0x10: {  	(ifvalue) =	ssetifvalue $0x7FFFFFFF  }
0x11: {  	[tilespmem:s15], [sflag:$0x1] =	stream.indirect_vreg.gather [hbm4b:s2+s10], $0x1, v2, vm0, $0x4038;
	[tilespmem:$0x1F40] =	vst v63  }
0x12: {  	s29 =	sadd.s32 $0x10, s15;
	(ifvalue) =	ssetifvalue $0x7FFFFFFF  }
0x13: {  	[tilespmem:s29], [sflag:$0x1] =	stream.indirect_vreg.gather [hbm4b:s2+s10], $0x1, v0, vm0, $0x4038;
	[tilespmem:$0x1F40] =	vst v63  }
0x14: {  	_ =	swait.ge [sflag:s4], $0x7D0  }
0x15: {  	s30 =	sshrl.u32 s13, $0x3;
	[sflag:s4] =	ssyncset.done $0x0  }
0x16: {  	s31 =	sand.u32 $0x7, s13;
	s15 =	sadd.s32 s8, s30;
	[sflag:s4] =	ssyncadd.s32 $0xFFFFF830  }
0x17: {  	[hbm4b:s15+s31] =	stream.linear.scatter [tilespmem:s14], [sflag:$0x3], $0x7D0, $0x38;
	[tilespmem:$0x1F40] =	vst v63  }
.LBB2_5:
0x18: {  	s15 =	sadd.s32 $0x7D00, s11  }
0x19: {  	p1 =	sgt.s32 s15, $0xC34F  }
0x1a: {  	s15 =	smov.u32 @p1 s5;
	p1 =	sne.s32 s12, s9  }
.Ltmp1:
0x1b: {  	p0 =	slt.u32 s12, $0x2;
	(pc) =	sbr.rel @!p1 .LBB2_6-.Ltmp1, $4  }
0x1c: {  	s14 =	simm.s32 @!p0 $0x3  }
0x1d: {  	_ =	swait.ge @!p0 [sflag:s14], $0x7D0  }
0x1e: {  	s16 =	sadd.s32 $0x1, s12;
	s13 =	smov.u32 s11;
	[sflag:s14] =	ssyncset.done @!p0 $0x0  }
0x1f: {  	s12 =	smov.u32 s16;
	s11 =	smov.u32 s15;
	[sflag:s14] =	ssyncadd.s32 @!p0 $0xFFFFF830  }
.LBB2_1:
0x20: {  	p0 =	sge.u32 s12, s7  }
0x21: {  	s14 =	sxor.u32 @!p0 $0x1, s12  }
0x22: {  	s14 =	smul.u32 @!p0 $0x1F40, s14  }
0x23: {  	s31 =	sadd.s32 $0xFFFFFFFF, s12;
	s15 =	sshrl.u32 @!p0 s11, $0x3  }
0x24: {  	s16 =	sand.u32 @!p0 $0x7, s11;
	s15 =	sadd.s32 @!p0 s3, s15;
	s14 =	sshra.s32 @!p0 s14, $0x2  }
0x25: {  	[tilespmem:s14], [sflag:$0x2] =	stream.linear.gather @!p0 [hbm4b:s15+s16], $0x7D0, $0x38;
	[tilespmem:$0x1F40] =	vst v63  }
0x26: {  	p0 =	sge.u32 s31, s7  }
.Ltmp2:
0x27: {  	_ = 	snop;
	(pc) =	sbr.rel @p0 .LBB2_5-.Ltmp2, $1  }
0x28: {  	_ =	sdelay $0x3  }
0x29: {  	s14 =	sand.u32 $0x1, s12  }
0x2a: {  	_ =	swait.ge [sflag:s6], $0x7D0;
	p0 =	seq.s32 s14, $0x1;
	s14 =	simm.s32 $0x7D0  }
0x2b: {  	[sflag:s6] =	ssyncset.done $0x0;
	s14 =	simm.s32 @!p0 $0x0  }
0x2c: {  	[sflag:s6] =	ssyncadd.s32 $0xFFFFF830;
	(ifvalue) =	ssetifvalue $0x7FFFFFFF;
	v0 =	vld.msk [tilespmem:s14+$0x0 ss:$0x1], $0xffff;
	_ =	sdelay $0x4  }
0x2d: {  	s15 =	sadd.s32 $0x10, s14;
	vm1 =	vgt.s32 v0, $0x0  }
0x2e: {  	v2 =	vld.msk [tilespmem:s15+$0x0 ss:$0x1], $0xffff;
	v1 =	vnsel vm1, $0x0, v0  }
0x2f: {  	v1 =	vmin.u32 v1, $0x3FFFFF;
	_ =	sdelay $0x2  }
0x30: {  	s17 =	simm.s32 $0x20;
	s14 =	sadd.s32 $0xFA0, s14;
	s16 =	sadd.s32 $0x10, s15  }
0x31: {  	s15 =	sadd.s32 $0x10, s14;
	s18 =	smov.u32 s14;
	v0 =	vld.msk [tilespmem:s16+$0x0 ss:$0x1], $0xffff;
	vm1 =	vgt.s32 v2, $0x0;
	(ifvalue) =	ssetifvalue $0x7FFFFFFF  }
.LBB2_3:
0x32: {  	[tilespmem:s18], [sflag:$0x1] =	stream.indirect_vreg.gather [hbm4b:s2+s10], $0x1, v1, vm0, $0x4038;
	[tilespmem:$0x1F40] =	vst v63  }
0x33: {  	s17 =	sadd.s32 $0x10, s17  }
0x34: {  	v2 =	vnsel vm1, $0x0, v2;
	p0 =	slt.u32 s17, $0x7C0  }
.Ltmp3:
0x35: {  	s18 =	smov.u32 s15;
	v1 =	vmin.u32 v2, $0x3FFFFF;
	(pc) =	sbr.rel @p0 .LBB2_3-.Ltmp3, $3  }
0x36: {  	_ =	sdelay $0x1  }
0x37: {  	s16 =	sadd.s32 $0x10, s16  }
0x38: {  	vm1 =	vgt.s32 v0, $0x0;
	s15 =	sadd.s32 $0x10, s15;
	v2 =	vmov v0;
	(ifvalue) =	ssetifvalue $0x7FFFFFFF;
	v0 =	vld.msk [tilespmem:s16+$0x0 ss:$0x1], $0xffff  }
.Ltmp4:
0x39: {  	_ = 	snop;
	(pc) =	sbr.rel .LBB2_4-.Ltmp4, $1  }
0x3a: {  	_ =	sdelay $0x3  }
.LBB2_6:
0x3b: {  	_ =	sfence.sel $0x180000  }
0x3c: {  	s2 =	simm.s32 $0x2;
	[bflag:$0x0] =	sbarrier.arrive $0xFFFF  }
0x3d: {  	s30 =	simm.s32 $0x3;
	[sflag:s2] =	ssyncpa.u1 $0x1  }
0x3e: {  	s31 =	simm.s32 $0x1;
	[sflag:s30] =	ssyncpa.u1 $0x1  }
0x3f: {  	[sflag:s31] =	ssyncpa.u1 $0x1  }
0x40: {  	p0 =	sne.s32 s1, $0x0;
	_ =	strace $0x90000056  }
0x41: {  	s0 =	sadd.s32 @!p0 $0x100000, s0;
	[bflag:$0x2] =	sbarrier.arrive $0xFFFF  }
0x42: {  	[sflag:s0] =	ssyncadd.tile.s32 @!p0 $0x1;
	_ =	shalt  }
.Lfunc_end2:
_tile_overlayer_lowered:
.L_overlay_start_2:
0x43: {  	(tag) =	ssettag $0x2  }
0x44: {  	s0 =	rddreg [dreg:$0x0];
	s2 =	stileid.u32  }
0x45: {  	s1 =	rddreg [dreg:$0x1];
	p0 =	sne.s32 s2, $0x0  }
0x46: {  	s3 =	rddreg [dreg:$0x2];
	[bflag:$0x3] =	sbarrier.arrive $0xFFFF;
	s2 =	simm.s32 @!p0 $0x1C01  }
0x47: {  	[timem:s3], [sflag:s2] =	dma.local @!p0 [hbm:s0], s1  }
0x48: {  	s0 =	simm.s32 @!p0 $0x1  }
0x49: {  	_ =	swait.ge @!p0 [sflag:s0], s1  }
0x4a: {  	s1 =	ssub.s32 @!p0 $0x0, s1;
	[sflag:s0] =	ssyncset.done @!p0 $0x0  }
0x4b: {  	[sflag:s0] =	ssyncadd.s32 @!p0 s1  }
0x4c: {  	[bflag:$0x3] =	sbarrier.arrive $0xFFFF  }
0x4d: {  	_ =	shalt  }

// kernel: gather_offload_async_start.8
scs
__scs_entry_jumppad:
0x0: {  	(pc) =	sbr.rel $0x88, $3  }
0x1: {  	(tag) =	ssettag $0x0;
	lr =	simm.s32 $0x1  }
0x2: {  	[smem:$0x3F9C] =	sst lr;
	_ =	strace $0xD0000000  }
0x3: {  	_ = 	snop  }
0x4: {  	_ = 	snop  }
0x5: {  	_ = 	snop  }
0x6: {  	_ = 	snop  }
0x7: {  	_ = 	snop  }
__scs_overlays_trampoline_lowered:
0x8: {  	[smem:$0x3FAB] =	sst s0  }
0x9: {  	[smem:$0x3FAC] =	sst s1  }
0xa: {  	[smem:$0x3FAD] =	sst s2  }
0xb: {  	[smem:$0x3FAE] =	sst s3  }
0xc: {  	[smem:$0x3FAF] =	sst s4  }
0xd: {  	[smem:$0x3FB0] =	sst s5  }
0xe: {  	[smem:$0x3FB1] =	sst s6  }
0xf: {  	[smem:$0x3FB2] =	sst s7  }
0x10: {  	[smem:$0x3FB3] =	sst s8  }
0x11: {  	[smem:$0x3FB4] =	sst s9;
	s0 =	simm.s32 @!p0 $0x0  }
0x12: {  	s1 =	sld [smem:$0x3F9A];
	s0 =	simm.s32 @p0 $0x1  }
0x13: {  	[smem:$0x3FB5] =	sst s0;
	s0 =	simm.s32 @!p1 $0x0  }
0x14: {  	s2 =	sld [smem:$0x3F99];
	s0 =	simm.s32 @p1 $0x1  }
0x15: {  	[smem:$0x3FB6] =	sst s0;
	s0 =	simm.s32 @!p2 $0x0  }
0x16: {  	s3 =	sld [smem:$0x3FDB];
	s0 =	simm.s32 @p2 $0x1  }
0x17: {  	s4 =	simm.s32 $0x1BF5;
	[smem:$0x3FB8] =	sst s0  }
0x18: {  	s0 =	sld [smem:$0x3F9B];
	_ =	swait.ge [sflag:s4], $0x0  }
0x19: {  	s7 =	sld [smem:$0x3F9C]  }
0x1a: {  	s8 =	sadd.s32 $0xFFFFE003, lr  }
0x1b: {  	s9 =	sadd.s32 $0xFFFFFEF7, lr;
	s5 =	simm.s32 $0xFFFFFFFF;
	p2 =	slt.u32 s8, $0xFFFFF086  }
0x1c: {  	p1 =	slt.u32 s9, $0xF7A;
	s5 =	simm.s32 @!p2 $0x0  }
0x1d: {  	s5 =	simm.s32 @p1 $0x1;
	p0 =	seq.s32 s7, s2  }
0x1e: {  	s7 =	smul.u32 @!p0 $0xF7A, s2;
	p2 =	seq.s32 @!p0 s5, $0x0  }
0x1f: {  	s9 =	smul.u32 $0xF7A, s1;
	s8 =	simm.s32 @!p0 $0x1BF5;
	p2 =	por !p2, p0  }
0x20: {  	[sflag:s8] =	ssyncset.s32 @!p0 $0xFFFFF086;
	s6 =	sadd.s32 @!p0 s3, s7;
	s7 =	simm.s32 @!p0 $0x108  }
0x21: {  	s3 =	sadd.s32 s3, s9;
	s6 =	sadd.s32 @!p0 $0x88, s6;
	s7 =	simm.s32 @p2 $0x1082  }
0x22: {  	[simem:s7], [sflag:s8] =	dma.local @!p0 [hbm:s6], $0xF7A  }
0x23: {  	s9 =	sor.u32 $0xD0000000, s2;
	s6 =	simm.s32 $0x108;
	_ =	swait.ge @!p0 [sflag:s8], $0x0  }
0x24: {  	s3 =	sadd.s32 $0x88, s3;
	s6 =	simm.s32 @!p1 $0x1082;
	[sflag:s4] =	ssyncset.s32 $0xFFFFF086  }
0x25: {  	[simem:s6], [sflag:s4] =	dma.local [hbm:s3], $0xF7A  }
0x26: {  	[smem:$0x3F9C] =	sst s1;
	(tag) =	ssettag s2;
	_ =	strace s9  }
0x27: {  	s1 =	sld [smem:$0x3FAC]  }
0x28: {  	s2 =	sld [smem:$0x3FAD]  }
0x29: {  	s4 =	sld [smem:$0x3FAF]  }
0x2a: {  	p0 =	seq.s32 s5, $0x0;
	s5 =	sld [smem:$0x3FB0]  }
0x2b: {  	s6 =	sld [smem:$0x3FB1]  }
0x2c: {  	s7 =	sld [smem:$0x3FB2]  }
0x2d: {  	s3 =	simm.s32 $0x108;
	s8 =	sld [smem:$0x3FB3]  }
0x2e: {  	s3 =	simm.s32 @!p0 $0x1082;
	s9 =	sld [smem:$0x3FB4]  }
0x2f: {  	lr =	sadd.s32 s0, s3;
	s0 =	sld [smem:$0x3FAB]  }
0x30: {  	s3 =	sld [smem:$0x3FAE]  }
0x31: {  	[smem:$0x3FB7] =	sst s10  }
0x32: {  	s10 =	sld [smem:$0x3FB5];
	_ =	sdelay $0x3  }
0x33: {  	p0 =	seq.s32 s10, $0x1;
	s10 =	sld [smem:$0x3FB7];
	_ =	sdelay $0x3  }
0x34: {  	[smem:$0x3FB7] =	sst s10  }
0x35: {  	s10 =	sld [smem:$0x3FB6];
	_ =	sdelay $0x3  }
0x36: {  	p1 =	seq.s32 s10, $0x1;
	s10 =	sld [smem:$0x3FB7];
	_ =	sdelay $0x3  }
0x37: {  	[smem:$0x3FB7] =	sst s10  }
0x38: {  	s10 =	sld [smem:$0x3FB8]  }
0x39: {  	_ = 	snop;
	(pc) =	sbr.ind lr, $3  }
0x3a: {  	_ = 	snop  }
0x3b: {  	_ = 	snop  }
0x3c: {  	p2 =	seq.s32 s10, $0x1;
	s10 =	sld [smem:$0x3FB7]  }
0x3d: {  	_ =	shalt  }
0x3e: {  	_ =	shalt  }
0x3f: {  	_ =	shalt  }
0x40: {  	_ =	shalt  }
0x41: {  	_ =	shalt  }
0x42: {  	_ =	shalt  }
0x43: {  	_ =	shalt  }
0x44: {  	_ =	shalt  }
0x45: {  	_ =	shalt  }
0x46: {  	_ =	shalt  }
0x47: {  	_ =	shalt  }
0x48: {  	_ =	shalt  }
0x49: {  	_ =	shalt  }
0x4a: {  	_ =	shalt  }
0x4b: {  	_ =	shalt  }
0x4c: {  	_ =	shalt  }
0x4d: {  	_ =	shalt  }
0x4e: {  	_ =	shalt  }
0x4f: {  	_ =	shalt  }
0x50: {  	_ =	shalt  }
0x51: {  	_ =	shalt  }
0x52: {  	_ =	shalt  }
0x53: {  	_ =	shalt  }
0x54: {  	_ =	shalt  }
0x55: {  	_ =	shalt  }
0x56: {  	_ =	shalt  }
0x57: {  	_ =	shalt  }
0x58: {  	_ =	shalt  }
0x59: {  	_ =	shalt  }
0x5a: {  	_ =	shalt  }
0x5b: {  	_ =	shalt  }
0x5c: {  	_ =	shalt  }
0x5d: {  	_ =	shalt  }
0x5e: {  	_ =	shalt  }
0x5f: {  	_ =	shalt  }
0x60: {  	_ =	shalt  }
0x61: {  	_ =	shalt  }
0x62: {  	_ =	shalt  }
0x63: {  	_ =	shalt  }
0x64: {  	_ =	shalt  }
0x65: {  	_ =	shalt  }
0x66: {  	_ =	shalt  }
0x67: {  	_ =	shalt  }
0x68: {  	_ =	shalt  }
0x69: {  	_ =	shalt  }
0x6a: {  	_ =	shalt  }
0x6b: {  	_ =	shalt  }
0x6c: {  	_ =	shalt  }
0x6d: {  	_ =	shalt  }
0x6e: {  	_ =	shalt  }
0x6f: {  	_ =	shalt  }
0x70: {  	_ =	shalt  }
0x71: {  	_ =	shalt  }
0x72: {  	_ =	shalt  }
0x73: {  	_ =	shalt  }
0x74: {  	_ =	shalt  }
0x75: {  	_ =	shalt  }
0x76: {  	_ =	shalt  }
0x77: {  	_ =	shalt  }
0x78: {  	_ =	shalt  }
0x79: {  	_ =	shalt  }
0x7a: {  	_ =	shalt  }
0x7b: {  	_ =	shalt  }
0x7c: {  	_ =	shalt  }
0x7d: {  	_ =	shalt  }
0x7e: {  	_ =	shalt  }
0x7f: {  	_ =	shalt  }
0x80: {  	_ =	shalt  }
0x81: {  	_ =	shalt  }
0x82: {  	_ =	shalt  }
0x83: {  	_ =	shalt  }
0x84: {  	_ =	shalt  }
0x85: {  	_ =	shalt  }
0x86: {  	_ =	shalt  }
0x87: {  	_ =	shalt  }
.Lfunc_end0:
.L_simem_size_0:
called_computation.8_lowered:
.L_overlay_start_0:
0x88: {  	s0 =	sld [smem:$0x3FD9]  }
0x89: {  	s1 =	sld [smem:$0x3FFE];
	_ =	sdelay $0x3  }
0x8a: {  	s0 =	sadd.s32 s1, s0  }
0x8b: {  	[smem:$0x3FC3] =	sst s0  }
0x8c: {  	_ = 	snop  }
0x8d: {  	(tm) =	ssettm $0x1  }
0x8e: {  	s15 =	sld [smem:$0x3FFB];
	_ =	sdelay $0x3  }
0x8f: {  	_ =	strace s15  }
0x90: {  	s0 =	sld [smem:$0x3FFC];
	_ =	sdelay $0x3  }
0x91: {  	_ =	strace s0  }
0x92: {  	s0 =	sld [smem:$0x3FFD];
	_ =	sdelay $0x3  }
0x93: {  	_ =	strace s0  }
0x94: {  	_ =	strace $0x8FFFFFFF  }
0x95: {  	s16 =	sld [smem:$0x3FDB];
	_ =	sdelay $0x1  }
0x96: {  	s17 =	simm.s32 $_scs_section_size  }
0x97: {  	s2 =	simm.s32 $_size__tile_overlayer_lowered;
	s3 =	simm.s32 $_tile_overlayer_lowered  }
0x98: {  	s20 =	simm.s32 $0x1BFF;
	s19 =	sshll.u32 s3, $0x1;
	s0 =	sadd.s32 s17, s16  }
0x99: {  	s4 =	simm.s32 $0x0;
	s18 =	sshll.u32 s2, $0x1;
	s2 =	sadd.s32 s19, s0  }
0x9a: {  	[timem:s4], [sflag:s20] =	dma.local [hbm:s2], s18  }
0x9b: {  	_ =	swait.ge [sflag:s20], s18  }
0x9c: {  	s1 =	ssub.s32 $0x0, s18;
	[sflag:s20] =	ssyncset.done $0x0  }
0x9d: {  	[sflag:s20] =	ssyncadd.s32 s1;
	_ =	sdelay $0x1  }
0x9e: {  	s21 =	simm.s32 $0x1B8B  }
0x9f: {  	_ =	swait.ge [sflag:s21], $0x1  }
0xa0: {  	[sflag:s21] =	ssyncset.done $0x0  }
0xa1: {  	s23 =	simm.s32 $0x1B8E;
	s22 =	sld [smem:$0x3FFE];
	[sflag:s21] =	ssyncadd.s32 $0xFFFFFFFF  }
0xa2: {  	s24 =	simm.s32 $execute0_lowered;
	[smem:$0x3FD2] =	sst s23  }
0xa3: {  	s2 =	sshll.u32 s24, $0x1;
	_ =	strace $0x8000004F;
	[dreg:$0x1] =	wrdreg $0xFFFFFFFF  }
0xa4: {  	s25 =	simm.s32 $_size_execute0_lowered;
	s0 =	sadd.s32 s0, s2;
	[dreg:$0x0] =	wrdreg $0x0  }
0xa5: {  	s2 =	sshll.u32 s25, $0x1;
	[dreg:$0x2] =	wrdreg s0  }
0xa6: {  	[dreg:$0x3] =	wrdreg s2  }
0xa7: {  	[dreg:$0x4] =	wrdreg $0xC0  }
0xa8: {  	_ =	task [dreg:s4], $0x5FFFF  }
0xa9: {  	[dreg:$0x1] =	wrdreg $0xFFFFFFFF  }
0xaa: {  	[dreg:$0x0] =	wrdreg $0x60  }
0xab: {  	[dreg:$0x2] =	wrdreg s22  }
0xac: {  	[dreg:$0x3] =	wrdreg $0xA  }
0xad: {  	_ =	task.clear_ibuf [dreg:s4], $0x4FFFF;
	_ =	strace $0x9000004F  }
0xae: {  	s26 =	simm.s32 $0xA;
	_ =	strace $0x80000051  }
0xaf: {  	_ =	swait.ge [sflag:s26], $0x1  }
0xb0: {  	[sflag:s26] =	ssyncadd.s32 $0xFFFFFFFF  }
0xb1: {  	_ =	strace $0x90000051  }
0xb2: {  	_ =	sfence  }
0xb3: {  	s28 =	sld [smem:$0x0];
	_ =	sdelay $0x1  }
0xb4: {  	s29 =	srdreg.scid  }
0xb5: {  	s30 =	sshll.u32 s29, $0xD;
	s31 =	sshrl.u32 s29, $0x2  }
0xb6: {  	s1 =	sand.u32 $0x1, s29;
	s2 =	sand.u32 $0x4000, s30;
	s0 =	sadd.s32 s31, s28  }
0xb7: {  	s1 =	sor.u32 s2, s1;
	s0 =	sshll.u32 s0, $0x11  }
0xb8: {  	s0 =	sor.u32 s0, s1  }
0xb9: {  	s0 =	sadd.s32 $0x8F2B, s0  }
0xba: {  	[sflag:s0] =	ssyncadd.remote.s32 $0x1  }
0xbb: {  	_ =	sfence.sel $0xFFFF  }
0xbc: {  	[dreg:$0x0] =	wrdreg $0xFFFFFFFF;
	(pc) =	sbr.abs _section_cstart, $3  }
0xbd: {  	[dreg:$0x1] =	wrdreg $0xFFFFFFFF  }
0xbe: {  	_ =	task.clear_ibuf [dreg:s4], $0x2FFFF;
	_ =	strace $0x9FFFFFFF  }
0xbf: {  	(tm) =	ssettm $0x7FFFFFFF  }
tec
execute0_lowered:
.L_overlay_start_1:
0x0: {  	(tag) =	ssettag $0x1  }
0x1: {  	s8 =	rddreg [dreg:$0x0]  }
0x2: {  	s0 =	rddreg [dreg:$0x1];
	_ =	strace $0x80000050  }
0x3: {  	s4 =	simm.s32 $0x1;
	s1 =	stileid.u32;
	s7 =	simm.s32 $0x1  }
0x4: {  	s9 =	simm.s32 $0x1;
	s6 =	simm.s32 $0x2;
	s10 =	simm.s32 $0x3  }
0x5: {  	s13 =	simm.s32 $0x0;
	s12 =	simm.s32 $0x0;
	s2 =	sadd.s32 $0x9EC00, s8  }
.Ltmp0:
0x6: {  	s3 =	sadd.s32 $0x7B000, s8;
	p0 =	slt.u32 s1, $0xA;
	(pc) =	sbr.rel .LBB2_1-.Ltmp0, $4  }
0x7: {  	[sflag:s4] =	ssyncpa.u1 $0x0;
	s7 =	simm.s32 @!p0 $0x0;
	p0 =	sne.s32 s1, $0x9  }
0x8: {  	s5 =	smul.u32 $0x7D0, s1;
	[sflag:s6] =	ssyncpa.u1 $0x0;
	s9 =	simm.s32 @!p0 $0x0  }
0x9: {  	s8 =	sadd.s32 $0x9B800, s8;
	[sflag:s10] =	ssyncpa.u1 $0x0;
	s7 =	sadd.s32 s9, s7  }
0xa: {  	vm0 =	vmmov $0xffff;
	s10 =	simm.s32 $0x0;
	s11 =	smov.u32 s5;
	s9 =	sadd.s32 $0x1, s7  }
.LBB2_4:
0xb: {  	v2 =	vnsel vm1, $0x0, v2  }
0xc: {  	vm1 =	vgt.s32 v0, $0x0;
	v2 =	vmin.u32 v2, $0x3FFFFF  }
0xd: {  	v0 =	vnsel vm1, $0x0, v0  }
0xe: {  	v0 =	vmin.u32 v0, $0x3FFFFF  }
0xf: {  	[tilespmem:s18], [sflag:$0x1] =	stream.indirect_vreg.gather [hbm4b:s2+s10], $0x1, v1, vm0, $0x4038;
	[tilespmem:$0x1F40] =	vst v63  }
0x10: {  	(ifvalue) =	ssetifvalue $0x7FFFFFFF  }
0x11: {  	[tilespmem:s15], [sflag:$0x1] =	stream.indirect_vreg.gather [hbm4b:s2+s10], $0x1, v2, vm0, $0x4038;
	[tilespmem:$0x1F40] =	vst v63  }
0x12: {  	s29 =	sadd.s32 $0x10, s15;
	(ifvalue) =	ssetifvalue $0x7FFFFFFF  }
0x13: {  	[tilespmem:s29], [sflag:$0x1] =	stream.indirect_vreg.gather [hbm4b:s2+s10], $0x1, v0, vm0, $0x4038;
	[tilespmem:$0x1F40] =	vst v63  }
0x14: {  	_ =	swait.ge [sflag:s4], $0x7D0  }
0x15: {  	s30 =	sshrl.u32 s13, $0x3;
	[sflag:s4] =	ssyncset.done $0x0  }
0x16: {  	s31 =	sand.u32 $0x7, s13;
	s15 =	sadd.s32 s8, s30;
	[sflag:s4] =	ssyncadd.s32 $0xFFFFF830  }
0x17: {  	[hbm4b:s15+s31] =	stream.linear.scatter [tilespmem:s14], [sflag:$0x3], $0x7D0, $0x38;
	[tilespmem:$0x1F40] =	vst v63  }
.LBB2_5:
0x18: {  	s15 =	sadd.s32 $0x7D00, s11  }
0x19: {  	p1 =	sgt.s32 s15, $0xC34F  }
0x1a: {  	s15 =	smov.u32 @p1 s5;
	p1 =	sne.s32 s12, s9  }
.Ltmp1:
0x1b: {  	p0 =	slt.u32 s12, $0x2;
	(pc) =	sbr.rel @!p1 .LBB2_6-.Ltmp1, $4  }
0x1c: {  	s14 =	simm.s32 @!p0 $0x3  }
0x1d: {  	_ =	swait.ge @!p0 [sflag:s14], $0x7D0  }
0x1e: {  	s16 =	sadd.s32 $0x1, s12;
	s13 =	smov.u32 s11;
	[sflag:s14] =	ssyncset.done @!p0 $0x0  }
0x1f: {  	s12 =	smov.u32 s16;
	s11 =	smov.u32 s15;
	[sflag:s14] =	ssyncadd.s32 @!p0 $0xFFFFF830  }
.LBB2_1:
0x20: {  	p0 =	sge.u32 s12, s7  }
0x21: {  	s14 =	sxor.u32 @!p0 $0x1, s12  }
0x22: {  	s14 =	smul.u32 @!p0 $0x1F40, s14  }
0x23: {  	s31 =	sadd.s32 $0xFFFFFFFF, s12;
	s15 =	sshrl.u32 @!p0 s11, $0x3  }
0x24: {  	s16 =	sand.u32 @!p0 $0x7, s11;
	s15 =	sadd.s32 @!p0 s3, s15;
	s14 =	sshra.s32 @!p0 s14, $0x2  }
0x25: {  	[tilespmem:s14], [sflag:$0x2] =	stream.linear.gather @!p0 [hbm4b:s15+s16], $0x7D0, $0x38;
	[tilespmem:$0x1F40] =	vst v63  }
0x26: {  	p0 =	sge.u32 s31, s7  }
.Ltmp2:
0x27: {  	_ = 	snop;
	(pc) =	sbr.rel @p0 .LBB2_5-.Ltmp2, $1  }
0x28: {  	_ =	sdelay $0x3  }
0x29: {  	s14 =	sand.u32 $0x1, s12  }
0x2a: {  	_ =	swait.ge [sflag:s6], $0x7D0;
	p0 =	seq.s32 s14, $0x1;
	s14 =	simm.s32 $0x7D0  }
0x2b: {  	[sflag:s6] =	ssyncset.done $0x0;
	s14 =	simm.s32 @!p0 $0x0  }
0x2c: {  	[sflag:s6] =	ssyncadd.s32 $0xFFFFF830;
	(ifvalue) =	ssetifvalue $0x7FFFFFFF;
	v0 =	vld.msk [tilespmem:s14+$0x0 ss:$0x1], $0xffff;
	_ =	sdelay $0x4  }
0x2d: {  	s15 =	sadd.s32 $0x10, s14;
	vm1 =	vgt.s32 v0, $0x0  }
0x2e: {  	v2 =	vld.msk [tilespmem:s15+$0x0 ss:$0x1], $0xffff;
	v1 =	vnsel vm1, $0x0, v0  }
0x2f: {  	v1 =	vmin.u32 v1, $0x3FFFFF;
	_ =	sdelay $0x2  }
0x30: {  	s17 =	simm.s32 $0x20;
	s14 =	sadd.s32 $0xFA0, s14;
	s16 =	sadd.s32 $0x10, s15  }
0x31: {  	s15 =	sadd.s32 $0x10, s14;
	s18 =	smov.u32 s14;
	v0 =	vld.msk [tilespmem:s16+$0x0 ss:$0x1], $0xffff;
	vm1 =	vgt.s32 v2, $0x0;
	(ifvalue) =	ssetifvalue $0x7FFFFFFF  }
.LBB2_3:
0x32: {  	[tilespmem:s18], [sflag:$0x1] =	stream.indirect_vreg.gather [hbm4b:s2+s10], $0x1, v1, vm0, $0x4038;
	[tilespmem:$0x1F40] =	vst v63  }
0x33: {  	s17 =	sadd.s32 $0x10, s17  }
0x34: {  	v2 =	vnsel vm1, $0x0, v2;
	p0 =	slt.u32 s17, $0x7C0  }
.Ltmp3:
0x35: {  	s18 =	smov.u32 s15;
	v1 =	vmin.u32 v2, $0x3FFFFF;
	(pc) =	sbr.rel @p0 .LBB2_3-.Ltmp3, $3  }
0x36: {  	_ =	sdelay $0x1  }
0x37: {  	s16 =	sadd.s32 $0x10, s16  }
0x38: {  	vm1 =	vgt.s32 v0, $0x0;
	s15 =	sadd.s32 $0x10, s15;
	v2 =	vmov v0;
	(ifvalue) =	ssetifvalue $0x7FFFFFFF;
	v0 =	vld.msk [tilespmem:s16+$0x0 ss:$0x1], $0xffff  }
.Ltmp4:
0x39: {  	_ = 	snop;
	(pc) =	sbr.rel .LBB2_4-.Ltmp4, $1  }
0x3a: {  	_ =	sdelay $0x3  }
.LBB2_6:
0x3b: {  	_ =	sfence.sel $0x180000  }
0x3c: {  	s2 =	simm.s32 $0x2;
	[bflag:$0x0] =	sbarrier.arrive $0xFFFF  }
0x3d: {  	s30 =	simm.s32 $0x3;
	[sflag:s2] =	ssyncpa.u1 $0x1  }
0x3e: {  	s31 =	simm.s32 $0x1;
	[sflag:s30] =	ssyncpa.u1 $0x1  }
0x3f: {  	[sflag:s31] =	ssyncpa.u1 $0x1  }
0x40: {  	p0 =	sne.s32 s1, $0x0;
	_ =	strace $0x90000050  }
0x41: {  	s0 =	sadd.s32 @!p0 $0x100000, s0;
	[bflag:$0x2] =	sbarrier.arrive $0xFFFF  }
0x42: {  	[sflag:s0] =	ssyncadd.tile.s32 @!p0 $0x1;
	_ =	shalt  }
.Lfunc_end2:
_tile_overlayer_lowered:
.L_overlay_start_2:
0x43: {  	(tag) =	ssettag $0x2  }
0x44: {  	s0 =	rddreg [dreg:$0x0];
	s2 =	stileid.u32  }
0x45: {  	s1 =	rddreg [dreg:$0x1];
	p0 =	sne.s32 s2, $0x0  }
0x46: {  	s3 =	rddreg [dreg:$0x2];
	[bflag:$0x3] =	sbarrier.arrive $0xFFFF;
	s2 =	simm.s32 @!p0 $0x1C01  }
0x47: {  	[timem:s3], [sflag:s2] =	dma.local @!p0 [hbm:s0], s1  }
0x48: {  	s0 =	simm.s32 @!p0 $0x1  }
0x49: {  	_ =	swait.ge @!p0 [sflag:s0], s1  }
0x4a: {  	s1 =	ssub.s32 @!p0 $0x0, s1;
	[sflag:s0] =	ssyncset.done @!p0 $0x0  }
0x4b: {  	[sflag:s0] =	ssyncadd.s32 @!p0 s1  }
0x4c: {  	[bflag:$0x3] =	sbarrier.arrive $0xFFFF  }
0x4d: {  	_ =	shalt  }

// kernel: gather_offload_async_start.9
scs
__scs_entry_jumppad:
0x0: {  	(pc) =	sbr.rel $0x88, $3  }
0x1: {  	(tag) =	ssettag $0x0;
	lr =	simm.s32 $0x1  }
0x2: {  	[smem:$0x3F9C] =	sst lr;
	_ =	strace $0xD0000000  }
0x3: {  	_ = 	snop  }
0x4: {  	_ = 	snop  }
0x5: {  	_ = 	snop  }
0x6: {  	_ = 	snop  }
0x7: {  	_ = 	snop  }
__scs_overlays_trampoline_lowered:
0x8: {  	[smem:$0x3FAB] =	sst s0  }
0x9: {  	[smem:$0x3FAC] =	sst s1  }
0xa: {  	[smem:$0x3FAD] =	sst s2  }
0xb: {  	[smem:$0x3FAE] =	sst s3  }
0xc: {  	[smem:$0x3FAF] =	sst s4  }
0xd: {  	[smem:$0x3FB0] =	sst s5  }
0xe: {  	[smem:$0x3FB1] =	sst s6  }
0xf: {  	[smem:$0x3FB2] =	sst s7  }
0x10: {  	[smem:$0x3FB3] =	sst s8  }
0x11: {  	[smem:$0x3FB4] =	sst s9;
	s0 =	simm.s32 @!p0 $0x0  }
0x12: {  	s1 =	sld [smem:$0x3F9A];
	s0 =	simm.s32 @p0 $0x1  }
0x13: {  	[smem:$0x3FB5] =	sst s0;
	s0 =	simm.s32 @!p1 $0x0  }
0x14: {  	s2 =	sld [smem:$0x3F99];
	s0 =	simm.s32 @p1 $0x1  }
0x15: {  	[smem:$0x3FB6] =	sst s0;
	s0 =	simm.s32 @!p2 $0x0  }
0x16: {  	s3 =	sld [smem:$0x3FDB];
	s0 =	simm.s32 @p2 $0x1  }
0x17: {  	s4 =	simm.s32 $0x1BF5;
	[smem:$0x3FB8] =	sst s0  }
0x18: {  	s0 =	sld [smem:$0x3F9B];
	_ =	swait.ge [sflag:s4], $0x0  }
0x19: {  	s7 =	sld [smem:$0x3F9C]  }
0x1a: {  	s8 =	sadd.s32 $0xFFFFE003, lr  }
0x1b: {  	s9 =	sadd.s32 $0xFFFFFEF7, lr;
	s5 =	simm.s32 $0xFFFFFFFF;
	p2 =	slt.u32 s8, $0xFFFFF086  }
0x1c: {  	p1 =	slt.u32 s9, $0xF7A;
	s5 =	simm.s32 @!p2 $0x0  }
0x1d: {  	s5 =	simm.s32 @p1 $0x1;
	p0 =	seq.s32 s7, s2  }
0x1e: {  	s7 =	smul.u32 @!p0 $0xF7A, s2;
	p2 =	seq.s32 @!p0 s5, $0x0  }
0x1f: {  	s9 =	smul.u32 $0xF7A, s1;
	s8 =	simm.s32 @!p0 $0x1BF5;
	p2 =	por !p2, p0  }
0x20: {  	[sflag:s8] =	ssyncset.s32 @!p0 $0xFFFFF086;
	s6 =	sadd.s32 @!p0 s3, s7;
	s7 =	simm.s32 @!p0 $0x108  }
0x21: {  	s3 =	sadd.s32 s3, s9;
	s6 =	sadd.s32 @!p0 $0x88, s6;
	s7 =	simm.s32 @p2 $0x1082  }
0x22: {  	[simem:s7], [sflag:s8] =	dma.local @!p0 [hbm:s6], $0xF7A  }
0x23: {  	s9 =	sor.u32 $0xD0000000, s2;
	s6 =	simm.s32 $0x108;
	_ =	swait.ge @!p0 [sflag:s8], $0x0  }
0x24: {  	s3 =	sadd.s32 $0x88, s3;
	s6 =	simm.s32 @!p1 $0x1082;
	[sflag:s4] =	ssyncset.s32 $0xFFFFF086  }
0x25: {  	[simem:s6], [sflag:s4] =	dma.local [hbm:s3], $0xF7A  }
0x26: {  	[smem:$0x3F9C] =	sst s1;
	(tag) =	ssettag s2;
	_ =	strace s9  }
0x27: {  	s1 =	sld [smem:$0x3FAC]  }
0x28: {  	s2 =	sld [smem:$0x3FAD]  }
0x29: {  	s4 =	sld [smem:$0x3FAF]  }
0x2a: {  	p0 =	seq.s32 s5, $0x0;
	s5 =	sld [smem:$0x3FB0]  }
0x2b: {  	s6 =	sld [smem:$0x3FB1]  }
0x2c: {  	s7 =	sld [smem:$0x3FB2]  }
0x2d: {  	s3 =	simm.s32 $0x108;
	s8 =	sld [smem:$0x3FB3]  }
0x2e: {  	s3 =	simm.s32 @!p0 $0x1082;
	s9 =	sld [smem:$0x3FB4]  }
0x2f: {  	lr =	sadd.s32 s0, s3;
	s0 =	sld [smem:$0x3FAB]  }
0x30: {  	s3 =	sld [smem:$0x3FAE]  }
0x31: {  	[smem:$0x3FB7] =	sst s10  }
0x32: {  	s10 =	sld [smem:$0x3FB5];
	_ =	sdelay $0x3  }
0x33: {  	p0 =	seq.s32 s10, $0x1;
	s10 =	sld [smem:$0x3FB7];
	_ =	sdelay $0x3  }
0x34: {  	[smem:$0x3FB7] =	sst s10  }
0x35: {  	s10 =	sld [smem:$0x3FB6];
	_ =	sdelay $0x3  }
0x36: {  	p1 =	seq.s32 s10, $0x1;
	s10 =	sld [smem:$0x3FB7];
	_ =	sdelay $0x3  }
0x37: {  	[smem:$0x3FB7] =	sst s10  }
0x38: {  	s10 =	sld [smem:$0x3FB8]  }
0x39: {  	_ = 	snop;
	(pc) =	sbr.ind lr, $3  }
0x3a: {  	_ = 	snop  }
0x3b: {  	_ = 	snop  }
0x3c: {  	p2 =	seq.s32 s10, $0x1;
	s10 =	sld [smem:$0x3FB7]  }
0x3d: {  	_ =	shalt  }
0x3e: {  	_ =	shalt  }
0x3f: {  	_ =	shalt  }
0x40: {  	_ =	shalt  }
0x41: {  	_ =	shalt  }
0x42: {  	_ =	shalt  }
0x43: {  	_ =	shalt  }
0x44: {  	_ =	shalt  }
0x45: {  	_ =	shalt  }
0x46: {  	_ =	shalt  }
0x47: {  	_ =	shalt  }
0x48: {  	_ =	shalt  }
0x49: {  	_ =	shalt  }
0x4a: {  	_ =	shalt  }
0x4b: {  	_ =	shalt  }
0x4c: {  	_ =	shalt  }
0x4d: {  	_ =	shalt  }
0x4e: {  	_ =	shalt  }
0x4f: {  	_ =	shalt  }
0x50: {  	_ =	shalt  }
0x51: {  	_ =	shalt  }
0x52: {  	_ =	shalt  }
0x53: {  	_ =	shalt  }
0x54: {  	_ =	shalt  }
0x55: {  	_ =	shalt  }
0x56: {  	_ =	shalt  }
0x57: {  	_ =	shalt  }
0x58: {  	_ =	shalt  }
0x59: {  	_ =	shalt  }
0x5a: {  	_ =	shalt  }
0x5b: {  	_ =	shalt  }
0x5c: {  	_ =	shalt  }
0x5d: {  	_ =	shalt  }
0x5e: {  	_ =	shalt  }
0x5f: {  	_ =	shalt  }
0x60: {  	_ =	shalt  }
0x61: {  	_ =	shalt  }
0x62: {  	_ =	shalt  }
0x63: {  	_ =	shalt  }
0x64: {  	_ =	shalt  }
0x65: {  	_ =	shalt  }
0x66: {  	_ =	shalt  }
0x67: {  	_ =	shalt  }
0x68: {  	_ =	shalt  }
0x69: {  	_ =	shalt  }
0x6a: {  	_ =	shalt  }
0x6b: {  	_ =	shalt  }
0x6c: {  	_ =	shalt  }
0x6d: {  	_ =	shalt  }
0x6e: {  	_ =	shalt  }
0x6f: {  	_ =	shalt  }
0x70: {  	_ =	shalt  }
0x71: {  	_ =	shalt  }
0x72: {  	_ =	shalt  }
0x73: {  	_ =	shalt  }
0x74: {  	_ =	shalt  }
0x75: {  	_ =	shalt  }
0x76: {  	_ =	shalt  }
0x77: {  	_ =	shalt  }
0x78: {  	_ =	shalt  }
0x79: {  	_ =	shalt  }
0x7a: {  	_ =	shalt  }
0x7b: {  	_ =	shalt  }
0x7c: {  	_ =	shalt  }
0x7d: {  	_ =	shalt  }
0x7e: {  	_ =	shalt  }
0x7f: {  	_ =	shalt  }
0x80: {  	_ =	shalt  }
0x81: {  	_ =	shalt  }
0x82: {  	_ =	shalt  }
0x83: {  	_ =	shalt  }
0x84: {  	_ =	shalt  }
0x85: {  	_ =	shalt  }
0x86: {  	_ =	shalt  }
0x87: {  	_ =	shalt  }
.Lfunc_end0:
.L_simem_size_0:
called_computation.9_lowered:
.L_overlay_start_0:
0x88: {  	s0 =	sld [smem:$0x3FD9]  }
0x89: {  	s1 =	sld [smem:$0x3FFE];
	_ =	sdelay $0x3  }
0x8a: {  	s0 =	sadd.s32 s1, s0  }
0x8b: {  	[smem:$0x3FC3] =	sst s0  }
0x8c: {  	_ = 	snop  }
0x8d: {  	(tm) =	ssettm $0x1  }
0x8e: {  	s15 =	sld [smem:$0x3FFB];
	_ =	sdelay $0x3  }
0x8f: {  	_ =	strace s15  }
0x90: {  	s0 =	sld [smem:$0x3FFC];
	_ =	sdelay $0x3  }
0x91: {  	_ =	strace s0  }
0x92: {  	s0 =	sld [smem:$0x3FFD];
	_ =	sdelay $0x3  }
0x93: {  	_ =	strace s0  }
0x94: {  	_ =	strace $0x8FFFFFFF  }
0x95: {  	s16 =	sld [smem:$0x3FDB];
	_ =	sdelay $0x1  }
0x96: {  	s17 =	simm.s32 $_scs_section_size  }
0x97: {  	s2 =	simm.s32 $_size__tile_overlayer_lowered;
	s3 =	simm.s32 $_tile_overlayer_lowered  }
0x98: {  	s20 =	simm.s32 $0x1BFF;
	s19 =	sshll.u32 s3, $0x1;
	s0 =	sadd.s32 s17, s16  }
0x99: {  	s4 =	simm.s32 $0x0;
	s18 =	sshll.u32 s2, $0x1;
	s2 =	sadd.s32 s19, s0  }
0x9a: {  	[timem:s4], [sflag:s20] =	dma.local [hbm:s2], s18  }
0x9b: {  	_ =	swait.ge [sflag:s20], s18  }
0x9c: {  	s1 =	ssub.s32 $0x0, s18;
	[sflag:s20] =	ssyncset.done $0x0  }
0x9d: {  	[sflag:s20] =	ssyncadd.s32 s1;
	_ =	sdelay $0x1  }
0x9e: {  	s21 =	simm.s32 $0x1B8B  }
0x9f: {  	_ =	swait.ge [sflag:s21], $0x1  }
0xa0: {  	[sflag:s21] =	ssyncset.done $0x0  }
0xa1: {  	s23 =	simm.s32 $0x1B8E;
	s22 =	sld [smem:$0x3FFE];
	[sflag:s21] =	ssyncadd.s32 $0xFFFFFFFF  }
0xa2: {  	s24 =	simm.s32 $execute0_lowered;
	[smem:$0x3FD2] =	sst s23  }
0xa3: {  	s2 =	sshll.u32 s24, $0x1;
	_ =	strace $0x8000005E;
	[dreg:$0x1] =	wrdreg $0xFFFFFFFF  }
0xa4: {  	s25 =	simm.s32 $_size_execute0_lowered;
	s0 =	sadd.s32 s0, s2;
	[dreg:$0x0] =	wrdreg $0x0  }
0xa5: {  	s2 =	sshll.u32 s25, $0x1;
	[dreg:$0x2] =	wrdreg s0  }
0xa6: {  	[dreg:$0x3] =	wrdreg s2  }
0xa7: {  	[dreg:$0x4] =	wrdreg $0xC0  }
0xa8: {  	_ =	task [dreg:s4], $0x5FFFF  }
0xa9: {  	[dreg:$0x1] =	wrdreg $0xFFFFFFFF  }
0xaa: {  	[dreg:$0x0] =	wrdreg $0x60  }
0xab: {  	[dreg:$0x2] =	wrdreg s22  }
0xac: {  	[dreg:$0x3] =	wrdreg $0x9  }
0xad: {  	_ =	task.clear_ibuf [dreg:s4], $0x4FFFF;
	_ =	strace $0x9000005E  }
0xae: {  	s26 =	simm.s32 $0x9;
	_ =	strace $0x80000060  }
0xaf: {  	_ =	swait.ge [sflag:s26], $0x1  }
0xb0: {  	[sflag:s26] =	ssyncadd.s32 $0xFFFFFFFF  }
0xb1: {  	_ =	strace $0x90000060  }
0xb2: {  	_ =	sfence  }
0xb3: {  	s28 =	sld [smem:$0x0];
	_ =	sdelay $0x1  }
0xb4: {  	s29 =	srdreg.scid  }
0xb5: {  	s30 =	sshll.u32 s29, $0xD;
	s31 =	sshrl.u32 s29, $0x2  }
0xb6: {  	s1 =	sand.u32 $0x1, s29;
	s2 =	sand.u32 $0x4000, s30;
	s0 =	sadd.s32 s31, s28  }
0xb7: {  	s1 =	sor.u32 s2, s1;
	s0 =	sshll.u32 s0, $0x11  }
0xb8: {  	s0 =	sor.u32 s0, s1  }
0xb9: {  	s0 =	sadd.s32 $0x8F2B, s0  }
0xba: {  	[sflag:s0] =	ssyncadd.remote.s32 $0x1  }
0xbb: {  	_ =	sfence.sel $0xFFFF  }
0xbc: {  	[dreg:$0x0] =	wrdreg $0xFFFFFFFF;
	(pc) =	sbr.abs _section_cstart, $3  }
0xbd: {  	[dreg:$0x1] =	wrdreg $0xFFFFFFFF  }
0xbe: {  	_ =	task.clear_ibuf [dreg:s4], $0x2FFFF;
	_ =	strace $0x9FFFFFFF  }
0xbf: {  	(tm) =	ssettm $0x7FFFFFFF  }
tec
execute0_lowered:
.L_overlay_start_1:
0x0: {  	(tag) =	ssettag $0x1  }
0x1: {  	s8 =	rddreg [dreg:$0x0]  }
0x2: {  	s0 =	rddreg [dreg:$0x1];
	_ =	strace $0x8000005F  }
0x3: {  	s4 =	simm.s32 $0x1;
	s1 =	stileid.u32;
	s7 =	simm.s32 $0x1  }
0x4: {  	s9 =	simm.s32 $0x1;
	s6 =	simm.s32 $0x2;
	s10 =	simm.s32 $0x3  }
0x5: {  	s13 =	simm.s32 $0x0;
	s12 =	simm.s32 $0x0;
	s2 =	sadd.s32 $0x9EC00, s8  }
.Ltmp0:
0x6: {  	s3 =	sadd.s32 $0x84C00, s8;
	p0 =	slt.u32 s1, $0xA;
	(pc) =	sbr.rel .LBB2_1-.Ltmp0, $4  }
0x7: {  	[sflag:s4] =	ssyncpa.u1 $0x0;
	s7 =	simm.s32 @!p0 $0x0;
	p0 =	sne.s32 s1, $0x9  }
0x8: {  	s5 =	smul.u32 $0x7D0, s1;
	[sflag:s6] =	ssyncpa.u1 $0x0;
	s9 =	simm.s32 @!p0 $0x0  }
0x9: {  	s8 =	sadd.s32 $0x18BE00, s8;
	[sflag:s10] =	ssyncpa.u1 $0x0;
	s7 =	sadd.s32 s9, s7  }
0xa: {  	vm0 =	vmmov $0xffff;
	s10 =	simm.s32 $0x0;
	s11 =	smov.u32 s5;
	s9 =	sadd.s32 $0x1, s7  }
.LBB2_4:
0xb: {  	v2 =	vnsel vm1, $0x0, v2  }
0xc: {  	vm1 =	vgt.s32 v0, $0x0;
	v2 =	vmin.u32 v2, $0x3FFFFF  }
0xd: {  	v0 =	vnsel vm1, $0x0, v0  }
0xe: {  	v0 =	vmin.u32 v0, $0x3FFFFF  }
0xf: {  	[tilespmem:s18], [sflag:$0x1] =	stream.indirect_vreg.gather [hbm4b:s2+s10], $0x1, v1, vm0, $0x4038;
	[tilespmem:$0x1F40] =	vst v63  }
0x10: {  	(ifvalue) =	ssetifvalue $0x7FFFFFFF  }
0x11: {  	[tilespmem:s15], [sflag:$0x1] =	stream.indirect_vreg.gather [hbm4b:s2+s10], $0x1, v2, vm0, $0x4038;
	[tilespmem:$0x1F40] =	vst v63  }
0x12: {  	s29 =	sadd.s32 $0x10, s15;
	(ifvalue) =	ssetifvalue $0x7FFFFFFF  }
0x13: {  	[tilespmem:s29], [sflag:$0x1] =	stream.indirect_vreg.gather [hbm4b:s2+s10], $0x1, v0, vm0, $0x4038;
	[tilespmem:$0x1F40] =	vst v63  }
0x14: {  	_ =	swait.ge [sflag:s4], $0x7D0  }
0x15: {  	s30 =	sshrl.u32 s13, $0x3;
	[sflag:s4] =	ssyncset.done $0x0  }
0x16: {  	s31 =	sand.u32 $0x7, s13;
	s15 =	sadd.s32 s8, s30;
	[sflag:s4] =	ssyncadd.s32 $0xFFFFF830  }
0x17: {  	[hbm4b:s15+s31] =	stream.linear.scatter [tilespmem:s14], [sflag:$0x3], $0x7D0, $0x38;
	[tilespmem:$0x1F40] =	vst v63  }
.LBB2_5:
0x18: {  	s15 =	sadd.s32 $0x7D00, s11  }
0x19: {  	p1 =	sgt.s32 s15, $0xC34F  }
0x1a: {  	s15 =	smov.u32 @p1 s5;
	p1 =	sne.s32 s12, s9  }
.Ltmp1:
0x1b: {  	p0 =	slt.u32 s12, $0x2;
	(pc) =	sbr.rel @!p1 .LBB2_6-.Ltmp1, $4  }
0x1c: {  	s14 =	simm.s32 @!p0 $0x3  }
0x1d: {  	_ =	swait.ge @!p0 [sflag:s14], $0x7D0  }
0x1e: {  	s16 =	sadd.s32 $0x1, s12;
	s13 =	smov.u32 s11;
	[sflag:s14] =	ssyncset.done @!p0 $0x0  }
0x1f: {  	s12 =	smov.u32 s16;
	s11 =	smov.u32 s15;
	[sflag:s14] =	ssyncadd.s32 @!p0 $0xFFFFF830  }
.LBB2_1:
0x20: {  	p0 =	sge.u32 s12, s7  }
0x21: {  	s14 =	sxor.u32 @!p0 $0x1, s12  }
0x22: {  	s14 =	smul.u32 @!p0 $0x1F40, s14  }
0x23: {  	s31 =	sadd.s32 $0xFFFFFFFF, s12;
	s15 =	sshrl.u32 @!p0 s11, $0x3  }
0x24: {  	s16 =	sand.u32 @!p0 $0x7, s11;
	s15 =	sadd.s32 @!p0 s3, s15;
	s14 =	sshra.s32 @!p0 s14, $0x2  }
0x25: {  	[tilespmem:s14], [sflag:$0x2] =	stream.linear.gather @!p0 [hbm4b:s15+s16], $0x7D0, $0x38;
	[tilespmem:$0x1F40] =	vst v63  }
0x26: {  	p0 =	sge.u32 s31, s7  }
.Ltmp2:
0x27: {  	_ = 	snop;
	(pc) =	sbr.rel @p0 .LBB2_5-.Ltmp2, $1  }
0x28: {  	_ =	sdelay $0x3  }
0x29: {  	s14 =	sand.u32 $0x1, s12  }
0x2a: {  	_ =	swait.ge [sflag:s6], $0x7D0;
	p0 =	seq.s32 s14, $0x1;
	s14 =	simm.s32 $0x7D0  }
0x2b: {  	[sflag:s6] =	ssyncset.done $0x0;
	s14 =	simm.s32 @!p0 $0x0  }
0x2c: {  	[sflag:s6] =	ssyncadd.s32 $0xFFFFF830;
	(ifvalue) =	ssetifvalue $0x7FFFFFFF;
	v0 =	vld.msk [tilespmem:s14+$0x0 ss:$0x1], $0xffff;
	_ =	sdelay $0x4  }
0x2d: {  	s15 =	sadd.s32 $0x10, s14;
	vm1 =	vgt.s32 v0, $0x0  }
0x2e: {  	v2 =	vld.msk [tilespmem:s15+$0x0 ss:$0x1], $0xffff;
	v1 =	vnsel vm1, $0x0, v0  }
0x2f: {  	v1 =	vmin.u32 v1, $0x3FFFFF;
	_ =	sdelay $0x2  }
0x30: {  	s17 =	simm.s32 $0x20;
	s14 =	sadd.s32 $0xFA0, s14;
	s16 =	sadd.s32 $0x10, s15  }
0x31: {  	s15 =	sadd.s32 $0x10, s14;
	s18 =	smov.u32 s14;
	v0 =	vld.msk [tilespmem:s16+$0x0 ss:$0x1], $0xffff;
	vm1 =	vgt.s32 v2, $0x0;
	(ifvalue) =	ssetifvalue $0x7FFFFFFF  }
.LBB2_3:
0x32: {  	[tilespmem:s18], [sflag:$0x1] =	stream.indirect_vreg.gather [hbm4b:s2+s10], $0x1, v1, vm0, $0x4038;
	[tilespmem:$0x1F40] =	vst v63  }
0x33: {  	s17 =	sadd.s32 $0x10, s17  }
0x34: {  	v2 =	vnsel vm1, $0x0, v2;
	p0 =	slt.u32 s17, $0x7C0  }
.Ltmp3:
0x35: {  	s18 =	smov.u32 s15;
	v1 =	vmin.u32 v2, $0x3FFFFF;
	(pc) =	sbr.rel @p0 .LBB2_3-.Ltmp3, $3  }
0x36: {  	_ =	sdelay $0x1  }
0x37: {  	s16 =	sadd.s32 $0x10, s16  }
0x38: {  	vm1 =	vgt.s32 v0, $0x0;
	s15 =	sadd.s32 $0x10, s15;
	v2 =	vmov v0;
	(ifvalue) =	ssetifvalue $0x7FFFFFFF;
	v0 =	vld.msk [tilespmem:s16+$0x0 ss:$0x1], $0xffff  }
.Ltmp4:
0x39: {  	_ = 	snop;
	(pc) =	sbr.rel .LBB2_4-.Ltmp4, $1  }
0x3a: {  	_ =	sdelay $0x3  }
.LBB2_6:
0x3b: {  	_ =	sfence.sel $0x180000  }
0x3c: {  	s2 =	simm.s32 $0x2;
	[bflag:$0x0] =	sbarrier.arrive $0xFFFF  }
0x3d: {  	s30 =	simm.s32 $0x3;
	[sflag:s2] =	ssyncpa.u1 $0x1  }
0x3e: {  	s31 =	simm.s32 $0x1;
	[sflag:s30] =	ssyncpa.u1 $0x1  }
0x3f: {  	[sflag:s31] =	ssyncpa.u1 $0x1  }
0x40: {  	p0 =	sne.s32 s1, $0x0;
	_ =	strace $0x9000005F  }
0x41: {  	s0 =	sadd.s32 @!p0 $0x100000, s0;
	[bflag:$0x2] =	sbarrier.arrive $0xFFFF  }
0x42: {  	[sflag:s0] =	ssyncadd.tile.s32 @!p0 $0x1;
	_ =	shalt  }
.Lfunc_end2:
_tile_overlayer_lowered:
.L_overlay_start_2:
0x43: {  	(tag) =	ssettag $0x2  }
0x44: {  	s0 =	rddreg [dreg:$0x0];
	s2 =	stileid.u32  }
0x45: {  	s1 =	rddreg [dreg:$0x1];
	p0 =	sne.s32 s2, $0x0  }
0x46: {  	s3 =	rddreg [dreg:$0x2];
	[bflag:$0x3] =	sbarrier.arrive $0xFFFF;
	s2 =	simm.s32 @!p0 $0x1C01  }
0x47: {  	[timem:s3], [sflag:s2] =	dma.local @!p0 [hbm:s0], s1  }
0x48: {  	s0 =	simm.s32 @!p0 $0x1  }
0x49: {  	_ =	swait.ge @!p0 [sflag:s0], s1  }
0x4a: {  	s1 =	ssub.s32 @!p0 $0x0, s1;
	[sflag:s0] =	ssyncset.done @!p0 $0x0  }
0x4b: {  	[sflag:s0] =	ssyncadd.s32 @!p0 s1  }
0x4c: {  	[bflag:$0x3] =	sbarrier.arrive $0xFFFF  }
0x4d: {  	_ =	shalt  }

// kernel: gather_offload_async_start
scs
__scs_entry_jumppad:
0x0: {  	(pc) =	sbr.rel $0x88, $3  }
0x1: {  	(tag) =	ssettag $0x0;
	lr =	simm.s32 $0x1  }
0x2: {  	[smem:$0x3F9C] =	sst lr;
	_ =	strace $0xD0000000  }
0x3: {  	_ = 	snop  }
0x4: {  	_ = 	snop  }
0x5: {  	_ = 	snop  }
0x6: {  	_ = 	snop  }
0x7: {  	_ = 	snop  }
__scs_overlays_trampoline_lowered:
0x8: {  	[smem:$0x3FAB] =	sst s0  }
0x9: {  	[smem:$0x3FAC] =	sst s1  }
0xa: {  	[smem:$0x3FAD] =	sst s2  }
0xb: {  	[smem:$0x3FAE] =	sst s3  }
0xc: {  	[smem:$0x3FAF] =	sst s4  }
0xd: {  	[smem:$0x3FB0] =	sst s5  }
0xe: {  	[smem:$0x3FB1] =	sst s6  }
0xf: {  	[smem:$0x3FB2] =	sst s7  }
0x10: {  	[smem:$0x3FB3] =	sst s8  }
0x11: {  	[smem:$0x3FB4] =	sst s9;
	s0 =	simm.s32 @!p0 $0x0  }
0x12: {  	s1 =	sld [smem:$0x3F9A];
	s0 =	simm.s32 @p0 $0x1  }
0x13: {  	[smem:$0x3FB5] =	sst s0;
	s0 =	simm.s32 @!p1 $0x0  }
0x14: {  	s2 =	sld [smem:$0x3F99];
	s0 =	simm.s32 @p1 $0x1  }
0x15: {  	[smem:$0x3FB6] =	sst s0;
	s0 =	simm.s32 @!p2 $0x0  }
0x16: {  	s3 =	sld [smem:$0x3FDB];
	s0 =	simm.s32 @p2 $0x1  }
0x17: {  	s4 =	simm.s32 $0x1BF5;
	[smem:$0x3FB8] =	sst s0  }
0x18: {  	s0 =	sld [smem:$0x3F9B];
	_ =	swait.ge [sflag:s4], $0x0  }
0x19: {  	s7 =	sld [smem:$0x3F9C]  }
0x1a: {  	s8 =	sadd.s32 $0xFFFFE003, lr  }
0x1b: {  	s9 =	sadd.s32 $0xFFFFFEF7, lr;
	s5 =	simm.s32 $0xFFFFFFFF;
	p2 =	slt.u32 s8, $0xFFFFF086  }
0x1c: {  	p1 =	slt.u32 s9, $0xF7A;
	s5 =	simm.s32 @!p2 $0x0  }
0x1d: {  	s5 =	simm.s32 @p1 $0x1;
	p0 =	seq.s32 s7, s2  }
0x1e: {  	s7 =	smul.u32 @!p0 $0xF7A, s2;
	p2 =	seq.s32 @!p0 s5, $0x0  }
0x1f: {  	s9 =	smul.u32 $0xF7A, s1;
	s8 =	simm.s32 @!p0 $0x1BF5;
	p2 =	por !p2, p0  }
0x20: {  	[sflag:s8] =	ssyncset.s32 @!p0 $0xFFFFF086;
	s6 =	sadd.s32 @!p0 s3, s7;
	s7 =	simm.s32 @!p0 $0x108  }
0x21: {  	s3 =	sadd.s32 s3, s9;
	s6 =	sadd.s32 @!p0 $0x88, s6;
	s7 =	simm.s32 @p2 $0x1082  }
0x22: {  	[simem:s7], [sflag:s8] =	dma.local @!p0 [hbm:s6], $0xF7A  }
0x23: {  	s9 =	sor.u32 $0xD0000000, s2;
	s6 =	simm.s32 $0x108;
	_ =	swait.ge @!p0 [sflag:s8], $0x0  }
0x24: {  	s3 =	sadd.s32 $0x88, s3;
	s6 =	simm.s32 @!p1 $0x1082;
	[sflag:s4] =	ssyncset.s32 $0xFFFFF086  }
0x25: {  	[simem:s6], [sflag:s4] =	dma.local [hbm:s3], $0xF7A  }
0x26: {  	[smem:$0x3F9C] =	sst s1;
	(tag) =	ssettag s2;
	_ =	strace s9  }
0x27: {  	s1 =	sld [smem:$0x3FAC]  }
0x28: {  	s2 =	sld [smem:$0x3FAD]  }
0x29: {  	s4 =	sld [smem:$0x3FAF]  }
0x2a: {  	p0 =	seq.s32 s5, $0x0;
	s5 =	sld [smem:$0x3FB0]  }
0x2b: {  	s6 =	sld [smem:$0x3FB1]  }
0x2c: {  	s7 =	sld [smem:$0x3FB2]  }
0x2d: {  	s3 =	simm.s32 $0x108;
	s8 =	sld [smem:$0x3FB3]  }
0x2e: {  	s3 =	simm.s32 @!p0 $0x1082;
	s9 =	sld [smem:$0x3FB4]  }
0x2f: {  	lr =	sadd.s32 s0, s3;
	s0 =	sld [smem:$0x3FAB]  }
0x30: {  	s3 =	sld [smem:$0x3FAE]  }
0x31: {  	[smem:$0x3FB7] =	sst s10  }
0x32: {  	s10 =	sld [smem:$0x3FB5];
	_ =	sdelay $0x3  }
0x33: {  	p0 =	seq.s32 s10, $0x1;
	s10 =	sld [smem:$0x3FB7];
	_ =	sdelay $0x3  }
0x34: {  	[smem:$0x3FB7] =	sst s10  }
0x35: {  	s10 =	sld [smem:$0x3FB6];
	_ =	sdelay $0x3  }
0x36: {  	p1 =	seq.s32 s10, $0x1;
	s10 =	sld [smem:$0x3FB7];
	_ =	sdelay $0x3  }
0x37: {  	[smem:$0x3FB7] =	sst s10  }
0x38: {  	s10 =	sld [smem:$0x3FB8]  }
0x39: {  	_ = 	snop;
	(pc) =	sbr.ind lr, $3  }
0x3a: {  	_ = 	snop  }
0x3b: {  	_ = 	snop  }
0x3c: {  	p2 =	seq.s32 s10, $0x1;
	s10 =	sld [smem:$0x3FB7]  }
0x3d: {  	_ =	shalt  }
0x3e: {  	_ =	shalt  }
0x3f: {  	_ =	shalt  }
0x40: {  	_ =	shalt  }
0x41: {  	_ =	shalt  }
0x42: {  	_ =	shalt  }
0x43: {  	_ =	shalt  }
0x44: {  	_ =	shalt  }
0x45: {  	_ =	shalt  }
0x46: {  	_ =	shalt  }
0x47: {  	_ =	shalt  }
0x48: {  	_ =	shalt  }
0x49: {  	_ =	shalt  }
0x4a: {  	_ =	shalt  }
0x4b: {  	_ =	shalt  }
0x4c: {  	_ =	shalt  }
0x4d: {  	_ =	shalt  }
0x4e: {  	_ =	shalt  }
0x4f: {  	_ =	shalt  }
0x50: {  	_ =	shalt  }
0x51: {  	_ =	shalt  }
0x52: {  	_ =	shalt  }
0x53: {  	_ =	shalt  }
0x54: {  	_ =	shalt  }
0x55: {  	_ =	shalt  }
0x56: {  	_ =	shalt  }
0x57: {  	_ =	shalt  }
0x58: {  	_ =	shalt  }
0x59: {  	_ =	shalt  }
0x5a: {  	_ =	shalt  }
0x5b: {  	_ =	shalt  }
0x5c: {  	_ =	shalt  }
0x5d: {  	_ =	shalt  }
0x5e: {  	_ =	shalt  }
0x5f: {  	_ =	shalt  }
0x60: {  	_ =	shalt  }
0x61: {  	_ =	shalt  }
0x62: {  	_ =	shalt  }
0x63: {  	_ =	shalt  }
0x64: {  	_ =	shalt  }
0x65: {  	_ =	shalt  }
0x66: {  	_ =	shalt  }
0x67: {  	_ =	shalt  }
0x68: {  	_ =	shalt  }
0x69: {  	_ =	shalt  }
0x6a: {  	_ =	shalt  }
0x6b: {  	_ =	shalt  }
0x6c: {  	_ =	shalt  }
0x6d: {  	_ =	shalt  }
0x6e: {  	_ =	shalt  }
0x6f: {  	_ =	shalt  }
0x70: {  	_ =	shalt  }
0x71: {  	_ =	shalt  }
0x72: {  	_ =	shalt  }
0x73: {  	_ =	shalt  }
0x74: {  	_ =	shalt  }
0x75: {  	_ =	shalt  }
0x76: {  	_ =	shalt  }
0x77: {  	_ =	shalt  }
0x78: {  	_ =	shalt  }
0x79: {  	_ =	shalt  }
0x7a: {  	_ =	shalt  }
0x7b: {  	_ =	shalt  }
0x7c: {  	_ =	shalt  }
0x7d: {  	_ =	shalt  }
0x7e: {  	_ =	shalt  }
0x7f: {  	_ =	shalt  }
0x80: {  	_ =	shalt  }
0x81: {  	_ =	shalt  }
0x82: {  	_ =	shalt  }
0x83: {  	_ =	shalt  }
0x84: {  	_ =	shalt  }
0x85: {  	_ =	shalt  }
0x86: {  	_ =	shalt  }
0x87: {  	_ =	shalt  }
.Lfunc_end0:
.L_simem_size_0:
called_computation_lowered:
.L_overlay_start_0:
0x88: {  	s0 =	sld [smem:$0x3FD9]  }
0x89: {  	s1 =	sld [smem:$0x3FFE];
	_ =	sdelay $0x3  }
0x8a: {  	s0 =	sadd.s32 s1, s0  }
0x8b: {  	[smem:$0x3FC3] =	sst s0  }
0x8c: {  	_ = 	snop  }
0x8d: {  	(tm) =	ssettm $0x1  }
0x8e: {  	s15 =	sld [smem:$0x3FFB];
	_ =	sdelay $0x3  }
0x8f: {  	_ =	strace s15  }
0x90: {  	s0 =	sld [smem:$0x3FFC];
	_ =	sdelay $0x3  }
0x91: {  	_ =	strace s0  }
0x92: {  	s0 =	sld [smem:$0x3FFD];
	_ =	sdelay $0x3  }
0x93: {  	_ =	strace s0  }
0x94: {  	_ =	strace $0x8FFFFFFF  }
0x95: {  	s16 =	sld [smem:$0x3FDB];
	_ =	sdelay $0x1  }
0x96: {  	s17 =	simm.s32 $_scs_section_size  }
0x97: {  	s2 =	simm.s32 $_size__tile_overlayer_lowered;
	s3 =	simm.s32 $_tile_overlayer_lowered  }
0x98: {  	s20 =	simm.s32 $0x1BFF;
	s19 =	sshll.u32 s3, $0x1;
	s0 =	sadd.s32 s17, s16  }
0x99: {  	s4 =	simm.s32 $0x0;
	s18 =	sshll.u32 s2, $0x1;
	s2 =	sadd.s32 s19, s0  }
0x9a: {  	[timem:s4], [sflag:s20] =	dma.local [hbm:s2], s18  }
0x9b: {  	_ =	swait.ge [sflag:s20], s18  }
0x9c: {  	s1 =	ssub.s32 $0x0, s18;
	[sflag:s20] =	ssyncset.done $0x0  }
0x9d: {  	[sflag:s20] =	ssyncadd.s32 s1;
	_ =	sdelay $0x1  }
0x9e: {  	s21 =	simm.s32 $0x1B8B  }
0x9f: {  	_ =	swait.ge [sflag:s21], $0x1  }
0xa0: {  	[sflag:s21] =	ssyncset.done $0x0  }
0xa1: {  	s23 =	simm.s32 $0x1B8E;
	s22 =	sld [smem:$0x3FFE];
	[sflag:s21] =	ssyncadd.s32 $0xFFFFFFFF  }
0xa2: {  	s24 =	simm.s32 $execute0_lowered;
	[smem:$0x3FD2] =	sst s23  }
0xa3: {  	s2 =	sshll.u32 s24, $0x1;
	_ =	strace $0x80000046;
	[dreg:$0x1] =	wrdreg $0xFFFFFFFF  }
0xa4: {  	s25 =	simm.s32 $_size_execute0_lowered;
	s0 =	sadd.s32 s0, s2;
	[dreg:$0x0] =	wrdreg $0x0  }
0xa5: {  	s2 =	sshll.u32 s25, $0x1;
	[dreg:$0x2] =	wrdreg s0  }
0xa6: {  	[dreg:$0x3] =	wrdreg s2  }
0xa7: {  	[dreg:$0x4] =	wrdreg $0xC0  }
0xa8: {  	_ =	task [dreg:s4], $0x5FFFF  }
0xa9: {  	[dreg:$0x1] =	wrdreg $0xFFFFFFFF  }
0xaa: {  	[dreg:$0x0] =	wrdreg $0x60  }
0xab: {  	[dreg:$0x2] =	wrdreg s22  }
0xac: {  	[dreg:$0x3] =	wrdreg $0x9  }
0xad: {  	_ =	task.clear_ibuf [dreg:s4], $0x4FFFF;
	_ =	strace $0x90000046  }
0xae: {  	s26 =	simm.s32 $0x9;
	_ =	strace $0x80000048  }
0xaf: {  	_ =	swait.ge [sflag:s26], $0x1  }
0xb0: {  	[sflag:s26] =	ssyncadd.s32 $0xFFFFFFFF  }
0xb1: {  	_ =	strace $0x90000048  }
0xb2: {  	_ =	sfence  }
0xb3: {  	s28 =	sld [smem:$0x0];
	_ =	sdelay $0x1  }
0xb4: {  	s29 =	srdreg.scid  }
0xb5: {  	s30 =	sshll.u32 s29, $0xD;
	s31 =	sshrl.u32 s29, $0x2  }
0xb6: {  	s1 =	sand.u32 $0x1, s29;
	s2 =	sand.u32 $0x4000, s30;
	s0 =	sadd.s32 s31, s28  }
0xb7: {  	s1 =	sor.u32 s2, s1;
	s0 =	sshll.u32 s0, $0x11  }
0xb8: {  	s0 =	sor.u32 s0, s1  }
0xb9: {  	s0 =	sadd.s32 $0x8F2B, s0  }
0xba: {  	[sflag:s0] =	ssyncadd.remote.s32 $0x1  }
0xbb: {  	_ =	sfence.sel $0xFFFF  }
0xbc: {  	[dreg:$0x0] =	wrdreg $0xFFFFFFFF;
	(pc) =	sbr.abs _section_cstart, $3  }
0xbd: {  	[dreg:$0x1] =	wrdreg $0xFFFFFFFF  }
0xbe: {  	_ =	task.clear_ibuf [dreg:s4], $0x2FFFF;
	_ =	strace $0x9FFFFFFF  }
0xbf: {  	(tm) =	ssettm $0x7FFFFFFF  }
tec
execute0_lowered:
.L_overlay_start_1:
0x0: {  	(tag) =	ssettag $0x1  }
0x1: {  	s8 =	rddreg [dreg:$0x0]  }
0x2: {  	s0 =	rddreg [dreg:$0x1];
	_ =	strace $0x80000047  }
0x3: {  	s4 =	simm.s32 $0x1;
	s1 =	stileid.u32;
	s7 =	simm.s32 $0x1  }
0x4: {  	s9 =	simm.s32 $0x1;
	s6 =	simm.s32 $0x2;
	s10 =	simm.s32 $0x3  }
0x5: {  	s13 =	simm.s32 $0x0;
	s12 =	simm.s32 $0x0;
	s2 =	sadd.s32 $0x9EC00, s8  }
.Ltmp0:
0x6: {  	s3 =	sadd.s32 $0x77C00, s8;
	p0 =	slt.u32 s1, $0xA;
	(pc) =	sbr.rel .LBB2_1-.Ltmp0, $4  }
0x7: {  	[sflag:s4] =	ssyncpa.u1 $0x0;
	s7 =	simm.s32 @!p0 $0x0;
	p0 =	sne.s32 s1, $0x9  }
0x8: {  	s5 =	smul.u32 $0x7D0, s1;
	[sflag:s6] =	ssyncpa.u1 $0x0;
	s9 =	simm.s32 @!p0 $0x0  }
0x9: {  	s8 =	sadd.s32 $0x11EC00, s8;
	[sflag:s10] =	ssyncpa.u1 $0x0;
	s7 =	sadd.s32 s9, s7  }
0xa: {  	vm0 =	vmmov $0xffff;
	s10 =	simm.s32 $0x0;
	s11 =	smov.u32 s5;
	s9 =	sadd.s32 $0x1, s7  }
.LBB2_4:
0xb: {  	v2 =	vnsel vm1, $0x0, v2  }
0xc: {  	vm1 =	vgt.s32 v0, $0x0;
	v2 =	vmin.u32 v2, $0x3FFFFF  }
0xd: {  	v0 =	vnsel vm1, $0x0, v0  }
0xe: {  	v0 =	vmin.u32 v0, $0x3FFFFF  }
0xf: {  	[tilespmem:s18], [sflag:$0x1] =	stream.indirect_vreg.gather [hbm4b:s2+s10], $0x1, v1, vm0, $0x4038;
	[tilespmem:$0x1F40] =	vst v63  }
0x10: {  	(ifvalue) =	ssetifvalue $0x7FFFFFFF  }
0x11: {  	[tilespmem:s15], [sflag:$0x1] =	stream.indirect_vreg.gather [hbm4b:s2+s10], $0x1, v2, vm0, $0x4038;
	[tilespmem:$0x1F40] =	vst v63  }
0x12: {  	s29 =	sadd.s32 $0x10, s15;
	(ifvalue) =	ssetifvalue $0x7FFFFFFF  }
0x13: {  	[tilespmem:s29], [sflag:$0x1] =	stream.indirect_vreg.gather [hbm4b:s2+s10], $0x1, v0, vm0, $0x4038;
	[tilespmem:$0x1F40] =	vst v63  }
0x14: {  	_ =	swait.ge [sflag:s4], $0x7D0  }
0x15: {  	s30 =	sshrl.u32 s13, $0x3;
	[sflag:s4] =	ssyncset.done $0x0  }
0x16: {  	s31 =	sand.u32 $0x7, s13;
	s15 =	sadd.s32 s8, s30;
	[sflag:s4] =	ssyncadd.s32 $0xFFFFF830  }
0x17: {  	[hbm4b:s15+s31] =	stream.linear.scatter [tilespmem:s14], [sflag:$0x3], $0x7D0, $0x38;
	[tilespmem:$0x1F40] =	vst v63  }
.LBB2_5:
0x18: {  	s15 =	sadd.s32 $0x7D00, s11  }
0x19: {  	p1 =	sgt.s32 s15, $0xC34F  }
0x1a: {  	s15 =	smov.u32 @p1 s5;
	p1 =	sne.s32 s12, s9  }
.Ltmp1:
0x1b: {  	p0 =	slt.u32 s12, $0x2;
	(pc) =	sbr.rel @!p1 .LBB2_6-.Ltmp1, $4  }
0x1c: {  	s14 =	simm.s32 @!p0 $0x3  }
0x1d: {  	_ =	swait.ge @!p0 [sflag:s14], $0x7D0  }
0x1e: {  	s16 =	sadd.s32 $0x1, s12;
	s13 =	smov.u32 s11;
	[sflag:s14] =	ssyncset.done @!p0 $0x0  }
0x1f: {  	s12 =	smov.u32 s16;
	s11 =	smov.u32 s15;
	[sflag:s14] =	ssyncadd.s32 @!p0 $0xFFFFF830  }
.LBB2_1:
0x20: {  	p0 =	sge.u32 s12, s7  }
0x21: {  	s14 =	sxor.u32 @!p0 $0x1, s12  }
0x22: {  	s14 =	smul.u32 @!p0 $0x1F40, s14  }
0x23: {  	s31 =	sadd.s32 $0xFFFFFFFF, s12;
	s15 =	sshrl.u32 @!p0 s11, $0x3  }
0x24: {  	s16 =	sand.u32 @!p0 $0x7, s11;
	s15 =	sadd.s32 @!p0 s3, s15;
	s14 =	sshra.s32 @!p0 s14, $0x2  }
0x25: {  	[tilespmem:s14], [sflag:$0x2] =	stream.linear.gather @!p0 [hbm4b:s15+s16], $0x7D0, $0x38;
	[tilespmem:$0x1F40] =	vst v63  }
0x26: {  	p0 =	sge.u32 s31, s7  }
.Ltmp2:
0x27: {  	_ = 	snop;
	(pc) =	sbr.rel @p0 .LBB2_5-.Ltmp2, $1  }
0x28: {  	_ =	sdelay $0x3  }
0x29: {  	s14 =	sand.u32 $0x1, s12  }
0x2a: {  	_ =	swait.ge [sflag:s6], $0x7D0;
	p0 =	seq.s32 s14, $0x1;
	s14 =	simm.s32 $0x7D0  }
0x2b: {  	[sflag:s6] =	ssyncset.done $0x0;
	s14 =	simm.s32 @!p0 $0x0  }
0x2c: {  	[sflag:s6] =	ssyncadd.s32 $0xFFFFF830;
	(ifvalue) =	ssetifvalue $0x7FFFFFFF;
	v0 =	vld.msk [tilespmem:s14+$0x0 ss:$0x1], $0xffff;
	_ =	sdelay $0x4  }
0x2d: {  	s15 =	sadd.s32 $0x10, s14;
	vm1 =	vgt.s32 v0, $0x0  }
0x2e: {  	v2 =	vld.msk [tilespmem:s15+$0x0 ss:$0x1], $0xffff;
	v1 =	vnsel vm1, $0x0, v0  }
0x2f: {  	v1 =	vmin.u32 v1, $0x3FFFFF;
	_ =	sdelay $0x2  }
0x30: {  	s17 =	simm.s32 $0x20;
	s14 =	sadd.s32 $0xFA0, s14;
	s16 =	sadd.s32 $0x10, s15  }
0x31: {  	s15 =	sadd.s32 $0x10, s14;
	s18 =	smov.u32 s14;
	v0 =	vld.msk [tilespmem:s16+$0x0 ss:$0x1], $0xffff;
	vm1 =	vgt.s32 v2, $0x0;
	(ifvalue) =	ssetifvalue $0x7FFFFFFF  }
.LBB2_3:
0x32: {  	[tilespmem:s18], [sflag:$0x1] =	stream.indirect_vreg.gather [hbm4b:s2+s10], $0x1, v1, vm0, $0x4038;
	[tilespmem:$0x1F40] =	vst v63  }
0x33: {  	s17 =	sadd.s32 $0x10, s17  }
0x34: {  	v2 =	vnsel vm1, $0x0, v2;
	p0 =	slt.u32 s17, $0x7C0  }
.Ltmp3:
0x35: {  	s18 =	smov.u32 s15;
	v1 =	vmin.u32 v2, $0x3FFFFF;
	(pc) =	sbr.rel @p0 .LBB2_3-.Ltmp3, $3  }
0x36: {  	_ =	sdelay $0x1  }
0x37: {  	s16 =	sadd.s32 $0x10, s16  }
0x38: {  	vm1 =	vgt.s32 v0, $0x0;
	s15 =	sadd.s32 $0x10, s15;
	v2 =	vmov v0;
	(ifvalue) =	ssetifvalue $0x7FFFFFFF;
	v0 =	vld.msk [tilespmem:s16+$0x0 ss:$0x1], $0xffff  }
.Ltmp4:
0x39: {  	_ = 	snop;
	(pc) =	sbr.rel .LBB2_4-.Ltmp4, $1  }
0x3a: {  	_ =	sdelay $0x3  }
.LBB2_6:
0x3b: {  	_ =	sfence.sel $0x180000  }
0x3c: {  	s2 =	simm.s32 $0x2;
	[bflag:$0x0] =	sbarrier.arrive $0xFFFF  }
0x3d: {  	s30 =	simm.s32 $0x3;
	[sflag:s2] =	ssyncpa.u1 $0x1  }
0x3e: {  	s31 =	simm.s32 $0x1;
	[sflag:s30] =	ssyncpa.u1 $0x1  }
0x3f: {  	[sflag:s31] =	ssyncpa.u1 $0x1  }
0x40: {  	p0 =	sne.s32 s1, $0x0;
	_ =	strace $0x90000047  }
0x41: {  	s0 =	sadd.s32 @!p0 $0x100000, s0;
	[bflag:$0x2] =	sbarrier.arrive $0xFFFF  }
0x42: {  	[sflag:s0] =	ssyncadd.tile.s32 @!p0 $0x1;
	_ =	shalt  }
.Lfunc_end2:
_tile_overlayer_lowered:
.L_overlay_start_2:
0x43: {  	(tag) =	ssettag $0x2  }
0x44: {  	s0 =	rddreg [dreg:$0x0];
	s2 =	stileid.u32  }
0x45: {  	s1 =	rddreg [dreg:$0x1];
	p0 =	sne.s32 s2, $0x0  }
0x46: {  	s3 =	rddreg [dreg:$0x2];
	[bflag:$0x3] =	sbarrier.arrive $0xFFFF;
	s2 =	simm.s32 @!p0 $0x1C01  }
0x47: {  	[timem:s3], [sflag:s2] =	dma.local @!p0 [hbm:s0], s1  }
0x48: {  	s0 =	simm.s32 @!p0 $0x1  }
0x49: {  	_ =	swait.ge @!p0 [sflag:s0], s1  }
0x4a: {  	s1 =	ssub.s32 @!p0 $0x0, s1;
	[sflag:s0] =	ssyncset.done @!p0 $0x0  }
0x4b: {  	[sflag:s0] =	ssyncadd.s32 @!p0 s1  }
0x4c: {  	[bflag:$0x3] =	sbarrier.arrive $0xFFFF  }
0x4d: {  	_ =	shalt  }

</sc_bundles>
